<compile_context>
chip_gen: v7x
topology: tpu7x:2x2x1
jax: 0.10.2.dev20260603
libtpu: 0.0.44.dev20260713+nightly
codegen_flags: <defaults>
</compile_context>

<pallas_src>
import functools

import jax
import jax.numpy as jnp
import numpy as np
from jax import lax
from jax.experimental import pallas as pl
from jax.experimental.pallas import tpu as pltpu
from jax.experimental.pallas import tpu_sc as plsc

N = 10000
E = 320000
D = 128
IN_CH = 129
HID = 3
OUT = 128
KP2 = 512

NC, NS = 2, 16
NW = NC * NS
EPW = E // NW
C = 80
CPW = EPW // C
NBUF = 5
SBUF = 3
NP = 10240
SPW = NP // NS

_sc_mesh = plsc.VectorSubcoreMesh(
    core_axis_name="c", subcore_axis_name="s", num_cores=NC, num_subcores=NS)

_NA_OFFS = list(range(0, C - 15, 16)) + ([C - 16] if C % 16 else [])


@functools.partial(
    pl.kernel,
    out_type=(jax.ShapeDtypeStruct((E, D), jnp.float32),
              jax.ShapeDtypeStruct((E,), jnp.float32)),
    mesh=_sc_mesh,
    scratch_types=[
        pltpu.VMEM((NBUF, C), jnp.int32),
        pltpu.VMEM((NBUF, C, D), jnp.float32),
        pltpu.VMEM((NBUF, C), jnp.float32),
        pltpu.VMEM((N,), jnp.float32),
        pltpu.SemaphoreType.DMA,
        pltpu.SemaphoreType.DMA,
        pltpu.SemaphoreType.DMA((NBUF,)),
    ],
    compiler_params=pltpu.CompilerParams(needs_layout_passes=False),
)
def _sc_gather(x_hbm, src_hbm, na_hbm, xj_hbm, naj_hbm,
               idx_v, rows_v, nab_v, nat_v, sem_i, sem_g, sem_w):
    wid = lax.axis_index("s") * NC + lax.axis_index("c")
    obase = wid * EPW
    pltpu.sync_copy(na_hbm, nat_v)

    def wr_x(j, b):
        return pltpu.make_async_copy(
            rows_v.at[b],
            xj_hbm.at[pl.ds(obase + (j * NBUF + b) * C, C)], sem_w.at[b])

    def wr_na(j, b):
        return pltpu.make_async_copy(
            nab_v.at[b],
            naj_hbm.at[pl.ds(obase + (j * NBUF + b) * C, C)], sem_w.at[b])

    def group(j, carry):
        ch = j * NBUF
        idx_c = [
            pltpu.async_copy(src_hbm.at[pl.ds(obase + (ch + b) * C, C)],
                             idx_v.at[b], sem_i)
            for b in range(NBUF)
        ]
        for b in range(NBUF):
            @pl.when(j > 0)
            def _():
                wr_x(j - 1, b).wait()
                wr_na(j - 1, b).wait()
        copies = []
        for b in range(NBUF):
            idx_c[b].wait()
            copies.append(
                pltpu.async_copy(x_hbm.at[idx_v.at[b]], rows_v.at[b], sem_g))
        for b in range(NBUF):
            for o in _NA_OFFS:
                nab_v[b, pl.ds(o, 16)] = plsc.load_gather(
                    nat_v, [idx_v[b, pl.ds(o, 16)]])
        for b in range(NBUF):
            copies[b].wait()
            wr_x(j, b).start()
            wr_na(j, b).start()
        return carry

    lax.fori_loop(0, CPW // NBUF, group, 0)
    for b in range(NBUF):
        wr_x(CPW // NBUF - 1, b).wait()
        wr_na(CPW // NBUF - 1, b).wait()


@functools.partial(
    pl.kernel,
    out_type=jax.ShapeDtypeStruct((NC, NP, OUT), jnp.float32),
    mesh=_sc_mesh,
    scratch_types=[
        pltpu.VMEM((SBUF, C), jnp.int32),
        pltpu.VMEM((SBUF, C, OUT), jnp.float32),
        pltpu.VMEM_SHARED((NP, OUT), jnp.float32),
        pltpu.SemaphoreType.DMA,
        pltpu.SemaphoreType.DMA,
        pltpu.SemaphoreType.DMA((SBUF,)),
    ],
)
def _sc_scatter(proj_hbm, dst_hbm, out_hbm, idx_v, rows_v, acc,
                sem_i, sem_l, sem_a):
    cid = lax.axis_index("c")
    sid = lax.axis_index("s")
    wid = sid * NC + cid
    obase = wid * EPW

    def zstep(t, carry):
        i = t // (OUT // 16)
        j = t % (OUT // 16)
        rows_v[0, i, pl.ds(j * 16, 16)] = jnp.zeros((16,), jnp.float32)
        return carry

    lax.fori_loop(0, C * (OUT // 16), zstep, 0)
    for t in range(SPW // C):
        pltpu.sync_copy(rows_v.at[0], acc.at[pl.ds(sid * SPW + t * C, C)])
    plsc.subcore_barrier()

    def add_start(b):
        pltpu.async_copy(rows_v.at[b], acc.at[idx_v.at[b]],
                         sem_a.at[b], add=True)

    def add_wait(b):
        pltpu.make_async_copy(rows_v.at[b], acc.at[idx_v.at[b]],
                              sem_a.at[b]).wait()

    def group(j, carry):
        ch = j * SBUF
        for b in range(SBUF):
            @pl.when(j > 0)
            def _():
                add_wait(b)
        idx_c = [
            pltpu.async_copy(dst_hbm.at[pl.ds(obase + (ch + b) * C, C)],
                             idx_v.at[b], sem_i)
            for b in range(SBUF)
        ]
        copies = [
            pltpu.async_copy(proj_hbm.at[pl.ds(obase + (ch + b) * C, C)],
                             rows_v.at[b], sem_l)
            for b in range(SBUF)
        ]
        for b in range(SBUF):
            idx_c[b].wait()
            copies[b].wait()
            add_start(b)
        return carry

    ngroup = CPW // SBUF
    lax.fori_loop(0, ngroup, group, 0)
    for b in range(SBUF):
        add_wait(b)
    for r in range(CPW % SBUF):
        lb = ngroup * SBUF + r
        pltpu.sync_copy(dst_hbm.at[pl.ds(obase + lb * C, C)], idx_v.at[r])
        pltpu.async_copy(proj_hbm.at[pl.ds(obase + lb * C, C)],
                         rows_v.at[r], sem_l).wait()
        pltpu.sync_copy(rows_v.at[r], acc.at[idx_v.at[r]], add=True)
    plsc.subcore_barrier()

    pltpu.sync_copy(acc.at[pl.ds(sid * SPW, SPW)],
                    out_hbm.at[cid, pl.ds(sid * SPW, SPW)])


TE = 2560


def _tc_mid_body(eat_ref, xj_ref, wi_ref, bi_ref, wo_ref, out_ref):
    eat = eat_ref[...]
    scal = jnp.maximum(
        lax.dot_general(eat, wi_ref[...], (((0,), (0,)), ((), ())),
                        preferred_element_type=jnp.float32)
        + bi_ref[...], 0.0)
    sel = (lax.broadcasted_iota(jnp.int32, (8, 1), 0) == 6
           ).astype(jnp.bfloat16)
    na_col = lax.dot_general(eat, sel, (((0,), (0,)), ((), ())),
                             preferred_element_type=jnp.float32)
    xj = xj_ref[...]
    base = jnp.concatenate(
        [xj, xj, xj, jnp.broadcast_to(na_col, (TE, D))], axis=1)
    msg = (scal * base).astype(jnp.bfloat16)
    out_ref[...] = jnp.dot(msg, wo_ref[...],
                           preferred_element_type=jnp.float32)


def _tc_mid(eat, xj, wi, bi, wo):
    return pl.pallas_call(
        _tc_mid_body,
        grid=(E // TE,),
        in_specs=[
            pl.BlockSpec((8, TE), lambda i: (0, i)),
            pl.BlockSpec((TE, D), lambda i: (i, 0)),
            pl.BlockSpec((8, KP2), lambda i: (0, 0)),
            pl.BlockSpec((1, KP2), lambda i: (0, 0)),
            pl.BlockSpec((KP2, OUT), lambda i: (0, 0)),
        ],
        out_specs=pl.BlockSpec((TE, OUT), lambda i: (i, 0)),
        out_shape=jax.ShapeDtypeStruct((E, OUT), jnp.float32),
    )(eat, xj, wi, bi, wo)


TN = 2000


def _tc_final_body(p0_ref, p1_ref, b_ref, out_ref):
    out_ref[...] = jnp.tanh(p0_ref[...] + p1_ref[...] + b_ref[...])


def _tc_final(p0, p1, b):
    return pl.pallas_call(
        _tc_final_body,
        grid=(N // TN,),
        in_specs=[
            pl.BlockSpec((TN, OUT), lambda i: (i, 0)),
            pl.BlockSpec((TN, OUT), lambda i: (i, 0)),
            pl.BlockSpec((1, OUT), lambda i: (0, 0)),
        ],
        out_specs=pl.BlockSpec((TN, OUT), lambda i: (i, 0)),
        out_shape=jax.ShapeDtypeStruct((N, OUT), jnp.float32),
    )(p0, p1, b)


_k2 = np.arange(KP2)
_VALID = _k2 < HID * IN_CH
_OLDK = np.where(_k2 < 384, (_k2 % D) * HID + _k2 // D,
                 np.minimum(_k2, HID * IN_CH - 1))


def kernel(x, edge_index, edge_attr, node_attr, W_in, b_in, W_out, b_out):
    src = edge_index[0]
    dst = edge_index[1]
    na = node_attr.reshape(N)
    wg = jnp.where(_VALID[:, None], W_in[_OLDK], 0.0)
    wi = jnp.concatenate(
        [wg.T, jnp.zeros((2, KP2), jnp.float32)], axis=0).astype(jnp.bfloat16)
    bi = jnp.where(_VALID, b_in[_OLDK], 0.0).reshape(1, KP2)
    wo = jnp.where(_VALID[:, None], W_out.T[_OLDK],
                   0.0).astype(jnp.bfloat16)

    xj, naj = _sc_gather(x, src, na)
    eat = jnp.concatenate(
        [edge_attr.T, naj.reshape(1, E), jnp.zeros((1, E), jnp.float32)],
        axis=0).astype(jnp.bfloat16)
    proj = _tc_mid(eat, xj, wi, bi, wo)
    parts = _sc_scatter(proj, dst)
    return _tc_final(parts[0], parts[1], b_out.reshape(1, OUT))

# --- scband reference (transcript-rebuilt; emitter-appended) ---
"""Pipeline reference for scband-cfdfvnew-gcn-86122684219979 (READ-ONLY COPY).

The authoritative reference and input builder live on the scoring server;
editing this copy changes nothing except your own understanding.
"""

import jax, jax.numpy as jnp
import numpy as np

N = 10000
E = 320000
D = 128
NODE_ATTR = 1
EDGE_ATTR = 6
HIDDEN = 3
IN_CH = D + NODE_ATTR  # 129, node_attr concatenated in forward
OUT_CH = 128


def setup_inputs(seed: int = 0) -> dict:
    key = jax.random.key(seed)
    ks = jax.random.split(key, 8)
    x = jax.random.normal(ks[0], (N, D), dtype=jnp.float32)
    edge_index = jax.random.randint(ks[1], (2, E), 0, N, dtype=jnp.int32)
    edge_attr = jax.random.normal(ks[2], (E, EDGE_ATTR), dtype=jnp.float32)
    node_attr = jax.random.normal(ks[3], (N, NODE_ATTR), dtype=jnp.float32)
    # learned params of FVnewConv: lin_in(EDGE_ATTR -> HIDDEN*IN_CH), lin_out(HIDDEN*IN_CH -> OUT_CH)
    W_in = jax.random.normal(ks[4], (HIDDEN * IN_CH, EDGE_ATTR), dtype=jnp.float32) * 0.05
    b_in = jnp.zeros((HIDDEN * IN_CH,), dtype=jnp.float32)
    W_out = jax.random.normal(ks[5], (OUT_CH, HIDDEN * IN_CH), dtype=jnp.float32) * 0.05
    b_out = jnp.zeros((OUT_CH,), dtype=jnp.float32)
    return {
        'x': x,
        'edge_index': edge_index,
        'edge_attr': edge_attr,
        'node_attr': node_attr,
        'W_in': W_in,
        'b_in': b_in,
        'W_out': W_out,
        'b_out': b_out,
    }


def reference(x, edge_index, edge_attr, node_attr, W_in, b_in, W_out, b_out):
    # forward: concat node_attr onto node features
    xc = jnp.concatenate([x, node_attr], axis=1)  # [N, IN_CH]
    src = edge_index[0]
    dst = edge_index[1]
    # message(): x_j gathered from source nodes
    x_j = jnp.take(xc, src, axis=0)  # [E, IN_CH]
    scaling = jax.nn.relu(edge_attr @ W_in.T + b_in)  # [E, HIDDEN*IN_CH]
    msg = (scaling.reshape(E, IN_CH, HIDDEN) * x_j[:, :, None]).reshape(E, HIDDEN * IN_CH)
    # aggregate: scatter-add to destination nodes (aggr='add')
    aggr = jax.ops.segment_sum(msg, dst, num_segments=N)  # [N, HIDDEN*IN_CH]
    # update(): linear + tanh (dropout p=0 is identity)
    out = jnp.tanh(aggr @ W_out.T + b_out)  # [N, OUT_CH]
    return out

if __name__ == "__main__":
    import jax
    _d = setup_inputs()
    print(jax.jit(kernel)(*tuple(_d.values())))

</pallas_src>

<mosaic_0001>
#map = affine_map<(d0, d1) -> (0, 0)>
#map1 = affine_map<(d0, d1) -> (0)>
module attributes {stable_mosaic.version = 14 : i64} {
  func.func @_sc_gather(%arg0: i32, %arg1: i32, %arg2: memref<10000x128xf32, #tpu.memory_space<hbm>>, %arg3: memref<320000xi32, #tpu.memory_space<hbm>>, %arg4: memref<10000xf32, #tpu.memory_space<hbm>>, %arg5: memref<320000x128xf32, #tpu.memory_space<hbm>>, %arg6: memref<320000xf32, #tpu.memory_space<hbm>>, %arg7: memref<5x80xi32, #tpu.memory_space<vmem>>, %arg8: memref<5x80x128xf32, #tpu.memory_space<vmem>>, %arg9: memref<5x80xf32, #tpu.memory_space<vmem>>, %arg10: memref<10000xf32, #tpu.memory_space<vmem>>, %arg11: memref<!tpu.dma_semaphore, #tpu.memory_space<semaphore_mem>>, %arg12: memref<!tpu.dma_semaphore, #tpu.memory_space<semaphore_mem>>, %arg13: memref<5x!tpu.dma_semaphore, #tpu.memory_space<semaphore_mem>>) attributes {dimension_semantics = [#tpu.dimension_semantics<core_parallel>, #tpu.dimension_semantics<subcore_parallel>], iteration_bounds = array<i64: 2, 16>, scalar_prefetch = 0 : i64, scratch_operands = 7 : i64, tpu.core_type = #tpu.core_type<sc_vector_subcore>, window_params = [{transform_indices = #map}, {transform_indices = #map1}, {transform_indices = #map1}, {transform_indices = #map}, {transform_indices = #map1}]} {
    %mul3A = arith.constant 2 : i32
    %mul3A_0 = arith.muli %arg1, %mul3A : i32
    %add3A = arith.addi %mul3A_0, %arg0 : i32
    %mul3A_1 = arith.constant 10000 : i32
    %mul3A_2 = arith.muli %add3A, %mul3A_1 : i32
    "tpu.region"() ({
      %run_scoped3A = tpu.sem_alloc : memref<!tpu.dma_semaphore, #tpu.memory_space<semaphore_mem>>
      tpu.enqueue_dma source(%arg4 : memref<10000xf32, #tpu.memory_space<hbm>>) target(%arg10 : memref<10000xf32, #tpu.memory_space<vmem>>) target_semaphore(%run_scoped3A : memref<!tpu.dma_semaphore, #tpu.memory_space<semaphore_mem>>)
      tpu.wait_dma2 semaphore(%run_scoped3A : memref<!tpu.dma_semaphore, #tpu.memory_space<semaphore_mem>>) src(%arg4 : memref<10000xf32, #tpu.memory_space<hbm>>) dst(%arg10 : memref<10000xf32, #tpu.memory_space<vmem>>)
      tpu.yield
    }) : () -> ()
    %scan3A = arith.constant 0 : i32
    %scan3A_3 = arith.constant 0 : i32
    %scan3A_4 = arith.constant 25 : i32
    %scan3A_5 = arith.addi %scan3A_3, %scan3A_4 : i32
    %scan3A_6 = arith.constant 1 : i32
    scf.for %scan3A_167 = %scan3A_3 to %scan3A_5 step %scan3A_6  : i32 {
      %mul3A_168 = arith.constant 5 : i32
      %mul3A_169 = arith.muli %scan3A_167, %mul3A_168 : i32
      %add3A_170 = arith.constant 0 : i32
      %add3A_171 = arith.addi %mul3A_169, %add3A_170 : i32
      %mul3A_172 = arith.constant 80 : i32
      %mul3A_173 = arith.muli %add3A_171, %mul3A_172 : i32
      %add3A_174 = arith.addi %mul3A_2, %mul3A_173 : i32
      %dma_start3A = arith.constant 0 : i32
      %dma_start3A_175 = arith.constant 0 : i32
      %dma_start3A_176 = tpu.memref_slice %arg7[%dma_start3A, %dma_start3A_175] : memref<5x80xi32, #tpu.memory_space<vmem>> -> memref<1x80xi32, #tpu.memory_space<vmem>>
      %dma_start3A_177 = tpu.memref_squeeze %dma_start3A_176 : memref<1x80xi32, #tpu.memory_space<vmem>> -> memref<80xi32, #tpu.memory_space<vmem>>
      %dma_start3A_178 = tpu.memref_slice %arg3[%add3A_174] : memref<320000xi32, #tpu.memory_space<hbm>> -> memref<80xi32, #tpu.memory_space<hbm>>
      %dma_start3A_179 = arith.constant 0 : i32
      %dma_start3A_180 = tpu.memref_slice %arg7[%dma_start3A, %dma_start3A_179] : memref<5x80xi32, #tpu.memory_space<vmem>> -> memref<1x80xi32, #tpu.memory_space<vmem>>
      %dma_start3A_181 = tpu.memref_squeeze %dma_start3A_180 : memref<1x80xi32, #tpu.memory_space<vmem>> -> memref<80xi32, #tpu.memory_space<vmem>>
      %dma_start3A_182 = tpu.memref_slice %arg3[%add3A_174] : memref<320000xi32, #tpu.memory_space<hbm>> -> memref<80xi32, #tpu.memory_space<hbm>>
      tpu.enqueue_dma source(%dma_start3A_182 : memref<80xi32, #tpu.memory_space<hbm>>) target(%dma_start3A_181 : memref<80xi32, #tpu.memory_space<vmem>>) target_semaphore(%arg11 : memref<!tpu.dma_semaphore, #tpu.memory_space<semaphore_mem>>)
      %add3A_183 = arith.constant 1 : i32
      %add3A_184 = arith.addi %mul3A_169, %add3A_183 : i32
      %mul3A_185 = arith.constant 80 : i32
      %mul3A_186 = arith.muli %add3A_184, %mul3A_185 : i32
      %add3A_187 = arith.addi %mul3A_2, %mul3A_186 : i32
      %dma_start3A_188 = arith.constant 1 : i32
      %dma_start3A_189 = arith.constant 0 : i32
      %dma_start3A_190 = tpu.memref_slice %arg7[%dma_start3A_188, %dma_start3A_189] : memref<5x80xi32, #tpu.memory_space<vmem>> -> memref<1x80xi32, #tpu.memory_space<vmem>>
      %dma_start3A_191 = tpu.memref_squeeze %dma_start3A_190 : memref<1x80xi32, #tpu.memory_space<vmem>> -> memref<80xi32, #tpu.memory_space<vmem>>
      %dma_start3A_192 = tpu.memref_slice %arg3[%add3A_187] : memref<320000xi32, #tpu.memory_space<hbm>> -> memref<80xi32, #tpu.memory_space<hbm>>
      %dma_start3A_193 = arith.constant 0 : i32
      %dma_start3A_194 = tpu.memref_slice %arg7[%dma_start3A_188, %dma_start3A_193] : memref<5x80xi32, #tpu.memory_space<vmem>> -> memref<1x80xi32, #tpu.memory_space<vmem>>
      %dma_start3A_195 = tpu.memref_squeeze %dma_start3A_194 : memref<1x80xi32, #tpu.memory_space<vmem>> -> memref<80xi32, #tpu.memory_space<vmem>>
      %dma_start3A_196 = tpu.memref_slice %arg3[%add3A_187] : memref<320000xi32, #tpu.memory_space<hbm>> -> memref<80xi32, #tpu.memory_space<hbm>>
      tpu.enqueue_dma source(%dma_start3A_196 : memref<80xi32, #tpu.memory_space<hbm>>) target(%dma_start3A_195 : memref<80xi32, #tpu.memory_space<vmem>>) target_semaphore(%arg11 : memref<!tpu.dma_semaphore, #tpu.memory_space<semaphore_mem>>)
      %add3A_197 = arith.constant 2 : i32
      %add3A_198 = arith.addi %mul3A_169, %add3A_197 : i32
      %mul3A_199 = arith.constant 80 : i32
      %mul3A_200 = arith.muli %add3A_198, %mul3A_199 : i32
      %add3A_201 = arith.addi %mul3A_2, %mul3A_200 : i32
      %dma_start3A_202 = arith.constant 2 : i32
      %dma_start3A_203 = arith.constant 0 : i32
      %dma_start3A_204 = tpu.memref_slice %arg7[%dma_start3A_202, %dma_start3A_203] : memref<5x80xi32, #tpu.memory_space<vmem>> -> memref<1x80xi32, #tpu.memory_space<vmem>>
      %dma_start3A_205 = tpu.memref_squeeze %dma_start3A_204 : memref<1x80xi32, #tpu.memory_space<vmem>> -> memref<80xi32, #tpu.memory_space<vmem>>
      %dma_start3A_206 = tpu.memref_slice %arg3[%add3A_201] : memref<320000xi32, #tpu.memory_space<hbm>> -> memref<80xi32, #tpu.memory_space<hbm>>
      %dma_start3A_207 = arith.constant 0 : i32
      %dma_start3A_208 = tpu.memref_slice %arg7[%dma_start3A_202, %dma_start3A_207] : memref<5x80xi32, #tpu.memory_space<vmem>> -> memref<1x80xi32, #tpu.memory_space<vmem>>
      %dma_start3A_209 = tpu.memref_squeeze %dma_start3A_208 : memref<1x80xi32, #tpu.memory_space<vmem>> -> memref<80xi32, #tpu.memory_space<vmem>>
      %dma_start3A_210 = tpu.memref_slice %arg3[%add3A_201] : memref<320000xi32, #tpu.memory_space<hbm>> -> memref<80xi32, #tpu.memory_space<hbm>>
      tpu.enqueue_dma source(%dma_start3A_210 : memref<80xi32, #tpu.memory_space<hbm>>) target(%dma_start3A_209 : memref<80xi32, #tpu.memory_space<vmem>>) target_semaphore(%arg11 : memref<!tpu.dma_semaphore, #tpu.memory_space<semaphore_mem>>)
      %add3A_211 = arith.constant 3 : i32
      %add3A_212 = arith.addi %mul3A_169, %add3A_211 : i32
      %mul3A_213 = arith.constant 80 : i32
      %mul3A_214 = arith.muli %add3A_212, %mul3A_213 : i32
      %add3A_215 = arith.addi %mul3A_2, %mul3A_214 : i32
      %dma_start3A_216 = arith.constant 3 : i32
      %dma_start3A_217 = arith.constant 0 : i32
      %dma_start3A_218 = tpu.memref_slice %arg7[%dma_start3A_216, %dma_start3A_217] : memref<5x80xi32, #tpu.memory_space<vmem>> -> memref<1x80xi32, #tpu.memory_space<vmem>>
      %dma_start3A_219 = tpu.memref_squeeze %dma_start3A_218 : memref<1x80xi32, #tpu.memory_space<vmem>> -> memref<80xi32, #tpu.memory_space<vmem>>
      %dma_start3A_220 = tpu.memref_slice %arg3[%add3A_215] : memref<320000xi32, #tpu.memory_space<hbm>> -> memref<80xi32, #tpu.memory_space<hbm>>
      %dma_start3A_221 = arith.constant 0 : i32
      %dma_start3A_222 = tpu.memref_slice %arg7[%dma_start3A_216, %dma_start3A_221] : memref<5x80xi32, #tpu.memory_space<vmem>> -> memref<1x80xi32, #tpu.memory_space<vmem>>
      %dma_start3A_223 = tpu.memref_squeeze %dma_start3A_222 : memref<1x80xi32, #tpu.memory_space<vmem>> -> memref<80xi32, #tpu.memory_space<vmem>>
      %dma_start3A_224 = tpu.memref_slice %arg3[%add3A_215] : memref<320000xi32, #tpu.memory_space<hbm>> -> memref<80xi32, #tpu.memory_space<hbm>>
      tpu.enqueue_dma source(%dma_start3A_224 : memref<80xi32, #tpu.memory_space<hbm>>) target(%dma_start3A_223 : memref<80xi32, #tpu.memory_space<vmem>>) target_semaphore(%arg11 : memref<!tpu.dma_semaphore, #tpu.memory_space<semaphore_mem>>)
      %add3A_225 = arith.constant 4 : i32
      %add3A_226 = arith.addi %mul3A_169, %add3A_225 : i32
      %mul3A_227 = arith.constant 80 : i32
      %mul3A_228 = arith.muli %add3A_226, %mul3A_227 : i32
      %add3A_229 = arith.addi %mul3A_2, %mul3A_228 : i32
      %dma_start3A_230 = arith.constant 4 : i32
      %dma_start3A_231 = arith.constant 0 : i32
      %dma_start3A_232 = tpu.memref_slice %arg7[%dma_start3A_230, %dma_start3A_231] : memref<5x80xi32, #tpu.memory_space<vmem>> -> memref<1x80xi32, #tpu.memory_space<vmem>>
      %dma_start3A_233 = tpu.memref_squeeze %dma_start3A_232 : memref<1x80xi32, #tpu.memory_space<vmem>> -> memref<80xi32, #tpu.memory_space<vmem>>
      %dma_start3A_234 = tpu.memref_slice %arg3[%add3A_229] : memref<320000xi32, #tpu.memory_space<hbm>> -> memref<80xi32, #tpu.memory_space<hbm>>
      %dma_start3A_235 = arith.constant 0 : i32
      %dma_start3A_236 = tpu.memref_slice %arg7[%dma_start3A_230, %dma_start3A_235] : memref<5x80xi32, #tpu.memory_space<vmem>> -> memref<1x80xi32, #tpu.memory_space<vmem>>
      %dma_start3A_237 = tpu.memref_squeeze %dma_start3A_236 : memref<1x80xi32, #tpu.memory_space<vmem>> -> memref<80xi32, #tpu.memory_space<vmem>>
      %dma_start3A_238 = tpu.memref_slice %arg3[%add3A_229] : memref<320000xi32, #tpu.memory_space<hbm>> -> memref<80xi32, #tpu.memory_space<hbm>>
      tpu.enqueue_dma source(%dma_start3A_238 : memref<80xi32, #tpu.memory_space<hbm>>) target(%dma_start3A_237 : memref<80xi32, #tpu.memory_space<vmem>>) target_semaphore(%arg11 : memref<!tpu.dma_semaphore, #tpu.memory_space<semaphore_mem>>)
      %gt3A = arith.constant 0 : i32
      %gt3A_239 = arith.cmpi sgt, %scan3A_167, %gt3A : i32
      %convert_element_type3A = arith.extui %gt3A_239 : i1 to i32
      %cond3A = arith.constant 0 : i32
      %cond3A_240 = arith.cmpi ne, %convert_element_type3A, %cond3A : i32
      scf.if %cond3A_240 {
        %sub3A = arith.constant 1 : i32
        %sub3A_858 = arith.subi %scan3A_167, %sub3A : i32
        %mul3A_859 = arith.constant 5 : i32
        %mul3A_860 = arith.muli %sub3A_858, %mul3A_859 : i32
        %add3A_861 = arith.constant 0 : i32
        %add3A_862 = arith.addi %mul3A_860, %add3A_861 : i32
        %mul3A_863 = arith.constant 80 : i32
        %mul3A_864 = arith.muli %add3A_862, %mul3A_863 : i32
        %add3A_865 = arith.addi %mul3A_2, %mul3A_864 : i32
        %dma_wait3A_866 = arith.constant 0 : i32
        %dma_wait3A_867 = arith.constant 0 : i32
        %dma_wait3A_868 = arith.constant 0 : i32
        %dma_wait3A_869 = arith.constant 0 : i32
        %dma_wait3A_870 = tpu.memref_slice %arg8[%dma_wait3A_866, %dma_wait3A_868, %dma_wait3A_869] : memref<5x80x128xf32, #tpu.memory_space<vmem>> -> memref<1x80x128xf32, #tpu.memory_space<vmem>>
        %dma_wait3A_871 = tpu.memref_squeeze %dma_wait3A_870 : memref<1x80x128xf32, #tpu.memory_space<vmem>> -> memref<80x128xf32, #tpu.memory_space<vmem>>
        %dma_wait3A_872 = arith.constant 0 : i32
        %dma_wait3A_873 = tpu.memref_slice %arg5[%add3A_865, %dma_wait3A_872] : memref<320000x128xf32, #tpu.memory_space<hbm>> -> memref<80x128xf32, #tpu.memory_space<hbm>>
        %dma_wait3A_874 = tpu.memref_slice %arg13[%dma_wait3A_867] : memref<5x!tpu.dma_semaphore, #tpu.memory_space<semaphore_mem>> -> memref<1x!tpu.dma_semaphore, #tpu.memory_space<semaphore_mem>>
        %dma_wait3A_875 = tpu.memref_squeeze %dma_wait3A_874 : memref<1x!tpu.dma_semaphore, #tpu.memory_space<semaphore_mem>> -> memref<!tpu.dma_semaphore, #tpu.memory_space<semaphore_mem>>
        %dma_wait3A_876 = arith.constant 0 : i32
        %dma_wait3A_877 = tpu.memref_slice %arg5[%add3A_865, %dma_wait3A_876] : memref<320000x128xf32, #tpu.memory_space<hbm>> -> memref<80x128xf32, #tpu.memory_space<hbm>>
        %dma_wait3A_878 = arith.constant 0 : i32
        %dma_wait3A_879 = arith.constant 0 : i32
        %dma_wait3A_880 = tpu.memref_slice %arg8[%dma_wait3A_866, %dma_wait3A_878, %dma_wait3A_879] : memref<5x80x128xf32, #tpu.memory_space<vmem>> -> memref<1x80x128xf32, #tpu.memory_space<vmem>>
        %dma_wait3A_881 = tpu.memref_squeeze %dma_wait3A_880 : memref<1x80x128xf32, #tpu.memory_space<vmem>> -> memref<80x128xf32, #tpu.memory_space<vmem>>
        tpu.wait_dma2 semaphore(%dma_wait3A_875 : memref<!tpu.dma_semaphore, #tpu.memory_space<semaphore_mem>>) src(%dma_wait3A_881 : memref<80x128xf32, #tpu.memory_space<vmem>>) dst(%dma_wait3A_877 : memref<80x128xf32, #tpu.memory_space<hbm>>)
        %sub3A_882 = arith.constant 1 : i32
        %sub3A_883 = arith.subi %scan3A_167, %sub3A_882 : i32
        %mul3A_884 = arith.constant 5 : i32
        %mul3A_885 = arith.muli %sub3A_883, %mul3A_884 : i32
        %add3A_886 = arith.constant 0 : i32
        %add3A_887 = arith.addi %mul3A_885, %add3A_886 : i32
        %mul3A_888 = arith.constant 80 : i32
        %mul3A_889 = arith.muli %add3A_887, %mul3A_888 : i32
        %add3A_890 = arith.addi %mul3A_2, %mul3A_889 : i32
        %dma_wait3A_891 = arith.constant 0 : i32
        %dma_wait3A_892 = arith.constant 0 : i32
        %dma_wait3A_893 = arith.constant 0 : i32
        %dma_wait3A_894 = tpu.memref_slice %arg9[%dma_wait3A_891, %dma_wait3A_893] : memref<5x80xf32, #tpu.memory_space<vmem>> -> memref<1x80xf32, #tpu.memory_space<vmem>>
        %dma_wait3A_895 = tpu.memref_squeeze %dma_wait3A_894 : memref<1x80xf32, #tpu.memory_space<vmem>> -> memref<80xf32, #tpu.memory_space<vmem>>
        %dma_wait3A_896 = tpu.memref_slice %arg6[%add3A_890] : memref<320000xf32, #tpu.memory_space<hbm>> -> memref<80xf32, #tpu.memory_space<hbm>>
        %dma_wait3A_897 = tpu.memref_slice %arg13[%dma_wait3A_892] : memref<5x!tpu.dma_semaphore, #tpu.memory_space<semaphore_mem>> -> memref<1x!tpu.dma_semaphore, #tpu.memory_space<semaphore_mem>>
        %dma_wait3A_898 = tpu.memref_squeeze %dma_wait3A_897 : memref<1x!tpu.dma_semaphore, #tpu.memory_space<semaphore_mem>> -> memref<!tpu.dma_semaphore, #tpu.memory_space<semaphore_mem>>
        %dma_wait3A_899 = tpu.memref_slice %arg6[%add3A_890] : memref<320000xf32, #tpu.memory_space<hbm>> -> memref<80xf32, #tpu.memory_space<hbm>>
        %dma_wait3A_900 = arith.constant 0 : i32
        %dma_wait3A_901 = tpu.memref_slice %arg9[%dma_wait3A_891, %dma_wait3A_900] : memref<5x80xf32, #tpu.memory_space<vmem>> -> memref<1x80xf32, #tpu.memory_space<vmem>>
        %dma_wait3A_902 = tpu.memref_squeeze %dma_wait3A_901 : memref<1x80xf32, #tpu.memory_space<vmem>> -> memref<80xf32, #tpu.memory_space<vmem>>
        tpu.wait_dma2 semaphore(%dma_wait3A_898 : memref<!tpu.dma_semaphore, #tpu.memory_space<semaphore_mem>>) src(%dma_wait3A_902 : memref<80xf32, #tpu.memory_space<vmem>>) dst(%dma_wait3A_899 : memref<80xf32, #tpu.memory_space<hbm>>)
      } else {
      }
      %gt3A_241 = arith.constant 0 : i32
      %gt3A_242 = arith.cmpi sgt, %scan3A_167, %gt3A_241 : i32
      %convert_element_type3A_243 = arith.extui %gt3A_242 : i1 to i32
      %cond3A_244 = arith.constant 0 : i32
      %cond3A_245 = arith.cmpi ne, %convert_element_type3A_243, %cond3A_244 : i32
      scf.if %cond3A_245 {
        %sub3A = arith.constant 1 : i32
        %sub3A_858 = arith.subi %scan3A_167, %sub3A : i32
        %mul3A_859 = arith.constant 5 : i32
        %mul3A_860 = arith.muli %sub3A_858, %mul3A_859 : i32
        %add3A_861 = arith.constant 1 : i32
        %add3A_862 = arith.addi %mul3A_860, %add3A_861 : i32
        %mul3A_863 = arith.constant 80 : i32
        %mul3A_864 = arith.muli %add3A_862, %mul3A_863 : i32
        %add3A_865 = arith.addi %mul3A_2, %mul3A_864 : i32
        %dma_wait3A_866 = arith.constant 1 : i32
        %dma_wait3A_867 = arith.constant 1 : i32
        %dma_wait3A_868 = arith.constant 0 : i32
        %dma_wait3A_869 = arith.constant 0 : i32
        %dma_wait3A_870 = tpu.memref_slice %arg8[%dma_wait3A_866, %dma_wait3A_868, %dma_wait3A_869] : memref<5x80x128xf32, #tpu.memory_space<vmem>> -> memref<1x80x128xf32, #tpu.memory_space<vmem>>
        %dma_wait3A_871 = tpu.memref_squeeze %dma_wait3A_870 : memref<1x80x128xf32, #tpu.memory_space<vmem>> -> memref<80x128xf32, #tpu.memory_space<vmem>>
        %dma_wait3A_872 = arith.constant 0 : i32
        %dma_wait3A_873 = tpu.memref_slice %arg5[%add3A_865, %dma_wait3A_872] : memref<320000x128xf32, #tpu.memory_space<hbm>> -> memref<80x128xf32, #tpu.memory_space<hbm>>
        %dma_wait3A_874 = tpu.memref_slice %arg13[%dma_wait3A_867] : memref<5x!tpu.dma_semaphore, #tpu.memory_space<semaphore_mem>> -> memref<1x!tpu.dma_semaphore, #tpu.memory_space<semaphore_mem>>
        %dma_wait3A_875 = tpu.memref_squeeze %dma_wait3A_874 : memref<1x!tpu.dma_semaphore, #tpu.memory_space<semaphore_mem>> -> memref<!tpu.dma_semaphore, #tpu.memory_space<semaphore_mem>>
        %dma_wait3A_876 = arith.constant 0 : i32
        %dma_wait3A_877 = tpu.memref_slice %arg5[%add3A_865, %dma_wait3A_876] : memref<320000x128xf32, #tpu.memory_space<hbm>> -> memref<80x128xf32, #tpu.memory_space<hbm>>
        %dma_wait3A_878 = arith.constant 0 : i32
        %dma_wait3A_879 = arith.constant 0 : i32
        %dma_wait3A_880 = tpu.memref_slice %arg8[%dma_wait3A_866, %dma_wait3A_878, %dma_wait3A_879] : memref<5x80x128xf32, #tpu.memory_space<vmem>> -> memref<1x80x128xf32, #tpu.memory_space<vmem>>
        %dma_wait3A_881 = tpu.memref_squeeze %dma_wait3A_880 : memref<1x80x128xf32, #tpu.memory_space<vmem>> -> memref<80x128xf32, #tpu.memory_space<vmem>>
        tpu.wait_dma2 semaphore(%dma_wait3A_875 : memref<!tpu.dma_semaphore, #tpu.memory_space<semaphore_mem>>) src(%dma_wait3A_881 : memref<80x128xf32, #tpu.memory_space<vmem>>) dst(%dma_wait3A_877 : memref<80x128xf32, #tpu.memory_space<hbm>>)
        %sub3A_882 = arith.constant 1 : i32
        %sub3A_883 = arith.subi %scan3A_167, %sub3A_882 : i32
        %mul3A_884 = arith.constant 5 : i32
        %mul3A_885 = arith.muli %sub3A_883, %mul3A_884 : i32
        %add3A_886 = arith.constant 1 : i32
        %add3A_887 = arith.addi %mul3A_885, %add3A_886 : i32
        %mul3A_888 = arith.constant 80 : i32
        %mul3A_889 = arith.muli %add3A_887, %mul3A_888 : i32
        %add3A_890 = arith.addi %mul3A_2, %mul3A_889 : i32
        %dma_wait3A_891 = arith.constant 1 : i32
        %dma_wait3A_892 = arith.constant 1 : i32
        %dma_wait3A_893 = arith.constant 0 : i32
        %dma_wait3A_894 = tpu.memref_slice %arg9[%dma_wait3A_891, %dma_wait3A_893] : memref<5x80xf32, #tpu.memory_space<vmem>> -> memref<1x80xf32, #tpu.memory_space<vmem>>
        %dma_wait3A_895 = tpu.memref_squeeze %dma_wait3A_894 : memref<1x80xf32, #tpu.memory_space<vmem>> -> memref<80xf32, #tpu.memory_space<vmem>>
        %dma_wait3A_896 = tpu.memref_slice %arg6[%add3A_890] : memref<320000xf32, #tpu.memory_space<hbm>> -> memref<80xf32, #tpu.memory_space<hbm>>
        %dma_wait3A_897 = tpu.memref_slice %arg13[%dma_wait3A_892] : memref<5x!tpu.dma_semaphore, #tpu.memory_space<semaphore_mem>> -> memref<1x!tpu.dma_semaphore, #tpu.memory_space<semaphore_mem>>
        %dma_wait3A_898 = tpu.memref_squeeze %dma_wait3A_897 : memref<1x!tpu.dma_semaphore, #tpu.memory_space<semaphore_mem>> -> memref<!tpu.dma_semaphore, #tpu.memory_space<semaphore_mem>>
        %dma_wait3A_899 = tpu.memref_slice %arg6[%add3A_890] : memref<320000xf32, #tpu.memory_space<hbm>> -> memref<80xf32, #tpu.memory_space<hbm>>
        %dma_wait3A_900 = arith.constant 0 : i32
        %dma_wait3A_901 = tpu.memref_slice %arg9[%dma_wait3A_891, %dma_wait3A_900] : memref<5x80xf32, #tpu.memory_space<vmem>> -> memref<1x80xf32, #tpu.memory_space<vmem>>
        %dma_wait3A_902 = tpu.memref_squeeze %dma_wait3A_901 : memref<1x80xf32, #tpu.memory_space<vmem>> -> memref<80xf32, #tpu.memory_space<vmem>>
        tpu.wait_dma2 semaphore(%dma_wait3A_898 : memref<!tpu.dma_semaphore, #tpu.memory_space<semaphore_mem>>) src(%dma_wait3A_902 : memref<80xf32, #tpu.memory_space<vmem>>) dst(%dma_wait3A_899 : memref<80xf32, #tpu.memory_space<hbm>>)
      } else {
      }
      %gt3A_246 = arith.constant 0 : i32
      %gt3A_247 = arith.cmpi sgt, %scan3A_167, %gt3A_246 : i32
      %convert_element_type3A_248 = arith.extui %gt3A_247 : i1 to i32
      %cond3A_249 = arith.constant 0 : i32
      %cond3A_250 = arith.cmpi ne, %convert_element_type3A_248, %cond3A_249 : i32
      scf.if %cond3A_250 {
        %sub3A = arith.constant 1 : i32
        %sub3A_858 = arith.subi %scan3A_167, %sub3A : i32
        %mul3A_859 = arith.constant 5 : i32
        %mul3A_860 = arith.muli %sub3A_858, %mul3A_859 : i32
        %add3A_861 = arith.constant 2 : i32
        %add3A_862 = arith.addi %mul3A_860, %add3A_861 : i32
        %mul3A_863 = arith.constant 80 : i32
        %mul3A_864 = arith.muli %add3A_862, %mul3A_863 : i32
        %add3A_865 = arith.addi %mul3A_2, %mul3A_864 : i32
        %dma_wait3A_866 = arith.constant 2 : i32
        %dma_wait3A_867 = arith.constant 2 : i32
        %dma_wait3A_868 = arith.constant 0 : i32
        %dma_wait3A_869 = arith.constant 0 : i32
        %dma_wait3A_870 = tpu.memref_slice %arg8[%dma_wait3A_866, %dma_wait3A_868, %dma_wait3A_869] : memref<5x80x128xf32, #tpu.memory_space<vmem>> -> memref<1x80x128xf32, #tpu.memory_space<vmem>>
        %dma_wait3A_871 = tpu.memref_squeeze %dma_wait3A_870 : memref<1x80x128xf32, #tpu.memory_space<vmem>> -> memref<80x128xf32, #tpu.memory_space<vmem>>
        %dma_wait3A_872 = arith.constant 0 : i32
        %dma_wait3A_873 = tpu.memref_slice %arg5[%add3A_865, %dma_wait3A_872] : memref<320000x128xf32, #tpu.memory_space<hbm>> -> memref<80x128xf32, #tpu.memory_space<hbm>>
        %dma_wait3A_874 = tpu.memref_slice %arg13[%dma_wait3A_867] : memref<5x!tpu.dma_semaphore, #tpu.memory_space<semaphore_mem>> -> memref<1x!tpu.dma_semaphore, #tpu.memory_space<semaphore_mem>>
        %dma_wait3A_875 = tpu.memref_squeeze %dma_wait3A_874 : memref<1x!tpu.dma_semaphore, #tpu.memory_space<semaphore_mem>> -> memref<!tpu.dma_semaphore, #tpu.memory_space<semaphore_mem>>
        %dma_wait3A_876 = arith.constant 0 : i32
        %dma_wait3A_877 = tpu.memref_slice %arg5[%add3A_865, %dma_wait3A_876] : memref<320000x128xf32, #tpu.memory_space<hbm>> -> memref<80x128xf32, #tpu.memory_space<hbm>>
        %dma_wait3A_878 = arith.constant 0 : i32
        %dma_wait3A_879 = arith.constant 0 : i32
        %dma_wait3A_880 = tpu.memref_slice %arg8[%dma_wait3A_866, %dma_wait3A_878, %dma_wait3A_879] : memref<5x80x128xf32, #tpu.memory_space<vmem>> -> memref<1x80x128xf32, #tpu.memory_space<vmem>>
        %dma_wait3A_881 = tpu.memref_squeeze %dma_wait3A_880 : memref<1x80x128xf32, #tpu.memory_space<vmem>> -> memref<80x128xf32, #tpu.memory_space<vmem>>
        tpu.wait_dma2 semaphore(%dma_wait3A_875 : memref<!tpu.dma_semaphore, #tpu.memory_space<semaphore_mem>>) src(%dma_wait3A_881 : memref<80x128xf32, #tpu.memory_space<vmem>>) dst(%dma_wait3A_877 : memref<80x128xf32, #tpu.memory_space<hbm>>)
        %sub3A_882 = arith.constant 1 : i32
        %sub3A_883 = arith.subi %scan3A_167, %sub3A_882 : i32
        %mul3A_884 = arith.constant 5 : i32
        %mul3A_885 = arith.muli %sub3A_883, %mul3A_884 : i32
        %add3A_886 = arith.constant 2 : i32
        %add3A_887 = arith.addi %mul3A_885, %add3A_886 : i32
        %mul3A_888 = arith.constant 80 : i32
        %mul3A_889 = arith.muli %add3A_887, %mul3A_888 : i32
        %add3A_890 = arith.addi %mul3A_2, %mul3A_889 : i32
        %dma_wait3A_891 = arith.constant 2 : i32
        %dma_wait3A_892 = arith.constant 2 : i32
        %dma_wait3A_893 = arith.constant 0 : i32
        %dma_wait3A_894 = tpu.memref_slice %arg9[%dma_wait3A_891, %dma_wait3A_893] : memref<5x80xf32, #tpu.memory_space<vmem>> -> memref<1x80xf32, #tpu.memory_space<vmem>>
        %dma_wait3A_895 = tpu.memref_squeeze %dma_wait3A_894 : memref<1x80xf32, #tpu.memory_space<vmem>> -> memref<80xf32, #tpu.memory_space<vmem>>
        %dma_wait3A_896 = tpu.memref_slice %arg6[%add3A_890] : memref<320000xf32, #tpu.memory_space<hbm>> -> memref<80xf32, #tpu.memory_space<hbm>>
        %dma_wait3A_897 = tpu.memref_slice %arg13[%dma_wait3A_892] : memref<5x!tpu.dma_semaphore, #tpu.memory_space<semaphore_mem>> -> memref<1x!tpu.dma_semaphore, #tpu.memory_space<semaphore_mem>>
        %dma_wait3A_898 = tpu.memref_squeeze %dma_wait3A_897 : memref<1x!tpu.dma_semaphore, #tpu.memory_space<semaphore_mem>> -> memref<!tpu.dma_semaphore, #tpu.memory_space<semaphore_mem>>
        %dma_wait3A_899 = tpu.memref_slice %arg6[%add3A_890] : memref<320000xf32, #tpu.memory_space<hbm>> -> memref<80xf32, #tpu.memory_space<hbm>>
        %dma_wait3A_900 = arith.constant 0 : i32
        %dma_wait3A_901 = tpu.memref_slice %arg9[%dma_wait3A_891, %dma_wait3A_900] : memref<5x80xf32, #tpu.memory_space<vmem>> -> memref<1x80xf32, #tpu.memory_space<vmem>>
        %dma_wait3A_902 = tpu.memref_squeeze %dma_wait3A_901 : memref<1x80xf32, #tpu.memory_space<vmem>> -> memref<80xf32, #tpu.memory_space<vmem>>
        tpu.wait_dma2 semaphore(%dma_wait3A_898 : memref<!tpu.dma_semaphore, #tpu.memory_space<semaphore_mem>>) src(%dma_wait3A_902 : memref<80xf32, #tpu.memory_space<vmem>>) dst(%dma_wait3A_899 : memref<80xf32, #tpu.memory_space<hbm>>)
      } else {
      }
      %gt3A_251 = arith.constant 0 : i32
      %gt3A_252 = arith.cmpi sgt, %scan3A_167, %gt3A_251 : i32
      %convert_element_type3A_253 = arith.extui %gt3A_252 : i1 to i32
      %cond3A_254 = arith.constant 0 : i32
      %cond3A_255 = arith.cmpi ne, %convert_element_type3A_253, %cond3A_254 : i32
      scf.if %cond3A_255 {
        %sub3A = arith.constant 1 : i32
        %sub3A_858 = arith.subi %scan3A_167, %sub3A : i32
        %mul3A_859 = arith.constant 5 : i32
        %mul3A_860 = arith.muli %sub3A_858, %mul3A_859 : i32
        %add3A_861 = arith.constant 3 : i32
        %add3A_862 = arith.addi %mul3A_860, %add3A_861 : i32
        %mul3A_863 = arith.constant 80 : i32
        %mul3A_864 = arith.muli %add3A_862, %mul3A_863 : i32
        %add3A_865 = arith.addi %mul3A_2, %mul3A_864 : i32
        %dma_wait3A_866 = arith.constant 3 : i32
        %dma_wait3A_867 = arith.constant 3 : i32
        %dma_wait3A_868 = arith.constant 0 : i32
        %dma_wait3A_869 = arith.constant 0 : i32
        %dma_wait3A_870 = tpu.memref_slice %arg8[%dma_wait3A_866, %dma_wait3A_868, %dma_wait3A_869] : memref<5x80x128xf32, #tpu.memory_space<vmem>> -> memref<1x80x128xf32, #tpu.memory_space<vmem>>
        %dma_wait3A_871 = tpu.memref_squeeze %dma_wait3A_870 : memref<1x80x128xf32, #tpu.memory_space<vmem>> -> memref<80x128xf32, #tpu.memory_space<vmem>>
        %dma_wait3A_872 = arith.constant 0 : i32
        %dma_wait3A_873 = tpu.memref_slice %arg5[%add3A_865, %dma_wait3A_872] : memref<320000x128xf32, #tpu.memory_space<hbm>> -> memref<80x128xf32, #tpu.memory_space<hbm>>
        %dma_wait3A_874 = tpu.memref_slice %arg13[%dma_wait3A_867] : memref<5x!tpu.dma_semaphore, #tpu.memory_space<semaphore_mem>> -> memref<1x!tpu.dma_semaphore, #tpu.memory_space<semaphore_mem>>
        %dma_wait3A_875 = tpu.memref_squeeze %dma_wait3A_874 : memref<1x!tpu.dma_semaphore, #tpu.memory_space<semaphore_mem>> -> memref<!tpu.dma_semaphore, #tpu.memory_space<semaphore_mem>>
        %dma_wait3A_876 = arith.constant 0 : i32
        %dma_wait3A_877 = tpu.memref_slice %arg5[%add3A_865, %dma_wait3A_876] : memref<320000x128xf32, #tpu.memory_space<hbm>> -> memref<80x128xf32, #tpu.memory_space<hbm>>
        %dma_wait3A_878 = arith.constant 0 : i32
        %dma_wait3A_879 = arith.constant 0 : i32
        %dma_wait3A_880 = tpu.memref_slice %arg8[%dma_wait3A_866, %dma_wait3A_878, %dma_wait3A_879] : memref<5x80x128xf32, #tpu.memory_space<vmem>> -> memref<1x80x128xf32, #tpu.memory_space<vmem>>
        %dma_wait3A_881 = tpu.memref_squeeze %dma_wait3A_880 : memref<1x80x128xf32, #tpu.memory_space<vmem>> -> memref<80x128xf32, #tpu.memory_space<vmem>>
        tpu.wait_dma2 semaphore(%dma_wait3A_875 : memref<!tpu.dma_semaphore, #tpu.memory_space<semaphore_mem>>) src(%dma_wait3A_881 : memref<80x128xf32, #tpu.memory_space<vmem>>) dst(%dma_wait3A_877 : memref<80x128xf32, #tpu.memory_space<hbm>>)
        %sub3A_882 = arith.constant 1 : i32
        %sub3A_883 = arith.subi %scan3A_167, %sub3A_882 : i32
        %mul3A_884 = arith.constant 5 : i32
        %mul3A_885 = arith.muli %sub3A_883, %mul3A_884 : i32
        %add3A_886 = arith.constant 3 : i32
        %add3A_887 = arith.addi %mul3A_885, %add3A_886 : i32
        %mul3A_888 = arith.constant 80 : i32
        %mul3A_889 = arith.muli %add3A_887, %mul3A_888 : i32
        %add3A_890 = arith.addi %mul3A_2, %mul3A_889 : i32
        %dma_wait3A_891 = arith.constant 3 : i32
        %dma_wait3A_892 = arith.constant 3 : i32
        %dma_wait3A_893 = arith.constant 0 : i32
        %dma_wait3A_894 = tpu.memref_slice %arg9[%dma_wait3A_891, %dma_wait3A_893] : memref<5x80xf32, #tpu.memory_space<vmem>> -> memref<1x80xf32, #tpu.memory_space<vmem>>
        %dma_wait3A_895 = tpu.memref_squeeze %dma_wait3A_894 : memref<1x80xf32, #tpu.memory_space<vmem>> -> memref<80xf32, #tpu.memory_space<vmem>>
        %dma_wait3A_896 = tpu.memref_slice %arg6[%add3A_890] : memref<320000xf32, #tpu.memory_space<hbm>> -> memref<80xf32, #tpu.memory_space<hbm>>
        %dma_wait3A_897 = tpu.memref_slice %arg13[%dma_wait3A_892] : memref<5x!tpu.dma_semaphore, #tpu.memory_space<semaphore_mem>> -> memref<1x!tpu.dma_semaphore, #tpu.memory_space<semaphore_mem>>
        %dma_wait3A_898 = tpu.memref_squeeze %dma_wait3A_897 : memref<1x!tpu.dma_semaphore, #tpu.memory_space<semaphore_mem>> -> memref<!tpu.dma_semaphore, #tpu.memory_space<semaphore_mem>>
        %dma_wait3A_899 = tpu.memref_slice %arg6[%add3A_890] : memref<320000xf32, #tpu.memory_space<hbm>> -> memref<80xf32, #tpu.memory_space<hbm>>
        %dma_wait3A_900 = arith.constant 0 : i32
        %dma_wait3A_901 = tpu.memref_slice %arg9[%dma_wait3A_891, %dma_wait3A_900] : memref<5x80xf32, #tpu.memory_space<vmem>> -> memref<1x80xf32, #tpu.memory_space<vmem>>
        %dma_wait3A_902 = tpu.memref_squeeze %dma_wait3A_901 : memref<1x80xf32, #tpu.memory_space<vmem>> -> memref<80xf32, #tpu.memory_space<vmem>>
        tpu.wait_dma2 semaphore(%dma_wait3A_898 : memref<!tpu.dma_semaphore, #tpu.memory_space<semaphore_mem>>) src(%dma_wait3A_902 : memref<80xf32, #tpu.memory_space<vmem>>) dst(%dma_wait3A_899 : memref<80xf32, #tpu.memory_space<hbm>>)
      } else {
      }
      %gt3A_256 = arith.constant 0 : i32
      %gt3A_257 = arith.cmpi sgt, %scan3A_167, %gt3A_256 : i32
      %convert_element_type3A_258 = arith.extui %gt3A_257 : i1 to i32
      %cond3A_259 = arith.constant 0 : i32
      %cond3A_260 = arith.cmpi ne, %convert_element_type3A_258, %cond3A_259 : i32
      scf.if %cond3A_260 {
        %sub3A = arith.constant 1 : i32
        %sub3A_858 = arith.subi %scan3A_167, %sub3A : i32
        %mul3A_859 = arith.constant 5 : i32
        %mul3A_860 = arith.muli %sub3A_858, %mul3A_859 : i32
        %add3A_861 = arith.constant 4 : i32
        %add3A_862 = arith.addi %mul3A_860, %add3A_861 : i32
        %mul3A_863 = arith.constant 80 : i32
        %mul3A_864 = arith.muli %add3A_862, %mul3A_863 : i32
        %add3A_865 = arith.addi %mul3A_2, %mul3A_864 : i32
        %dma_wait3A_866 = arith.constant 4 : i32
        %dma_wait3A_867 = arith.constant 4 : i32
        %dma_wait3A_868 = arith.constant 0 : i32
        %dma_wait3A_869 = arith.constant 0 : i32
        %dma_wait3A_870 = tpu.memref_slice %arg8[%dma_wait3A_866, %dma_wait3A_868, %dma_wait3A_869] : memref<5x80x128xf32, #tpu.memory_space<vmem>> -> memref<1x80x128xf32, #tpu.memory_space<vmem>>
        %dma_wait3A_871 = tpu.memref_squeeze %dma_wait3A_870 : memref<1x80x128xf32, #tpu.memory_space<vmem>> -> memref<80x128xf32, #tpu.memory_space<vmem>>
        %dma_wait3A_872 = arith.constant 0 : i32
        %dma_wait3A_873 = tpu.memref_slice %arg5[%add3A_865, %dma_wait3A_872] : memref<320000x128xf32, #tpu.memory_space<hbm>> -> memref<80x128xf32, #tpu.memory_space<hbm>>
        %dma_wait3A_874 = tpu.memref_slice %arg13[%dma_wait3A_867] : memref<5x!tpu.dma_semaphore, #tpu.memory_space<semaphore_mem>> -> memref<1x!tpu.dma_semaphore, #tpu.memory_space<semaphore_mem>>
        %dma_wait3A_875 = tpu.memref_squeeze %dma_wait3A_874 : memref<1x!tpu.dma_semaphore, #tpu.memory_space<semaphore_mem>> -> memref<!tpu.dma_semaphore, #tpu.memory_space<semaphore_mem>>
        %dma_wait3A_876 = arith.constant 0 : i32
        %dma_wait3A_877 = tpu.memref_slice %arg5[%add3A_865, %dma_wait3A_876] : memref<320000x128xf32, #tpu.memory_space<hbm>> -> memref<80x128xf32, #tpu.memory_space<hbm>>
        %dma_wait3A_878 = arith.constant 0 : i32
        %dma_wait3A_879 = arith.constant 0 : i32
        %dma_wait3A_880 = tpu.memref_slice %arg8[%dma_wait3A_866, %dma_wait3A_878, %dma_wait3A_879] : memref<5x80x128xf32, #tpu.memory_space<vmem>> -> memref<1x80x128xf32, #tpu.memory_space<vmem>>
        %dma_wait3A_881 = tpu.memref_squeeze %dma_wait3A_880 : memref<1x80x128xf32, #tpu.memory_space<vmem>> -> memref<80x128xf32, #tpu.memory_space<vmem>>
        tpu.wait_dma2 semaphore(%dma_wait3A_875 : memref<!tpu.dma_semaphore, #tpu.memory_space<semaphore_mem>>) src(%dma_wait3A_881 : memref<80x128xf32, #tpu.memory_space<vmem>>) dst(%dma_wait3A_877 : memref<80x128xf32, #tpu.memory_space<hbm>>)
        %sub3A_882 = arith.constant 1 : i32
        %sub3A_883 = arith.subi %scan3A_167, %sub3A_882 : i32
        %mul3A_884 = arith.constant 5 : i32
        %mul3A_885 = arith.muli %sub3A_883, %mul3A_884 : i32
        %add3A_886 = arith.constant 4 : i32
        %add3A_887 = arith.addi %mul3A_885, %add3A_886 : i32
        %mul3A_888 = arith.constant 80 : i32
        %mul3A_889 = arith.muli %add3A_887, %mul3A_888 : i32
        %add3A_890 = arith.addi %mul3A_2, %mul3A_889 : i32
        %dma_wait3A_891 = arith.constant 4 : i32
        %dma_wait3A_892 = arith.constant 4 : i32
        %dma_wait3A_893 = arith.constant 0 : i32
        %dma_wait3A_894 = tpu.memref_slice %arg9[%dma_wait3A_891, %dma_wait3A_893] : memref<5x80xf32, #tpu.memory_space<vmem>> -> memref<1x80xf32, #tpu.memory_space<vmem>>
        %dma_wait3A_895 = tpu.memref_squeeze %dma_wait3A_894 : memref<1x80xf32, #tpu.memory_space<vmem>> -> memref<80xf32, #tpu.memory_space<vmem>>
        %dma_wait3A_896 = tpu.memref_slice %arg6[%add3A_890] : memref<320000xf32, #tpu.memory_space<hbm>> -> memref<80xf32, #tpu.memory_space<hbm>>
        %dma_wait3A_897 = tpu.memref_slice %arg13[%dma_wait3A_892] : memref<5x!tpu.dma_semaphore, #tpu.memory_space<semaphore_mem>> -> memref<1x!tpu.dma_semaphore, #tpu.memory_space<semaphore_mem>>
        %dma_wait3A_898 = tpu.memref_squeeze %dma_wait3A_897 : memref<1x!tpu.dma_semaphore, #tpu.memory_space<semaphore_mem>> -> memref<!tpu.dma_semaphore, #tpu.memory_space<semaphore_mem>>
        %dma_wait3A_899 = tpu.memref_slice %arg6[%add3A_890] : memref<320000xf32, #tpu.memory_space<hbm>> -> memref<80xf32, #tpu.memory_space<hbm>>
        %dma_wait3A_900 = arith.constant 0 : i32
        %dma_wait3A_901 = tpu.memref_slice %arg9[%dma_wait3A_891, %dma_wait3A_900] : memref<5x80xf32, #tpu.memory_space<vmem>> -> memref<1x80xf32, #tpu.memory_space<vmem>>
        %dma_wait3A_902 = tpu.memref_squeeze %dma_wait3A_901 : memref<1x80xf32, #tpu.memory_space<vmem>> -> memref<80xf32, #tpu.memory_space<vmem>>
        tpu.wait_dma2 semaphore(%dma_wait3A_898 : memref<!tpu.dma_semaphore, #tpu.memory_space<semaphore_mem>>) src(%dma_wait3A_902 : memref<80xf32, #tpu.memory_space<vmem>>) dst(%dma_wait3A_899 : memref<80xf32, #tpu.memory_space<hbm>>)
      } else {
      }
      %dma_wait3A_261 = arith.constant 0 : i32
      %dma_wait3A_262 = arith.constant 0 : i32
      %dma_wait3A_263 = tpu.memref_slice %arg7[%dma_wait3A_261, %dma_wait3A_262] : memref<5x80xi32, #tpu.memory_space<vmem>> -> memref<1x80xi32, #tpu.memory_space<vmem>>
      %dma_wait3A_264 = tpu.memref_squeeze %dma_wait3A_263 : memref<1x80xi32, #tpu.memory_space<vmem>> -> memref<80xi32, #tpu.memory_space<vmem>>
      %dma_wait3A_265 = tpu.memref_slice %arg3[%add3A_174] : memref<320000xi32, #tpu.memory_space<hbm>> -> memref<80xi32, #tpu.memory_space<hbm>>
      %dma_wait3A_266 = arith.constant 0 : i32
      %dma_wait3A_267 = tpu.memref_slice %arg7[%dma_wait3A_261, %dma_wait3A_266] : memref<5x80xi32, #tpu.memory_space<vmem>> -> memref<1x80xi32, #tpu.memory_space<vmem>>
      %dma_wait3A_268 = tpu.memref_squeeze %dma_wait3A_267 : memref<1x80xi32, #tpu.memory_space<vmem>> -> memref<80xi32, #tpu.memory_space<vmem>>
      %dma_wait3A_269 = tpu.memref_slice %arg3[%add3A_174] : memref<320000xi32, #tpu.memory_space<hbm>> -> memref<80xi32, #tpu.memory_space<hbm>>
      tpu.wait_dma2 semaphore(%arg11 : memref<!tpu.dma_semaphore, #tpu.memory_space<semaphore_mem>>) src(%dma_wait3A_269 : memref<80xi32, #tpu.memory_space<hbm>>) dst(%dma_wait3A_268 : memref<80xi32, #tpu.memory_space<vmem>>)
      %dma_start3A_270 = arith.constant 0 : i32
      %dma_start3A_271 = arith.constant 0 : i32
      %dma_start3A_272 = arith.constant 0 : i32
      %dma_start3A_273 = arith.constant 0 : i32
      %dma_start3A_274 = tpu.memref_slice %arg8[%dma_start3A_271, %dma_start3A_272, %dma_start3A_273] : memref<5x80x128xf32, #tpu.memory_space<vmem>> -> memref<1x80x128xf32, #tpu.memory_space<vmem>>
      %dma_start3A_275 = tpu.memref_squeeze %dma_start3A_274 : memref<1x80x128xf32, #tpu.memory_space<vmem>> -> memref<80x128xf32, #tpu.memory_space<vmem>>
      %dma_start3A_276 = arith.constant 0 : i32
      %dma_start3A_277 = tpu.memref_slice %arg7[%dma_start3A_270, %dma_start3A_276] : memref<5x80xi32, #tpu.memory_space<vmem>> -> memref<1x80xi32, #tpu.memory_space<vmem>>
      %dma_start3A_278 = tpu.memref_squeeze %dma_start3A_277 : memref<1x80xi32, #tpu.memory_space<vmem>> -> memref<80xi32, #tpu.memory_space<vmem>>
      %dma_start3A_279 = arith.constant 0 : i32
      %dma_start3A_280 = arith.constant 0 : i32
      %dma_start3A_281 = tpu.memref_slice %arg2[%dma_start3A_279, %dma_start3A_280] : memref<10000x128xf32, #tpu.memory_space<hbm>> -> memref<10000x128xf32, #tpu.memory_space<hbm>>
      tpu.enqueue_indirect_dma source(%dma_start3A_281 : memref<10000x128xf32, #tpu.memory_space<hbm>>) target(%dma_start3A_275 : memref<80x128xf32, #tpu.memory_space<vmem>>) offsets(%dma_start3A_278 : memref<80xi32, #tpu.memory_space<vmem>>) semaphore(%arg12 : memref<!tpu.dma_semaphore, #tpu.memory_space<semaphore_mem>>)
      %dma_wait3A_282 = arith.constant 1 : i32
      %dma_wait3A_283 = arith.constant 0 : i32
      %dma_wait3A_284 = tpu.memref_slice %arg7[%dma_wait3A_282, %dma_wait3A_283] : memref<5x80xi32, #tpu.memory_space<vmem>> -> memref<1x80xi32, #tpu.memory_space<vmem>>
      %dma_wait3A_285 = tpu.memref_squeeze %dma_wait3A_284 : memref<1x80xi32, #tpu.memory_space<vmem>> -> memref<80xi32, #tpu.memory_space<vmem>>
      %dma_wait3A_286 = tpu.memref_slice %arg3[%add3A_187] : memref<320000xi32, #tpu.memory_space<hbm>> -> memref<80xi32, #tpu.memory_space<hbm>>
      %dma_wait3A_287 = arith.constant 0 : i32
      %dma_wait3A_288 = tpu.memref_slice %arg7[%dma_wait3A_282, %dma_wait3A_287] : memref<5x80xi32, #tpu.memory_space<vmem>> -> memref<1x80xi32, #tpu.memory_space<vmem>>
      %dma_wait3A_289 = tpu.memref_squeeze %dma_wait3A_288 : memref<1x80xi32, #tpu.memory_space<vmem>> -> memref<80xi32, #tpu.memory_space<vmem>>
      %dma_wait3A_290 = tpu.memref_slice %arg3[%add3A_187] : memref<320000xi32, #tpu.memory_space<hbm>> -> memref<80xi32, #tpu.memory_space<hbm>>
      tpu.wait_dma2 semaphore(%arg11 : memref<!tpu.dma_semaphore, #tpu.memory_space<semaphore_mem>>) src(%dma_wait3A_290 : memref<80xi32, #tpu.memory_space<hbm>>) dst(%dma_wait3A_289 : memref<80xi32, #tpu.memory_space<vmem>>)
      %dma_start3A_291 = arith.constant 1 : i32
      %dma_start3A_292 = arith.constant 1 : i32
      %dma_start3A_293 = arith.constant 0 : i32
      %dma_start3A_294 = arith.constant 0 : i32
      %dma_start3A_295 = tpu.memref_slice %arg8[%dma_start3A_292, %dma_start3A_293, %dma_start3A_294] : memref<5x80x128xf32, #tpu.memory_space<vmem>> -> memref<1x80x128xf32, #tpu.memory_space<vmem>>
      %dma_start3A_296 = tpu.memref_squeeze %dma_start3A_295 : memref<1x80x128xf32, #tpu.memory_space<vmem>> -> memref<80x128xf32, #tpu.memory_space<vmem>>
      %dma_start3A_297 = arith.constant 0 : i32
      %dma_start3A_298 = tpu.memref_slice %arg7[%dma_start3A_291, %dma_start3A_297] : memref<5x80xi32, #tpu.memory_space<vmem>> -> memref<1x80xi32, #tpu.memory_space<vmem>>
      %dma_start3A_299 = tpu.memref_squeeze %dma_start3A_298 : memref<1x80xi32, #tpu.memory_space<vmem>> -> memref<80xi32, #tpu.memory_space<vmem>>
      %dma_start3A_300 = arith.constant 0 : i32
      %dma_start3A_301 = arith.constant 0 : i32
      %dma_start3A_302 = tpu.memref_slice %arg2[%dma_start3A_300, %dma_start3A_301] : memref<10000x128xf32, #tpu.memory_space<hbm>> -> memref<10000x128xf32, #tpu.memory_space<hbm>>
      tpu.enqueue_indirect_dma source(%dma_start3A_302 : memref<10000x128xf32, #tpu.memory_space<hbm>>) target(%dma_start3A_296 : memref<80x128xf32, #tpu.memory_space<vmem>>) offsets(%dma_start3A_299 : memref<80xi32, #tpu.memory_space<vmem>>) semaphore(%arg12 : memref<!tpu.dma_semaphore, #tpu.memory_space<semaphore_mem>>)
      %dma_wait3A_303 = arith.constant 2 : i32
      %dma_wait3A_304 = arith.constant 0 : i32
      %dma_wait3A_305 = tpu.memref_slice %arg7[%dma_wait3A_303, %dma_wait3A_304] : memref<5x80xi32, #tpu.memory_space<vmem>> -> memref<1x80xi32, #tpu.memory_space<vmem>>
      %dma_wait3A_306 = tpu.memref_squeeze %dma_wait3A_305 : memref<1x80xi32, #tpu.memory_space<vmem>> -> memref<80xi32, #tpu.memory_space<vmem>>
      %dma_wait3A_307 = tpu.memref_slice %arg3[%add3A_201] : memref<320000xi32, #tpu.memory_space<hbm>> -> memref<80xi32, #tpu.memory_space<hbm>>
      %dma_wait3A_308 = arith.constant 0 : i32
      %dma_wait3A_309 = tpu.memref_slice %arg7[%dma_wait3A_303, %dma_wait3A_308] : memref<5x80xi32, #tpu.memory_space<vmem>> -> memref<1x80xi32, #tpu.memory_space<vmem>>
      %dma_wait3A_310 = tpu.memref_squeeze %dma_wait3A_309 : memref<1x80xi32, #tpu.memory_space<vmem>> -> memref<80xi32, #tpu.memory_space<vmem>>
      %dma_wait3A_311 = tpu.memref_slice %arg3[%add3A_201] : memref<320000xi32, #tpu.memory_space<hbm>> -> memref<80xi32, #tpu.memory_space<hbm>>
      tpu.wait_dma2 semaphore(%arg11 : memref<!tpu.dma_semaphore, #tpu.memory_space<semaphore_mem>>) src(%dma_wait3A_311 : memref<80xi32, #tpu.memory_space<hbm>>) dst(%dma_wait3A_310 : memref<80xi32, #tpu.memory_space<vmem>>)
      %dma_start3A_312 = arith.constant 2 : i32
      %dma_start3A_313 = arith.constant 2 : i32
      %dma_start3A_314 = arith.constant 0 : i32
      %dma_start3A_315 = arith.constant 0 : i32
      %dma_start3A_316 = tpu.memref_slice %arg8[%dma_start3A_313, %dma_start3A_314, %dma_start3A_315] : memref<5x80x128xf32, #tpu.memory_space<vmem>> -> memref<1x80x128xf32, #tpu.memory_space<vmem>>
      %dma_start3A_317 = tpu.memref_squeeze %dma_start3A_316 : memref<1x80x128xf32, #tpu.memory_space<vmem>> -> memref<80x128xf32, #tpu.memory_space<vmem>>
      %dma_start3A_318 = arith.constant 0 : i32
      %dma_start3A_319 = tpu.memref_slice %arg7[%dma_start3A_312, %dma_start3A_318] : memref<5x80xi32, #tpu.memory_space<vmem>> -> memref<1x80xi32, #tpu.memory_space<vmem>>
      %dma_start3A_320 = tpu.memref_squeeze %dma_start3A_319 : memref<1x80xi32, #tpu.memory_space<vmem>> -> memref<80xi32, #tpu.memory_space<vmem>>
      %dma_start3A_321 = arith.constant 0 : i32
      %dma_start3A_322 = arith.constant 0 : i32
      %dma_start3A_323 = tpu.memref_slice %arg2[%dma_start3A_321, %dma_start3A_322] : memref<10000x128xf32, #tpu.memory_space<hbm>> -> memref<10000x128xf32, #tpu.memory_space<hbm>>
      tpu.enqueue_indirect_dma source(%dma_start3A_323 : memref<10000x128xf32, #tpu.memory_space<hbm>>) target(%dma_start3A_317 : memref<80x128xf32, #tpu.memory_space<vmem>>) offsets(%dma_start3A_320 : memref<80xi32, #tpu.memory_space<vmem>>) semaphore(%arg12 : memref<!tpu.dma_semaphore, #tpu.memory_space<semaphore_mem>>)
      %dma_wait3A_324 = arith.constant 3 : i32
      %dma_wait3A_325 = arith.constant 0 : i32
      %dma_wait3A_326 = tpu.memref_slice %arg7[%dma_wait3A_324, %dma_wait3A_325] : memref<5x80xi32, #tpu.memory_space<vmem>> -> memref<1x80xi32, #tpu.memory_space<vmem>>
      %dma_wait3A_327 = tpu.memref_squeeze %dma_wait3A_326 : memref<1x80xi32, #tpu.memory_space<vmem>> -> memref<80xi32, #tpu.memory_space<vmem>>
      %dma_wait3A_328 = tpu.memref_slice %arg3[%add3A_215] : memref<320000xi32, #tpu.memory_space<hbm>> -> memref<80xi32, #tpu.memory_space<hbm>>
      %dma_wait3A_329 = arith.constant 0 : i32
      %dma_wait3A_330 = tpu.memref_slice %arg7[%dma_wait3A_324, %dma_wait3A_329] : memref<5x80xi32, #tpu.memory_space<vmem>> -> memref<1x80xi32, #tpu.memory_space<vmem>>
      %dma_wait3A_331 = tpu.memref_squeeze %dma_wait3A_330 : memref<1x80xi32, #tpu.memory_space<vmem>> -> memref<80xi32, #tpu.memory_space<vmem>>
      %dma_wait3A_332 = tpu.memref_slice %arg3[%add3A_215] : memref<320000xi32, #tpu.memory_space<hbm>> -> memref<80xi32, #tpu.memory_space<hbm>>
      tpu.wait_dma2 semaphore(%arg11 : memref<!tpu.dma_semaphore, #tpu.memory_space<semaphore_mem>>) src(%dma_wait3A_332 : memref<80xi32, #tpu.memory_space<hbm>>) dst(%dma_wait3A_331 : memref<80xi32, #tpu.memory_space<vmem>>)
      %dma_start3A_333 = arith.constant 3 : i32
      %dma_start3A_334 = arith.constant 3 : i32
      %dma_start3A_335 = arith.constant 0 : i32
      %dma_start3A_336 = arith.constant 0 : i32
      %dma_start3A_337 = tpu.memref_slice %arg8[%dma_start3A_334, %dma_start3A_335, %dma_start3A_336] : memref<5x80x128xf32, #tpu.memory_space<vmem>> -> memref<1x80x128xf32, #tpu.memory_space<vmem>>
      %dma_start3A_338 = tpu.memref_squeeze %dma_start3A_337 : memref<1x80x128xf32, #tpu.memory_space<vmem>> -> memref<80x128xf32, #tpu.memory_space<vmem>>
      %dma_start3A_339 = arith.constant 0 : i32
      %dma_start3A_340 = tpu.memref_slice %arg7[%dma_start3A_333, %dma_start3A_339] : memref<5x80xi32, #tpu.memory_space<vmem>> -> memref<1x80xi32, #tpu.memory_space<vmem>>
      %dma_start3A_341 = tpu.memref_squeeze %dma_start3A_340 : memref<1x80xi32, #tpu.memory_space<vmem>> -> memref<80xi32, #tpu.memory_space<vmem>>
      %dma_start3A_342 = arith.constant 0 : i32
      %dma_start3A_343 = arith.constant 0 : i32
      %dma_start3A_344 = tpu.memref_slice %arg2[%dma_start3A_342, %dma_start3A_343] : memref<10000x128xf32, #tpu.memory_space<hbm>> -> memref<10000x128xf32, #tpu.memory_space<hbm>>
      tpu.enqueue_indirect_dma source(%dma_start3A_344 : memref<10000x128xf32, #tpu.memory_space<hbm>>) target(%dma_start3A_338 : memref<80x128xf32, #tpu.memory_space<vmem>>) offsets(%dma_start3A_341 : memref<80xi32, #tpu.memory_space<vmem>>) semaphore(%arg12 : memref<!tpu.dma_semaphore, #tpu.memory_space<semaphore_mem>>)
      %dma_wait3A_345 = arith.constant 4 : i32
      %dma_wait3A_346 = arith.constant 0 : i32
      %dma_wait3A_347 = tpu.memref_slice %arg7[%dma_wait3A_345, %dma_wait3A_346] : memref<5x80xi32, #tpu.memory_space<vmem>> -> memref<1x80xi32, #tpu.memory_space<vmem>>
      %dma_wait3A_348 = tpu.memref_squeeze %dma_wait3A_347 : memref<1x80xi32, #tpu.memory_space<vmem>> -> memref<80xi32, #tpu.memory_space<vmem>>
      %dma_wait3A_349 = tpu.memref_slice %arg3[%add3A_229] : memref<320000xi32, #tpu.memory_space<hbm>> -> memref<80xi32, #tpu.memory_space<hbm>>
      %dma_wait3A_350 = arith.constant 0 : i32
      %dma_wait3A_351 = tpu.memref_slice %arg7[%dma_wait3A_345, %dma_wait3A_350] : memref<5x80xi32, #tpu.memory_space<vmem>> -> memref<1x80xi32, #tpu.memory_space<vmem>>
      %dma_wait3A_352 = tpu.memref_squeeze %dma_wait3A_351 : memref<1x80xi32, #tpu.memory_space<vmem>> -> memref<80xi32, #tpu.memory_space<vmem>>
      %dma_wait3A_353 = tpu.memref_slice %arg3[%add3A_229] : memref<320000xi32, #tpu.memory_space<hbm>> -> memref<80xi32, #tpu.memory_space<hbm>>
      tpu.wait_dma2 semaphore(%arg11 : memref<!tpu.dma_semaphore, #tpu.memory_space<semaphore_mem>>) src(%dma_wait3A_353 : memref<80xi32, #tpu.memory_space<hbm>>) dst(%dma_wait3A_352 : memref<80xi32, #tpu.memory_space<vmem>>)
      %dma_start3A_354 = arith.constant 4 : i32
      %dma_start3A_355 = arith.constant 4 : i32
      %dma_start3A_356 = arith.constant 0 : i32
      %dma_start3A_357 = arith.constant 0 : i32
      %dma_start3A_358 = tpu.memref_slice %arg8[%dma_start3A_355, %dma_start3A_356, %dma_start3A_357] : memref<5x80x128xf32, #tpu.memory_space<vmem>> -> memref<1x80x128xf32, #tpu.memory_space<vmem>>
      %dma_start3A_359 = tpu.memref_squeeze %dma_start3A_358 : memref<1x80x128xf32, #tpu.memory_space<vmem>> -> memref<80x128xf32, #tpu.memory_space<vmem>>
      %dma_start3A_360 = arith.constant 0 : i32
      %dma_start3A_361 = tpu.memref_slice %arg7[%dma_start3A_354, %dma_start3A_360] : memref<5x80xi32, #tpu.memory_space<vmem>> -> memref<1x80xi32, #tpu.memory_space<vmem>>
      %dma_start3A_362 = tpu.memref_squeeze %dma_start3A_361 : memref<1x80xi32, #tpu.memory_space<vmem>> -> memref<80xi32, #tpu.memory_space<vmem>>
      %dma_start3A_363 = arith.constant 0 : i32
      %dma_start3A_364 = arith.constant 0 : i32
      %dma_start3A_365 = tpu.memref_slice %arg2[%dma_start3A_363, %dma_start3A_364] : memref<10000x128xf32, #tpu.memory_space<hbm>> -> memref<10000x128xf32, #tpu.memory_space<hbm>>
      tpu.enqueue_indirect_dma source(%dma_start3A_365 : memref<10000x128xf32, #tpu.memory_space<hbm>>) target(%dma_start3A_359 : memref<80x128xf32, #tpu.memory_space<vmem>>) offsets(%dma_start3A_362 : memref<80xi32, #tpu.memory_space<vmem>>) semaphore(%arg12 : memref<!tpu.dma_semaphore, #tpu.memory_space<semaphore_mem>>)
      %get3A = arith.constant 0 : i32
      %get3A_366 = arith.index_cast %get3A : i32 to index
      %get3A_367 = arith.constant 0 : index
      %get3A_368 = tpu.vector_load %arg7[%get3A_366, %get3A_367] {strides = array<i32>} : memref<5x80xi32, #tpu.memory_space<vmem>>, vector<16xi32>,
      %gather3A = tpu.vector_load_idx %arg10[%get3A_368] : memref<10000xf32, #tpu.memory_space<vmem>>[vector<16xi32>], vector<16xf32>,
      %swap3A = arith.constant 0 : i32
      %swap3A_369 = arith.index_cast %swap3A : i32 to index
      %swap3A_370 = arith.constant 0 : index
      %swap3A_371 = tpu.vector_load %arg9[%swap3A_369, %swap3A_370] {strides = array<i32>} : memref<5x80xf32, #tpu.memory_space<vmem>>, vector<16xf32>,
      tpu.vector_store %arg9[%swap3A_369, %swap3A_370], %gather3A {strides = array<i32>} : memref<5x80xf32, #tpu.memory_space<vmem>>, vector<16xf32>,
      %get3A_372 = arith.constant 0 : i32
      %get3A_373 = arith.index_cast %get3A_372 : i32 to index
      %get3A_374 = arith.constant 16 : index
      %get3A_375 = tpu.vector_load %arg7[%get3A_373, %get3A_374] {strides = array<i32>} : memref<5x80xi32, #tpu.memory_space<vmem>>, vector<16xi32>,
      %gather3A_376 = tpu.vector_load_idx %arg10[%get3A_375] : memref<10000xf32, #tpu.memory_space<vmem>>[vector<16xi32>], vector<16xf32>,
      %swap3A_377 = arith.constant 0 : i32
      %swap3A_378 = arith.index_cast %swap3A_377 : i32 to index
      %swap3A_379 = arith.constant 16 : index
      %swap3A_380 = tpu.vector_load %arg9[%swap3A_378, %swap3A_379] {strides = array<i32>} : memref<5x80xf32, #tpu.memory_space<vmem>>, vector<16xf32>,
      tpu.vector_store %arg9[%swap3A_378, %swap3A_379], %gather3A_376 {strides = array<i32>} : memref<5x80xf32, #tpu.memory_space<vmem>>, vector<16xf32>,
      %get3A_381 = arith.constant 0 : i32
      %get3A_382 = arith.index_cast %get3A_381 : i32 to index
      %get3A_383 = arith.constant 32 : index
      %get3A_384 = tpu.vector_load %arg7[%get3A_382, %get3A_383] {strides = array<i32>} : memref<5x80xi32, #tpu.memory_space<vmem>>, vector<16xi32>,
      %gather3A_385 = tpu.vector_load_idx %arg10[%get3A_384] : memref<10000xf32, #tpu.memory_space<vmem>>[vector<16xi32>], vector<16xf32>,
      %swap3A_386 = arith.constant 0 : i32
      %swap3A_387 = arith.index_cast %swap3A_386 : i32 to index
      %swap3A_388 = arith.constant 32 : index
      %swap3A_389 = tpu.vector_load %arg9[%swap3A_387, %swap3A_388] {strides = array<i32>} : memref<5x80xf32, #tpu.memory_space<vmem>>, vector<16xf32>,
      tpu.vector_store %arg9[%swap3A_387, %swap3A_388], %gather3A_385 {strides = array<i32>} : memref<5x80xf32, #tpu.memory_space<vmem>>, vector<16xf32>,
      %get3A_390 = arith.constant 0 : i32
      %get3A_391 = arith.index_cast %get3A_390 : i32 to index
      %get3A_392 = arith.constant 48 : index
      %get3A_393 = tpu.vector_load %arg7[%get3A_391, %get3A_392] {strides = array<i32>} : memref<5x80xi32, #tpu.memory_space<vmem>>, vector<16xi32>,
      %gather3A_394 = tpu.vector_load_idx %arg10[%get3A_393] : memref<10000xf32, #tpu.memory_space<vmem>>[vector<16xi32>], vector<16xf32>,
      %swap3A_395 = arith.constant 0 : i32
      %swap3A_396 = arith.index_cast %swap3A_395 : i32 to index
      %swap3A_397 = arith.constant 48 : index
      %swap3A_398 = tpu.vector_load %arg9[%swap3A_396, %swap3A_397] {strides = array<i32>} : memref<5x80xf32, #tpu.memory_space<vmem>>, vector<16xf32>,
      tpu.vector_store %arg9[%swap3A_396, %swap3A_397], %gather3A_394 {strides = array<i32>} : memref<5x80xf32, #tpu.memory_space<vmem>>, vector<16xf32>,
      %get3A_399 = arith.constant 0 : i32
      %get3A_400 = arith.index_cast %get3A_399 : i32 to index
      %get3A_401 = arith.constant 64 : index
      %get3A_402 = tpu.vector_load %arg7[%get3A_400, %get3A_401] {strides = array<i32>} : memref<5x80xi32, #tpu.memory_space<vmem>>, vector<16xi32>,
      %gather3A_403 = tpu.vector_load_idx %arg10[%get3A_402] : memref<10000xf32, #tpu.memory_space<vmem>>[vector<16xi32>], vector<16xf32>,
      %swap3A_404 = arith.constant 0 : i32
      %swap3A_405 = arith.index_cast %swap3A_404 : i32 to index
      %swap3A_406 = arith.constant 64 : index
      %swap3A_407 = tpu.vector_load %arg9[%swap3A_405, %swap3A_406] {strides = array<i32>} : memref<5x80xf32, #tpu.memory_space<vmem>>, vector<16xf32>,
      tpu.vector_store %arg9[%swap3A_405, %swap3A_406], %gather3A_403 {strides = array<i32>} : memref<5x80xf32, #tpu.memory_space<vmem>>, vector<16xf32>,
      %get3A_408 = arith.constant 1 : i32
      %get3A_409 = arith.index_cast %get3A_408 : i32 to index
      %get3A_410 = arith.constant 0 : index
      %get3A_411 = tpu.vector_load %arg7[%get3A_409, %get3A_410] {strides = array<i32>} : memref<5x80xi32, #tpu.memory_space<vmem>>, vector<16xi32>,
      %gather3A_412 = tpu.vector_load_idx %arg10[%get3A_411] : memref<10000xf32, #tpu.memory_space<vmem>>[vector<16xi32>], vector<16xf32>,
      %swap3A_413 = arith.constant 1 : i32
      %swap3A_414 = arith.index_cast %swap3A_413 : i32 to index
      %swap3A_415 = arith.constant 0 : index
      %swap3A_416 = tpu.vector_load %arg9[%swap3A_414, %swap3A_415] {strides = array<i32>} : memref<5x80xf32, #tpu.memory_space<vmem>>, vector<16xf32>,
      tpu.vector_store %arg9[%swap3A_414, %swap3A_415], %gather3A_412 {strides = array<i32>} : memref<5x80xf32, #tpu.memory_space<vmem>>, vector<16xf32>,
      %get3A_417 = arith.constant 1 : i32
      %get3A_418 = arith.index_cast %get3A_417 : i32 to index
      %get3A_419 = arith.constant 16 : index
      %get3A_420 = tpu.vector_load %arg7[%get3A_418, %get3A_419] {strides = array<i32>} : memref<5x80xi32, #tpu.memory_space<vmem>>, vector<16xi32>,
      %gather3A_421 = tpu.vector_load_idx %arg10[%get3A_420] : memref<10000xf32, #tpu.memory_space<vmem>>[vector<16xi32>], vector<16xf32>,
      %swap3A_422 = arith.constant 1 : i32
      %swap3A_423 = arith.index_cast %swap3A_422 : i32 to index
      %swap3A_424 = arith.constant 16 : index
      %swap3A_425 = tpu.vector_load %arg9[%swap3A_423, %swap3A_424] {strides = array<i32>} : memref<5x80xf32, #tpu.memory_space<vmem>>, vector<16xf32>,
      tpu.vector_store %arg9[%swap3A_423, %swap3A_424], %gather3A_421 {strides = array<i32>} : memref<5x80xf32, #tpu.memory_space<vmem>>, vector<16xf32>,
      %get3A_426 = arith.constant 1 : i32
      %get3A_427 = arith.index_cast %get3A_426 : i32 to index
      %get3A_428 = arith.constant 32 : index
      %get3A_429 = tpu.vector_load %arg7[%get3A_427, %get3A_428] {strides = array<i32>} : memref<5x80xi32, #tpu.memory_space<vmem>>, vector<16xi32>,
      %gather3A_430 = tpu.vector_load_idx %arg10[%get3A_429] : memref<10000xf32, #tpu.memory_space<vmem>>[vector<16xi32>], vector<16xf32>,
      %swap3A_431 = arith.constant 1 : i32
      %swap3A_432 = arith.index_cast %swap3A_431 : i32 to index
      %swap3A_433 = arith.constant 32 : index
      %swap3A_434 = tpu.vector_load %arg9[%swap3A_432, %swap3A_433] {strides = array<i32>} : memref<5x80xf32, #tpu.memory_space<vmem>>, vector<16xf32>,
      tpu.vector_store %arg9[%swap3A_432, %swap3A_433], %gather3A_430 {strides = array<i32>} : memref<5x80xf32, #tpu.memory_space<vmem>>, vector<16xf32>,
      %get3A_435 = arith.constant 1 : i32
      %get3A_436 = arith.index_cast %get3A_435 : i32 to index
      %get3A_437 = arith.constant 48 : index
      %get3A_438 = tpu.vector_load %arg7[%get3A_436, %get3A_437] {strides = array<i32>} : memref<5x80xi32, #tpu.memory_space<vmem>>, vector<16xi32>,
      %gather3A_439 = tpu.vector_load_idx %arg10[%get3A_438] : memref<10000xf32, #tpu.memory_space<vmem>>[vector<16xi32>], vector<16xf32>,
      %swap3A_440 = arith.constant 1 : i32
      %swap3A_441 = arith.index_cast %swap3A_440 : i32 to index
      %swap3A_442 = arith.constant 48 : index
      %swap3A_443 = tpu.vector_load %arg9[%swap3A_441, %swap3A_442] {strides = array<i32>} : memref<5x80xf32, #tpu.memory_space<vmem>>, vector<16xf32>,
      tpu.vector_store %arg9[%swap3A_441, %swap3A_442], %gather3A_439 {strides = array<i32>} : memref<5x80xf32, #tpu.memory_space<vmem>>, vector<16xf32>,
      %get3A_444 = arith.constant 1 : i32
      %get3A_445 = arith.index_cast %get3A_444 : i32 to index
      %get3A_446 = arith.constant 64 : index
      %get3A_447 = tpu.vector_load %arg7[%get3A_445, %get3A_446] {strides = array<i32>} : memref<5x80xi32, #tpu.memory_space<vmem>>, vector<16xi32>,
      %gather3A_448 = tpu.vector_load_idx %arg10[%get3A_447] : memref<10000xf32, #tpu.memory_space<vmem>>[vector<16xi32>], vector<16xf32>,
      %swap3A_449 = arith.constant 1 : i32
      %swap3A_450 = arith.index_cast %swap3A_449 : i32 to index
      %swap3A_451 = arith.constant 64 : index
      %swap3A_452 = tpu.vector_load %arg9[%swap3A_450, %swap3A_451] {strides = array<i32>} : memref<5x80xf32, #tpu.memory_space<vmem>>, vector<16xf32>,
      tpu.vector_store %arg9[%swap3A_450, %swap3A_451], %gather3A_448 {strides = array<i32>} : memref<5x80xf32, #tpu.memory_space<vmem>>, vector<16xf32>,
      %get3A_453 = arith.constant 2 : i32
      %get3A_454 = arith.index_cast %get3A_453 : i32 to index
      %get3A_455 = arith.constant 0 : index
      %get3A_456 = tpu.vector_load %arg7[%get3A_454, %get3A_455] {strides = array<i32>} : memref<5x80xi32, #tpu.memory_space<vmem>>, vector<16xi32>,
      %gather3A_457 = tpu.vector_load_idx %arg10[%get3A_456] : memref<10000xf32, #tpu.memory_space<vmem>>[vector<16xi32>], vector<16xf32>,
      %swap3A_458 = arith.constant 2 : i32
      %swap3A_459 = arith.index_cast %swap3A_458 : i32 to index
      %swap3A_460 = arith.constant 0 : index
      %swap3A_461 = tpu.vector_load %arg9[%swap3A_459, %swap3A_460] {strides = array<i32>} : memref<5x80xf32, #tpu.memory_space<vmem>>, vector<16xf32>,
      tpu.vector_store %arg9[%swap3A_459, %swap3A_460], %gather3A_457 {strides = array<i32>} : memref<5x80xf32, #tpu.memory_space<vmem>>, vector<16xf32>,
      %get3A_462 = arith.constant 2 : i32
      %get3A_463 = arith.index_cast %get3A_462 : i32 to index
      %get3A_464 = arith.constant 16 : index
      %get3A_465 = tpu.vector_load %arg7[%get3A_463, %get3A_464] {strides = array<i32>} : memref<5x80xi32, #tpu.memory_space<vmem>>, vector<16xi32>,
      %gather3A_466 = tpu.vector_load_idx %arg10[%get3A_465] : memref<10000xf32, #tpu.memory_space<vmem>>[vector<16xi32>], vector<16xf32>,
      %swap3A_467 = arith.constant 2 : i32
      %swap3A_468 = arith.index_cast %swap3A_467 : i32 to index
      %swap3A_469 = arith.constant 16 : index
      %swap3A_470 = tpu.vector_load %arg9[%swap3A_468, %swap3A_469] {strides = array<i32>} : memref<5x80xf32, #tpu.memory_space<vmem>>, vector<16xf32>,
      tpu.vector_store %arg9[%swap3A_468, %swap3A_469], %gather3A_466 {strides = array<i32>} : memref<5x80xf32, #tpu.memory_space<vmem>>, vector<16xf32>,
      %get3A_471 = arith.constant 2 : i32
      %get3A_472 = arith.index_cast %get3A_471 : i32 to index
      %get3A_473 = arith.constant 32 : index
      %get3A_474 = tpu.vector_load %arg7[%get3A_472, %get3A_473] {strides = array<i32>} : memref<5x80xi32, #tpu.memory_space<vmem>>, vector<16xi32>,
      %gather3A_475 = tpu.vector_load_idx %arg10[%get3A_474] : memref<10000xf32, #tpu.memory_space<vmem>>[vector<16xi32>], vector<16xf32>,
      %swap3A_476 = arith.constant 2 : i32
      %swap3A_477 = arith.index_cast %swap3A_476 : i32 to index
      %swap3A_478 = arith.constant 32 : index
      %swap3A_479 = tpu.vector_load %arg9[%swap3A_477, %swap3A_478] {strides = array<i32>} : memref<5x80xf32, #tpu.memory_space<vmem>>, vector<16xf32>,
      tpu.vector_store %arg9[%swap3A_477, %swap3A_478], %gather3A_475 {strides = array<i32>} : memref<5x80xf32, #tpu.memory_space<vmem>>, vector<16xf32>,
      %get3A_480 = arith.constant 2 : i32
      %get3A_481 = arith.index_cast %get3A_480 : i32 to index
      %get3A_482 = arith.constant 48 : index
      %get3A_483 = tpu.vector_load %arg7[%get3A_481, %get3A_482] {strides = array<i32>} : memref<5x80xi32, #tpu.memory_space<vmem>>, vector<16xi32>,
      %gather3A_484 = tpu.vector_load_idx %arg10[%get3A_483] : memref<10000xf32, #tpu.memory_space<vmem>>[vector<16xi32>], vector<16xf32>,
      %swap3A_485 = arith.constant 2 : i32
      %swap3A_486 = arith.index_cast %swap3A_485 : i32 to index
      %swap3A_487 = arith.constant 48 : index
      %swap3A_488 = tpu.vector_load %arg9[%swap3A_486, %swap3A_487] {strides = array<i32>} : memref<5x80xf32, #tpu.memory_space<vmem>>, vector<16xf32>,
      tpu.vector_store %arg9[%swap3A_486, %swap3A_487], %gather3A_484 {strides = array<i32>} : memref<5x80xf32, #tpu.memory_space<vmem>>, vector<16xf32>,
      %get3A_489 = arith.constant 2 : i32
      %get3A_490 = arith.index_cast %get3A_489 : i32 to index
      %get3A_491 = arith.constant 64 : index
      %get3A_492 = tpu.vector_load %arg7[%get3A_490, %get3A_491] {strides = array<i32>} : memref<5x80xi32, #tpu.memory_space<vmem>>, vector<16xi32>,
      %gather3A_493 = tpu.vector_load_idx %arg10[%get3A_492] : memref<10000xf32, #tpu.memory_space<vmem>>[vector<16xi32>], vector<16xf32>,
      %swap3A_494 = arith.constant 2 : i32
      %swap3A_495 = arith.index_cast %swap3A_494 : i32 to index
      %swap3A_496 = arith.constant 64 : index
      %swap3A_497 = tpu.vector_load %arg9[%swap3A_495, %swap3A_496] {strides = array<i32>} : memref<5x80xf32, #tpu.memory_space<vmem>>, vector<16xf32>,
      tpu.vector_store %arg9[%swap3A_495, %swap3A_496], %gather3A_493 {strides = array<i32>} : memref<5x80xf32, #tpu.memory_space<vmem>>, vector<16xf32>,
      %get3A_498 = arith.constant 3 : i32
      %get3A_499 = arith.index_cast %get3A_498 : i32 to index
      %get3A_500 = arith.constant 0 : index
      %get3A_501 = tpu.vector_load %arg7[%get3A_499, %get3A_500] {strides = array<i32>} : memref<5x80xi32, #tpu.memory_space<vmem>>, vector<16xi32>,
      %gather3A_502 = tpu.vector_load_idx %arg10[%get3A_501] : memref<10000xf32, #tpu.memory_space<vmem>>[vector<16xi32>], vector<16xf32>,
      %swap3A_503 = arith.constant 3 : i32
      %swap3A_504 = arith.index_cast %swap3A_503 : i32 to index
      %swap3A_505 = arith.constant 0 : index
      %swap3A_506 = tpu.vector_load %arg9[%swap3A_504, %swap3A_505] {strides = array<i32>} : memref<5x80xf32, #tpu.memory_space<vmem>>, vector<16xf32>,
      tpu.vector_store %arg9[%swap3A_504, %swap3A_505], %gather3A_502 {strides = array<i32>} : memref<5x80xf32, #tpu.memory_space<vmem>>, vector<16xf32>,
      %get3A_507 = arith.constant 3 : i32
      %get3A_508 = arith.index_cast %get3A_507 : i32 to index
      %get3A_509 = arith.constant 16 : index
      %get3A_510 = tpu.vector_load %arg7[%get3A_508, %get3A_509] {strides = array<i32>} : memref<5x80xi32, #tpu.memory_space<vmem>>, vector<16xi32>,
      %gather3A_511 = tpu.vector_load_idx %arg10[%get3A_510] : memref<10000xf32, #tpu.memory_space<vmem>>[vector<16xi32>], vector<16xf32>,
      %swap3A_512 = arith.constant 3 : i32
      %swap3A_513 = arith.index_cast %swap3A_512 : i32 to index
      %swap3A_514 = arith.constant 16 : index
      %swap3A_515 = tpu.vector_load %arg9[%swap3A_513, %swap3A_514] {strides = array<i32>} : memref<5x80xf32, #tpu.memory_space<vmem>>, vector<16xf32>,
      tpu.vector_store %arg9[%swap3A_513, %swap3A_514], %gather3A_511 {strides = array<i32>} : memref<5x80xf32, #tpu.memory_space<vmem>>, vector<16xf32>,
      %get3A_516 = arith.constant 3 : i32
      %get3A_517 = arith.index_cast %get3A_516 : i32 to index
      %get3A_518 = arith.constant 32 : index
      %get3A_519 = tpu.vector_load %arg7[%get3A_517, %get3A_518] {strides = array<i32>} : memref<5x80xi32, #tpu.memory_space<vmem>>, vector<16xi32>,
      %gather3A_520 = tpu.vector_load_idx %arg10[%get3A_519] : memref<10000xf32, #tpu.memory_space<vmem>>[vector<16xi32>], vector<16xf32>,
      %swap3A_521 = arith.constant 3 : i32
      %swap3A_522 = arith.index_cast %swap3A_521 : i32 to index
      %swap3A_523 = arith.constant 32 : index
      %swap3A_524 = tpu.vector_load %arg9[%swap3A_522, %swap3A_523] {strides = array<i32>} : memref<5x80xf32, #tpu.memory_space<vmem>>, vector<16xf32>,
      tpu.vector_store %arg9[%swap3A_522, %swap3A_523], %gather3A_520 {strides = array<i32>} : memref<5x80xf32, #tpu.memory_space<vmem>>, vector<16xf32>,
      %get3A_525 = arith.constant 3 : i32
      %get3A_526 = arith.index_cast %get3A_525 : i32 to index
      %get3A_527 = arith.constant 48 : index
      %get3A_528 = tpu.vector_load %arg7[%get3A_526, %get3A_527] {strides = array<i32>} : memref<5x80xi32, #tpu.memory_space<vmem>>, vector<16xi32>,
      %gather3A_529 = tpu.vector_load_idx %arg10[%get3A_528] : memref<10000xf32, #tpu.memory_space<vmem>>[vector<16xi32>], vector<16xf32>,
      %swap3A_530 = arith.constant 3 : i32
      %swap3A_531 = arith.index_cast %swap3A_530 : i32 to index
      %swap3A_532 = arith.constant 48 : index
      %swap3A_533 = tpu.vector_load %arg9[%swap3A_531, %swap3A_532] {strides = array<i32>} : memref<5x80xf32, #tpu.memory_space<vmem>>, vector<16xf32>,
      tpu.vector_store %arg9[%swap3A_531, %swap3A_532], %gather3A_529 {strides = array<i32>} : memref<5x80xf32, #tpu.memory_space<vmem>>, vector<16xf32>,
      %get3A_534 = arith.constant 3 : i32
      %get3A_535 = arith.index_cast %get3A_534 : i32 to index
      %get3A_536 = arith.constant 64 : index
      %get3A_537 = tpu.vector_load %arg7[%get3A_535, %get3A_536] {strides = array<i32>} : memref<5x80xi32, #tpu.memory_space<vmem>>, vector<16xi32>,
      %gather3A_538 = tpu.vector_load_idx %arg10[%get3A_537] : memref<10000xf32, #tpu.memory_space<vmem>>[vector<16xi32>], vector<16xf32>,
      %swap3A_539 = arith.constant 3 : i32
      %swap3A_540 = arith.index_cast %swap3A_539 : i32 to index
      %swap3A_541 = arith.constant 64 : index
      %swap3A_542 = tpu.vector_load %arg9[%swap3A_540, %swap3A_541] {strides = array<i32>} : memref<5x80xf32, #tpu.memory_space<vmem>>, vector<16xf32>,
      tpu.vector_store %arg9[%swap3A_540, %swap3A_541], %gather3A_538 {strides = array<i32>} : memref<5x80xf32, #tpu.memory_space<vmem>>, vector<16xf32>,
      %get3A_543 = arith.constant 4 : i32
      %get3A_544 = arith.index_cast %get3A_543 : i32 to index
      %get3A_545 = arith.constant 0 : index
      %get3A_546 = tpu.vector_load %arg7[%get3A_544, %get3A_545] {strides = array<i32>} : memref<5x80xi32, #tpu.memory_space<vmem>>, vector<16xi32>,
      %gather3A_547 = tpu.vector_load_idx %arg10[%get3A_546] : memref<10000xf32, #tpu.memory_space<vmem>>[vector<16xi32>], vector<16xf32>,
      %swap3A_548 = arith.constant 4 : i32
      %swap3A_549 = arith.index_cast %swap3A_548 : i32 to index
      %swap3A_550 = arith.constant 0 : index
      %swap3A_551 = tpu.vector_load %arg9[%swap3A_549, %swap3A_550] {strides = array<i32>} : memref<5x80xf32, #tpu.memory_space<vmem>>, vector<16xf32>,
      tpu.vector_store %arg9[%swap3A_549, %swap3A_550], %gather3A_547 {strides = array<i32>} : memref<5x80xf32, #tpu.memory_space<vmem>>, vector<16xf32>,
      %get3A_552 = arith.constant 4 : i32
      %get3A_553 = arith.index_cast %get3A_552 : i32 to index
      %get3A_554 = arith.constant 16 : index
      %get3A_555 = tpu.vector_load %arg7[%get3A_553, %get3A_554] {strides = array<i32>} : memref<5x80xi32, #tpu.memory_space<vmem>>, vector<16xi32>,
      %gather3A_556 = tpu.vector_load_idx %arg10[%get3A_555] : memref<10000xf32, #tpu.memory_space<vmem>>[vector<16xi32>], vector<16xf32>,
      %swap3A_557 = arith.constant 4 : i32
      %swap3A_558 = arith.index_cast %swap3A_557 : i32 to index
      %swap3A_559 = arith.constant 16 : index
      %swap3A_560 = tpu.vector_load %arg9[%swap3A_558, %swap3A_559] {strides = array<i32>} : memref<5x80xf32, #tpu.memory_space<vmem>>, vector<16xf32>,
      tpu.vector_store %arg9[%swap3A_558, %swap3A_559], %gather3A_556 {strides = array<i32>} : memref<5x80xf32, #tpu.memory_space<vmem>>, vector<16xf32>,
      %get3A_561 = arith.constant 4 : i32
      %get3A_562 = arith.index_cast %get3A_561 : i32 to index
      %get3A_563 = arith.constant 32 : index
      %get3A_564 = tpu.vector_load %arg7[%get3A_562, %get3A_563] {strides = array<i32>} : memref<5x80xi32, #tpu.memory_space<vmem>>, vector<16xi32>,
      %gather3A_565 = tpu.vector_load_idx %arg10[%get3A_564] : memref<10000xf32, #tpu.memory_space<vmem>>[vector<16xi32>], vector<16xf32>,
      %swap3A_566 = arith.constant 4 : i32
      %swap3A_567 = arith.index_cast %swap3A_566 : i32 to index
      %swap3A_568 = arith.constant 32 : index
      %swap3A_569 = tpu.vector_load %arg9[%swap3A_567, %swap3A_568] {strides = array<i32>} : memref<5x80xf32, #tpu.memory_space<vmem>>, vector<16xf32>,
      tpu.vector_store %arg9[%swap3A_567, %swap3A_568], %gather3A_565 {strides = array<i32>} : memref<5x80xf32, #tpu.memory_space<vmem>>, vector<16xf32>,
      %get3A_570 = arith.constant 4 : i32
      %get3A_571 = arith.index_cast %get3A_570 : i32 to index
      %get3A_572 = arith.constant 48 : index
      %get3A_573 = tpu.vector_load %arg7[%get3A_571, %get3A_572] {strides = array<i32>} : memref<5x80xi32, #tpu.memory_space<vmem>>, vector<16xi32>,
      %gather3A_574 = tpu.vector_load_idx %arg10[%get3A_573] : memref<10000xf32, #tpu.memory_space<vmem>>[vector<16xi32>], vector<16xf32>,
      %swap3A_575 = arith.constant 4 : i32
      %swap3A_576 = arith.index_cast %swap3A_575 : i32 to index
      %swap3A_577 = arith.constant 48 : index
      %swap3A_578 = tpu.vector_load %arg9[%swap3A_576, %swap3A_577] {strides = array<i32>} : memref<5x80xf32, #tpu.memory_space<vmem>>, vector<16xf32>,
      tpu.vector_store %arg9[%swap3A_576, %swap3A_577], %gather3A_574 {strides = array<i32>} : memref<5x80xf32, #tpu.memory_space<vmem>>, vector<16xf32>,
      %get3A_579 = arith.constant 4 : i32
      %get3A_580 = arith.index_cast %get3A_579 : i32 to index
      %get3A_581 = arith.constant 64 : index
      %get3A_582 = tpu.vector_load %arg7[%get3A_580, %get3A_581] {strides = array<i32>} : memref<5x80xi32, #tpu.memory_space<vmem>>, vector<16xi32>,
      %gather3A_583 = tpu.vector_load_idx %arg10[%get3A_582] : memref<10000xf32, #tpu.memory_space<vmem>>[vector<16xi32>], vector<16xf32>,
      %swap3A_584 = arith.constant 4 : i32
      %swap3A_585 = arith.index_cast %swap3A_584 : i32 to index
      %swap3A_586 = arith.constant 64 : index
      %swap3A_587 = tpu.vector_load %arg9[%swap3A_585, %swap3A_586] {strides = array<i32>} : memref<5x80xf32, #tpu.memory_space<vmem>>, vector<16xf32>,
      tpu.vector_store %arg9[%swap3A_585, %swap3A_586], %gather3A_583 {strides = array<i32>} : memref<5x80xf32, #tpu.memory_space<vmem>>, vector<16xf32>,
      %dma_wait3A_588 = arith.constant 0 : i32
      %dma_wait3A_589 = arith.constant 0 : i32
      %dma_wait3A_590 = arith.constant 0 : i32
      %dma_wait3A_591 = arith.constant 0 : i32
      %dma_wait3A_592 = tpu.memref_slice %arg8[%dma_wait3A_589, %dma_wait3A_590, %dma_wait3A_591] : memref<5x80x128xf32, #tpu.memory_space<vmem>> -> memref<1x80x128xf32, #tpu.memory_space<vmem>>
      %dma_wait3A_593 = tpu.memref_squeeze %dma_wait3A_592 : memref<1x80x128xf32, #tpu.memory_space<vmem>> -> memref<80x128xf32, #tpu.memory_space<vmem>>
      %dma_wait3A_594 = arith.constant 0 : i32
      %dma_wait3A_595 = tpu.memref_slice %arg7[%dma_wait3A_588, %dma_wait3A_594] : memref<5x80xi32, #tpu.memory_space<vmem>> -> memref<1x80xi32, #tpu.memory_space<vmem>>
      %dma_wait3A_596 = tpu.memref_squeeze %dma_wait3A_595 : memref<1x80xi32, #tpu.memory_space<vmem>> -> memref<80xi32, #tpu.memory_space<vmem>>
      %dma_wait3A_597 = arith.constant 0 : i32
      %dma_wait3A_598 = arith.constant 0 : i32
      %dma_wait3A_599 = tpu.memref_slice %arg2[%dma_wait3A_597, %dma_wait3A_598] : memref<10000x128xf32, #tpu.memory_space<hbm>> -> memref<10000x128xf32, #tpu.memory_space<hbm>>
      tpu.wait_indirect_dma semaphore(%arg12 : memref<!tpu.dma_semaphore, #tpu.memory_space<semaphore_mem>>) src(%dma_wait3A_599 : memref<10000x128xf32, #tpu.memory_space<hbm>>) dst(%dma_wait3A_593 : memref<80x128xf32, #tpu.memory_space<vmem>>)
      %mul3A_600 = arith.constant 5 : i32
      %mul3A_601 = arith.muli %scan3A_167, %mul3A_600 : i32
      %add3A_602 = arith.constant 0 : i32
      %add3A_603 = arith.addi %mul3A_601, %add3A_602 : i32
      %mul3A_604 = arith.constant 80 : i32
      %mul3A_605 = arith.muli %add3A_603, %mul3A_604 : i32
      %add3A_606 = arith.addi %mul3A_2, %mul3A_605 : i32
      %dma_start3A_607 = arith.constant 0 : i32
      %dma_start3A_608 = arith.constant 0 : i32
      %dma_start3A_609 = arith.constant 0 : i32
      %dma_start3A_610 = arith.constant 0 : i32
      %dma_start3A_611 = tpu.memref_slice %arg8[%dma_start3A_607, %dma_start3A_609, %dma_start3A_610] : memref<5x80x128xf32, #tpu.memory_space<vmem>> -> memref<1x80x128xf32, #tpu.memory_space<vmem>>
      %dma_start3A_612 = tpu.memref_squeeze %dma_start3A_611 : memref<1x80x128xf32, #tpu.memory_space<vmem>> -> memref<80x128xf32, #tpu.memory_space<vmem>>
      %dma_start3A_613 = arith.constant 0 : i32
      %dma_start3A_614 = tpu.memref_slice %arg5[%add3A_606, %dma_start3A_613] : memref<320000x128xf32, #tpu.memory_space<hbm>> -> memref<80x128xf32, #tpu.memory_space<hbm>>
      %dma_start3A_615 = tpu.memref_slice %arg13[%dma_start3A_608] : memref<5x!tpu.dma_semaphore, #tpu.memory_space<semaphore_mem>> -> memref<1x!tpu.dma_semaphore, #tpu.memory_space<semaphore_mem>>
      %dma_start3A_616 = tpu.memref_squeeze %dma_start3A_615 : memref<1x!tpu.dma_semaphore, #tpu.memory_space<semaphore_mem>> -> memref<!tpu.dma_semaphore, #tpu.memory_space<semaphore_mem>>
      %dma_start3A_617 = arith.constant 0 : i32
      %dma_start3A_618 = tpu.memref_slice %arg5[%add3A_606, %dma_start3A_617] : memref<320000x128xf32, #tpu.memory_space<hbm>> -> memref<80x128xf32, #tpu.memory_space<hbm>>
      %dma_start3A_619 = arith.constant 0 : i32
      %dma_start3A_620 = arith.constant 0 : i32
      %dma_start3A_621 = tpu.memref_slice %arg8[%dma_start3A_607, %dma_start3A_619, %dma_start3A_620] : memref<5x80x128xf32, #tpu.memory_space<vmem>> -> memref<1x80x128xf32, #tpu.memory_space<vmem>>
      %dma_start3A_622 = tpu.memref_squeeze %dma_start3A_621 : memref<1x80x128xf32, #tpu.memory_space<vmem>> -> memref<80x128xf32, #tpu.memory_space<vmem>>
      tpu.enqueue_dma source(%dma_start3A_622 : memref<80x128xf32, #tpu.memory_space<vmem>>) target(%dma_start3A_618 : memref<80x128xf32, #tpu.memory_space<hbm>>) target_semaphore(%dma_start3A_616 : memref<!tpu.dma_semaphore, #tpu.memory_space<semaphore_mem>>)
      %mul3A_623 = arith.constant 5 : i32
      %mul3A_624 = arith.muli %scan3A_167, %mul3A_623 : i32
      %add3A_625 = arith.constant 0 : i32
      %add3A_626 = arith.addi %mul3A_624, %add3A_625 : i32
      %mul3A_627 = arith.constant 80 : i32
      %mul3A_628 = arith.muli %add3A_626, %mul3A_627 : i32
      %add3A_629 = arith.addi %mul3A_2, %mul3A_628 : i32
      %dma_start3A_630 = arith.constant 0 : i32
      %dma_start3A_631 = arith.constant 0 : i32
      %dma_start3A_632 = arith.constant 0 : i32
      %dma_start3A_633 = tpu.memref_slice %arg9[%dma_start3A_630, %dma_start3A_632] : memref<5x80xf32, #tpu.memory_space<vmem>> -> memref<1x80xf32, #tpu.memory_space<vmem>>
      %dma_start3A_634 = tpu.memref_squeeze %dma_start3A_633 : memref<1x80xf32, #tpu.memory_space<vmem>> -> memref<80xf32, #tpu.memory_space<vmem>>
      %dma_start3A_635 = tpu.memref_slice %arg6[%add3A_629] : memref<320000xf32, #tpu.memory_space<hbm>> -> memref<80xf32, #tpu.memory_space<hbm>>
      %dma_start3A_636 = tpu.memref_slice %arg13[%dma_start3A_631] : memref<5x!tpu.dma_semaphore, #tpu.memory_space<semaphore_mem>> -> memref<1x!tpu.dma_semaphore, #tpu.memory_space<semaphore_mem>>
      %dma_start3A_637 = tpu.memref_squeeze %dma_start3A_636 : memref<1x!tpu.dma_semaphore, #tpu.memory_space<semaphore_mem>> -> memref<!tpu.dma_semaphore, #tpu.memory_space<semaphore_mem>>
      %dma_start3A_638 = tpu.memref_slice %arg6[%add3A_629] : memref<320000xf32, #tpu.memory_space<hbm>> -> memref<80xf32, #tpu.memory_space<hbm>>
      %dma_start3A_639 = arith.constant 0 : i32
      %dma_start3A_640 = tpu.memref_slice %arg9[%dma_start3A_630, %dma_start3A_639] : memref<5x80xf32, #tpu.memory_space<vmem>> -> memref<1x80xf32, #tpu.memory_space<vmem>>
      %dma_start3A_641 = tpu.memref_squeeze %dma_start3A_640 : memref<1x80xf32, #tpu.memory_space<vmem>> -> memref<80xf32, #tpu.memory_space<vmem>>
      tpu.enqueue_dma source(%dma_start3A_641 : memref<80xf32, #tpu.memory_space<vmem>>) target(%dma_start3A_638 : memref<80xf32, #tpu.memory_space<hbm>>) target_semaphore(%dma_start3A_637 : memref<!tpu.dma_semaphore, #tpu.memory_space<semaphore_mem>>)
      %dma_wait3A_642 = arith.constant 1 : i32
      %dma_wait3A_643 = arith.constant 1 : i32
      %dma_wait3A_644 = arith.constant 0 : i32
      %dma_wait3A_645 = arith.constant 0 : i32
      %dma_wait3A_646 = tpu.memref_slice %arg8[%dma_wait3A_643, %dma_wait3A_644, %dma_wait3A_645] : memref<5x80x128xf32, #tpu.memory_space<vmem>> -> memref<1x80x128xf32, #tpu.memory_space<vmem>>
      %dma_wait3A_647 = tpu.memref_squeeze %dma_wait3A_646 : memref<1x80x128xf32, #tpu.memory_space<vmem>> -> memref<80x128xf32, #tpu.memory_space<vmem>>
      %dma_wait3A_648 = arith.constant 0 : i32
      %dma_wait3A_649 = tpu.memref_slice %arg7[%dma_wait3A_642, %dma_wait3A_648] : memref<5x80xi32, #tpu.memory_space<vmem>> -> memref<1x80xi32, #tpu.memory_space<vmem>>
      %dma_wait3A_650 = tpu.memref_squeeze %dma_wait3A_649 : memref<1x80xi32, #tpu.memory_space<vmem>> -> memref<80xi32, #tpu.memory_space<vmem>>
      %dma_wait3A_651 = arith.constant 0 : i32
      %dma_wait3A_652 = arith.constant 0 : i32
      %dma_wait3A_653 = tpu.memref_slice %arg2[%dma_wait3A_651, %dma_wait3A_652] : memref<10000x128xf32, #tpu.memory_space<hbm>> -> memref<10000x128xf32, #tpu.memory_space<hbm>>
      tpu.wait_indirect_dma semaphore(%arg12 : memref<!tpu.dma_semaphore, #tpu.memory_space<semaphore_mem>>) src(%dma_wait3A_653 : memref<10000x128xf32, #tpu.memory_space<hbm>>) dst(%dma_wait3A_647 : memref<80x128xf32, #tpu.memory_space<vmem>>)
      %mul3A_654 = arith.constant 5 : i32
      %mul3A_655 = arith.muli %scan3A_167, %mul3A_654 : i32
      %add3A_656 = arith.constant 1 : i32
      %add3A_657 = arith.addi %mul3A_655, %add3A_656 : i32
      %mul3A_658 = arith.constant 80 : i32
      %mul3A_659 = arith.muli %add3A_657, %mul3A_658 : i32
      %add3A_660 = arith.addi %mul3A_2, %mul3A_659 : i32
      %dma_start3A_661 = arith.constant 1 : i32
      %dma_start3A_662 = arith.constant 1 : i32
      %dma_start3A_663 = arith.constant 0 : i32
      %dma_start3A_664 = arith.constant 0 : i32
      %dma_start3A_665 = tpu.memref_slice %arg8[%dma_start3A_661, %dma_start3A_663, %dma_start3A_664] : memref<5x80x128xf32, #tpu.memory_space<vmem>> -> memref<1x80x128xf32, #tpu.memory_space<vmem>>
      %dma_start3A_666 = tpu.memref_squeeze %dma_start3A_665 : memref<1x80x128xf32, #tpu.memory_space<vmem>> -> memref<80x128xf32, #tpu.memory_space<vmem>>
      %dma_start3A_667 = arith.constant 0 : i32
      %dma_start3A_668 = tpu.memref_slice %arg5[%add3A_660, %dma_start3A_667] : memref<320000x128xf32, #tpu.memory_space<hbm>> -> memref<80x128xf32, #tpu.memory_space<hbm>>
      %dma_start3A_669 = tpu.memref_slice %arg13[%dma_start3A_662] : memref<5x!tpu.dma_semaphore, #tpu.memory_space<semaphore_mem>> -> memref<1x!tpu.dma_semaphore, #tpu.memory_space<semaphore_mem>>
      %dma_start3A_670 = tpu.memref_squeeze %dma_start3A_669 : memref<1x!tpu.dma_semaphore, #tpu.memory_space<semaphore_mem>> -> memref<!tpu.dma_semaphore, #tpu.memory_space<semaphore_mem>>
      %dma_start3A_671 = arith.constant 0 : i32
      %dma_start3A_672 = tpu.memref_slice %arg5[%add3A_660, %dma_start3A_671] : memref<320000x128xf32, #tpu.memory_space<hbm>> -> memref<80x128xf32, #tpu.memory_space<hbm>>
      %dma_start3A_673 = arith.constant 0 : i32
      %dma_start3A_674 = arith.constant 0 : i32
      %dma_start3A_675 = tpu.memref_slice %arg8[%dma_start3A_661, %dma_start3A_673, %dma_start3A_674] : memref<5x80x128xf32, #tpu.memory_space<vmem>> -> memref<1x80x128xf32, #tpu.memory_space<vmem>>
      %dma_start3A_676 = tpu.memref_squeeze %dma_start3A_675 : memref<1x80x128xf32, #tpu.memory_space<vmem>> -> memref<80x128xf32, #tpu.memory_space<vmem>>
      tpu.enqueue_dma source(%dma_start3A_676 : memref<80x128xf32, #tpu.memory_space<vmem>>) target(%dma_start3A_672 : memref<80x128xf32, #tpu.memory_space<hbm>>) target_semaphore(%dma_start3A_670 : memref<!tpu.dma_semaphore, #tpu.memory_space<semaphore_mem>>)
      %mul3A_677 = arith.constant 5 : i32
      %mul3A_678 = arith.muli %scan3A_167, %mul3A_677 : i32
      %add3A_679 = arith.constant 1 : i32
      %add3A_680 = arith.addi %mul3A_678, %add3A_679 : i32
      %mul3A_681 = arith.constant 80 : i32
      %mul3A_682 = arith.muli %add3A_680, %mul3A_681 : i32
      %add3A_683 = arith.addi %mul3A_2, %mul3A_682 : i32
      %dma_start3A_684 = arith.constant 1 : i32
      %dma_start3A_685 = arith.constant 1 : i32
      %dma_start3A_686 = arith.constant 0 : i32
      %dma_start3A_687 = tpu.memref_slice %arg9[%dma_start3A_684, %dma_start3A_686] : memref<5x80xf32, #tpu.memory_space<vmem>> -> memref<1x80xf32, #tpu.memory_space<vmem>>
      %dma_start3A_688 = tpu.memref_squeeze %dma_start3A_687 : memref<1x80xf32, #tpu.memory_space<vmem>> -> memref<80xf32, #tpu.memory_space<vmem>>
      %dma_start3A_689 = tpu.memref_slice %arg6[%add3A_683] : memref<320000xf32, #tpu.memory_space<hbm>> -> memref<80xf32, #tpu.memory_space<hbm>>
      %dma_start3A_690 = tpu.memref_slice %arg13[%dma_start3A_685] : memref<5x!tpu.dma_semaphore, #tpu.memory_space<semaphore_mem>> -> memref<1x!tpu.dma_semaphore, #tpu.memory_space<semaphore_mem>>
      %dma_start3A_691 = tpu.memref_squeeze %dma_start3A_690 : memref<1x!tpu.dma_semaphore, #tpu.memory_space<semaphore_mem>> -> memref<!tpu.dma_semaphore, #tpu.memory_space<semaphore_mem>>
      %dma_start3A_692 = tpu.memref_slice %arg6[%add3A_683] : memref<320000xf32, #tpu.memory_space<hbm>> -> memref<80xf32, #tpu.memory_space<hbm>>
      %dma_start3A_693 = arith.constant 0 : i32
      %dma_start3A_694 = tpu.memref_slice %arg9[%dma_start3A_684, %dma_start3A_693] : memref<5x80xf32, #tpu.memory_space<vmem>> -> memref<1x80xf32, #tpu.memory_space<vmem>>
      %dma_start3A_695 = tpu.memref_squeeze %dma_start3A_694 : memref<1x80xf32, #tpu.memory_space<vmem>> -> memref<80xf32, #tpu.memory_space<vmem>>
      tpu.enqueue_dma source(%dma_start3A_695 : memref<80xf32, #tpu.memory_space<vmem>>) target(%dma_start3A_692 : memref<80xf32, #tpu.memory_space<hbm>>) target_semaphore(%dma_start3A_691 : memref<!tpu.dma_semaphore, #tpu.memory_space<semaphore_mem>>)
      %dma_wait3A_696 = arith.constant 2 : i32
      %dma_wait3A_697 = arith.constant 2 : i32
      %dma_wait3A_698 = arith.constant 0 : i32
      %dma_wait3A_699 = arith.constant 0 : i32
      %dma_wait3A_700 = tpu.memref_slice %arg8[%dma_wait3A_697, %dma_wait3A_698, %dma_wait3A_699] : memref<5x80x128xf32, #tpu.memory_space<vmem>> -> memref<1x80x128xf32, #tpu.memory_space<vmem>>
      %dma_wait3A_701 = tpu.memref_squeeze %dma_wait3A_700 : memref<1x80x128xf32, #tpu.memory_space<vmem>> -> memref<80x128xf32, #tpu.memory_space<vmem>>
      %dma_wait3A_702 = arith.constant 0 : i32
      %dma_wait3A_703 = tpu.memref_slice %arg7[%dma_wait3A_696, %dma_wait3A_702] : memref<5x80xi32, #tpu.memory_space<vmem>> -> memref<1x80xi32, #tpu.memory_space<vmem>>
      %dma_wait3A_704 = tpu.memref_squeeze %dma_wait3A_703 : memref<1x80xi32, #tpu.memory_space<vmem>> -> memref<80xi32, #tpu.memory_space<vmem>>
      %dma_wait3A_705 = arith.constant 0 : i32
      %dma_wait3A_706 = arith.constant 0 : i32
      %dma_wait3A_707 = tpu.memref_slice %arg2[%dma_wait3A_705, %dma_wait3A_706] : memref<10000x128xf32, #tpu.memory_space<hbm>> -> memref<10000x128xf32, #tpu.memory_space<hbm>>
      tpu.wait_indirect_dma semaphore(%arg12 : memref<!tpu.dma_semaphore, #tpu.memory_space<semaphore_mem>>) src(%dma_wait3A_707 : memref<10000x128xf32, #tpu.memory_space<hbm>>) dst(%dma_wait3A_701 : memref<80x128xf32, #tpu.memory_space<vmem>>)
      %mul3A_708 = arith.constant 5 : i32
      %mul3A_709 = arith.muli %scan3A_167, %mul3A_708 : i32
      %add3A_710 = arith.constant 2 : i32
      %add3A_711 = arith.addi %mul3A_709, %add3A_710 : i32
      %mul3A_712 = arith.constant 80 : i32
      %mul3A_713 = arith.muli %add3A_711, %mul3A_712 : i32
      %add3A_714 = arith.addi %mul3A_2, %mul3A_713 : i32
      %dma_start3A_715 = arith.constant 2 : i32
      %dma_start3A_716 = arith.constant 2 : i32
      %dma_start3A_717 = arith.constant 0 : i32
      %dma_start3A_718 = arith.constant 0 : i32
      %dma_start3A_719 = tpu.memref_slice %arg8[%dma_start3A_715, %dma_start3A_717, %dma_start3A_718] : memref<5x80x128xf32, #tpu.memory_space<vmem>> -> memref<1x80x128xf32, #tpu.memory_space<vmem>>
      %dma_start3A_720 = tpu.memref_squeeze %dma_start3A_719 : memref<1x80x128xf32, #tpu.memory_space<vmem>> -> memref<80x128xf32, #tpu.memory_space<vmem>>
      %dma_start3A_721 = arith.constant 0 : i32
      %dma_start3A_722 = tpu.memref_slice %arg5[%add3A_714, %dma_start3A_721] : memref<320000x128xf32, #tpu.memory_space<hbm>> -> memref<80x128xf32, #tpu.memory_space<hbm>>
      %dma_start3A_723 = tpu.memref_slice %arg13[%dma_start3A_716] : memref<5x!tpu.dma_semaphore, #tpu.memory_space<semaphore_mem>> -> memref<1x!tpu.dma_semaphore, #tpu.memory_space<semaphore_mem>>
      %dma_start3A_724 = tpu.memref_squeeze %dma_start3A_723 : memref<1x!tpu.dma_semaphore, #tpu.memory_space<semaphore_mem>> -> memref<!tpu.dma_semaphore, #tpu.memory_space<semaphore_mem>>
      %dma_start3A_725 = arith.constant 0 : i32
      %dma_start3A_726 = tpu.memref_slice %arg5[%add3A_714, %dma_start3A_725] : memref<320000x128xf32, #tpu.memory_space<hbm>> -> memref<80x128xf32, #tpu.memory_space<hbm>>
      %dma_start3A_727 = arith.constant 0 : i32
      %dma_start3A_728 = arith.constant 0 : i32
      %dma_start3A_729 = tpu.memref_slice %arg8[%dma_start3A_715, %dma_start3A_727, %dma_start3A_728] : memref<5x80x128xf32, #tpu.memory_space<vmem>> -> memref<1x80x128xf32, #tpu.memory_space<vmem>>
      %dma_start3A_730 = tpu.memref_squeeze %dma_start3A_729 : memref<1x80x128xf32, #tpu.memory_space<vmem>> -> memref<80x128xf32, #tpu.memory_space<vmem>>
      tpu.enqueue_dma source(%dma_start3A_730 : memref<80x128xf32, #tpu.memory_space<vmem>>) target(%dma_start3A_726 : memref<80x128xf32, #tpu.memory_space<hbm>>) target_semaphore(%dma_start3A_724 : memref<!tpu.dma_semaphore, #tpu.memory_space<semaphore_mem>>)
      %mul3A_731 = arith.constant 5 : i32
      %mul3A_732 = arith.muli %scan3A_167, %mul3A_731 : i32
      %add3A_733 = arith.constant 2 : i32
      %add3A_734 = arith.addi %mul3A_732, %add3A_733 : i32
      %mul3A_735 = arith.constant 80 : i32
      %mul3A_736 = arith.muli %add3A_734, %mul3A_735 : i32
      %add3A_737 = arith.addi %mul3A_2, %mul3A_736 : i32
      %dma_start3A_738 = arith.constant 2 : i32
      %dma_start3A_739 = arith.constant 2 : i32
      %dma_start3A_740 = arith.constant 0 : i32
      %dma_start3A_741 = tpu.memref_slice %arg9[%dma_start3A_738, %dma_start3A_740] : memref<5x80xf32, #tpu.memory_space<vmem>> -> memref<1x80xf32, #tpu.memory_space<vmem>>
      %dma_start3A_742 = tpu.memref_squeeze %dma_start3A_741 : memref<1x80xf32, #tpu.memory_space<vmem>> -> memref<80xf32, #tpu.memory_space<vmem>>
      %dma_start3A_743 = tpu.memref_slice %arg6[%add3A_737] : memref<320000xf32, #tpu.memory_space<hbm>> -> memref<80xf32, #tpu.memory_space<hbm>>
      %dma_start3A_744 = tpu.memref_slice %arg13[%dma_start3A_739] : memref<5x!tpu.dma_semaphore, #tpu.memory_space<semaphore_mem>> -> memref<1x!tpu.dma_semaphore, #tpu.memory_space<semaphore_mem>>
      %dma_start3A_745 = tpu.memref_squeeze %dma_start3A_744 : memref<1x!tpu.dma_semaphore, #tpu.memory_space<semaphore_mem>> -> memref<!tpu.dma_semaphore, #tpu.memory_space<semaphore_mem>>
      %dma_start3A_746 = tpu.memref_slice %arg6[%add3A_737] : memref<320000xf32, #tpu.memory_space<hbm>> -> memref<80xf32, #tpu.memory_space<hbm>>
      %dma_start3A_747 = arith.constant 0 : i32
      %dma_start3A_748 = tpu.memref_slice %arg9[%dma_start3A_738, %dma_start3A_747] : memref<5x80xf32, #tpu.memory_space<vmem>> -> memref<1x80xf32, #tpu.memory_space<vmem>>
      %dma_start3A_749 = tpu.memref_squeeze %dma_start3A_748 : memref<1x80xf32, #tpu.memory_space<vmem>> -> memref<80xf32, #tpu.memory_space<vmem>>
      tpu.enqueue_dma source(%dma_start3A_749 : memref<80xf32, #tpu.memory_space<vmem>>) target(%dma_start3A_746 : memref<80xf32, #tpu.memory_space<hbm>>) target_semaphore(%dma_start3A_745 : memref<!tpu.dma_semaphore, #tpu.memory_space<semaphore_mem>>)
      %dma_wait3A_750 = arith.constant 3 : i32
      %dma_wait3A_751 = arith.constant 3 : i32
      %dma_wait3A_752 = arith.constant 0 : i32
      %dma_wait3A_753 = arith.constant 0 : i32
      %dma_wait3A_754 = tpu.memref_slice %arg8[%dma_wait3A_751, %dma_wait3A_752, %dma_wait3A_753] : memref<5x80x128xf32, #tpu.memory_space<vmem>> -> memref<1x80x128xf32, #tpu.memory_space<vmem>>
      %dma_wait3A_755 = tpu.memref_squeeze %dma_wait3A_754 : memref<1x80x128xf32, #tpu.memory_space<vmem>> -> memref<80x128xf32, #tpu.memory_space<vmem>>
      %dma_wait3A_756 = arith.constant 0 : i32
      %dma_wait3A_757 = tpu.memref_slice %arg7[%dma_wait3A_750, %dma_wait3A_756] : memref<5x80xi32, #tpu.memory_space<vmem>> -> memref<1x80xi32, #tpu.memory_space<vmem>>
      %dma_wait3A_758 = tpu.memref_squeeze %dma_wait3A_757 : memref<1x80xi32, #tpu.memory_space<vmem>> -> memref<80xi32, #tpu.memory_space<vmem>>
      %dma_wait3A_759 = arith.constant 0 : i32
      %dma_wait3A_760 = arith.constant 0 : i32
      %dma_wait3A_761 = tpu.memref_slice %arg2[%dma_wait3A_759, %dma_wait3A_760] : memref<10000x128xf32, #tpu.memory_space<hbm>> -> memref<10000x128xf32, #tpu.memory_space<hbm>>
      tpu.wait_indirect_dma semaphore(%arg12 : memref<!tpu.dma_semaphore, #tpu.memory_space<semaphore_mem>>) src(%dma_wait3A_761 : memref<10000x128xf32, #tpu.memory_space<hbm>>) dst(%dma_wait3A_755 : memref<80x128xf32, #tpu.memory_space<vmem>>)
      %mul3A_762 = arith.constant 5 : i32
      %mul3A_763 = arith.muli %scan3A_167, %mul3A_762 : i32
      %add3A_764 = arith.constant 3 : i32
      %add3A_765 = arith.addi %mul3A_763, %add3A_764 : i32
      %mul3A_766 = arith.constant 80 : i32
      %mul3A_767 = arith.muli %add3A_765, %mul3A_766 : i32
      %add3A_768 = arith.addi %mul3A_2, %mul3A_767 : i32
      %dma_start3A_769 = arith.constant 3 : i32
      %dma_start3A_770 = arith.constant 3 : i32
      %dma_start3A_771 = arith.constant 0 : i32
      %dma_start3A_772 = arith.constant 0 : i32
      %dma_start3A_773 = tpu.memref_slice %arg8[%dma_start3A_769, %dma_start3A_771, %dma_start3A_772] : memref<5x80x128xf32, #tpu.memory_space<vmem>> -> memref<1x80x128xf32, #tpu.memory_space<vmem>>
      %dma_start3A_774 = tpu.memref_squeeze %dma_start3A_773 : memref<1x80x128xf32, #tpu.memory_space<vmem>> -> memref<80x128xf32, #tpu.memory_space<vmem>>
      %dma_start3A_775 = arith.constant 0 : i32
      %dma_start3A_776 = tpu.memref_slice %arg5[%add3A_768, %dma_start3A_775] : memref<320000x128xf32, #tpu.memory_space<hbm>> -> memref<80x128xf32, #tpu.memory_space<hbm>>
      %dma_start3A_777 = tpu.memref_slice %arg13[%dma_start3A_770] : memref<5x!tpu.dma_semaphore, #tpu.memory_space<semaphore_mem>> -> memref<1x!tpu.dma_semaphore, #tpu.memory_space<semaphore_mem>>
      %dma_start3A_778 = tpu.memref_squeeze %dma_start3A_777 : memref<1x!tpu.dma_semaphore, #tpu.memory_space<semaphore_mem>> -> memref<!tpu.dma_semaphore, #tpu.memory_space<semaphore_mem>>
      %dma_start3A_779 = arith.constant 0 : i32
      %dma_start3A_780 = tpu.memref_slice %arg5[%add3A_768, %dma_start3A_779] : memref<320000x128xf32, #tpu.memory_space<hbm>> -> memref<80x128xf32, #tpu.memory_space<hbm>>
      %dma_start3A_781 = arith.constant 0 : i32
      %dma_start3A_782 = arith.constant 0 : i32
      %dma_start3A_783 = tpu.memref_slice %arg8[%dma_start3A_769, %dma_start3A_781, %dma_start3A_782] : memref<5x80x128xf32, #tpu.memory_space<vmem>> -> memref<1x80x128xf32, #tpu.memory_space<vmem>>
      %dma_start3A_784 = tpu.memref_squeeze %dma_start3A_783 : memref<1x80x128xf32, #tpu.memory_space<vmem>> -> memref<80x128xf32, #tpu.memory_space<vmem>>
      tpu.enqueue_dma source(%dma_start3A_784 : memref<80x128xf32, #tpu.memory_space<vmem>>) target(%dma_start3A_780 : memref<80x128xf32, #tpu.memory_space<hbm>>) target_semaphore(%dma_start3A_778 : memref<!tpu.dma_semaphore, #tpu.memory_space<semaphore_mem>>)
      %mul3A_785 = arith.constant 5 : i32
      %mul3A_786 = arith.muli %scan3A_167, %mul3A_785 : i32
      %add3A_787 = arith.constant 3 : i32
      %add3A_788 = arith.addi %mul3A_786, %add3A_787 : i32
      %mul3A_789 = arith.constant 80 : i32
      %mul3A_790 = arith.muli %add3A_788, %mul3A_789 : i32
      %add3A_791 = arith.addi %mul3A_2, %mul3A_790 : i32
      %dma_start3A_792 = arith.constant 3 : i32
      %dma_start3A_793 = arith.constant 3 : i32
      %dma_start3A_794 = arith.constant 0 : i32
      %dma_start3A_795 = tpu.memref_slice %arg9[%dma_start3A_792, %dma_start3A_794] : memref<5x80xf32, #tpu.memory_space<vmem>> -> memref<1x80xf32, #tpu.memory_space<vmem>>
      %dma_start3A_796 = tpu.memref_squeeze %dma_start3A_795 : memref<1x80xf32, #tpu.memory_space<vmem>> -> memref<80xf32, #tpu.memory_space<vmem>>
      %dma_start3A_797 = tpu.memref_slice %arg6[%add3A_791] : memref<320000xf32, #tpu.memory_space<hbm>> -> memref<80xf32, #tpu.memory_space<hbm>>
      %dma_start3A_798 = tpu.memref_slice %arg13[%dma_start3A_793] : memref<5x!tpu.dma_semaphore, #tpu.memory_space<semaphore_mem>> -> memref<1x!tpu.dma_semaphore, #tpu.memory_space<semaphore_mem>>
      %dma_start3A_799 = tpu.memref_squeeze %dma_start3A_798 : memref<1x!tpu.dma_semaphore, #tpu.memory_space<semaphore_mem>> -> memref<!tpu.dma_semaphore, #tpu.memory_space<semaphore_mem>>
      %dma_start3A_800 = tpu.memref_slice %arg6[%add3A_791] : memref<320000xf32, #tpu.memory_space<hbm>> -> memref<80xf32, #tpu.memory_space<hbm>>
      %dma_start3A_801 = arith.constant 0 : i32
      %dma_start3A_802 = tpu.memref_slice %arg9[%dma_start3A_792, %dma_start3A_801] : memref<5x80xf32, #tpu.memory_space<vmem>> -> memref<1x80xf32, #tpu.memory_space<vmem>>
      %dma_start3A_803 = tpu.memref_squeeze %dma_start3A_802 : memref<1x80xf32, #tpu.memory_space<vmem>> -> memref<80xf32, #tpu.memory_space<vmem>>
      tpu.enqueue_dma source(%dma_start3A_803 : memref<80xf32, #tpu.memory_space<vmem>>) target(%dma_start3A_800 : memref<80xf32, #tpu.memory_space<hbm>>) target_semaphore(%dma_start3A_799 : memref<!tpu.dma_semaphore, #tpu.memory_space<semaphore_mem>>)
      %dma_wait3A_804 = arith.constant 4 : i32
      %dma_wait3A_805 = arith.constant 4 : i32
      %dma_wait3A_806 = arith.constant 0 : i32
      %dma_wait3A_807 = arith.constant 0 : i32
      %dma_wait3A_808 = tpu.memref_slice %arg8[%dma_wait3A_805, %dma_wait3A_806, %dma_wait3A_807] : memref<5x80x128xf32, #tpu.memory_space<vmem>> -> memref<1x80x128xf32, #tpu.memory_space<vmem>>
      %dma_wait3A_809 = tpu.memref_squeeze %dma_wait3A_808 : memref<1x80x128xf32, #tpu.memory_space<vmem>> -> memref<80x128xf32, #tpu.memory_space<vmem>>
      %dma_wait3A_810 = arith.constant 0 : i32
      %dma_wait3A_811 = tpu.memref_slice %arg7[%dma_wait3A_804, %dma_wait3A_810] : memref<5x80xi32, #tpu.memory_space<vmem>> -> memref<1x80xi32, #tpu.memory_space<vmem>>
      %dma_wait3A_812 = tpu.memref_squeeze %dma_wait3A_811 : memref<1x80xi32, #tpu.memory_space<vmem>> -> memref<80xi32, #tpu.memory_space<vmem>>
      %dma_wait3A_813 = arith.constant 0 : i32
      %dma_wait3A_814 = arith.constant 0 : i32
      %dma_wait3A_815 = tpu.memref_slice %arg2[%dma_wait3A_813, %dma_wait3A_814] : memref<10000x128xf32, #tpu.memory_space<hbm>> -> memref<10000x128xf32, #tpu.memory_space<hbm>>
      tpu.wait_indirect_dma semaphore(%arg12 : memref<!tpu.dma_semaphore, #tpu.memory_space<semaphore_mem>>) src(%dma_wait3A_815 : memref<10000x128xf32, #tpu.memory_space<hbm>>) dst(%dma_wait3A_809 : memref<80x128xf32, #tpu.memory_space<vmem>>)
      %mul3A_816 = arith.constant 5 : i32
      %mul3A_817 = arith.muli %scan3A_167, %mul3A_816 : i32
      %add3A_818 = arith.constant 4 : i32
      %add3A_819 = arith.addi %mul3A_817, %add3A_818 : i32
      %mul3A_820 = arith.constant 80 : i32
      %mul3A_821 = arith.muli %add3A_819, %mul3A_820 : i32
      %add3A_822 = arith.addi %mul3A_2, %mul3A_821 : i32
      %dma_start3A_823 = arith.constant 4 : i32
      %dma_start3A_824 = arith.constant 4 : i32
      %dma_start3A_825 = arith.constant 0 : i32
      %dma_start3A_826 = arith.constant 0 : i32
      %dma_start3A_827 = tpu.memref_slice %arg8[%dma_start3A_823, %dma_start3A_825, %dma_start3A_826] : memref<5x80x128xf32, #tpu.memory_space<vmem>> -> memref<1x80x128xf32, #tpu.memory_space<vmem>>
      %dma_start3A_828 = tpu.memref_squeeze %dma_start3A_827 : memref<1x80x128xf32, #tpu.memory_space<vmem>> -> memref<80x128xf32, #tpu.memory_space<vmem>>
      %dma_start3A_829 = arith.constant 0 : i32
      %dma_start3A_830 = tpu.memref_slice %arg5[%add3A_822, %dma_start3A_829] : memref<320000x128xf32, #tpu.memory_space<hbm>> -> memref<80x128xf32, #tpu.memory_space<hbm>>
      %dma_start3A_831 = tpu.memref_slice %arg13[%dma_start3A_824] : memref<5x!tpu.dma_semaphore, #tpu.memory_space<semaphore_mem>> -> memref<1x!tpu.dma_semaphore, #tpu.memory_space<semaphore_mem>>
      %dma_start3A_832 = tpu.memref_squeeze %dma_start3A_831 : memref<1x!tpu.dma_semaphore, #tpu.memory_space<semaphore_mem>> -> memref<!tpu.dma_semaphore, #tpu.memory_space<semaphore_mem>>
      %dma_start3A_833 = arith.constant 0 : i32
      %dma_start3A_834 = tpu.memref_slice %arg5[%add3A_822, %dma_start3A_833] : memref<320000x128xf32, #tpu.memory_space<hbm>> -> memref<80x128xf32, #tpu.memory_space<hbm>>
      %dma_start3A_835 = arith.constant 0 : i32
      %dma_start3A_836 = arith.constant 0 : i32
      %dma_start3A_837 = tpu.memref_slice %arg8[%dma_start3A_823, %dma_start3A_835, %dma_start3A_836] : memref<5x80x128xf32, #tpu.memory_space<vmem>> -> memref<1x80x128xf32, #tpu.memory_space<vmem>>
      %dma_start3A_838 = tpu.memref_squeeze %dma_start3A_837 : memref<1x80x128xf32, #tpu.memory_space<vmem>> -> memref<80x128xf32, #tpu.memory_space<vmem>>
      tpu.enqueue_dma source(%dma_start3A_838 : memref<80x128xf32, #tpu.memory_space<vmem>>) target(%dma_start3A_834 : memref<80x128xf32, #tpu.memory_space<hbm>>) target_semaphore(%dma_start3A_832 : memref<!tpu.dma_semaphore, #tpu.memory_space<semaphore_mem>>)
      %mul3A_839 = arith.constant 5 : i32
      %mul3A_840 = arith.muli %scan3A_167, %mul3A_839 : i32
      %add3A_841 = arith.constant 4 : i32
      %add3A_842 = arith.addi %mul3A_840, %add3A_841 : i32
      %mul3A_843 = arith.constant 80 : i32
      %mul3A_844 = arith.muli %add3A_842, %mul3A_843 : i32
      %add3A_845 = arith.addi %mul3A_2, %mul3A_844 : i32
      %dma_start3A_846 = arith.constant 4 : i32
      %dma_start3A_847 = arith.constant 4 : i32
      %dma_start3A_848 = arith.constant 0 : i32
      %dma_start3A_849 = tpu.memref_slice %arg9[%dma_start3A_846, %dma_start3A_848] : memref<5x80xf32, #tpu.memory_space<vmem>> -> memref<1x80xf32, #tpu.memory_space<vmem>>
      %dma_start3A_850 = tpu.memref_squeeze %dma_start3A_849 : memref<1x80xf32, #tpu.memory_space<vmem>> -> memref<80xf32, #tpu.memory_space<vmem>>
      %dma_start3A_851 = tpu.memref_slice %arg6[%add3A_845] : memref<320000xf32, #tpu.memory_space<hbm>> -> memref<80xf32, #tpu.memory_space<hbm>>
      %dma_start3A_852 = tpu.memref_slice %arg13[%dma_start3A_847] : memref<5x!tpu.dma_semaphore, #tpu.memory_space<semaphore_mem>> -> memref<1x!tpu.dma_semaphore, #tpu.memory_space<semaphore_mem>>
      %dma_start3A_853 = tpu.memref_squeeze %dma_start3A_852 : memref<1x!tpu.dma_semaphore, #tpu.memory_space<semaphore_mem>> -> memref<!tpu.dma_semaphore, #tpu.memory_space<semaphore_mem>>
      %dma_start3A_854 = tpu.memref_slice %arg6[%add3A_845] : memref<320000xf32, #tpu.memory_space<hbm>> -> memref<80xf32, #tpu.memory_space<hbm>>
      %dma_start3A_855 = arith.constant 0 : i32
      %dma_start3A_856 = tpu.memref_slice %arg9[%dma_start3A_846, %dma_start3A_855] : memref<5x80xf32, #tpu.memory_space<vmem>> -> memref<1x80xf32, #tpu.memory_space<vmem>>
      %dma_start3A_857 = tpu.memref_squeeze %dma_start3A_856 : memref<1x80xf32, #tpu.memory_space<vmem>> -> memref<80xf32, #tpu.memory_space<vmem>>
      tpu.enqueue_dma source(%dma_start3A_857 : memref<80xf32, #tpu.memory_space<vmem>>) target(%dma_start3A_854 : memref<80xf32, #tpu.memory_space<hbm>>) target_semaphore(%dma_start3A_853 : memref<!tpu.dma_semaphore, #tpu.memory_space<semaphore_mem>>)
    }
    %scan3A_7 = arith.constant 25 : i32
    %add3A_8 = arith.constant 9600 : i32
    %add3A_9 = arith.addi %mul3A_2, %add3A_8 : i32
    %dma_wait3A = arith.constant 0 : i32
    %dma_wait3A_10 = arith.constant 0 : i32
    %dma_wait3A_11 = arith.constant 0 : i32
    %dma_wait3A_12 = arith.constant 0 : i32
    %dma_wait3A_13 = tpu.memref_slice %arg8[%dma_wait3A, %dma_wait3A_11, %dma_wait3A_12] : memref<5x80x128xf32, #tpu.memory_space<vmem>> -> memref<1x80x128xf32, #tpu.memory_space<vmem>>
    %dma_wait3A_14 = tpu.memref_squeeze %dma_wait3A_13 : memref<1x80x128xf32, #tpu.memory_space<vmem>> -> memref<80x128xf32, #tpu.memory_space<vmem>>
    %dma_wait3A_15 = arith.constant 0 : i32
    %dma_wait3A_16 = tpu.memref_slice %arg5[%add3A_9, %dma_wait3A_15] : memref<320000x128xf32, #tpu.memory_space<hbm>> -> memref<80x128xf32, #tpu.memory_space<hbm>>
    %dma_wait3A_17 = tpu.memref_slice %arg13[%dma_wait3A_10] : memref<5x!tpu.dma_semaphore, #tpu.memory_space<semaphore_mem>> -> memref<1x!tpu.dma_semaphore, #tpu.memory_space<semaphore_mem>>
    %dma_wait3A_18 = tpu.memref_squeeze %dma_wait3A_17 : memref<1x!tpu.dma_semaphore, #tpu.memory_space<semaphore_mem>> -> memref<!tpu.dma_semaphore, #tpu.memory_space<semaphore_mem>>
    %dma_wait3A_19 = arith.constant 0 : i32
    %dma_wait3A_20 = tpu.memref_slice %arg5[%add3A_9, %dma_wait3A_19] : memref<320000x128xf32, #tpu.memory_space<hbm>> -> memref<80x128xf32, #tpu.memory_space<hbm>>
    %dma_wait3A_21 = arith.constant 0 : i32
    %dma_wait3A_22 = arith.constant 0 : i32
    %dma_wait3A_23 = tpu.memref_slice %arg8[%dma_wait3A, %dma_wait3A_21, %dma_wait3A_22] : memref<5x80x128xf32, #tpu.memory_space<vmem>> -> memref<1x80x128xf32, #tpu.memory_space<vmem>>
    %dma_wait3A_24 = tpu.memref_squeeze %dma_wait3A_23 : memref<1x80x128xf32, #tpu.memory_space<vmem>> -> memref<80x128xf32, #tpu.memory_space<vmem>>
    tpu.wait_dma2 semaphore(%dma_wait3A_18 : memref<!tpu.dma_semaphore, #tpu.memory_space<semaphore_mem>>) src(%dma_wait3A_24 : memref<80x128xf32, #tpu.memory_space<vmem>>) dst(%dma_wait3A_20 : memref<80x128xf32, #tpu.memory_space<hbm>>)
    %add3A_25 = arith.constant 9600 : i32
    %add3A_26 = arith.addi %mul3A_2, %add3A_25 : i32
    %dma_wait3A_27 = arith.constant 0 : i32
    %dma_wait3A_28 = arith.constant 0 : i32
    %dma_wait3A_29 = arith.constant 0 : i32
    %dma_wait3A_30 = tpu.memref_slice %arg9[%dma_wait3A_27, %dma_wait3A_29] : memref<5x80xf32, #tpu.memory_space<vmem>> -> memref<1x80xf32, #tpu.memory_space<vmem>>
    %dma_wait3A_31 = tpu.memref_squeeze %dma_wait3A_30 : memref<1x80xf32, #tpu.memory_space<vmem>> -> memref<80xf32, #tpu.memory_space<vmem>>
    %dma_wait3A_32 = tpu.memref_slice %arg6[%add3A_26] : memref<320000xf32, #tpu.memory_space<hbm>> -> memref<80xf32, #tpu.memory_space<hbm>>
    %dma_wait3A_33 = tpu.memref_slice %arg13[%dma_wait3A_28] : memref<5x!tpu.dma_semaphore, #tpu.memory_space<semaphore_mem>> -> memref<1x!tpu.dma_semaphore, #tpu.memory_space<semaphore_mem>>
    %dma_wait3A_34 = tpu.memref_squeeze %dma_wait3A_33 : memref<1x!tpu.dma_semaphore, #tpu.memory_space<semaphore_mem>> -> memref<!tpu.dma_semaphore, #tpu.memory_space<semaphore_mem>>
    %dma_wait3A_35 = tpu.memref_slice %arg6[%add3A_26] : memref<320000xf32, #tpu.memory_space<hbm>> -> memref<80xf32, #tpu.memory_space<hbm>>
    %dma_wait3A_36 = arith.constant 0 : i32
    %dma_wait3A_37 = tpu.memref_slice %arg9[%dma_wait3A_27, %dma_wait3A_36] : memref<5x80xf32, #tpu.memory_space<vmem>> -> memref<1x80xf32, #tpu.memory_space<vmem>>
    %dma_wait3A_38 = tpu.memref_squeeze %dma_wait3A_37 : memref<1x80xf32, #tpu.memory_space<vmem>> -> memref<80xf32, #tpu.memory_space<vmem>>
    tpu.wait_dma2 semaphore(%dma_wait3A_34 : memref<!tpu.dma_semaphore, #tpu.memory_space<semaphore_mem>>) src(%dma_wait3A_38 : memref<80xf32, #tpu.memory_space<vmem>>) dst(%dma_wait3A_35 : memref<80xf32, #tpu.memory_space<hbm>>)
    %add3A_39 = arith.constant 9680 : i32
    %add3A_40 = arith.addi %mul3A_2, %add3A_39 : i32
    %dma_wait3A_41 = arith.constant 1 : i32
    %dma_wait3A_42 = arith.constant 1 : i32
    %dma_wait3A_43 = arith.constant 0 : i32
    %dma_wait3A_44 = arith.constant 0 : i32
    %dma_wait3A_45 = tpu.memref_slice %arg8[%dma_wait3A_41, %dma_wait3A_43, %dma_wait3A_44] : memref<5x80x128xf32, #tpu.memory_space<vmem>> -> memref<1x80x128xf32, #tpu.memory_space<vmem>>
    %dma_wait3A_46 = tpu.memref_squeeze %dma_wait3A_45 : memref<1x80x128xf32, #tpu.memory_space<vmem>> -> memref<80x128xf32, #tpu.memory_space<vmem>>
    %dma_wait3A_47 = arith.constant 0 : i32
    %dma_wait3A_48 = tpu.memref_slice %arg5[%add3A_40, %dma_wait3A_47] : memref<320000x128xf32, #tpu.memory_space<hbm>> -> memref<80x128xf32, #tpu.memory_space<hbm>>
    %dma_wait3A_49 = tpu.memref_slice %arg13[%dma_wait3A_42] : memref<5x!tpu.dma_semaphore, #tpu.memory_space<semaphore_mem>> -> memref<1x!tpu.dma_semaphore, #tpu.memory_space<semaphore_mem>>
    %dma_wait3A_50 = tpu.memref_squeeze %dma_wait3A_49 : memref<1x!tpu.dma_semaphore, #tpu.memory_space<semaphore_mem>> -> memref<!tpu.dma_semaphore, #tpu.memory_space<semaphore_mem>>
    %dma_wait3A_51 = arith.constant 0 : i32
    %dma_wait3A_52 = tpu.memref_slice %arg5[%add3A_40, %dma_wait3A_51] : memref<320000x128xf32, #tpu.memory_space<hbm>> -> memref<80x128xf32, #tpu.memory_space<hbm>>
    %dma_wait3A_53 = arith.constant 0 : i32
    %dma_wait3A_54 = arith.constant 0 : i32
    %dma_wait3A_55 = tpu.memref_slice %arg8[%dma_wait3A_41, %dma_wait3A_53, %dma_wait3A_54] : memref<5x80x128xf32, #tpu.memory_space<vmem>> -> memref<1x80x128xf32, #tpu.memory_space<vmem>>
    %dma_wait3A_56 = tpu.memref_squeeze %dma_wait3A_55 : memref<1x80x128xf32, #tpu.memory_space<vmem>> -> memref<80x128xf32, #tpu.memory_space<vmem>>
    tpu.wait_dma2 semaphore(%dma_wait3A_50 : memref<!tpu.dma_semaphore, #tpu.memory_space<semaphore_mem>>) src(%dma_wait3A_56 : memref<80x128xf32, #tpu.memory_space<vmem>>) dst(%dma_wait3A_52 : memref<80x128xf32, #tpu.memory_space<hbm>>)
    %add3A_57 = arith.constant 9680 : i32
    %add3A_58 = arith.addi %mul3A_2, %add3A_57 : i32
    %dma_wait3A_59 = arith.constant 1 : i32
    %dma_wait3A_60 = arith.constant 1 : i32
    %dma_wait3A_61 = arith.constant 0 : i32
    %dma_wait3A_62 = tpu.memref_slice %arg9[%dma_wait3A_59, %dma_wait3A_61] : memref<5x80xf32, #tpu.memory_space<vmem>> -> memref<1x80xf32, #tpu.memory_space<vmem>>
    %dma_wait3A_63 = tpu.memref_squeeze %dma_wait3A_62 : memref<1x80xf32, #tpu.memory_space<vmem>> -> memref<80xf32, #tpu.memory_space<vmem>>
    %dma_wait3A_64 = tpu.memref_slice %arg6[%add3A_58] : memref<320000xf32, #tpu.memory_space<hbm>> -> memref<80xf32, #tpu.memory_space<hbm>>
    %dma_wait3A_65 = tpu.memref_slice %arg13[%dma_wait3A_60] : memref<5x!tpu.dma_semaphore, #tpu.memory_space<semaphore_mem>> -> memref<1x!tpu.dma_semaphore, #tpu.memory_space<semaphore_mem>>
    %dma_wait3A_66 = tpu.memref_squeeze %dma_wait3A_65 : memref<1x!tpu.dma_semaphore, #tpu.memory_space<semaphore_mem>> -> memref<!tpu.dma_semaphore, #tpu.memory_space<semaphore_mem>>
    %dma_wait3A_67 = tpu.memref_slice %arg6[%add3A_58] : memref<320000xf32, #tpu.memory_space<hbm>> -> memref<80xf32, #tpu.memory_space<hbm>>
    %dma_wait3A_68 = arith.constant 0 : i32
    %dma_wait3A_69 = tpu.memref_slice %arg9[%dma_wait3A_59, %dma_wait3A_68] : memref<5x80xf32, #tpu.memory_space<vmem>> -> memref<1x80xf32, #tpu.memory_space<vmem>>
    %dma_wait3A_70 = tpu.memref_squeeze %dma_wait3A_69 : memref<1x80xf32, #tpu.memory_space<vmem>> -> memref<80xf32, #tpu.memory_space<vmem>>
    tpu.wait_dma2 semaphore(%dma_wait3A_66 : memref<!tpu.dma_semaphore, #tpu.memory_space<semaphore_mem>>) src(%dma_wait3A_70 : memref<80xf32, #tpu.memory_space<vmem>>) dst(%dma_wait3A_67 : memref<80xf32, #tpu.memory_space<hbm>>)
    %add3A_71 = arith.constant 9760 : i32
    %add3A_72 = arith.addi %mul3A_2, %add3A_71 : i32
    %dma_wait3A_73 = arith.constant 2 : i32
    %dma_wait3A_74 = arith.constant 2 : i32
    %dma_wait3A_75 = arith.constant 0 : i32
    %dma_wait3A_76 = arith.constant 0 : i32
    %dma_wait3A_77 = tpu.memref_slice %arg8[%dma_wait3A_73, %dma_wait3A_75, %dma_wait3A_76] : memref<5x80x128xf32, #tpu.memory_space<vmem>> -> memref<1x80x128xf32, #tpu.memory_space<vmem>>
    %dma_wait3A_78 = tpu.memref_squeeze %dma_wait3A_77 : memref<1x80x128xf32, #tpu.memory_space<vmem>> -> memref<80x128xf32, #tpu.memory_space<vmem>>
    %dma_wait3A_79 = arith.constant 0 : i32
    %dma_wait3A_80 = tpu.memref_slice %arg5[%add3A_72, %dma_wait3A_79] : memref<320000x128xf32, #tpu.memory_space<hbm>> -> memref<80x128xf32, #tpu.memory_space<hbm>>
    %dma_wait3A_81 = tpu.memref_slice %arg13[%dma_wait3A_74] : memref<5x!tpu.dma_semaphore, #tpu.memory_space<semaphore_mem>> -> memref<1x!tpu.dma_semaphore, #tpu.memory_space<semaphore_mem>>
    %dma_wait3A_82 = tpu.memref_squeeze %dma_wait3A_81 : memref<1x!tpu.dma_semaphore, #tpu.memory_space<semaphore_mem>> -> memref<!tpu.dma_semaphore, #tpu.memory_space<semaphore_mem>>
    %dma_wait3A_83 = arith.constant 0 : i32
    %dma_wait3A_84 = tpu.memref_slice %arg5[%add3A_72, %dma_wait3A_83] : memref<320000x128xf32, #tpu.memory_space<hbm>> -> memref<80x128xf32, #tpu.memory_space<hbm>>
    %dma_wait3A_85 = arith.constant 0 : i32
    %dma_wait3A_86 = arith.constant 0 : i32
    %dma_wait3A_87 = tpu.memref_slice %arg8[%dma_wait3A_73, %dma_wait3A_85, %dma_wait3A_86] : memref<5x80x128xf32, #tpu.memory_space<vmem>> -> memref<1x80x128xf32, #tpu.memory_space<vmem>>
    %dma_wait3A_88 = tpu.memref_squeeze %dma_wait3A_87 : memref<1x80x128xf32, #tpu.memory_space<vmem>> -> memref<80x128xf32, #tpu.memory_space<vmem>>
    tpu.wait_dma2 semaphore(%dma_wait3A_82 : memref<!tpu.dma_semaphore, #tpu.memory_space<semaphore_mem>>) src(%dma_wait3A_88 : memref<80x128xf32, #tpu.memory_space<vmem>>) dst(%dma_wait3A_84 : memref<80x128xf32, #tpu.memory_space<hbm>>)
    %add3A_89 = arith.constant 9760 : i32
    %add3A_90 = arith.addi %mul3A_2, %add3A_89 : i32
    %dma_wait3A_91 = arith.constant 2 : i32
    %dma_wait3A_92 = arith.constant 2 : i32
    %dma_wait3A_93 = arith.constant 0 : i32
    %dma_wait3A_94 = tpu.memref_slice %arg9[%dma_wait3A_91, %dma_wait3A_93] : memref<5x80xf32, #tpu.memory_space<vmem>> -> memref<1x80xf32, #tpu.memory_space<vmem>>
    %dma_wait3A_95 = tpu.memref_squeeze %dma_wait3A_94 : memref<1x80xf32, #tpu.memory_space<vmem>> -> memref<80xf32, #tpu.memory_space<vmem>>
    %dma_wait3A_96 = tpu.memref_slice %arg6[%add3A_90] : memref<320000xf32, #tpu.memory_space<hbm>> -> memref<80xf32, #tpu.memory_space<hbm>>
    %dma_wait3A_97 = tpu.memref_slice %arg13[%dma_wait3A_92] : memref<5x!tpu.dma_semaphore, #tpu.memory_space<semaphore_mem>> -> memref<1x!tpu.dma_semaphore, #tpu.memory_space<semaphore_mem>>
    %dma_wait3A_98 = tpu.memref_squeeze %dma_wait3A_97 : memref<1x!tpu.dma_semaphore, #tpu.memory_space<semaphore_mem>> -> memref<!tpu.dma_semaphore, #tpu.memory_space<semaphore_mem>>
    %dma_wait3A_99 = tpu.memref_slice %arg6[%add3A_90] : memref<320000xf32, #tpu.memory_space<hbm>> -> memref<80xf32, #tpu.memory_space<hbm>>
    %dma_wait3A_100 = arith.constant 0 : i32
    %dma_wait3A_101 = tpu.memref_slice %arg9[%dma_wait3A_91, %dma_wait3A_100] : memref<5x80xf32, #tpu.memory_space<vmem>> -> memref<1x80xf32, #tpu.memory_space<vmem>>
    %dma_wait3A_102 = tpu.memref_squeeze %dma_wait3A_101 : memref<1x80xf32, #tpu.memory_space<vmem>> -> memref<80xf32, #tpu.memory_space<vmem>>
    tpu.wait_dma2 semaphore(%dma_wait3A_98 : memref<!tpu.dma_semaphore, #tpu.memory_space<semaphore_mem>>) src(%dma_wait3A_102 : memref<80xf32, #tpu.memory_space<vmem>>) dst(%dma_wait3A_99 : memref<80xf32, #tpu.memory_space<hbm>>)
    %add3A_103 = arith.constant 9840 : i32
    %add3A_104 = arith.addi %mul3A_2, %add3A_103 : i32
    %dma_wait3A_105 = arith.constant 3 : i32
    %dma_wait3A_106 = arith.constant 3 : i32
    %dma_wait3A_107 = arith.constant 0 : i32
    %dma_wait3A_108 = arith.constant 0 : i32
    %dma_wait3A_109 = tpu.memref_slice %arg8[%dma_wait3A_105, %dma_wait3A_107, %dma_wait3A_108] : memref<5x80x128xf32, #tpu.memory_space<vmem>> -> memref<1x80x128xf32, #tpu.memory_space<vmem>>
    %dma_wait3A_110 = tpu.memref_squeeze %dma_wait3A_109 : memref<1x80x128xf32, #tpu.memory_space<vmem>> -> memref<80x128xf32, #tpu.memory_space<vmem>>
    %dma_wait3A_111 = arith.constant 0 : i32
    %dma_wait3A_112 = tpu.memref_slice %arg5[%add3A_104, %dma_wait3A_111] : memref<320000x128xf32, #tpu.memory_space<hbm>> -> memref<80x128xf32, #tpu.memory_space<hbm>>
    %dma_wait3A_113 = tpu.memref_slice %arg13[%dma_wait3A_106] : memref<5x!tpu.dma_semaphore, #tpu.memory_space<semaphore_mem>> -> memref<1x!tpu.dma_semaphore, #tpu.memory_space<semaphore_mem>>
    %dma_wait3A_114 = tpu.memref_squeeze %dma_wait3A_113 : memref<1x!tpu.dma_semaphore, #tpu.memory_space<semaphore_mem>> -> memref<!tpu.dma_semaphore, #tpu.memory_space<semaphore_mem>>
    %dma_wait3A_115 = arith.constant 0 : i32
    %dma_wait3A_116 = tpu.memref_slice %arg5[%add3A_104, %dma_wait3A_115] : memref<320000x128xf32, #tpu.memory_space<hbm>> -> memref<80x128xf32, #tpu.memory_space<hbm>>
    %dma_wait3A_117 = arith.constant 0 : i32
    %dma_wait3A_118 = arith.constant 0 : i32
    %dma_wait3A_119 = tpu.memref_slice %arg8[%dma_wait3A_105, %dma_wait3A_117, %dma_wait3A_118] : memref<5x80x128xf32, #tpu.memory_space<vmem>> -> memref<1x80x128xf32, #tpu.memory_space<vmem>>
    %dma_wait3A_120 = tpu.memref_squeeze %dma_wait3A_119 : memref<1x80x128xf32, #tpu.memory_space<vmem>> -> memref<80x128xf32, #tpu.memory_space<vmem>>
    tpu.wait_dma2 semaphore(%dma_wait3A_114 : memref<!tpu.dma_semaphore, #tpu.memory_space<semaphore_mem>>) src(%dma_wait3A_120 : memref<80x128xf32, #tpu.memory_space<vmem>>) dst(%dma_wait3A_116 : memref<80x128xf32, #tpu.memory_space<hbm>>)
    %add3A_121 = arith.constant 9840 : i32
    %add3A_122 = arith.addi %mul3A_2, %add3A_121 : i32
    %dma_wait3A_123 = arith.constant 3 : i32
    %dma_wait3A_124 = arith.constant 3 : i32
    %dma_wait3A_125 = arith.constant 0 : i32
    %dma_wait3A_126 = tpu.memref_slice %arg9[%dma_wait3A_123, %dma_wait3A_125] : memref<5x80xf32, #tpu.memory_space<vmem>> -> memref<1x80xf32, #tpu.memory_space<vmem>>
    %dma_wait3A_127 = tpu.memref_squeeze %dma_wait3A_126 : memref<1x80xf32, #tpu.memory_space<vmem>> -> memref<80xf32, #tpu.memory_space<vmem>>
    %dma_wait3A_128 = tpu.memref_slice %arg6[%add3A_122] : memref<320000xf32, #tpu.memory_space<hbm>> -> memref<80xf32, #tpu.memory_space<hbm>>
    %dma_wait3A_129 = tpu.memref_slice %arg13[%dma_wait3A_124] : memref<5x!tpu.dma_semaphore, #tpu.memory_space<semaphore_mem>> -> memref<1x!tpu.dma_semaphore, #tpu.memory_space<semaphore_mem>>
    %dma_wait3A_130 = tpu.memref_squeeze %dma_wait3A_129 : memref<1x!tpu.dma_semaphore, #tpu.memory_space<semaphore_mem>> -> memref<!tpu.dma_semaphore, #tpu.memory_space<semaphore_mem>>
    %dma_wait3A_131 = tpu.memref_slice %arg6[%add3A_122] : memref<320000xf32, #tpu.memory_space<hbm>> -> memref<80xf32, #tpu.memory_space<hbm>>
    %dma_wait3A_132 = arith.constant 0 : i32
    %dma_wait3A_133 = tpu.memref_slice %arg9[%dma_wait3A_123, %dma_wait3A_132] : memref<5x80xf32, #tpu.memory_space<vmem>> -> memref<1x80xf32, #tpu.memory_space<vmem>>
    %dma_wait3A_134 = tpu.memref_squeeze %dma_wait3A_133 : memref<1x80xf32, #tpu.memory_space<vmem>> -> memref<80xf32, #tpu.memory_space<vmem>>
    tpu.wait_dma2 semaphore(%dma_wait3A_130 : memref<!tpu.dma_semaphore, #tpu.memory_space<semaphore_mem>>) src(%dma_wait3A_134 : memref<80xf32, #tpu.memory_space<vmem>>) dst(%dma_wait3A_131 : memref<80xf32, #tpu.memory_space<hbm>>)
    %add3A_135 = arith.constant 9920 : i32
    %add3A_136 = arith.addi %mul3A_2, %add3A_135 : i32
    %dma_wait3A_137 = arith.constant 4 : i32
    %dma_wait3A_138 = arith.constant 4 : i32
    %dma_wait3A_139 = arith.constant 0 : i32
    %dma_wait3A_140 = arith.constant 0 : i32
    %dma_wait3A_141 = tpu.memref_slice %arg8[%dma_wait3A_137, %dma_wait3A_139, %dma_wait3A_140] : memref<5x80x128xf32, #tpu.memory_space<vmem>> -> memref<1x80x128xf32, #tpu.memory_space<vmem>>
    %dma_wait3A_142 = tpu.memref_squeeze %dma_wait3A_141 : memref<1x80x128xf32, #tpu.memory_space<vmem>> -> memref<80x128xf32, #tpu.memory_space<vmem>>
    %dma_wait3A_143 = arith.constant 0 : i32
    %dma_wait3A_144 = tpu.memref_slice %arg5[%add3A_136, %dma_wait3A_143] : memref<320000x128xf32, #tpu.memory_space<hbm>> -> memref<80x128xf32, #tpu.memory_space<hbm>>
    %dma_wait3A_145 = tpu.memref_slice %arg13[%dma_wait3A_138] : memref<5x!tpu.dma_semaphore, #tpu.memory_space<semaphore_mem>> -> memref<1x!tpu.dma_semaphore, #tpu.memory_space<semaphore_mem>>
    %dma_wait3A_146 = tpu.memref_squeeze %dma_wait3A_145 : memref<1x!tpu.dma_semaphore, #tpu.memory_space<semaphore_mem>> -> memref<!tpu.dma_semaphore, #tpu.memory_space<semaphore_mem>>
    %dma_wait3A_147 = arith.constant 0 : i32
    %dma_wait3A_148 = tpu.memref_slice %arg5[%add3A_136, %dma_wait3A_147] : memref<320000x128xf32, #tpu.memory_space<hbm>> -> memref<80x128xf32, #tpu.memory_space<hbm>>
    %dma_wait3A_149 = arith.constant 0 : i32
    %dma_wait3A_150 = arith.constant 0 : i32
    %dma_wait3A_151 = tpu.memref_slice %arg8[%dma_wait3A_137, %dma_wait3A_149, %dma_wait3A_150] : memref<5x80x128xf32, #tpu.memory_space<vmem>> -> memref<1x80x128xf32, #tpu.memory_space<vmem>>
    %dma_wait3A_152 = tpu.memref_squeeze %dma_wait3A_151 : memref<1x80x128xf32, #tpu.memory_space<vmem>> -> memref<80x128xf32, #tpu.memory_space<vmem>>
    tpu.wait_dma2 semaphore(%dma_wait3A_146 : memref<!tpu.dma_semaphore, #tpu.memory_space<semaphore_mem>>) src(%dma_wait3A_152 : memref<80x128xf32, #tpu.memory_space<vmem>>) dst(%dma_wait3A_148 : memref<80x128xf32, #tpu.memory_space<hbm>>)
    %add3A_153 = arith.constant 9920 : i32
    %add3A_154 = arith.addi %mul3A_2, %add3A_153 : i32
    %dma_wait3A_155 = arith.constant 4 : i32
    %dma_wait3A_156 = arith.constant 4 : i32
    %dma_wait3A_157 = arith.constant 0 : i32
    %dma_wait3A_158 = tpu.memref_slice %arg9[%dma_wait3A_155, %dma_wait3A_157] : memref<5x80xf32, #tpu.memory_space<vmem>> -> memref<1x80xf32, #tpu.memory_space<vmem>>
    %dma_wait3A_159 = tpu.memref_squeeze %dma_wait3A_158 : memref<1x80xf32, #tpu.memory_space<vmem>> -> memref<80xf32, #tpu.memory_space<vmem>>
    %dma_wait3A_160 = tpu.memref_slice %arg6[%add3A_154] : memref<320000xf32, #tpu.memory_space<hbm>> -> memref<80xf32, #tpu.memory_space<hbm>>
    %dma_wait3A_161 = tpu.memref_slice %arg13[%dma_wait3A_156] : memref<5x!tpu.dma_semaphore, #tpu.memory_space<semaphore_mem>> -> memref<1x!tpu.dma_semaphore, #tpu.memory_space<semaphore_mem>>
    %dma_wait3A_162 = tpu.memref_squeeze %dma_wait3A_161 : memref<1x!tpu.dma_semaphore, #tpu.memory_space<semaphore_mem>> -> memref<!tpu.dma_semaphore, #tpu.memory_space<semaphore_mem>>
    %dma_wait3A_163 = tpu.memref_slice %arg6[%add3A_154] : memref<320000xf32, #tpu.memory_space<hbm>> -> memref<80xf32, #tpu.memory_space<hbm>>
    %dma_wait3A_164 = arith.constant 0 : i32
    %dma_wait3A_165 = tpu.memref_slice %arg9[%dma_wait3A_155, %dma_wait3A_164] : memref<5x80xf32, #tpu.memory_space<vmem>> -> memref<1x80xf32, #tpu.memory_space<vmem>>
    %dma_wait3A_166 = tpu.memref_squeeze %dma_wait3A_165 : memref<1x80xf32, #tpu.memory_space<vmem>> -> memref<80xf32, #tpu.memory_space<vmem>>
    tpu.wait_dma2 semaphore(%dma_wait3A_162 : memref<!tpu.dma_semaphore, #tpu.memory_space<semaphore_mem>>) src(%dma_wait3A_166 : memref<80xf32, #tpu.memory_space<vmem>>) dst(%dma_wait3A_163 : memref<80xf32, #tpu.memory_space<hbm>>)
    return
  }
}

#map = affine_map<(d0, d1) -> (0, 0)>
#map1 = affine_map<(d0, d1) -> (0)>
#map2 = affine_map<(d0, d1) -> (0, 0, 0)>
module attributes {stable_mosaic.version = 14 : i64} {
  func.func @_sc_scatter(%arg0: i32, %arg1: i32, %arg2: memref<320000x128xf32, #tpu.memory_space<hbm>>, %arg3: memref<320000xi32, #tpu.memory_space<hbm>>, %arg4: memref<2x10240x128xf32, #tpu.memory_space<hbm>>, %arg5: memref<3x80xi32, #tpu.memory_space<vmem>>, %arg6: memref<3x80x128xf32, #tpu.memory_space<vmem>>, %arg7: memref<10240x128xf32, #tpu.memory_space<vmem_shared>>, %arg8: memref<!tpu.dma_semaphore, #tpu.memory_space<semaphore_mem>>, %arg9: memref<!tpu.dma_semaphore, #tpu.memory_space<semaphore_mem>>, %arg10: memref<3x!tpu.dma_semaphore, #tpu.memory_space<semaphore_mem>>) attributes {dimension_semantics = [#tpu.dimension_semantics<core_parallel>, #tpu.dimension_semantics<subcore_parallel>], iteration_bounds = array<i64: 2, 16>, scalar_prefetch = 0 : i64, scratch_operands = 6 : i64, tpu.core_type = #tpu.core_type<sc_vector_subcore>, window_params = [{transform_indices = #map}, {transform_indices = #map1}, {transform_indices = #map2}]} {
    %mul3A = arith.constant 2 : i32
    %mul3A_0 = arith.muli %arg1, %mul3A : i32
    %add3A = arith.addi %mul3A_0, %arg0 : i32
    %mul3A_1 = arith.constant 10000 : i32
    %mul3A_2 = arith.muli %add3A, %mul3A_1 : i32
    %scan3A = arith.constant 0 : i32
    %scan3A_3 = arith.constant 0 : i32
    %scan3A_4 = arith.constant 640 : i32
    %scan3A_5 = arith.addi %scan3A_3, %scan3A_4 : i32
    %scan3A_6 = arith.constant 1 : i32
    scf.for %scan3A_167 = %scan3A_3 to %scan3A_5 step %scan3A_6  : i32 {
      %jit3A = arith.constant 8 : i32
      %div3A = arith.divsi %scan3A_167, %jit3A : i32
      %sign3A = arith.constant 0 : i32
      %sign3A_168 = arith.cmpi sgt, %scan3A_167, %sign3A : i32
      %sign3A_169 = arith.extui %sign3A_168 : i1 to i32
      %sign3A_170 = arith.constant 0 : i32
      %sign3A_171 = arith.cmpi slt, %scan3A_167, %sign3A_170 : i32
      %sign3A_172 = arith.extui %sign3A_171 : i1 to i32
      %sign3A_173 = arith.subi %sign3A_169, %sign3A_172 : i32
      %sign3A_174 = arith.constant 0 : i32
      %sign3A_175 = arith.cmpi sgt, %jit3A, %sign3A_174 : i32
      %sign3A_176 = arith.extui %sign3A_175 : i1 to i32
      %sign3A_177 = arith.constant 0 : i32
      %sign3A_178 = arith.cmpi slt, %jit3A, %sign3A_177 : i32
      %sign3A_179 = arith.extui %sign3A_178 : i1 to i32
      %sign3A_180 = arith.subi %sign3A_176, %sign3A_179 : i32
      %ne3A = arith.cmpi ne, %sign3A_173, %sign3A_180 : i32
      %rem3A = arith.remsi %scan3A_167, %jit3A : i32
      %ne3A_181 = arith.constant 0 : i32
      %ne3A_182 = arith.cmpi ne, %rem3A, %ne3A_181 : i32
      %and3A = arith.andi %ne3A, %ne3A_182 : i1
      %sub3A = arith.constant 1 : i32
      %sub3A_183 = arith.subi %div3A, %sub3A : i32
      %select_n3A = arith.select %and3A, %sub3A_183, %div3A : i32
      %jit3A_184 = arith.constant 8 : i32
      %eq3A = arith.constant 0 : i32
      %eq3A_185 = arith.cmpi eq, %jit3A_184, %eq3A : i32
      %jit3A_186 = arith.constant 1 : i32
      %select_n3A_187 = arith.select %eq3A_185, %jit3A_186, %jit3A_184 : i32
      %rem3A_188 = arith.remsi %scan3A_167, %select_n3A_187 : i32
      %ne3A_189 = arith.constant 0 : i32
      %ne3A_190 = arith.cmpi ne, %rem3A_188, %ne3A_189 : i32
      %lt3A = arith.constant 0 : i32
      %lt3A_191 = arith.cmpi slt, %rem3A_188, %lt3A : i32
      %lt3A_192 = arith.constant 0 : i32
      %lt3A_193 = arith.cmpi slt, %select_n3A_187, %lt3A_192 : i32
      %ne3A_194 = arith.xori %lt3A_191, %lt3A_193 : i1
      %and3A_195 = arith.andi %ne3A_194, %ne3A_190 : i1
      %add3A_196 = arith.addi %rem3A_188, %select_n3A_187 : i32
      %select_n3A_197 = arith.select %and3A_195, %add3A_196, %rem3A_188 : i32
      %broadcast_in_dim3A = arith.constant 0.000000e+00 : f32
      %broadcast_in_dim3A_198 = vector.broadcast %broadcast_in_dim3A : f32 to vector<16xf32>
      %mul3A_199 = arith.constant 16 : i32
      %mul3A_200 = arith.muli %select_n3A_197, %mul3A_199 : i32
      %swap3A = arith.constant 0 : i32
      %swap3A_201 = arith.index_cast %swap3A : i32 to index
      %swap3A_202 = arith.index_cast %select_n3A : i32 to index
      %swap3A_203 = arith.index_cast %mul3A_200 : i32 to index
      %swap3A_204 = tpu.vector_load %arg6[%swap3A_201, %swap3A_202, %swap3A_203] {strides = array<i32>} : memref<3x80x128xf32, #tpu.memory_space<vmem>>, vector<1x1x16xf32>,
      %swap3A_205 = vector.shape_cast %swap3A_204 : vector<1x1x16xf32> to vector<16xf32>
      %swap3A_206 = vector.shape_cast %broadcast_in_dim3A_198 : vector<16xf32> to vector<1x1x16xf32>
      tpu.vector_store %arg6[%swap3A_201, %swap3A_202, %swap3A_203], %swap3A_206 {strides = array<i32>} : memref<3x80x128xf32, #tpu.memory_space<vmem>>, vector<1x1x16xf32>,
    }
    %scan3A_7 = arith.constant 640 : i32
    %mul3A_8 = arith.constant 640 : i32
    %mul3A_9 = arith.muli %arg1, %mul3A_8 : i32
    %add3A_10 = arith.constant 0 : i32
    %add3A_11 = arith.addi %mul3A_9, %add3A_10 : i32
    %run_scoped3A = arith.constant 0 : i32
    "tpu.region"() ({
      %run_scoped3A_167 = tpu.sem_alloc : memref<!tpu.dma_semaphore, #tpu.memory_space<semaphore_mem>>
      %dma_start3A_168 = arith.constant 0 : i32
      %dma_start3A_169 = arith.constant 0 : i32
      %dma_start3A_170 = tpu.memref_slice %arg6[%run_scoped3A, %dma_start3A_168, %dma_start3A_169] : memref<3x80x128xf32, #tpu.memory_space<vmem>> -> memref<1x80x128xf32, #tpu.memory_space<vmem>>
      %dma_start3A_171 = tpu.memref_squeeze %dma_start3A_170 : memref<1x80x128xf32, #tpu.memory_space<vmem>> -> memref<80x128xf32, #tpu.memory_space<vmem>>
      %dma_start3A_172 = arith.constant 0 : i32
      %dma_start3A_173 = tpu.memref_slice %arg7[%add3A_11, %dma_start3A_172] : memref<10240x128xf32, #tpu.memory_space<vmem_shared>> -> memref<80x128xf32, #tpu.memory_space<vmem_shared>>
      %dma_start3A_174 = arith.constant 0 : i32
      %dma_start3A_175 = tpu.memref_slice %arg7[%add3A_11, %dma_start3A_174] : memref<10240x128xf32, #tpu.memory_space<vmem_shared>> -> memref<80x128xf32, #tpu.memory_space<vmem_shared>>
      %dma_start3A_176 = arith.constant 0 : i32
      %dma_start3A_177 = arith.constant 0 : i32
      %dma_start3A_178 = tpu.memref_slice %arg6[%run_scoped3A, %dma_start3A_176, %dma_start3A_177] : memref<3x80x128xf32, #tpu.memory_space<vmem>> -> memref<1x80x128xf32, #tpu.memory_space<vmem>>
      %dma_start3A_179 = tpu.memref_squeeze %dma_start3A_178 : memref<1x80x128xf32, #tpu.memory_space<vmem>> -> memref<80x128xf32, #tpu.memory_space<vmem>>
      tpu.enqueue_dma source(%dma_start3A_179 : memref<80x128xf32, #tpu.memory_space<vmem>>) target(%dma_start3A_175 : memref<80x128xf32, #tpu.memory_space<vmem_shared>>) target_semaphore(%run_scoped3A_167 : memref<!tpu.dma_semaphore, #tpu.memory_space<semaphore_mem>>)
      %dma_wait3A_180 = arith.constant 0 : i32
      %dma_wait3A_181 = arith.constant 0 : i32
      %dma_wait3A_182 = tpu.memref_slice %arg6[%run_scoped3A, %dma_wait3A_180, %dma_wait3A_181] : memref<3x80x128xf32, #tpu.memory_space<vmem>> -> memref<1x80x128xf32, #tpu.memory_space<vmem>>
      %dma_wait3A_183 = tpu.memref_squeeze %dma_wait3A_182 : memref<1x80x128xf32, #tpu.memory_space<vmem>> -> memref<80x128xf32, #tpu.memory_space<vmem>>
      %dma_wait3A_184 = arith.constant 0 : i32
      %dma_wait3A_185 = tpu.memref_slice %arg7[%add3A_11, %dma_wait3A_184] : memref<10240x128xf32, #tpu.memory_space<vmem_shared>> -> memref<80x128xf32, #tpu.memory_space<vmem_shared>>
      %dma_wait3A_186 = arith.constant 0 : i32
      %dma_wait3A_187 = tpu.memref_slice %arg7[%add3A_11, %dma_wait3A_186] : memref<10240x128xf32, #tpu.memory_space<vmem_shared>> -> memref<80x128xf32, #tpu.memory_space<vmem_shared>>
      %dma_wait3A_188 = arith.constant 0 : i32
      %dma_wait3A_189 = arith.constant 0 : i32
      %dma_wait3A_190 = tpu.memref_slice %arg6[%run_scoped3A, %dma_wait3A_188, %dma_wait3A_189] : memref<3x80x128xf32, #tpu.memory_space<vmem>> -> memref<1x80x128xf32, #tpu.memory_space<vmem>>
      %dma_wait3A_191 = tpu.memref_squeeze %dma_wait3A_190 : memref<1x80x128xf32, #tpu.memory_space<vmem>> -> memref<80x128xf32, #tpu.memory_space<vmem>>
      tpu.wait_dma2 semaphore(%run_scoped3A_167 : memref<!tpu.dma_semaphore, #tpu.memory_space<semaphore_mem>>) src(%dma_wait3A_191 : memref<80x128xf32, #tpu.memory_space<vmem>>) dst(%dma_wait3A_187 : memref<80x128xf32, #tpu.memory_space<vmem_shared>>)
      tpu.yield
    }) : () -> ()
    %mul3A_12 = arith.constant 640 : i32
    %mul3A_13 = arith.muli %arg1, %mul3A_12 : i32
    %add3A_14 = arith.constant 80 : i32
    %add3A_15 = arith.addi %mul3A_13, %add3A_14 : i32
    %run_scoped3A_16 = arith.constant 0 : i32
    "tpu.region"() ({
      %run_scoped3A_167 = tpu.sem_alloc : memref<!tpu.dma_semaphore, #tpu.memory_space<semaphore_mem>>
      %dma_start3A_168 = arith.constant 0 : i32
      %dma_start3A_169 = arith.constant 0 : i32
      %dma_start3A_170 = tpu.memref_slice %arg6[%run_scoped3A_16, %dma_start3A_168, %dma_start3A_169] : memref<3x80x128xf32, #tpu.memory_space<vmem>> -> memref<1x80x128xf32, #tpu.memory_space<vmem>>
      %dma_start3A_171 = tpu.memref_squeeze %dma_start3A_170 : memref<1x80x128xf32, #tpu.memory_space<vmem>> -> memref<80x128xf32, #tpu.memory_space<vmem>>
      %dma_start3A_172 = arith.constant 0 : i32
      %dma_start3A_173 = tpu.memref_slice %arg7[%add3A_15, %dma_start3A_172] : memref<10240x128xf32, #tpu.memory_space<vmem_shared>> -> memref<80x128xf32, #tpu.memory_space<vmem_shared>>
      %dma_start3A_174 = arith.constant 0 : i32
      %dma_start3A_175 = tpu.memref_slice %arg7[%add3A_15, %dma_start3A_174] : memref<10240x128xf32, #tpu.memory_space<vmem_shared>> -> memref<80x128xf32, #tpu.memory_space<vmem_shared>>
      %dma_start3A_176 = arith.constant 0 : i32
      %dma_start3A_177 = arith.constant 0 : i32
      %dma_start3A_178 = tpu.memref_slice %arg6[%run_scoped3A_16, %dma_start3A_176, %dma_start3A_177] : memref<3x80x128xf32, #tpu.memory_space<vmem>> -> memref<1x80x128xf32, #tpu.memory_space<vmem>>
      %dma_start3A_179 = tpu.memref_squeeze %dma_start3A_178 : memref<1x80x128xf32, #tpu.memory_space<vmem>> -> memref<80x128xf32, #tpu.memory_space<vmem>>
      tpu.enqueue_dma source(%dma_start3A_179 : memref<80x128xf32, #tpu.memory_space<vmem>>) target(%dma_start3A_175 : memref<80x128xf32, #tpu.memory_space<vmem_shared>>) target_semaphore(%run_scoped3A_167 : memref<!tpu.dma_semaphore, #tpu.memory_space<semaphore_mem>>)
      %dma_wait3A_180 = arith.constant 0 : i32
      %dma_wait3A_181 = arith.constant 0 : i32
      %dma_wait3A_182 = tpu.memref_slice %arg6[%run_scoped3A_16, %dma_wait3A_180, %dma_wait3A_181] : memref<3x80x128xf32, #tpu.memory_space<vmem>> -> memref<1x80x128xf32, #tpu.memory_space<vmem>>
      %dma_wait3A_183 = tpu.memref_squeeze %dma_wait3A_182 : memref<1x80x128xf32, #tpu.memory_space<vmem>> -> memref<80x128xf32, #tpu.memory_space<vmem>>
      %dma_wait3A_184 = arith.constant 0 : i32
      %dma_wait3A_185 = tpu.memref_slice %arg7[%add3A_15, %dma_wait3A_184] : memref<10240x128xf32, #tpu.memory_space<vmem_shared>> -> memref<80x128xf32, #tpu.memory_space<vmem_shared>>
      %dma_wait3A_186 = arith.constant 0 : i32
      %dma_wait3A_187 = tpu.memref_slice %arg7[%add3A_15, %dma_wait3A_186] : memref<10240x128xf32, #tpu.memory_space<vmem_shared>> -> memref<80x128xf32, #tpu.memory_space<vmem_shared>>
      %dma_wait3A_188 = arith.constant 0 : i32
      %dma_wait3A_189 = arith.constant 0 : i32
      %dma_wait3A_190 = tpu.memref_slice %arg6[%run_scoped3A_16, %dma_wait3A_188, %dma_wait3A_189] : memref<3x80x128xf32, #tpu.memory_space<vmem>> -> memref<1x80x128xf32, #tpu.memory_space<vmem>>
      %dma_wait3A_191 = tpu.memref_squeeze %dma_wait3A_190 : memref<1x80x128xf32, #tpu.memory_space<vmem>> -> memref<80x128xf32, #tpu.memory_space<vmem>>
      tpu.wait_dma2 semaphore(%run_scoped3A_167 : memref<!tpu.dma_semaphore, #tpu.memory_space<semaphore_mem>>) src(%dma_wait3A_191 : memref<80x128xf32, #tpu.memory_space<vmem>>) dst(%dma_wait3A_187 : memref<80x128xf32, #tpu.memory_space<vmem_shared>>)
      tpu.yield
    }) : () -> ()
    %mul3A_17 = arith.constant 640 : i32
    %mul3A_18 = arith.muli %arg1, %mul3A_17 : i32
    %add3A_19 = arith.constant 160 : i32
    %add3A_20 = arith.addi %mul3A_18, %add3A_19 : i32
    %run_scoped3A_21 = arith.constant 0 : i32
    "tpu.region"() ({
      %run_scoped3A_167 = tpu.sem_alloc : memref<!tpu.dma_semaphore, #tpu.memory_space<semaphore_mem>>
      %dma_start3A_168 = arith.constant 0 : i32
      %dma_start3A_169 = arith.constant 0 : i32
      %dma_start3A_170 = tpu.memref_slice %arg6[%run_scoped3A_21, %dma_start3A_168, %dma_start3A_169] : memref<3x80x128xf32, #tpu.memory_space<vmem>> -> memref<1x80x128xf32, #tpu.memory_space<vmem>>
      %dma_start3A_171 = tpu.memref_squeeze %dma_start3A_170 : memref<1x80x128xf32, #tpu.memory_space<vmem>> -> memref<80x128xf32, #tpu.memory_space<vmem>>
      %dma_start3A_172 = arith.constant 0 : i32
      %dma_start3A_173 = tpu.memref_slice %arg7[%add3A_20, %dma_start3A_172] : memref<10240x128xf32, #tpu.memory_space<vmem_shared>> -> memref<80x128xf32, #tpu.memory_space<vmem_shared>>
      %dma_start3A_174 = arith.constant 0 : i32
      %dma_start3A_175 = tpu.memref_slice %arg7[%add3A_20, %dma_start3A_174] : memref<10240x128xf32, #tpu.memory_space<vmem_shared>> -> memref<80x128xf32, #tpu.memory_space<vmem_shared>>
      %dma_start3A_176 = arith.constant 0 : i32
      %dma_start3A_177 = arith.constant 0 : i32
      %dma_start3A_178 = tpu.memref_slice %arg6[%run_scoped3A_21, %dma_start3A_176, %dma_start3A_177] : memref<3x80x128xf32, #tpu.memory_space<vmem>> -> memref<1x80x128xf32, #tpu.memory_space<vmem>>
      %dma_start3A_179 = tpu.memref_squeeze %dma_start3A_178 : memref<1x80x128xf32, #tpu.memory_space<vmem>> -> memref<80x128xf32, #tpu.memory_space<vmem>>
      tpu.enqueue_dma source(%dma_start3A_179 : memref<80x128xf32, #tpu.memory_space<vmem>>) target(%dma_start3A_175 : memref<80x128xf32, #tpu.memory_space<vmem_shared>>) target_semaphore(%run_scoped3A_167 : memref<!tpu.dma_semaphore, #tpu.memory_space<semaphore_mem>>)
      %dma_wait3A_180 = arith.constant 0 : i32
      %dma_wait3A_181 = arith.constant 0 : i32
      %dma_wait3A_182 = tpu.memref_slice %arg6[%run_scoped3A_21, %dma_wait3A_180, %dma_wait3A_181] : memref<3x80x128xf32, #tpu.memory_space<vmem>> -> memref<1x80x128xf32, #tpu.memory_space<vmem>>
      %dma_wait3A_183 = tpu.memref_squeeze %dma_wait3A_182 : memref<1x80x128xf32, #tpu.memory_space<vmem>> -> memref<80x128xf32, #tpu.memory_space<vmem>>
      %dma_wait3A_184 = arith.constant 0 : i32
      %dma_wait3A_185 = tpu.memref_slice %arg7[%add3A_20, %dma_wait3A_184] : memref<10240x128xf32, #tpu.memory_space<vmem_shared>> -> memref<80x128xf32, #tpu.memory_space<vmem_shared>>
      %dma_wait3A_186 = arith.constant 0 : i32
      %dma_wait3A_187 = tpu.memref_slice %arg7[%add3A_20, %dma_wait3A_186] : memref<10240x128xf32, #tpu.memory_space<vmem_shared>> -> memref<80x128xf32, #tpu.memory_space<vmem_shared>>
      %dma_wait3A_188 = arith.constant 0 : i32
      %dma_wait3A_189 = arith.constant 0 : i32
      %dma_wait3A_190 = tpu.memref_slice %arg6[%run_scoped3A_21, %dma_wait3A_188, %dma_wait3A_189] : memref<3x80x128xf32, #tpu.memory_space<vmem>> -> memref<1x80x128xf32, #tpu.memory_space<vmem>>
      %dma_wait3A_191 = tpu.memref_squeeze %dma_wait3A_190 : memref<1x80x128xf32, #tpu.memory_space<vmem>> -> memref<80x128xf32, #tpu.memory_space<vmem>>
      tpu.wait_dma2 semaphore(%run_scoped3A_167 : memref<!tpu.dma_semaphore, #tpu.memory_space<semaphore_mem>>) src(%dma_wait3A_191 : memref<80x128xf32, #tpu.memory_space<vmem>>) dst(%dma_wait3A_187 : memref<80x128xf32, #tpu.memory_space<vmem_shared>>)
      tpu.yield
    }) : () -> ()
    %mul3A_22 = arith.constant 640 : i32
    %mul3A_23 = arith.muli %arg1, %mul3A_22 : i32
    %add3A_24 = arith.constant 240 : i32
    %add3A_25 = arith.addi %mul3A_23, %add3A_24 : i32
    %run_scoped3A_26 = arith.constant 0 : i32
    "tpu.region"() ({
      %run_scoped3A_167 = tpu.sem_alloc : memref<!tpu.dma_semaphore, #tpu.memory_space<semaphore_mem>>
      %dma_start3A_168 = arith.constant 0 : i32
      %dma_start3A_169 = arith.constant 0 : i32
      %dma_start3A_170 = tpu.memref_slice %arg6[%run_scoped3A_26, %dma_start3A_168, %dma_start3A_169] : memref<3x80x128xf32, #tpu.memory_space<vmem>> -> memref<1x80x128xf32, #tpu.memory_space<vmem>>
      %dma_start3A_171 = tpu.memref_squeeze %dma_start3A_170 : memref<1x80x128xf32, #tpu.memory_space<vmem>> -> memref<80x128xf32, #tpu.memory_space<vmem>>
      %dma_start3A_172 = arith.constant 0 : i32
      %dma_start3A_173 = tpu.memref_slice %arg7[%add3A_25, %dma_start3A_172] : memref<10240x128xf32, #tpu.memory_space<vmem_shared>> -> memref<80x128xf32, #tpu.memory_space<vmem_shared>>
      %dma_start3A_174 = arith.constant 0 : i32
      %dma_start3A_175 = tpu.memref_slice %arg7[%add3A_25, %dma_start3A_174] : memref<10240x128xf32, #tpu.memory_space<vmem_shared>> -> memref<80x128xf32, #tpu.memory_space<vmem_shared>>
      %dma_start3A_176 = arith.constant 0 : i32
      %dma_start3A_177 = arith.constant 0 : i32
      %dma_start3A_178 = tpu.memref_slice %arg6[%run_scoped3A_26, %dma_start3A_176, %dma_start3A_177] : memref<3x80x128xf32, #tpu.memory_space<vmem>> -> memref<1x80x128xf32, #tpu.memory_space<vmem>>
      %dma_start3A_179 = tpu.memref_squeeze %dma_start3A_178 : memref<1x80x128xf32, #tpu.memory_space<vmem>> -> memref<80x128xf32, #tpu.memory_space<vmem>>
      tpu.enqueue_dma source(%dma_start3A_179 : memref<80x128xf32, #tpu.memory_space<vmem>>) target(%dma_start3A_175 : memref<80x128xf32, #tpu.memory_space<vmem_shared>>) target_semaphore(%run_scoped3A_167 : memref<!tpu.dma_semaphore, #tpu.memory_space<semaphore_mem>>)
      %dma_wait3A_180 = arith.constant 0 : i32
      %dma_wait3A_181 = arith.constant 0 : i32
      %dma_wait3A_182 = tpu.memref_slice %arg6[%run_scoped3A_26, %dma_wait3A_180, %dma_wait3A_181] : memref<3x80x128xf32, #tpu.memory_space<vmem>> -> memref<1x80x128xf32, #tpu.memory_space<vmem>>
      %dma_wait3A_183 = tpu.memref_squeeze %dma_wait3A_182 : memref<1x80x128xf32, #tpu.memory_space<vmem>> -> memref<80x128xf32, #tpu.memory_space<vmem>>
      %dma_wait3A_184 = arith.constant 0 : i32
      %dma_wait3A_185 = tpu.memref_slice %arg7[%add3A_25, %dma_wait3A_184] : memref<10240x128xf32, #tpu.memory_space<vmem_shared>> -> memref<80x128xf32, #tpu.memory_space<vmem_shared>>
      %dma_wait3A_186 = arith.constant 0 : i32
      %dma_wait3A_187 = tpu.memref_slice %arg7[%add3A_25, %dma_wait3A_186] : memref<10240x128xf32, #tpu.memory_space<vmem_shared>> -> memref<80x128xf32, #tpu.memory_space<vmem_shared>>
      %dma_wait3A_188 = arith.constant 0 : i32
      %dma_wait3A_189 = arith.constant 0 : i32
      %dma_wait3A_190 = tpu.memref_slice %arg6[%run_scoped3A_26, %dma_wait3A_188, %dma_wait3A_189] : memref<3x80x128xf32, #tpu.memory_space<vmem>> -> memref<1x80x128xf32, #tpu.memory_space<vmem>>
      %dma_wait3A_191 = tpu.memref_squeeze %dma_wait3A_190 : memref<1x80x128xf32, #tpu.memory_space<vmem>> -> memref<80x128xf32, #tpu.memory_space<vmem>>
      tpu.wait_dma2 semaphore(%run_scoped3A_167 : memref<!tpu.dma_semaphore, #tpu.memory_space<semaphore_mem>>) src(%dma_wait3A_191 : memref<80x128xf32, #tpu.memory_space<vmem>>) dst(%dma_wait3A_187 : memref<80x128xf32, #tpu.memory_space<vmem_shared>>)
      tpu.yield
    }) : () -> ()
    %mul3A_27 = arith.constant 640 : i32
    %mul3A_28 = arith.muli %arg1, %mul3A_27 : i32
    %add3A_29 = arith.constant 320 : i32
    %add3A_30 = arith.addi %mul3A_28, %add3A_29 : i32
    %run_scoped3A_31 = arith.constant 0 : i32
    "tpu.region"() ({
      %run_scoped3A_167 = tpu.sem_alloc : memref<!tpu.dma_semaphore, #tpu.memory_space<semaphore_mem>>
      %dma_start3A_168 = arith.constant 0 : i32
      %dma_start3A_169 = arith.constant 0 : i32
      %dma_start3A_170 = tpu.memref_slice %arg6[%run_scoped3A_31, %dma_start3A_168, %dma_start3A_169] : memref<3x80x128xf32, #tpu.memory_space<vmem>> -> memref<1x80x128xf32, #tpu.memory_space<vmem>>
      %dma_start3A_171 = tpu.memref_squeeze %dma_start3A_170 : memref<1x80x128xf32, #tpu.memory_space<vmem>> -> memref<80x128xf32, #tpu.memory_space<vmem>>
      %dma_start3A_172 = arith.constant 0 : i32
      %dma_start3A_173 = tpu.memref_slice %arg7[%add3A_30, %dma_start3A_172] : memref<10240x128xf32, #tpu.memory_space<vmem_shared>> -> memref<80x128xf32, #tpu.memory_space<vmem_shared>>
      %dma_start3A_174 = arith.constant 0 : i32
      %dma_start3A_175 = tpu.memref_slice %arg7[%add3A_30, %dma_start3A_174] : memref<10240x128xf32, #tpu.memory_space<vmem_shared>> -> memref<80x128xf32, #tpu.memory_space<vmem_shared>>
      %dma_start3A_176 = arith.constant 0 : i32
      %dma_start3A_177 = arith.constant 0 : i32
      %dma_start3A_178 = tpu.memref_slice %arg6[%run_scoped3A_31, %dma_start3A_176, %dma_start3A_177] : memref<3x80x128xf32, #tpu.memory_space<vmem>> -> memref<1x80x128xf32, #tpu.memory_space<vmem>>
      %dma_start3A_179 = tpu.memref_squeeze %dma_start3A_178 : memref<1x80x128xf32, #tpu.memory_space<vmem>> -> memref<80x128xf32, #tpu.memory_space<vmem>>
      tpu.enqueue_dma source(%dma_start3A_179 : memref<80x128xf32, #tpu.memory_space<vmem>>) target(%dma_start3A_175 : memref<80x128xf32, #tpu.memory_space<vmem_shared>>) target_semaphore(%run_scoped3A_167 : memref<!tpu.dma_semaphore, #tpu.memory_space<semaphore_mem>>)
      %dma_wait3A_180 = arith.constant 0 : i32
      %dma_wait3A_181 = arith.constant 0 : i32
      %dma_wait3A_182 = tpu.memref_slice %arg6[%run_scoped3A_31, %dma_wait3A_180, %dma_wait3A_181] : memref<3x80x128xf32, #tpu.memory_space<vmem>> -> memref<1x80x128xf32, #tpu.memory_space<vmem>>
      %dma_wait3A_183 = tpu.memref_squeeze %dma_wait3A_182 : memref<1x80x128xf32, #tpu.memory_space<vmem>> -> memref<80x128xf32, #tpu.memory_space<vmem>>
      %dma_wait3A_184 = arith.constant 0 : i32
      %dma_wait3A_185 = tpu.memref_slice %arg7[%add3A_30, %dma_wait3A_184] : memref<10240x128xf32, #tpu.memory_space<vmem_shared>> -> memref<80x128xf32, #tpu.memory_space<vmem_shared>>
      %dma_wait3A_186 = arith.constant 0 : i32
      %dma_wait3A_187 = tpu.memref_slice %arg7[%add3A_30, %dma_wait3A_186] : memref<10240x128xf32, #tpu.memory_space<vmem_shared>> -> memref<80x128xf32, #tpu.memory_space<vmem_shared>>
      %dma_wait3A_188 = arith.constant 0 : i32
      %dma_wait3A_189 = arith.constant 0 : i32
      %dma_wait3A_190 = tpu.memref_slice %arg6[%run_scoped3A_31, %dma_wait3A_188, %dma_wait3A_189] : memref<3x80x128xf32, #tpu.memory_space<vmem>> -> memref<1x80x128xf32, #tpu.memory_space<vmem>>
      %dma_wait3A_191 = tpu.memref_squeeze %dma_wait3A_190 : memref<1x80x128xf32, #tpu.memory_space<vmem>> -> memref<80x128xf32, #tpu.memory_space<vmem>>
      tpu.wait_dma2 semaphore(%run_scoped3A_167 : memref<!tpu.dma_semaphore, #tpu.memory_space<semaphore_mem>>) src(%dma_wait3A_191 : memref<80x128xf32, #tpu.memory_space<vmem>>) dst(%dma_wait3A_187 : memref<80x128xf32, #tpu.memory_space<vmem_shared>>)
      tpu.yield
    }) : () -> ()
    %mul3A_32 = arith.constant 640 : i32
    %mul3A_33 = arith.muli %arg1, %mul3A_32 : i32
    %add3A_34 = arith.constant 400 : i32
    %add3A_35 = arith.addi %mul3A_33, %add3A_34 : i32
    %run_scoped3A_36 = arith.constant 0 : i32
    "tpu.region"() ({
      %run_scoped3A_167 = tpu.sem_alloc : memref<!tpu.dma_semaphore, #tpu.memory_space<semaphore_mem>>
      %dma_start3A_168 = arith.constant 0 : i32
      %dma_start3A_169 = arith.constant 0 : i32
      %dma_start3A_170 = tpu.memref_slice %arg6[%run_scoped3A_36, %dma_start3A_168, %dma_start3A_169] : memref<3x80x128xf32, #tpu.memory_space<vmem>> -> memref<1x80x128xf32, #tpu.memory_space<vmem>>
      %dma_start3A_171 = tpu.memref_squeeze %dma_start3A_170 : memref<1x80x128xf32, #tpu.memory_space<vmem>> -> memref<80x128xf32, #tpu.memory_space<vmem>>
      %dma_start3A_172 = arith.constant 0 : i32
      %dma_start3A_173 = tpu.memref_slice %arg7[%add3A_35, %dma_start3A_172] : memref<10240x128xf32, #tpu.memory_space<vmem_shared>> -> memref<80x128xf32, #tpu.memory_space<vmem_shared>>
      %dma_start3A_174 = arith.constant 0 : i32
      %dma_start3A_175 = tpu.memref_slice %arg7[%add3A_35, %dma_start3A_174] : memref<10240x128xf32, #tpu.memory_space<vmem_shared>> -> memref<80x128xf32, #tpu.memory_space<vmem_shared>>
      %dma_start3A_176 = arith.constant 0 : i32
      %dma_start3A_177 = arith.constant 0 : i32
      %dma_start3A_178 = tpu.memref_slice %arg6[%run_scoped3A_36, %dma_start3A_176, %dma_start3A_177] : memref<3x80x128xf32, #tpu.memory_space<vmem>> -> memref<1x80x128xf32, #tpu.memory_space<vmem>>
      %dma_start3A_179 = tpu.memref_squeeze %dma_start3A_178 : memref<1x80x128xf32, #tpu.memory_space<vmem>> -> memref<80x128xf32, #tpu.memory_space<vmem>>
      tpu.enqueue_dma source(%dma_start3A_179 : memref<80x128xf32, #tpu.memory_space<vmem>>) target(%dma_start3A_175 : memref<80x128xf32, #tpu.memory_space<vmem_shared>>) target_semaphore(%run_scoped3A_167 : memref<!tpu.dma_semaphore, #tpu.memory_space<semaphore_mem>>)
      %dma_wait3A_180 = arith.constant 0 : i32
      %dma_wait3A_181 = arith.constant 0 : i32
      %dma_wait3A_182 = tpu.memref_slice %arg6[%run_scoped3A_36, %dma_wait3A_180, %dma_wait3A_181] : memref<3x80x128xf32, #tpu.memory_space<vmem>> -> memref<1x80x128xf32, #tpu.memory_space<vmem>>
      %dma_wait3A_183 = tpu.memref_squeeze %dma_wait3A_182 : memref<1x80x128xf32, #tpu.memory_space<vmem>> -> memref<80x128xf32, #tpu.memory_space<vmem>>
      %dma_wait3A_184 = arith.constant 0 : i32
      %dma_wait3A_185 = tpu.memref_slice %arg7[%add3A_35, %dma_wait3A_184] : memref<10240x128xf32, #tpu.memory_space<vmem_shared>> -> memref<80x128xf32, #tpu.memory_space<vmem_shared>>
      %dma_wait3A_186 = arith.constant 0 : i32
      %dma_wait3A_187 = tpu.memref_slice %arg7[%add3A_35, %dma_wait3A_186] : memref<10240x128xf32, #tpu.memory_space<vmem_shared>> -> memref<80x128xf32, #tpu.memory_space<vmem_shared>>
      %dma_wait3A_188 = arith.constant 0 : i32
      %dma_wait3A_189 = arith.constant 0 : i32
      %dma_wait3A_190 = tpu.memref_slice %arg6[%run_scoped3A_36, %dma_wait3A_188, %dma_wait3A_189] : memref<3x80x128xf32, #tpu.memory_space<vmem>> -> memref<1x80x128xf32, #tpu.memory_space<vmem>>
      %dma_wait3A_191 = tpu.memref_squeeze %dma_wait3A_190 : memref<1x80x128xf32, #tpu.memory_space<vmem>> -> memref<80x128xf32, #tpu.memory_space<vmem>>
      tpu.wait_dma2 semaphore(%run_scoped3A_167 : memref<!tpu.dma_semaphore, #tpu.memory_space<semaphore_mem>>) src(%dma_wait3A_191 : memref<80x128xf32, #tpu.memory_space<vmem>>) dst(%dma_wait3A_187 : memref<80x128xf32, #tpu.memory_space<vmem_shared>>)
      tpu.yield
    }) : () -> ()
    %mul3A_37 = arith.constant 640 : i32
    %mul3A_38 = arith.muli %arg1, %mul3A_37 : i32
    %add3A_39 = arith.constant 480 : i32
    %add3A_40 = arith.addi %mul3A_38, %add3A_39 : i32
    %run_scoped3A_41 = arith.constant 0 : i32
    "tpu.region"() ({
      %run_scoped3A_167 = tpu.sem_alloc : memref<!tpu.dma_semaphore, #tpu.memory_space<semaphore_mem>>
      %dma_start3A_168 = arith.constant 0 : i32
      %dma_start3A_169 = arith.constant 0 : i32
      %dma_start3A_170 = tpu.memref_slice %arg6[%run_scoped3A_41, %dma_start3A_168, %dma_start3A_169] : memref<3x80x128xf32, #tpu.memory_space<vmem>> -> memref<1x80x128xf32, #tpu.memory_space<vmem>>
      %dma_start3A_171 = tpu.memref_squeeze %dma_start3A_170 : memref<1x80x128xf32, #tpu.memory_space<vmem>> -> memref<80x128xf32, #tpu.memory_space<vmem>>
      %dma_start3A_172 = arith.constant 0 : i32
      %dma_start3A_173 = tpu.memref_slice %arg7[%add3A_40, %dma_start3A_172] : memref<10240x128xf32, #tpu.memory_space<vmem_shared>> -> memref<80x128xf32, #tpu.memory_space<vmem_shared>>
      %dma_start3A_174 = arith.constant 0 : i32
      %dma_start3A_175 = tpu.memref_slice %arg7[%add3A_40, %dma_start3A_174] : memref<10240x128xf32, #tpu.memory_space<vmem_shared>> -> memref<80x128xf32, #tpu.memory_space<vmem_shared>>
      %dma_start3A_176 = arith.constant 0 : i32
      %dma_start3A_177 = arith.constant 0 : i32
      %dma_start3A_178 = tpu.memref_slice %arg6[%run_scoped3A_41, %dma_start3A_176, %dma_start3A_177] : memref<3x80x128xf32, #tpu.memory_space<vmem>> -> memref<1x80x128xf32, #tpu.memory_space<vmem>>
      %dma_start3A_179 = tpu.memref_squeeze %dma_start3A_178 : memref<1x80x128xf32, #tpu.memory_space<vmem>> -> memref<80x128xf32, #tpu.memory_space<vmem>>
      tpu.enqueue_dma source(%dma_start3A_179 : memref<80x128xf32, #tpu.memory_space<vmem>>) target(%dma_start3A_175 : memref<80x128xf32, #tpu.memory_space<vmem_shared>>) target_semaphore(%run_scoped3A_167 : memref<!tpu.dma_semaphore, #tpu.memory_space<semaphore_mem>>)
      %dma_wait3A_180 = arith.constant 0 : i32
      %dma_wait3A_181 = arith.constant 0 : i32
      %dma_wait3A_182 = tpu.memref_slice %arg6[%run_scoped3A_41, %dma_wait3A_180, %dma_wait3A_181] : memref<3x80x128xf32, #tpu.memory_space<vmem>> -> memref<1x80x128xf32, #tpu.memory_space<vmem>>
      %dma_wait3A_183 = tpu.memref_squeeze %dma_wait3A_182 : memref<1x80x128xf32, #tpu.memory_space<vmem>> -> memref<80x128xf32, #tpu.memory_space<vmem>>
      %dma_wait3A_184 = arith.constant 0 : i32
      %dma_wait3A_185 = tpu.memref_slice %arg7[%add3A_40, %dma_wait3A_184] : memref<10240x128xf32, #tpu.memory_space<vmem_shared>> -> memref<80x128xf32, #tpu.memory_space<vmem_shared>>
      %dma_wait3A_186 = arith.constant 0 : i32
      %dma_wait3A_187 = tpu.memref_slice %arg7[%add3A_40, %dma_wait3A_186] : memref<10240x128xf32, #tpu.memory_space<vmem_shared>> -> memref<80x128xf32, #tpu.memory_space<vmem_shared>>
      %dma_wait3A_188 = arith.constant 0 : i32
      %dma_wait3A_189 = arith.constant 0 : i32
      %dma_wait3A_190 = tpu.memref_slice %arg6[%run_scoped3A_41, %dma_wait3A_188, %dma_wait3A_189] : memref<3x80x128xf32, #tpu.memory_space<vmem>> -> memref<1x80x128xf32, #tpu.memory_space<vmem>>
      %dma_wait3A_191 = tpu.memref_squeeze %dma_wait3A_190 : memref<1x80x128xf32, #tpu.memory_space<vmem>> -> memref<80x128xf32, #tpu.memory_space<vmem>>
      tpu.wait_dma2 semaphore(%run_scoped3A_167 : memref<!tpu.dma_semaphore, #tpu.memory_space<semaphore_mem>>) src(%dma_wait3A_191 : memref<80x128xf32, #tpu.memory_space<vmem>>) dst(%dma_wait3A_187 : memref<80x128xf32, #tpu.memory_space<vmem_shared>>)
      tpu.yield
    }) : () -> ()
    %mul3A_42 = arith.constant 640 : i32
    %mul3A_43 = arith.muli %arg1, %mul3A_42 : i32
    %add3A_44 = arith.constant 560 : i32
    %add3A_45 = arith.addi %mul3A_43, %add3A_44 : i32
    %run_scoped3A_46 = arith.constant 0 : i32
    "tpu.region"() ({
      %run_scoped3A_167 = tpu.sem_alloc : memref<!tpu.dma_semaphore, #tpu.memory_space<semaphore_mem>>
      %dma_start3A_168 = arith.constant 0 : i32
      %dma_start3A_169 = arith.constant 0 : i32
      %dma_start3A_170 = tpu.memref_slice %arg6[%run_scoped3A_46, %dma_start3A_168, %dma_start3A_169] : memref<3x80x128xf32, #tpu.memory_space<vmem>> -> memref<1x80x128xf32, #tpu.memory_space<vmem>>
      %dma_start3A_171 = tpu.memref_squeeze %dma_start3A_170 : memref<1x80x128xf32, #tpu.memory_space<vmem>> -> memref<80x128xf32, #tpu.memory_space<vmem>>
      %dma_start3A_172 = arith.constant 0 : i32
      %dma_start3A_173 = tpu.memref_slice %arg7[%add3A_45, %dma_start3A_172] : memref<10240x128xf32, #tpu.memory_space<vmem_shared>> -> memref<80x128xf32, #tpu.memory_space<vmem_shared>>
      %dma_start3A_174 = arith.constant 0 : i32
      %dma_start3A_175 = tpu.memref_slice %arg7[%add3A_45, %dma_start3A_174] : memref<10240x128xf32, #tpu.memory_space<vmem_shared>> -> memref<80x128xf32, #tpu.memory_space<vmem_shared>>
      %dma_start3A_176 = arith.constant 0 : i32
      %dma_start3A_177 = arith.constant 0 : i32
      %dma_start3A_178 = tpu.memref_slice %arg6[%run_scoped3A_46, %dma_start3A_176, %dma_start3A_177] : memref<3x80x128xf32, #tpu.memory_space<vmem>> -> memref<1x80x128xf32, #tpu.memory_space<vmem>>
      %dma_start3A_179 = tpu.memref_squeeze %dma_start3A_178 : memref<1x80x128xf32, #tpu.memory_space<vmem>> -> memref<80x128xf32, #tpu.memory_space<vmem>>
      tpu.enqueue_dma source(%dma_start3A_179 : memref<80x128xf32, #tpu.memory_space<vmem>>) target(%dma_start3A_175 : memref<80x128xf32, #tpu.memory_space<vmem_shared>>) target_semaphore(%run_scoped3A_167 : memref<!tpu.dma_semaphore, #tpu.memory_space<semaphore_mem>>)
      %dma_wait3A_180 = arith.constant 0 : i32
      %dma_wait3A_181 = arith.constant 0 : i32
      %dma_wait3A_182 = tpu.memref_slice %arg6[%run_scoped3A_46, %dma_wait3A_180, %dma_wait3A_181] : memref<3x80x128xf32, #tpu.memory_space<vmem>> -> memref<1x80x128xf32, #tpu.memory_space<vmem>>
      %dma_wait3A_183 = tpu.memref_squeeze %dma_wait3A_182 : memref<1x80x128xf32, #tpu.memory_space<vmem>> -> memref<80x128xf32, #tpu.memory_space<vmem>>
      %dma_wait3A_184 = arith.constant 0 : i32
      %dma_wait3A_185 = tpu.memref_slice %arg7[%add3A_45, %dma_wait3A_184] : memref<10240x128xf32, #tpu.memory_space<vmem_shared>> -> memref<80x128xf32, #tpu.memory_space<vmem_shared>>
      %dma_wait3A_186 = arith.constant 0 : i32
      %dma_wait3A_187 = tpu.memref_slice %arg7[%add3A_45, %dma_wait3A_186] : memref<10240x128xf32, #tpu.memory_space<vmem_shared>> -> memref<80x128xf32, #tpu.memory_space<vmem_shared>>
      %dma_wait3A_188 = arith.constant 0 : i32
      %dma_wait3A_189 = arith.constant 0 : i32
      %dma_wait3A_190 = tpu.memref_slice %arg6[%run_scoped3A_46, %dma_wait3A_188, %dma_wait3A_189] : memref<3x80x128xf32, #tpu.memory_space<vmem>> -> memref<1x80x128xf32, #tpu.memory_space<vmem>>
      %dma_wait3A_191 = tpu.memref_squeeze %dma_wait3A_190 : memref<1x80x128xf32, #tpu.memory_space<vmem>> -> memref<80x128xf32, #tpu.memory_space<vmem>>
      tpu.wait_dma2 semaphore(%run_scoped3A_167 : memref<!tpu.dma_semaphore, #tpu.memory_space<semaphore_mem>>) src(%dma_wait3A_191 : memref<80x128xf32, #tpu.memory_space<vmem>>) dst(%dma_wait3A_187 : memref<80x128xf32, #tpu.memory_space<vmem_shared>>)
      tpu.yield
    }) : () -> ()
    %barrier3A = arith.constant 0 : index
    tpu.barrier barrier_id(%barrier3A)
    %scan3A_47 = arith.constant 0 : i32
    %scan3A_48 = arith.constant 0 : i32
    %scan3A_49 = arith.constant 41 : i32
    %scan3A_50 = arith.addi %scan3A_48, %scan3A_49 : i32
    %scan3A_51 = arith.constant 1 : i32
    scf.for %scan3A_167 = %scan3A_48 to %scan3A_50 step %scan3A_51  : i32 {
      %mul3A_168 = arith.constant 3 : i32
      %mul3A_169 = arith.muli %scan3A_167, %mul3A_168 : i32
      %gt3A = arith.constant 0 : i32
      %gt3A_170 = arith.cmpi sgt, %scan3A_167, %gt3A : i32
      %convert_element_type3A = arith.extui %gt3A_170 : i1 to i32
      %cond3A = arith.constant 0 : i32
      %cond3A_171 = arith.cmpi ne, %convert_element_type3A, %cond3A : i32
      scf.if %cond3A_171 {
        %dma_wait3A_389 = arith.constant 0 : i32
        %dma_wait3A_390 = arith.constant 0 : i32
        %dma_wait3A_391 = arith.constant 0 : i32
        %dma_wait3A_392 = arith.constant 0 : i32
        %dma_wait3A_393 = arith.constant 0 : i32
        %dma_wait3A_394 = tpu.memref_slice %arg6[%dma_wait3A_389, %dma_wait3A_392, %dma_wait3A_393] : memref<3x80x128xf32, #tpu.memory_space<vmem>> -> memref<1x80x128xf32, #tpu.memory_space<vmem>>
        %dma_wait3A_395 = tpu.memref_squeeze %dma_wait3A_394 : memref<1x80x128xf32, #tpu.memory_space<vmem>> -> memref<80x128xf32, #tpu.memory_space<vmem>>
        %dma_wait3A_396 = arith.constant 0 : i32
        %dma_wait3A_397 = tpu.memref_slice %arg5[%dma_wait3A_390, %dma_wait3A_396] : memref<3x80xi32, #tpu.memory_space<vmem>> -> memref<1x80xi32, #tpu.memory_space<vmem>>
        %dma_wait3A_398 = tpu.memref_squeeze %dma_wait3A_397 : memref<1x80xi32, #tpu.memory_space<vmem>> -> memref<80xi32, #tpu.memory_space<vmem>>
        %dma_wait3A_399 = arith.constant 0 : i32
        %dma_wait3A_400 = arith.constant 0 : i32
        %dma_wait3A_401 = tpu.memref_slice %arg7[%dma_wait3A_399, %dma_wait3A_400] : memref<10240x128xf32, #tpu.memory_space<vmem_shared>> -> memref<10240x128xf32, #tpu.memory_space<vmem_shared>>
        %dma_wait3A_402 = tpu.memref_slice %arg10[%dma_wait3A_391] : memref<3x!tpu.dma_semaphore, #tpu.memory_space<semaphore_mem>> -> memref<1x!tpu.dma_semaphore, #tpu.memory_space<semaphore_mem>>
        %dma_wait3A_403 = tpu.memref_squeeze %dma_wait3A_402 : memref<1x!tpu.dma_semaphore, #tpu.memory_space<semaphore_mem>> -> memref<!tpu.dma_semaphore, #tpu.memory_space<semaphore_mem>>
        tpu.wait_indirect_dma semaphore(%dma_wait3A_403 : memref<!tpu.dma_semaphore, #tpu.memory_space<semaphore_mem>>) src(%dma_wait3A_395 : memref<80x128xf32, #tpu.memory_space<vmem>>) dst(%dma_wait3A_401 : memref<10240x128xf32, #tpu.memory_space<vmem_shared>>)
      } else {
      }
      %gt3A_172 = arith.constant 0 : i32
      %gt3A_173 = arith.cmpi sgt, %scan3A_167, %gt3A_172 : i32
      %convert_element_type3A_174 = arith.extui %gt3A_173 : i1 to i32
      %cond3A_175 = arith.constant 0 : i32
      %cond3A_176 = arith.cmpi ne, %convert_element_type3A_174, %cond3A_175 : i32
      scf.if %cond3A_176 {
        %dma_wait3A_389 = arith.constant 1 : i32
        %dma_wait3A_390 = arith.constant 1 : i32
        %dma_wait3A_391 = arith.constant 1 : i32
        %dma_wait3A_392 = arith.constant 0 : i32
        %dma_wait3A_393 = arith.constant 0 : i32
        %dma_wait3A_394 = tpu.memref_slice %arg6[%dma_wait3A_389, %dma_wait3A_392, %dma_wait3A_393] : memref<3x80x128xf32, #tpu.memory_space<vmem>> -> memref<1x80x128xf32, #tpu.memory_space<vmem>>
        %dma_wait3A_395 = tpu.memref_squeeze %dma_wait3A_394 : memref<1x80x128xf32, #tpu.memory_space<vmem>> -> memref<80x128xf32, #tpu.memory_space<vmem>>
        %dma_wait3A_396 = arith.constant 0 : i32
        %dma_wait3A_397 = tpu.memref_slice %arg5[%dma_wait3A_390, %dma_wait3A_396] : memref<3x80xi32, #tpu.memory_space<vmem>> -> memref<1x80xi32, #tpu.memory_space<vmem>>
        %dma_wait3A_398 = tpu.memref_squeeze %dma_wait3A_397 : memref<1x80xi32, #tpu.memory_space<vmem>> -> memref<80xi32, #tpu.memory_space<vmem>>
        %dma_wait3A_399 = arith.constant 0 : i32
        %dma_wait3A_400 = arith.constant 0 : i32
        %dma_wait3A_401 = tpu.memref_slice %arg7[%dma_wait3A_399, %dma_wait3A_400] : memref<10240x128xf32, #tpu.memory_space<vmem_shared>> -> memref<10240x128xf32, #tpu.memory_space<vmem_shared>>
        %dma_wait3A_402 = tpu.memref_slice %arg10[%dma_wait3A_391] : memref<3x!tpu.dma_semaphore, #tpu.memory_space<semaphore_mem>> -> memref<1x!tpu.dma_semaphore, #tpu.memory_space<semaphore_mem>>
        %dma_wait3A_403 = tpu.memref_squeeze %dma_wait3A_402 : memref<1x!tpu.dma_semaphore, #tpu.memory_space<semaphore_mem>> -> memref<!tpu.dma_semaphore, #tpu.memory_space<semaphore_mem>>
        tpu.wait_indirect_dma semaphore(%dma_wait3A_403 : memref<!tpu.dma_semaphore, #tpu.memory_space<semaphore_mem>>) src(%dma_wait3A_395 : memref<80x128xf32, #tpu.memory_space<vmem>>) dst(%dma_wait3A_401 : memref<10240x128xf32, #tpu.memory_space<vmem_shared>>)
      } else {
      }
      %gt3A_177 = arith.constant 0 : i32
      %gt3A_178 = arith.cmpi sgt, %scan3A_167, %gt3A_177 : i32
      %convert_element_type3A_179 = arith.extui %gt3A_178 : i1 to i32
      %cond3A_180 = arith.constant 0 : i32
      %cond3A_181 = arith.cmpi ne, %convert_element_type3A_179, %cond3A_180 : i32
      scf.if %cond3A_181 {
        %dma_wait3A_389 = arith.constant 2 : i32
        %dma_wait3A_390 = arith.constant 2 : i32
        %dma_wait3A_391 = arith.constant 2 : i32
        %dma_wait3A_392 = arith.constant 0 : i32
        %dma_wait3A_393 = arith.constant 0 : i32
        %dma_wait3A_394 = tpu.memref_slice %arg6[%dma_wait3A_389, %dma_wait3A_392, %dma_wait3A_393] : memref<3x80x128xf32, #tpu.memory_space<vmem>> -> memref<1x80x128xf32, #tpu.memory_space<vmem>>
        %dma_wait3A_395 = tpu.memref_squeeze %dma_wait3A_394 : memref<1x80x128xf32, #tpu.memory_space<vmem>> -> memref<80x128xf32, #tpu.memory_space<vmem>>
        %dma_wait3A_396 = arith.constant 0 : i32
        %dma_wait3A_397 = tpu.memref_slice %arg5[%dma_wait3A_390, %dma_wait3A_396] : memref<3x80xi32, #tpu.memory_space<vmem>> -> memref<1x80xi32, #tpu.memory_space<vmem>>
        %dma_wait3A_398 = tpu.memref_squeeze %dma_wait3A_397 : memref<1x80xi32, #tpu.memory_space<vmem>> -> memref<80xi32, #tpu.memory_space<vmem>>
        %dma_wait3A_399 = arith.constant 0 : i32
        %dma_wait3A_400 = arith.constant 0 : i32
        %dma_wait3A_401 = tpu.memref_slice %arg7[%dma_wait3A_399, %dma_wait3A_400] : memref<10240x128xf32, #tpu.memory_space<vmem_shared>> -> memref<10240x128xf32, #tpu.memory_space<vmem_shared>>
        %dma_wait3A_402 = tpu.memref_slice %arg10[%dma_wait3A_391] : memref<3x!tpu.dma_semaphore, #tpu.memory_space<semaphore_mem>> -> memref<1x!tpu.dma_semaphore, #tpu.memory_space<semaphore_mem>>
        %dma_wait3A_403 = tpu.memref_squeeze %dma_wait3A_402 : memref<1x!tpu.dma_semaphore, #tpu.memory_space<semaphore_mem>> -> memref<!tpu.dma_semaphore, #tpu.memory_space<semaphore_mem>>
        tpu.wait_indirect_dma semaphore(%dma_wait3A_403 : memref<!tpu.dma_semaphore, #tpu.memory_space<semaphore_mem>>) src(%dma_wait3A_395 : memref<80x128xf32, #tpu.memory_space<vmem>>) dst(%dma_wait3A_401 : memref<10240x128xf32, #tpu.memory_space<vmem_shared>>)
      } else {
      }
      %add3A_182 = arith.constant 0 : i32
      %add3A_183 = arith.addi %mul3A_169, %add3A_182 : i32
      %mul3A_184 = arith.constant 80 : i32
      %mul3A_185 = arith.muli %add3A_183, %mul3A_184 : i32
      %add3A_186 = arith.addi %mul3A_2, %mul3A_185 : i32
      %dma_start3A_187 = arith.constant 0 : i32
      %dma_start3A_188 = arith.constant 0 : i32
      %dma_start3A_189 = tpu.memref_slice %arg5[%dma_start3A_187, %dma_start3A_188] : memref<3x80xi32, #tpu.memory_space<vmem>> -> memref<1x80xi32, #tpu.memory_space<vmem>>
      %dma_start3A_190 = tpu.memref_squeeze %dma_start3A_189 : memref<1x80xi32, #tpu.memory_space<vmem>> -> memref<80xi32, #tpu.memory_space<vmem>>
      %dma_start3A_191 = tpu.memref_slice %arg3[%add3A_186] : memref<320000xi32, #tpu.memory_space<hbm>> -> memref<80xi32, #tpu.memory_space<hbm>>
      %dma_start3A_192 = arith.constant 0 : i32
      %dma_start3A_193 = tpu.memref_slice %arg5[%dma_start3A_187, %dma_start3A_192] : memref<3x80xi32, #tpu.memory_space<vmem>> -> memref<1x80xi32, #tpu.memory_space<vmem>>
      %dma_start3A_194 = tpu.memref_squeeze %dma_start3A_193 : memref<1x80xi32, #tpu.memory_space<vmem>> -> memref<80xi32, #tpu.memory_space<vmem>>
      %dma_start3A_195 = tpu.memref_slice %arg3[%add3A_186] : memref<320000xi32, #tpu.memory_space<hbm>> -> memref<80xi32, #tpu.memory_space<hbm>>
      tpu.enqueue_dma source(%dma_start3A_195 : memref<80xi32, #tpu.memory_space<hbm>>) target(%dma_start3A_194 : memref<80xi32, #tpu.memory_space<vmem>>) target_semaphore(%arg8 : memref<!tpu.dma_semaphore, #tpu.memory_space<semaphore_mem>>)
      %add3A_196 = arith.constant 1 : i32
      %add3A_197 = arith.addi %mul3A_169, %add3A_196 : i32
      %mul3A_198 = arith.constant 80 : i32
      %mul3A_199 = arith.muli %add3A_197, %mul3A_198 : i32
      %add3A_200 = arith.addi %mul3A_2, %mul3A_199 : i32
      %dma_start3A_201 = arith.constant 1 : i32
      %dma_start3A_202 = arith.constant 0 : i32
      %dma_start3A_203 = tpu.memref_slice %arg5[%dma_start3A_201, %dma_start3A_202] : memref<3x80xi32, #tpu.memory_space<vmem>> -> memref<1x80xi32, #tpu.memory_space<vmem>>
      %dma_start3A_204 = tpu.memref_squeeze %dma_start3A_203 : memref<1x80xi32, #tpu.memory_space<vmem>> -> memref<80xi32, #tpu.memory_space<vmem>>
      %dma_start3A_205 = tpu.memref_slice %arg3[%add3A_200] : memref<320000xi32, #tpu.memory_space<hbm>> -> memref<80xi32, #tpu.memory_space<hbm>>
      %dma_start3A_206 = arith.constant 0 : i32
      %dma_start3A_207 = tpu.memref_slice %arg5[%dma_start3A_201, %dma_start3A_206] : memref<3x80xi32, #tpu.memory_space<vmem>> -> memref<1x80xi32, #tpu.memory_space<vmem>>
      %dma_start3A_208 = tpu.memref_squeeze %dma_start3A_207 : memref<1x80xi32, #tpu.memory_space<vmem>> -> memref<80xi32, #tpu.memory_space<vmem>>
      %dma_start3A_209 = tpu.memref_slice %arg3[%add3A_200] : memref<320000xi32, #tpu.memory_space<hbm>> -> memref<80xi32, #tpu.memory_space<hbm>>
      tpu.enqueue_dma source(%dma_start3A_209 : memref<80xi32, #tpu.memory_space<hbm>>) target(%dma_start3A_208 : memref<80xi32, #tpu.memory_space<vmem>>) target_semaphore(%arg8 : memref<!tpu.dma_semaphore, #tpu.memory_space<semaphore_mem>>)
      %add3A_210 = arith.constant 2 : i32
      %add3A_211 = arith.addi %mul3A_169, %add3A_210 : i32
      %mul3A_212 = arith.constant 80 : i32
      %mul3A_213 = arith.muli %add3A_211, %mul3A_212 : i32
      %add3A_214 = arith.addi %mul3A_2, %mul3A_213 : i32
      %dma_start3A_215 = arith.constant 2 : i32
      %dma_start3A_216 = arith.constant 0 : i32
      %dma_start3A_217 = tpu.memref_slice %arg5[%dma_start3A_215, %dma_start3A_216] : memref<3x80xi32, #tpu.memory_space<vmem>> -> memref<1x80xi32, #tpu.memory_space<vmem>>
      %dma_start3A_218 = tpu.memref_squeeze %dma_start3A_217 : memref<1x80xi32, #tpu.memory_space<vmem>> -> memref<80xi32, #tpu.memory_space<vmem>>
      %dma_start3A_219 = tpu.memref_slice %arg3[%add3A_214] : memref<320000xi32, #tpu.memory_space<hbm>> -> memref<80xi32, #tpu.memory_space<hbm>>
      %dma_start3A_220 = arith.constant 0 : i32
      %dma_start3A_221 = tpu.memref_slice %arg5[%dma_start3A_215, %dma_start3A_220] : memref<3x80xi32, #tpu.memory_space<vmem>> -> memref<1x80xi32, #tpu.memory_space<vmem>>
      %dma_start3A_222 = tpu.memref_squeeze %dma_start3A_221 : memref<1x80xi32, #tpu.memory_space<vmem>> -> memref<80xi32, #tpu.memory_space<vmem>>
      %dma_start3A_223 = tpu.memref_slice %arg3[%add3A_214] : memref<320000xi32, #tpu.memory_space<hbm>> -> memref<80xi32, #tpu.memory_space<hbm>>
      tpu.enqueue_dma source(%dma_start3A_223 : memref<80xi32, #tpu.memory_space<hbm>>) target(%dma_start3A_222 : memref<80xi32, #tpu.memory_space<vmem>>) target_semaphore(%arg8 : memref<!tpu.dma_semaphore, #tpu.memory_space<semaphore_mem>>)
      %add3A_224 = arith.constant 0 : i32
      %add3A_225 = arith.addi %mul3A_169, %add3A_224 : i32
      %mul3A_226 = arith.constant 80 : i32
      %mul3A_227 = arith.muli %add3A_225, %mul3A_226 : i32
      %add3A_228 = arith.addi %mul3A_2, %mul3A_227 : i32
      %dma_start3A_229 = arith.constant 0 : i32
      %dma_start3A_230 = arith.constant 0 : i32
      %dma_start3A_231 = arith.constant 0 : i32
      %dma_start3A_232 = tpu.memref_slice %arg6[%dma_start3A_229, %dma_start3A_230, %dma_start3A_231] : memref<3x80x128xf32, #tpu.memory_space<vmem>> -> memref<1x80x128xf32, #tpu.memory_space<vmem>>
      %dma_start3A_233 = tpu.memref_squeeze %dma_start3A_232 : memref<1x80x128xf32, #tpu.memory_space<vmem>> -> memref<80x128xf32, #tpu.memory_space<vmem>>
      %dma_start3A_234 = arith.constant 0 : i32
      %dma_start3A_235 = tpu.memref_slice %arg2[%add3A_228, %dma_start3A_234] : memref<320000x128xf32, #tpu.memory_space<hbm>> -> memref<80x128xf32, #tpu.memory_space<hbm>>
      %dma_start3A_236 = arith.constant 0 : i32
      %dma_start3A_237 = arith.constant 0 : i32
      %dma_start3A_238 = tpu.memref_slice %arg6[%dma_start3A_229, %dma_start3A_236, %dma_start3A_237] : memref<3x80x128xf32, #tpu.memory_space<vmem>> -> memref<1x80x128xf32, #tpu.memory_space<vmem>>
      %dma_start3A_239 = tpu.memref_squeeze %dma_start3A_238 : memref<1x80x128xf32, #tpu.memory_space<vmem>> -> memref<80x128xf32, #tpu.memory_space<vmem>>
      %dma_start3A_240 = arith.constant 0 : i32
      %dma_start3A_241 = tpu.memref_slice %arg2[%add3A_228, %dma_start3A_240] : memref<320000x128xf32, #tpu.memory_space<hbm>> -> memref<80x128xf32, #tpu.memory_space<hbm>>
      tpu.enqueue_dma source(%dma_start3A_241 : memref<80x128xf32, #tpu.memory_space<hbm>>) target(%dma_start3A_239 : memref<80x128xf32, #tpu.memory_space<vmem>>) target_semaphore(%arg9 : memref<!tpu.dma_semaphore, #tpu.memory_space<semaphore_mem>>)
      %add3A_242 = arith.constant 1 : i32
      %add3A_243 = arith.addi %mul3A_169, %add3A_242 : i32
      %mul3A_244 = arith.constant 80 : i32
      %mul3A_245 = arith.muli %add3A_243, %mul3A_244 : i32
      %add3A_246 = arith.addi %mul3A_2, %mul3A_245 : i32
      %dma_start3A_247 = arith.constant 1 : i32
      %dma_start3A_248 = arith.constant 0 : i32
      %dma_start3A_249 = arith.constant 0 : i32
      %dma_start3A_250 = tpu.memref_slice %arg6[%dma_start3A_247, %dma_start3A_248, %dma_start3A_249] : memref<3x80x128xf32, #tpu.memory_space<vmem>> -> memref<1x80x128xf32, #tpu.memory_space<vmem>>
      %dma_start3A_251 = tpu.memref_squeeze %dma_start3A_250 : memref<1x80x128xf32, #tpu.memory_space<vmem>> -> memref<80x128xf32, #tpu.memory_space<vmem>>
      %dma_start3A_252 = arith.constant 0 : i32
      %dma_start3A_253 = tpu.memref_slice %arg2[%add3A_246, %dma_start3A_252] : memref<320000x128xf32, #tpu.memory_space<hbm>> -> memref<80x128xf32, #tpu.memory_space<hbm>>
      %dma_start3A_254 = arith.constant 0 : i32
      %dma_start3A_255 = arith.constant 0 : i32
      %dma_start3A_256 = tpu.memref_slice %arg6[%dma_start3A_247, %dma_start3A_254, %dma_start3A_255] : memref<3x80x128xf32, #tpu.memory_space<vmem>> -> memref<1x80x128xf32, #tpu.memory_space<vmem>>
      %dma_start3A_257 = tpu.memref_squeeze %dma_start3A_256 : memref<1x80x128xf32, #tpu.memory_space<vmem>> -> memref<80x128xf32, #tpu.memory_space<vmem>>
      %dma_start3A_258 = arith.constant 0 : i32
      %dma_start3A_259 = tpu.memref_slice %arg2[%add3A_246, %dma_start3A_258] : memref<320000x128xf32, #tpu.memory_space<hbm>> -> memref<80x128xf32, #tpu.memory_space<hbm>>
      tpu.enqueue_dma source(%dma_start3A_259 : memref<80x128xf32, #tpu.memory_space<hbm>>) target(%dma_start3A_257 : memref<80x128xf32, #tpu.memory_space<vmem>>) target_semaphore(%arg9 : memref<!tpu.dma_semaphore, #tpu.memory_space<semaphore_mem>>)
      %add3A_260 = arith.constant 2 : i32
      %add3A_261 = arith.addi %mul3A_169, %add3A_260 : i32
      %mul3A_262 = arith.constant 80 : i32
      %mul3A_263 = arith.muli %add3A_261, %mul3A_262 : i32
      %add3A_264 = arith.addi %mul3A_2, %mul3A_263 : i32
      %dma_start3A_265 = arith.constant 2 : i32
      %dma_start3A_266 = arith.constant 0 : i32
      %dma_start3A_267 = arith.constant 0 : i32
      %dma_start3A_268 = tpu.memref_slice %arg6[%dma_start3A_265, %dma_start3A_266, %dma_start3A_267] : memref<3x80x128xf32, #tpu.memory_space<vmem>> -> memref<1x80x128xf32, #tpu.memory_space<vmem>>
      %dma_start3A_269 = tpu.memref_squeeze %dma_start3A_268 : memref<1x80x128xf32, #tpu.memory_space<vmem>> -> memref<80x128xf32, #tpu.memory_space<vmem>>
      %dma_start3A_270 = arith.constant 0 : i32
      %dma_start3A_271 = tpu.memref_slice %arg2[%add3A_264, %dma_start3A_270] : memref<320000x128xf32, #tpu.memory_space<hbm>> -> memref<80x128xf32, #tpu.memory_space<hbm>>
      %dma_start3A_272 = arith.constant 0 : i32
      %dma_start3A_273 = arith.constant 0 : i32
      %dma_start3A_274 = tpu.memref_slice %arg6[%dma_start3A_265, %dma_start3A_272, %dma_start3A_273] : memref<3x80x128xf32, #tpu.memory_space<vmem>> -> memref<1x80x128xf32, #tpu.memory_space<vmem>>
      %dma_start3A_275 = tpu.memref_squeeze %dma_start3A_274 : memref<1x80x128xf32, #tpu.memory_space<vmem>> -> memref<80x128xf32, #tpu.memory_space<vmem>>
      %dma_start3A_276 = arith.constant 0 : i32
      %dma_start3A_277 = tpu.memref_slice %arg2[%add3A_264, %dma_start3A_276] : memref<320000x128xf32, #tpu.memory_space<hbm>> -> memref<80x128xf32, #tpu.memory_space<hbm>>
      tpu.enqueue_dma source(%dma_start3A_277 : memref<80x128xf32, #tpu.memory_space<hbm>>) target(%dma_start3A_275 : memref<80x128xf32, #tpu.memory_space<vmem>>) target_semaphore(%arg9 : memref<!tpu.dma_semaphore, #tpu.memory_space<semaphore_mem>>)
      %dma_wait3A_278 = arith.constant 0 : i32
      %dma_wait3A_279 = arith.constant 0 : i32
      %dma_wait3A_280 = tpu.memref_slice %arg5[%dma_wait3A_278, %dma_wait3A_279] : memref<3x80xi32, #tpu.memory_space<vmem>> -> memref<1x80xi32, #tpu.memory_space<vmem>>
      %dma_wait3A_281 = tpu.memref_squeeze %dma_wait3A_280 : memref<1x80xi32, #tpu.memory_space<vmem>> -> memref<80xi32, #tpu.memory_space<vmem>>
      %dma_wait3A_282 = tpu.memref_slice %arg3[%add3A_186] : memref<320000xi32, #tpu.memory_space<hbm>> -> memref<80xi32, #tpu.memory_space<hbm>>
      %dma_wait3A_283 = arith.constant 0 : i32
      %dma_wait3A_284 = tpu.memref_slice %arg5[%dma_wait3A_278, %dma_wait3A_283] : memref<3x80xi32, #tpu.memory_space<vmem>> -> memref<1x80xi32, #tpu.memory_space<vmem>>
      %dma_wait3A_285 = tpu.memref_squeeze %dma_wait3A_284 : memref<1x80xi32, #tpu.memory_space<vmem>> -> memref<80xi32, #tpu.memory_space<vmem>>
      %dma_wait3A_286 = tpu.memref_slice %arg3[%add3A_186] : memref<320000xi32, #tpu.memory_space<hbm>> -> memref<80xi32, #tpu.memory_space<hbm>>
      tpu.wait_dma2 semaphore(%arg8 : memref<!tpu.dma_semaphore, #tpu.memory_space<semaphore_mem>>) src(%dma_wait3A_286 : memref<80xi32, #tpu.memory_space<hbm>>) dst(%dma_wait3A_285 : memref<80xi32, #tpu.memory_space<vmem>>)
      %dma_wait3A_287 = arith.constant 0 : i32
      %dma_wait3A_288 = arith.constant 0 : i32
      %dma_wait3A_289 = arith.constant 0 : i32
      %dma_wait3A_290 = tpu.memref_slice %arg6[%dma_wait3A_287, %dma_wait3A_288, %dma_wait3A_289] : memref<3x80x128xf32, #tpu.memory_space<vmem>> -> memref<1x80x128xf32, #tpu.memory_space<vmem>>
      %dma_wait3A_291 = tpu.memref_squeeze %dma_wait3A_290 : memref<1x80x128xf32, #tpu.memory_space<vmem>> -> memref<80x128xf32, #tpu.memory_space<vmem>>
      %dma_wait3A_292 = arith.constant 0 : i32
      %dma_wait3A_293 = tpu.memref_slice %arg2[%add3A_228, %dma_wait3A_292] : memref<320000x128xf32, #tpu.memory_space<hbm>> -> memref<80x128xf32, #tpu.memory_space<hbm>>
      %dma_wait3A_294 = arith.constant 0 : i32
      %dma_wait3A_295 = arith.constant 0 : i32
      %dma_wait3A_296 = tpu.memref_slice %arg6[%dma_wait3A_287, %dma_wait3A_294, %dma_wait3A_295] : memref<3x80x128xf32, #tpu.memory_space<vmem>> -> memref<1x80x128xf32, #tpu.memory_space<vmem>>
      %dma_wait3A_297 = tpu.memref_squeeze %dma_wait3A_296 : memref<1x80x128xf32, #tpu.memory_space<vmem>> -> memref<80x128xf32, #tpu.memory_space<vmem>>
      %dma_wait3A_298 = arith.constant 0 : i32
      %dma_wait3A_299 = tpu.memref_slice %arg2[%add3A_228, %dma_wait3A_298] : memref<320000x128xf32, #tpu.memory_space<hbm>> -> memref<80x128xf32, #tpu.memory_space<hbm>>
      tpu.wait_dma2 semaphore(%arg9 : memref<!tpu.dma_semaphore, #tpu.memory_space<semaphore_mem>>) src(%dma_wait3A_299 : memref<80x128xf32, #tpu.memory_space<hbm>>) dst(%dma_wait3A_297 : memref<80x128xf32, #tpu.memory_space<vmem>>)
      %dma_start3A_300 = arith.constant 0 : i32
      %dma_start3A_301 = arith.constant 0 : i32
      %dma_start3A_302 = arith.constant 0 : i32
      %dma_start3A_303 = arith.constant 0 : i32
      %dma_start3A_304 = arith.constant 0 : i32
      %dma_start3A_305 = tpu.memref_slice %arg6[%dma_start3A_300, %dma_start3A_303, %dma_start3A_304] : memref<3x80x128xf32, #tpu.memory_space<vmem>> -> memref<1x80x128xf32, #tpu.memory_space<vmem>>
      %dma_start3A_306 = tpu.memref_squeeze %dma_start3A_305 : memref<1x80x128xf32, #tpu.memory_space<vmem>> -> memref<80x128xf32, #tpu.memory_space<vmem>>
      %dma_start3A_307 = arith.constant 0 : i32
      %dma_start3A_308 = tpu.memref_slice %arg5[%dma_start3A_301, %dma_start3A_307] : memref<3x80xi32, #tpu.memory_space<vmem>> -> memref<1x80xi32, #tpu.memory_space<vmem>>
      %dma_start3A_309 = tpu.memref_squeeze %dma_start3A_308 : memref<1x80xi32, #tpu.memory_space<vmem>> -> memref<80xi32, #tpu.memory_space<vmem>>
      %dma_start3A_310 = arith.constant 0 : i32
      %dma_start3A_311 = arith.constant 0 : i32
      %dma_start3A_312 = tpu.memref_slice %arg7[%dma_start3A_310, %dma_start3A_311] : memref<10240x128xf32, #tpu.memory_space<vmem_shared>> -> memref<10240x128xf32, #tpu.memory_space<vmem_shared>>
      %dma_start3A_313 = tpu.memref_slice %arg10[%dma_start3A_302] : memref<3x!tpu.dma_semaphore, #tpu.memory_space<semaphore_mem>> -> memref<1x!tpu.dma_semaphore, #tpu.memory_space<semaphore_mem>>
      %dma_start3A_314 = tpu.memref_squeeze %dma_start3A_313 : memref<1x!tpu.dma_semaphore, #tpu.memory_space<semaphore_mem>> -> memref<!tpu.dma_semaphore, #tpu.memory_space<semaphore_mem>>
      tpu.enqueue_indirect_dma source(%dma_start3A_306 : memref<80x128xf32, #tpu.memory_space<vmem>>) target(%dma_start3A_312 : memref<10240x128xf32, #tpu.memory_space<vmem_shared>>) offsets(%dma_start3A_309 : memref<80xi32, #tpu.memory_space<vmem>>) semaphore(%dma_start3A_314 : memref<!tpu.dma_semaphore, #tpu.memory_space<semaphore_mem>>) {add = true}
      %dma_wait3A_315 = arith.constant 1 : i32
      %dma_wait3A_316 = arith.constant 0 : i32
      %dma_wait3A_317 = tpu.memref_slice %arg5[%dma_wait3A_315, %dma_wait3A_316] : memref<3x80xi32, #tpu.memory_space<vmem>> -> memref<1x80xi32, #tpu.memory_space<vmem>>
      %dma_wait3A_318 = tpu.memref_squeeze %dma_wait3A_317 : memref<1x80xi32, #tpu.memory_space<vmem>> -> memref<80xi32, #tpu.memory_space<vmem>>
      %dma_wait3A_319 = tpu.memref_slice %arg3[%add3A_200] : memref<320000xi32, #tpu.memory_space<hbm>> -> memref<80xi32, #tpu.memory_space<hbm>>
      %dma_wait3A_320 = arith.constant 0 : i32
      %dma_wait3A_321 = tpu.memref_slice %arg5[%dma_wait3A_315, %dma_wait3A_320] : memref<3x80xi32, #tpu.memory_space<vmem>> -> memref<1x80xi32, #tpu.memory_space<vmem>>
      %dma_wait3A_322 = tpu.memref_squeeze %dma_wait3A_321 : memref<1x80xi32, #tpu.memory_space<vmem>> -> memref<80xi32, #tpu.memory_space<vmem>>
      %dma_wait3A_323 = tpu.memref_slice %arg3[%add3A_200] : memref<320000xi32, #tpu.memory_space<hbm>> -> memref<80xi32, #tpu.memory_space<hbm>>
      tpu.wait_dma2 semaphore(%arg8 : memref<!tpu.dma_semaphore, #tpu.memory_space<semaphore_mem>>) src(%dma_wait3A_323 : memref<80xi32, #tpu.memory_space<hbm>>) dst(%dma_wait3A_322 : memref<80xi32, #tpu.memory_space<vmem>>)
      %dma_wait3A_324 = arith.constant 1 : i32
      %dma_wait3A_325 = arith.constant 0 : i32
      %dma_wait3A_326 = arith.constant 0 : i32
      %dma_wait3A_327 = tpu.memref_slice %arg6[%dma_wait3A_324, %dma_wait3A_325, %dma_wait3A_326] : memref<3x80x128xf32, #tpu.memory_space<vmem>> -> memref<1x80x128xf32, #tpu.memory_space<vmem>>
      %dma_wait3A_328 = tpu.memref_squeeze %dma_wait3A_327 : memref<1x80x128xf32, #tpu.memory_space<vmem>> -> memref<80x128xf32, #tpu.memory_space<vmem>>
      %dma_wait3A_329 = arith.constant 0 : i32
      %dma_wait3A_330 = tpu.memref_slice %arg2[%add3A_246, %dma_wait3A_329] : memref<320000x128xf32, #tpu.memory_space<hbm>> -> memref<80x128xf32, #tpu.memory_space<hbm>>
      %dma_wait3A_331 = arith.constant 0 : i32
      %dma_wait3A_332 = arith.constant 0 : i32
      %dma_wait3A_333 = tpu.memref_slice %arg6[%dma_wait3A_324, %dma_wait3A_331, %dma_wait3A_332] : memref<3x80x128xf32, #tpu.memory_space<vmem>> -> memref<1x80x128xf32, #tpu.memory_space<vmem>>
      %dma_wait3A_334 = tpu.memref_squeeze %dma_wait3A_333 : memref<1x80x128xf32, #tpu.memory_space<vmem>> -> memref<80x128xf32, #tpu.memory_space<vmem>>
      %dma_wait3A_335 = arith.constant 0 : i32
      %dma_wait3A_336 = tpu.memref_slice %arg2[%add3A_246, %dma_wait3A_335] : memref<320000x128xf32, #tpu.memory_space<hbm>> -> memref<80x128xf32, #tpu.memory_space<hbm>>
      tpu.wait_dma2 semaphore(%arg9 : memref<!tpu.dma_semaphore, #tpu.memory_space<semaphore_mem>>) src(%dma_wait3A_336 : memref<80x128xf32, #tpu.memory_space<hbm>>) dst(%dma_wait3A_334 : memref<80x128xf32, #tpu.memory_space<vmem>>)
      %dma_start3A_337 = arith.constant 1 : i32
      %dma_start3A_338 = arith.constant 1 : i32
      %dma_start3A_339 = arith.constant 1 : i32
      %dma_start3A_340 = arith.constant 0 : i32
      %dma_start3A_341 = arith.constant 0 : i32
      %dma_start3A_342 = tpu.memref_slice %arg6[%dma_start3A_337, %dma_start3A_340, %dma_start3A_341] : memref<3x80x128xf32, #tpu.memory_space<vmem>> -> memref<1x80x128xf32, #tpu.memory_space<vmem>>
      %dma_start3A_343 = tpu.memref_squeeze %dma_start3A_342 : memref<1x80x128xf32, #tpu.memory_space<vmem>> -> memref<80x128xf32, #tpu.memory_space<vmem>>
      %dma_start3A_344 = arith.constant 0 : i32
      %dma_start3A_345 = tpu.memref_slice %arg5[%dma_start3A_338, %dma_start3A_344] : memref<3x80xi32, #tpu.memory_space<vmem>> -> memref<1x80xi32, #tpu.memory_space<vmem>>
      %dma_start3A_346 = tpu.memref_squeeze %dma_start3A_345 : memref<1x80xi32, #tpu.memory_space<vmem>> -> memref<80xi32, #tpu.memory_space<vmem>>
      %dma_start3A_347 = arith.constant 0 : i32
      %dma_start3A_348 = arith.constant 0 : i32
      %dma_start3A_349 = tpu.memref_slice %arg7[%dma_start3A_347, %dma_start3A_348] : memref<10240x128xf32, #tpu.memory_space<vmem_shared>> -> memref<10240x128xf32, #tpu.memory_space<vmem_shared>>
      %dma_start3A_350 = tpu.memref_slice %arg10[%dma_start3A_339] : memref<3x!tpu.dma_semaphore, #tpu.memory_space<semaphore_mem>> -> memref<1x!tpu.dma_semaphore, #tpu.memory_space<semaphore_mem>>
      %dma_start3A_351 = tpu.memref_squeeze %dma_start3A_350 : memref<1x!tpu.dma_semaphore, #tpu.memory_space<semaphore_mem>> -> memref<!tpu.dma_semaphore, #tpu.memory_space<semaphore_mem>>
      tpu.enqueue_indirect_dma source(%dma_start3A_343 : memref<80x128xf32, #tpu.memory_space<vmem>>) target(%dma_start3A_349 : memref<10240x128xf32, #tpu.memory_space<vmem_shared>>) offsets(%dma_start3A_346 : memref<80xi32, #tpu.memory_space<vmem>>) semaphore(%dma_start3A_351 : memref<!tpu.dma_semaphore, #tpu.memory_space<semaphore_mem>>) {add = true}
      %dma_wait3A_352 = arith.constant 2 : i32
      %dma_wait3A_353 = arith.constant 0 : i32
      %dma_wait3A_354 = tpu.memref_slice %arg5[%dma_wait3A_352, %dma_wait3A_353] : memref<3x80xi32, #tpu.memory_space<vmem>> -> memref<1x80xi32, #tpu.memory_space<vmem>>
      %dma_wait3A_355 = tpu.memref_squeeze %dma_wait3A_354 : memref<1x80xi32, #tpu.memory_space<vmem>> -> memref<80xi32, #tpu.memory_space<vmem>>
      %dma_wait3A_356 = tpu.memref_slice %arg3[%add3A_214] : memref<320000xi32, #tpu.memory_space<hbm>> -> memref<80xi32, #tpu.memory_space<hbm>>
      %dma_wait3A_357 = arith.constant 0 : i32
      %dma_wait3A_358 = tpu.memref_slice %arg5[%dma_wait3A_352, %dma_wait3A_357] : memref<3x80xi32, #tpu.memory_space<vmem>> -> memref<1x80xi32, #tpu.memory_space<vmem>>
      %dma_wait3A_359 = tpu.memref_squeeze %dma_wait3A_358 : memref<1x80xi32, #tpu.memory_space<vmem>> -> memref<80xi32, #tpu.memory_space<vmem>>
      %dma_wait3A_360 = tpu.memref_slice %arg3[%add3A_214] : memref<320000xi32, #tpu.memory_space<hbm>> -> memref<80xi32, #tpu.memory_space<hbm>>
      tpu.wait_dma2 semaphore(%arg8 : memref<!tpu.dma_semaphore, #tpu.memory_space<semaphore_mem>>) src(%dma_wait3A_360 : memref<80xi32, #tpu.memory_space<hbm>>) dst(%dma_wait3A_359 : memref<80xi32, #tpu.memory_space<vmem>>)
      %dma_wait3A_361 = arith.constant 2 : i32
      %dma_wait3A_362 = arith.constant 0 : i32
      %dma_wait3A_363 = arith.constant 0 : i32
      %dma_wait3A_364 = tpu.memref_slice %arg6[%dma_wait3A_361, %dma_wait3A_362, %dma_wait3A_363] : memref<3x80x128xf32, #tpu.memory_space<vmem>> -> memref<1x80x128xf32, #tpu.memory_space<vmem>>
      %dma_wait3A_365 = tpu.memref_squeeze %dma_wait3A_364 : memref<1x80x128xf32, #tpu.memory_space<vmem>> -> memref<80x128xf32, #tpu.memory_space<vmem>>
      %dma_wait3A_366 = arith.constant 0 : i32
      %dma_wait3A_367 = tpu.memref_slice %arg2[%add3A_264, %dma_wait3A_366] : memref<320000x128xf32, #tpu.memory_space<hbm>> -> memref<80x128xf32, #tpu.memory_space<hbm>>
      %dma_wait3A_368 = arith.constant 0 : i32
      %dma_wait3A_369 = arith.constant 0 : i32
      %dma_wait3A_370 = tpu.memref_slice %arg6[%dma_wait3A_361, %dma_wait3A_368, %dma_wait3A_369] : memref<3x80x128xf32, #tpu.memory_space<vmem>> -> memref<1x80x128xf32, #tpu.memory_space<vmem>>
      %dma_wait3A_371 = tpu.memref_squeeze %dma_wait3A_370 : memref<1x80x128xf32, #tpu.memory_space<vmem>> -> memref<80x128xf32, #tpu.memory_space<vmem>>
      %dma_wait3A_372 = arith.constant 0 : i32
      %dma_wait3A_373 = tpu.memref_slice %arg2[%add3A_264, %dma_wait3A_372] : memref<320000x128xf32, #tpu.memory_space<hbm>> -> memref<80x128xf32, #tpu.memory_space<hbm>>
      tpu.wait_dma2 semaphore(%arg9 : memref<!tpu.dma_semaphore, #tpu.memory_space<semaphore_mem>>) src(%dma_wait3A_373 : memref<80x128xf32, #tpu.memory_space<hbm>>) dst(%dma_wait3A_371 : memref<80x128xf32, #tpu.memory_space<vmem>>)
      %dma_start3A_374 = arith.constant 2 : i32
      %dma_start3A_375 = arith.constant 2 : i32
      %dma_start3A_376 = arith.constant 2 : i32
      %dma_start3A_377 = arith.constant 0 : i32
      %dma_start3A_378 = arith.constant 0 : i32
      %dma_start3A_379 = tpu.memref_slice %arg6[%dma_start3A_374, %dma_start3A_377, %dma_start3A_378] : memref<3x80x128xf32, #tpu.memory_space<vmem>> -> memref<1x80x128xf32, #tpu.memory_space<vmem>>
      %dma_start3A_380 = tpu.memref_squeeze %dma_start3A_379 : memref<1x80x128xf32, #tpu.memory_space<vmem>> -> memref<80x128xf32, #tpu.memory_space<vmem>>
      %dma_start3A_381 = arith.constant 0 : i32
      %dma_start3A_382 = tpu.memref_slice %arg5[%dma_start3A_375, %dma_start3A_381] : memref<3x80xi32, #tpu.memory_space<vmem>> -> memref<1x80xi32, #tpu.memory_space<vmem>>
      %dma_start3A_383 = tpu.memref_squeeze %dma_start3A_382 : memref<1x80xi32, #tpu.memory_space<vmem>> -> memref<80xi32, #tpu.memory_space<vmem>>
      %dma_start3A_384 = arith.constant 0 : i32
      %dma_start3A_385 = arith.constant 0 : i32
      %dma_start3A_386 = tpu.memref_slice %arg7[%dma_start3A_384, %dma_start3A_385] : memref<10240x128xf32, #tpu.memory_space<vmem_shared>> -> memref<10240x128xf32, #tpu.memory_space<vmem_shared>>
      %dma_start3A_387 = tpu.memref_slice %arg10[%dma_start3A_376] : memref<3x!tpu.dma_semaphore, #tpu.memory_space<semaphore_mem>> -> memref<1x!tpu.dma_semaphore, #tpu.memory_space<semaphore_mem>>
      %dma_start3A_388 = tpu.memref_squeeze %dma_start3A_387 : memref<1x!tpu.dma_semaphore, #tpu.memory_space<semaphore_mem>> -> memref<!tpu.dma_semaphore, #tpu.memory_space<semaphore_mem>>
      tpu.enqueue_indirect_dma source(%dma_start3A_380 : memref<80x128xf32, #tpu.memory_space<vmem>>) target(%dma_start3A_386 : memref<10240x128xf32, #tpu.memory_space<vmem_shared>>) offsets(%dma_start3A_383 : memref<80xi32, #tpu.memory_space<vmem>>) semaphore(%dma_start3A_388 : memref<!tpu.dma_semaphore, #tpu.memory_space<semaphore_mem>>) {add = true}
    }
    %scan3A_52 = arith.constant 41 : i32
    %dma_wait3A = arith.constant 0 : i32
    %dma_wait3A_53 = arith.constant 0 : i32
    %dma_wait3A_54 = arith.constant 0 : i32
    %dma_wait3A_55 = arith.constant 0 : i32
    %dma_wait3A_56 = arith.constant 0 : i32
    %dma_wait3A_57 = tpu.memref_slice %arg6[%dma_wait3A, %dma_wait3A_55, %dma_wait3A_56] : memref<3x80x128xf32, #tpu.memory_space<vmem>> -> memref<1x80x128xf32, #tpu.memory_space<vmem>>
    %dma_wait3A_58 = tpu.memref_squeeze %dma_wait3A_57 : memref<1x80x128xf32, #tpu.memory_space<vmem>> -> memref<80x128xf32, #tpu.memory_space<vmem>>
    %dma_wait3A_59 = arith.constant 0 : i32
    %dma_wait3A_60 = tpu.memref_slice %arg5[%dma_wait3A_53, %dma_wait3A_59] : memref<3x80xi32, #tpu.memory_space<vmem>> -> memref<1x80xi32, #tpu.memory_space<vmem>>
    %dma_wait3A_61 = tpu.memref_squeeze %dma_wait3A_60 : memref<1x80xi32, #tpu.memory_space<vmem>> -> memref<80xi32, #tpu.memory_space<vmem>>
    %dma_wait3A_62 = arith.constant 0 : i32
    %dma_wait3A_63 = arith.constant 0 : i32
    %dma_wait3A_64 = tpu.memref_slice %arg7[%dma_wait3A_62, %dma_wait3A_63] : memref<10240x128xf32, #tpu.memory_space<vmem_shared>> -> memref<10240x128xf32, #tpu.memory_space<vmem_shared>>
    %dma_wait3A_65 = tpu.memref_slice %arg10[%dma_wait3A_54] : memref<3x!tpu.dma_semaphore, #tpu.memory_space<semaphore_mem>> -> memref<1x!tpu.dma_semaphore, #tpu.memory_space<semaphore_mem>>
    %dma_wait3A_66 = tpu.memref_squeeze %dma_wait3A_65 : memref<1x!tpu.dma_semaphore, #tpu.memory_space<semaphore_mem>> -> memref<!tpu.dma_semaphore, #tpu.memory_space<semaphore_mem>>
    tpu.wait_indirect_dma semaphore(%dma_wait3A_66 : memref<!tpu.dma_semaphore, #tpu.memory_space<semaphore_mem>>) src(%dma_wait3A_58 : memref<80x128xf32, #tpu.memory_space<vmem>>) dst(%dma_wait3A_64 : memref<10240x128xf32, #tpu.memory_space<vmem_shared>>)
    %dma_wait3A_67 = arith.constant 1 : i32
    %dma_wait3A_68 = arith.constant 1 : i32
    %dma_wait3A_69 = arith.constant 1 : i32
    %dma_wait3A_70 = arith.constant 0 : i32
    %dma_wait3A_71 = arith.constant 0 : i32
    %dma_wait3A_72 = tpu.memref_slice %arg6[%dma_wait3A_67, %dma_wait3A_70, %dma_wait3A_71] : memref<3x80x128xf32, #tpu.memory_space<vmem>> -> memref<1x80x128xf32, #tpu.memory_space<vmem>>
    %dma_wait3A_73 = tpu.memref_squeeze %dma_wait3A_72 : memref<1x80x128xf32, #tpu.memory_space<vmem>> -> memref<80x128xf32, #tpu.memory_space<vmem>>
    %dma_wait3A_74 = arith.constant 0 : i32
    %dma_wait3A_75 = tpu.memref_slice %arg5[%dma_wait3A_68, %dma_wait3A_74] : memref<3x80xi32, #tpu.memory_space<vmem>> -> memref<1x80xi32, #tpu.memory_space<vmem>>
    %dma_wait3A_76 = tpu.memref_squeeze %dma_wait3A_75 : memref<1x80xi32, #tpu.memory_space<vmem>> -> memref<80xi32, #tpu.memory_space<vmem>>
    %dma_wait3A_77 = arith.constant 0 : i32
    %dma_wait3A_78 = arith.constant 0 : i32
    %dma_wait3A_79 = tpu.memref_slice %arg7[%dma_wait3A_77, %dma_wait3A_78] : memref<10240x128xf32, #tpu.memory_space<vmem_shared>> -> memref<10240x128xf32, #tpu.memory_space<vmem_shared>>
    %dma_wait3A_80 = tpu.memref_slice %arg10[%dma_wait3A_69] : memref<3x!tpu.dma_semaphore, #tpu.memory_space<semaphore_mem>> -> memref<1x!tpu.dma_semaphore, #tpu.memory_space<semaphore_mem>>
    %dma_wait3A_81 = tpu.memref_squeeze %dma_wait3A_80 : memref<1x!tpu.dma_semaphore, #tpu.memory_space<semaphore_mem>> -> memref<!tpu.dma_semaphore, #tpu.memory_space<semaphore_mem>>
    tpu.wait_indirect_dma semaphore(%dma_wait3A_81 : memref<!tpu.dma_semaphore, #tpu.memory_space<semaphore_mem>>) src(%dma_wait3A_73 : memref<80x128xf32, #tpu.memory_space<vmem>>) dst(%dma_wait3A_79 : memref<10240x128xf32, #tpu.memory_space<vmem_shared>>)
    %dma_wait3A_82 = arith.constant 2 : i32
    %dma_wait3A_83 = arith.constant 2 : i32
    %dma_wait3A_84 = arith.constant 2 : i32
    %dma_wait3A_85 = arith.constant 0 : i32
    %dma_wait3A_86 = arith.constant 0 : i32
    %dma_wait3A_87 = tpu.memref_slice %arg6[%dma_wait3A_82, %dma_wait3A_85, %dma_wait3A_86] : memref<3x80x128xf32, #tpu.memory_space<vmem>> -> memref<1x80x128xf32, #tpu.memory_space<vmem>>
    %dma_wait3A_88 = tpu.memref_squeeze %dma_wait3A_87 : memref<1x80x128xf32, #tpu.memory_space<vmem>> -> memref<80x128xf32, #tpu.memory_space<vmem>>
    %dma_wait3A_89 = arith.constant 0 : i32
    %dma_wait3A_90 = tpu.memref_slice %arg5[%dma_wait3A_83, %dma_wait3A_89] : memref<3x80xi32, #tpu.memory_space<vmem>> -> memref<1x80xi32, #tpu.memory_space<vmem>>
    %dma_wait3A_91 = tpu.memref_squeeze %dma_wait3A_90 : memref<1x80xi32, #tpu.memory_space<vmem>> -> memref<80xi32, #tpu.memory_space<vmem>>
    %dma_wait3A_92 = arith.constant 0 : i32
    %dma_wait3A_93 = arith.constant 0 : i32
    %dma_wait3A_94 = tpu.memref_slice %arg7[%dma_wait3A_92, %dma_wait3A_93] : memref<10240x128xf32, #tpu.memory_space<vmem_shared>> -> memref<10240x128xf32, #tpu.memory_space<vmem_shared>>
    %dma_wait3A_95 = tpu.memref_slice %arg10[%dma_wait3A_84] : memref<3x!tpu.dma_semaphore, #tpu.memory_space<semaphore_mem>> -> memref<1x!tpu.dma_semaphore, #tpu.memory_space<semaphore_mem>>
    %dma_wait3A_96 = tpu.memref_squeeze %dma_wait3A_95 : memref<1x!tpu.dma_semaphore, #tpu.memory_space<semaphore_mem>> -> memref<!tpu.dma_semaphore, #tpu.memory_space<semaphore_mem>>
    tpu.wait_indirect_dma semaphore(%dma_wait3A_96 : memref<!tpu.dma_semaphore, #tpu.memory_space<semaphore_mem>>) src(%dma_wait3A_88 : memref<80x128xf32, #tpu.memory_space<vmem>>) dst(%dma_wait3A_94 : memref<10240x128xf32, #tpu.memory_space<vmem_shared>>)
    %add3A_97 = arith.constant 9840 : i32
    %add3A_98 = arith.addi %mul3A_2, %add3A_97 : i32
    %run_scoped3A_99 = arith.constant 0 : i32
    "tpu.region"() ({
      %run_scoped3A_167 = tpu.sem_alloc : memref<!tpu.dma_semaphore, #tpu.memory_space<semaphore_mem>>
      %dma_start3A_168 = arith.constant 0 : i32
      %dma_start3A_169 = tpu.memref_slice %arg5[%run_scoped3A_99, %dma_start3A_168] : memref<3x80xi32, #tpu.memory_space<vmem>> -> memref<1x80xi32, #tpu.memory_space<vmem>>
      %dma_start3A_170 = tpu.memref_squeeze %dma_start3A_169 : memref<1x80xi32, #tpu.memory_space<vmem>> -> memref<80xi32, #tpu.memory_space<vmem>>
      %dma_start3A_171 = tpu.memref_slice %arg3[%add3A_98] : memref<320000xi32, #tpu.memory_space<hbm>> -> memref<80xi32, #tpu.memory_space<hbm>>
      %dma_start3A_172 = arith.constant 0 : i32
      %dma_start3A_173 = tpu.memref_slice %arg5[%run_scoped3A_99, %dma_start3A_172] : memref<3x80xi32, #tpu.memory_space<vmem>> -> memref<1x80xi32, #tpu.memory_space<vmem>>
      %dma_start3A_174 = tpu.memref_squeeze %dma_start3A_173 : memref<1x80xi32, #tpu.memory_space<vmem>> -> memref<80xi32, #tpu.memory_space<vmem>>
      %dma_start3A_175 = tpu.memref_slice %arg3[%add3A_98] : memref<320000xi32, #tpu.memory_space<hbm>> -> memref<80xi32, #tpu.memory_space<hbm>>
      tpu.enqueue_dma source(%dma_start3A_175 : memref<80xi32, #tpu.memory_space<hbm>>) target(%dma_start3A_174 : memref<80xi32, #tpu.memory_space<vmem>>) target_semaphore(%run_scoped3A_167 : memref<!tpu.dma_semaphore, #tpu.memory_space<semaphore_mem>>)
      %dma_wait3A_176 = arith.constant 0 : i32
      %dma_wait3A_177 = tpu.memref_slice %arg5[%run_scoped3A_99, %dma_wait3A_176] : memref<3x80xi32, #tpu.memory_space<vmem>> -> memref<1x80xi32, #tpu.memory_space<vmem>>
      %dma_wait3A_178 = tpu.memref_squeeze %dma_wait3A_177 : memref<1x80xi32, #tpu.memory_space<vmem>> -> memref<80xi32, #tpu.memory_space<vmem>>
      %dma_wait3A_179 = tpu.memref_slice %arg3[%add3A_98] : memref<320000xi32, #tpu.memory_space<hbm>> -> memref<80xi32, #tpu.memory_space<hbm>>
      %dma_wait3A_180 = arith.constant 0 : i32
      %dma_wait3A_181 = tpu.memref_slice %arg5[%run_scoped3A_99, %dma_wait3A_180] : memref<3x80xi32, #tpu.memory_space<vmem>> -> memref<1x80xi32, #tpu.memory_space<vmem>>
      %dma_wait3A_182 = tpu.memref_squeeze %dma_wait3A_181 : memref<1x80xi32, #tpu.memory_space<vmem>> -> memref<80xi32, #tpu.memory_space<vmem>>
      %dma_wait3A_183 = tpu.memref_slice %arg3[%add3A_98] : memref<320000xi32, #tpu.memory_space<hbm>> -> memref<80xi32, #tpu.memory_space<hbm>>
      tpu.wait_dma2 semaphore(%run_scoped3A_167 : memref<!tpu.dma_semaphore, #tpu.memory_space<semaphore_mem>>) src(%dma_wait3A_183 : memref<80xi32, #tpu.memory_space<hbm>>) dst(%dma_wait3A_182 : memref<80xi32, #tpu.memory_space<vmem>>)
      tpu.yield
    }) : () -> ()
    %add3A_100 = arith.constant 9840 : i32
    %add3A_101 = arith.addi %mul3A_2, %add3A_100 : i32
    %dma_start3A = arith.constant 0 : i32
    %dma_start3A_102 = arith.constant 0 : i32
    %dma_start3A_103 = arith.constant 0 : i32
    %dma_start3A_104 = tpu.memref_slice %arg6[%dma_start3A, %dma_start3A_102, %dma_start3A_103] : memref<3x80x128xf32, #tpu.memory_space<vmem>> -> memref<1x80x128xf32, #tpu.memory_space<vmem>>
    %dma_start3A_105 = tpu.memref_squeeze %dma_start3A_104 : memref<1x80x128xf32, #tpu.memory_space<vmem>> -> memref<80x128xf32, #tpu.memory_space<vmem>>
    %dma_start3A_106 = arith.constant 0 : i32
    %dma_start3A_107 = tpu.memref_slice %arg2[%add3A_101, %dma_start3A_106] : memref<320000x128xf32, #tpu.memory_space<hbm>> -> memref<80x128xf32, #tpu.memory_space<hbm>>
    %dma_start3A_108 = arith.constant 0 : i32
    %dma_start3A_109 = arith.constant 0 : i32
    %dma_start3A_110 = tpu.memref_slice %arg6[%dma_start3A, %dma_start3A_108, %dma_start3A_109] : memref<3x80x128xf32, #tpu.memory_space<vmem>> -> memref<1x80x128xf32, #tpu.memory_space<vmem>>
    %dma_start3A_111 = tpu.memref_squeeze %dma_start3A_110 : memref<1x80x128xf32, #tpu.memory_space<vmem>> -> memref<80x128xf32, #tpu.memory_space<vmem>>
    %dma_start3A_112 = arith.constant 0 : i32
    %dma_start3A_113 = tpu.memref_slice %arg2[%add3A_101, %dma_start3A_112] : memref<320000x128xf32, #tpu.memory_space<hbm>> -> memref<80x128xf32, #tpu.memory_space<hbm>>
    tpu.enqueue_dma source(%dma_start3A_113 : memref<80x128xf32, #tpu.memory_space<hbm>>) target(%dma_start3A_111 : memref<80x128xf32, #tpu.memory_space<vmem>>) target_semaphore(%arg9 : memref<!tpu.dma_semaphore, #tpu.memory_space<semaphore_mem>>)
    %dma_wait3A_114 = arith.constant 0 : i32
    %dma_wait3A_115 = arith.constant 0 : i32
    %dma_wait3A_116 = arith.constant 0 : i32
    %dma_wait3A_117 = tpu.memref_slice %arg6[%dma_wait3A_114, %dma_wait3A_115, %dma_wait3A_116] : memref<3x80x128xf32, #tpu.memory_space<vmem>> -> memref<1x80x128xf32, #tpu.memory_space<vmem>>
    %dma_wait3A_118 = tpu.memref_squeeze %dma_wait3A_117 : memref<1x80x128xf32, #tpu.memory_space<vmem>> -> memref<80x128xf32, #tpu.memory_space<vmem>>
    %dma_wait3A_119 = arith.constant 0 : i32
    %dma_wait3A_120 = tpu.memref_slice %arg2[%add3A_101, %dma_wait3A_119] : memref<320000x128xf32, #tpu.memory_space<hbm>> -> memref<80x128xf32, #tpu.memory_space<hbm>>
    %dma_wait3A_121 = arith.constant 0 : i32
    %dma_wait3A_122 = arith.constant 0 : i32
    %dma_wait3A_123 = tpu.memref_slice %arg6[%dma_wait3A_114, %dma_wait3A_121, %dma_wait3A_122] : memref<3x80x128xf32, #tpu.memory_space<vmem>> -> memref<1x80x128xf32, #tpu.memory_space<vmem>>
    %dma_wait3A_124 = tpu.memref_squeeze %dma_wait3A_123 : memref<1x80x128xf32, #tpu.memory_space<vmem>> -> memref<80x128xf32, #tpu.memory_space<vmem>>
    %dma_wait3A_125 = arith.constant 0 : i32
    %dma_wait3A_126 = tpu.memref_slice %arg2[%add3A_101, %dma_wait3A_125] : memref<320000x128xf32, #tpu.memory_space<hbm>> -> memref<80x128xf32, #tpu.memory_space<hbm>>
    tpu.wait_dma2 semaphore(%arg9 : memref<!tpu.dma_semaphore, #tpu.memory_space<semaphore_mem>>) src(%dma_wait3A_126 : memref<80x128xf32, #tpu.memory_space<hbm>>) dst(%dma_wait3A_124 : memref<80x128xf32, #tpu.memory_space<vmem>>)
    %run_scoped3A_127 = arith.constant 0 : i32
    %run_scoped3A_128 = arith.constant 0 : i32
    "tpu.region"() ({
      %run_scoped3A_167 = tpu.sem_alloc : memref<!tpu.dma_semaphore, #tpu.memory_space<semaphore_mem>>
      %dma_start3A_168 = arith.constant 0 : i32
      %dma_start3A_169 = arith.constant 0 : i32
      %dma_start3A_170 = tpu.memref_slice %arg6[%run_scoped3A_127, %dma_start3A_168, %dma_start3A_169] : memref<3x80x128xf32, #tpu.memory_space<vmem>> -> memref<1x80x128xf32, #tpu.memory_space<vmem>>
      %dma_start3A_171 = tpu.memref_squeeze %dma_start3A_170 : memref<1x80x128xf32, #tpu.memory_space<vmem>> -> memref<80x128xf32, #tpu.memory_space<vmem>>
      %dma_start3A_172 = arith.constant 0 : i32
      %dma_start3A_173 = tpu.memref_slice %arg5[%run_scoped3A_128, %dma_start3A_172] : memref<3x80xi32, #tpu.memory_space<vmem>> -> memref<1x80xi32, #tpu.memory_space<vmem>>
      %dma_start3A_174 = tpu.memref_squeeze %dma_start3A_173 : memref<1x80xi32, #tpu.memory_space<vmem>> -> memref<80xi32, #tpu.memory_space<vmem>>
      %dma_start3A_175 = arith.constant 0 : i32
      %dma_start3A_176 = arith.constant 0 : i32
      %dma_start3A_177 = tpu.memref_slice %arg7[%dma_start3A_175, %dma_start3A_176] : memref<10240x128xf32, #tpu.memory_space<vmem_shared>> -> memref<10240x128xf32, #tpu.memory_space<vmem_shared>>
      tpu.enqueue_indirect_dma source(%dma_start3A_171 : memref<80x128xf32, #tpu.memory_space<vmem>>) target(%dma_start3A_177 : memref<10240x128xf32, #tpu.memory_space<vmem_shared>>) offsets(%dma_start3A_174 : memref<80xi32, #tpu.memory_space<vmem>>) semaphore(%run_scoped3A_167 : memref<!tpu.dma_semaphore, #tpu.memory_space<semaphore_mem>>) {add = true}
      %dma_wait3A_178 = arith.constant 0 : i32
      %dma_wait3A_179 = arith.constant 0 : i32
      %dma_wait3A_180 = tpu.memref_slice %arg6[%run_scoped3A_127, %dma_wait3A_178, %dma_wait3A_179] : memref<3x80x128xf32, #tpu.memory_space<vmem>> -> memref<1x80x128xf32, #tpu.memory_space<vmem>>
      %dma_wait3A_181 = tpu.memref_squeeze %dma_wait3A_180 : memref<1x80x128xf32, #tpu.memory_space<vmem>> -> memref<80x128xf32, #tpu.memory_space<vmem>>
      %dma_wait3A_182 = arith.constant 0 : i32
      %dma_wait3A_183 = tpu.memref_slice %arg5[%run_scoped3A_128, %dma_wait3A_182] : memref<3x80xi32, #tpu.memory_space<vmem>> -> memref<1x80xi32, #tpu.memory_space<vmem>>
      %dma_wait3A_184 = tpu.memref_squeeze %dma_wait3A_183 : memref<1x80xi32, #tpu.memory_space<vmem>> -> memref<80xi32, #tpu.memory_space<vmem>>
      %dma_wait3A_185 = arith.constant 0 : i32
      %dma_wait3A_186 = arith.constant 0 : i32
      %dma_wait3A_187 = tpu.memref_slice %arg7[%dma_wait3A_185, %dma_wait3A_186] : memref<10240x128xf32, #tpu.memory_space<vmem_shared>> -> memref<10240x128xf32, #tpu.memory_space<vmem_shared>>
      tpu.wait_indirect_dma semaphore(%run_scoped3A_167 : memref<!tpu.dma_semaphore, #tpu.memory_space<semaphore_mem>>) src(%dma_wait3A_181 : memref<80x128xf32, #tpu.memory_space<vmem>>) dst(%dma_wait3A_187 : memref<10240x128xf32, #tpu.memory_space<vmem_shared>>)
      tpu.yield
    }) : () -> ()
    %add3A_129 = arith.constant 9920 : i32
    %add3A_130 = arith.addi %mul3A_2, %add3A_129 : i32
    %run_scoped3A_131 = arith.constant 1 : i32
    "tpu.region"() ({
      %run_scoped3A_167 = tpu.sem_alloc : memref<!tpu.dma_semaphore, #tpu.memory_space<semaphore_mem>>
      %dma_start3A_168 = arith.constant 0 : i32
      %dma_start3A_169 = tpu.memref_slice %arg5[%run_scoped3A_131, %dma_start3A_168] : memref<3x80xi32, #tpu.memory_space<vmem>> -> memref<1x80xi32, #tpu.memory_space<vmem>>
      %dma_start3A_170 = tpu.memref_squeeze %dma_start3A_169 : memref<1x80xi32, #tpu.memory_space<vmem>> -> memref<80xi32, #tpu.memory_space<vmem>>
      %dma_start3A_171 = tpu.memref_slice %arg3[%add3A_130] : memref<320000xi32, #tpu.memory_space<hbm>> -> memref<80xi32, #tpu.memory_space<hbm>>
      %dma_start3A_172 = arith.constant 0 : i32
      %dma_start3A_173 = tpu.memref_slice %arg5[%run_scoped3A_131, %dma_start3A_172] : memref<3x80xi32, #tpu.memory_space<vmem>> -> memref<1x80xi32, #tpu.memory_space<vmem>>
      %dma_start3A_174 = tpu.memref_squeeze %dma_start3A_173 : memref<1x80xi32, #tpu.memory_space<vmem>> -> memref<80xi32, #tpu.memory_space<vmem>>
      %dma_start3A_175 = tpu.memref_slice %arg3[%add3A_130] : memref<320000xi32, #tpu.memory_space<hbm>> -> memref<80xi32, #tpu.memory_space<hbm>>
      tpu.enqueue_dma source(%dma_start3A_175 : memref<80xi32, #tpu.memory_space<hbm>>) target(%dma_start3A_174 : memref<80xi32, #tpu.memory_space<vmem>>) target_semaphore(%run_scoped3A_167 : memref<!tpu.dma_semaphore, #tpu.memory_space<semaphore_mem>>)
      %dma_wait3A_176 = arith.constant 0 : i32
      %dma_wait3A_177 = tpu.memref_slice %arg5[%run_scoped3A_131, %dma_wait3A_176] : memref<3x80xi32, #tpu.memory_space<vmem>> -> memref<1x80xi32, #tpu.memory_space<vmem>>
      %dma_wait3A_178 = tpu.memref_squeeze %dma_wait3A_177 : memref<1x80xi32, #tpu.memory_space<vmem>> -> memref<80xi32, #tpu.memory_space<vmem>>
      %dma_wait3A_179 = tpu.memref_slice %arg3[%add3A_130] : memref<320000xi32, #tpu.memory_space<hbm>> -> memref<80xi32, #tpu.memory_space<hbm>>
      %dma_wait3A_180 = arith.constant 0 : i32
      %dma_wait3A_181 = tpu.memref_slice %arg5[%run_scoped3A_131, %dma_wait3A_180] : memref<3x80xi32, #tpu.memory_space<vmem>> -> memref<1x80xi32, #tpu.memory_space<vmem>>
      %dma_wait3A_182 = tpu.memref_squeeze %dma_wait3A_181 : memref<1x80xi32, #tpu.memory_space<vmem>> -> memref<80xi32, #tpu.memory_space<vmem>>
      %dma_wait3A_183 = tpu.memref_slice %arg3[%add3A_130] : memref<320000xi32, #tpu.memory_space<hbm>> -> memref<80xi32, #tpu.memory_space<hbm>>
      tpu.wait_dma2 semaphore(%run_scoped3A_167 : memref<!tpu.dma_semaphore, #tpu.memory_space<semaphore_mem>>) src(%dma_wait3A_183 : memref<80xi32, #tpu.memory_space<hbm>>) dst(%dma_wait3A_182 : memref<80xi32, #tpu.memory_space<vmem>>)
      tpu.yield
    }) : () -> ()
    %add3A_132 = arith.constant 9920 : i32
    %add3A_133 = arith.addi %mul3A_2, %add3A_132 : i32
    %dma_start3A_134 = arith.constant 1 : i32
    %dma_start3A_135 = arith.constant 0 : i32
    %dma_start3A_136 = arith.constant 0 : i32
    %dma_start3A_137 = tpu.memref_slice %arg6[%dma_start3A_134, %dma_start3A_135, %dma_start3A_136] : memref<3x80x128xf32, #tpu.memory_space<vmem>> -> memref<1x80x128xf32, #tpu.memory_space<vmem>>
    %dma_start3A_138 = tpu.memref_squeeze %dma_start3A_137 : memref<1x80x128xf32, #tpu.memory_space<vmem>> -> memref<80x128xf32, #tpu.memory_space<vmem>>
    %dma_start3A_139 = arith.constant 0 : i32
    %dma_start3A_140 = tpu.memref_slice %arg2[%add3A_133, %dma_start3A_139] : memref<320000x128xf32, #tpu.memory_space<hbm>> -> memref<80x128xf32, #tpu.memory_space<hbm>>
    %dma_start3A_141 = arith.constant 0 : i32
    %dma_start3A_142 = arith.constant 0 : i32
    %dma_start3A_143 = tpu.memref_slice %arg6[%dma_start3A_134, %dma_start3A_141, %dma_start3A_142] : memref<3x80x128xf32, #tpu.memory_space<vmem>> -> memref<1x80x128xf32, #tpu.memory_space<vmem>>
    %dma_start3A_144 = tpu.memref_squeeze %dma_start3A_143 : memref<1x80x128xf32, #tpu.memory_space<vmem>> -> memref<80x128xf32, #tpu.memory_space<vmem>>
    %dma_start3A_145 = arith.constant 0 : i32
    %dma_start3A_146 = tpu.memref_slice %arg2[%add3A_133, %dma_start3A_145] : memref<320000x128xf32, #tpu.memory_space<hbm>> -> memref<80x128xf32, #tpu.memory_space<hbm>>
    tpu.enqueue_dma source(%dma_start3A_146 : memref<80x128xf32, #tpu.memory_space<hbm>>) target(%dma_start3A_144 : memref<80x128xf32, #tpu.memory_space<vmem>>) target_semaphore(%arg9 : memref<!tpu.dma_semaphore, #tpu.memory_space<semaphore_mem>>)
    %dma_wait3A_147 = arith.constant 1 : i32
    %dma_wait3A_148 = arith.constant 0 : i32
    %dma_wait3A_149 = arith.constant 0 : i32
    %dma_wait3A_150 = tpu.memref_slice %arg6[%dma_wait3A_147, %dma_wait3A_148, %dma_wait3A_149] : memref<3x80x128xf32, #tpu.memory_space<vmem>> -> memref<1x80x128xf32, #tpu.memory_space<vmem>>
    %dma_wait3A_151 = tpu.memref_squeeze %dma_wait3A_150 : memref<1x80x128xf32, #tpu.memory_space<vmem>> -> memref<80x128xf32, #tpu.memory_space<vmem>>
    %dma_wait3A_152 = arith.constant 0 : i32
    %dma_wait3A_153 = tpu.memref_slice %arg2[%add3A_133, %dma_wait3A_152] : memref<320000x128xf32, #tpu.memory_space<hbm>> -> memref<80x128xf32, #tpu.memory_space<hbm>>
    %dma_wait3A_154 = arith.constant 0 : i32
    %dma_wait3A_155 = arith.constant 0 : i32
    %dma_wait3A_156 = tpu.memref_slice %arg6[%dma_wait3A_147, %dma_wait3A_154, %dma_wait3A_155] : memref<3x80x128xf32, #tpu.memory_space<vmem>> -> memref<1x80x128xf32, #tpu.memory_space<vmem>>
    %dma_wait3A_157 = tpu.memref_squeeze %dma_wait3A_156 : memref<1x80x128xf32, #tpu.memory_space<vmem>> -> memref<80x128xf32, #tpu.memory_space<vmem>>
    %dma_wait3A_158 = arith.constant 0 : i32
    %dma_wait3A_159 = tpu.memref_slice %arg2[%add3A_133, %dma_wait3A_158] : memref<320000x128xf32, #tpu.memory_space<hbm>> -> memref<80x128xf32, #tpu.memory_space<hbm>>
    tpu.wait_dma2 semaphore(%arg9 : memref<!tpu.dma_semaphore, #tpu.memory_space<semaphore_mem>>) src(%dma_wait3A_159 : memref<80x128xf32, #tpu.memory_space<hbm>>) dst(%dma_wait3A_157 : memref<80x128xf32, #tpu.memory_space<vmem>>)
    %run_scoped3A_160 = arith.constant 1 : i32
    %run_scoped3A_161 = arith.constant 1 : i32
    "tpu.region"() ({
      %run_scoped3A_167 = tpu.sem_alloc : memref<!tpu.dma_semaphore, #tpu.memory_space<semaphore_mem>>
      %dma_start3A_168 = arith.constant 0 : i32
      %dma_start3A_169 = arith.constant 0 : i32
      %dma_start3A_170 = tpu.memref_slice %arg6[%run_scoped3A_160, %dma_start3A_168, %dma_start3A_169] : memref<3x80x128xf32, #tpu.memory_space<vmem>> -> memref<1x80x128xf32, #tpu.memory_space<vmem>>
      %dma_start3A_171 = tpu.memref_squeeze %dma_start3A_170 : memref<1x80x128xf32, #tpu.memory_space<vmem>> -> memref<80x128xf32, #tpu.memory_space<vmem>>
      %dma_start3A_172 = arith.constant 0 : i32
      %dma_start3A_173 = tpu.memref_slice %arg5[%run_scoped3A_161, %dma_start3A_172] : memref<3x80xi32, #tpu.memory_space<vmem>> -> memref<1x80xi32, #tpu.memory_space<vmem>>
      %dma_start3A_174 = tpu.memref_squeeze %dma_start3A_173 : memref<1x80xi32, #tpu.memory_space<vmem>> -> memref<80xi32, #tpu.memory_space<vmem>>
      %dma_start3A_175 = arith.constant 0 : i32
      %dma_start3A_176 = arith.constant 0 : i32
      %dma_start3A_177 = tpu.memref_slice %arg7[%dma_start3A_175, %dma_start3A_176] : memref<10240x128xf32, #tpu.memory_space<vmem_shared>> -> memref<10240x128xf32, #tpu.memory_space<vmem_shared>>
      tpu.enqueue_indirect_dma source(%dma_start3A_171 : memref<80x128xf32, #tpu.memory_space<vmem>>) target(%dma_start3A_177 : memref<10240x128xf32, #tpu.memory_space<vmem_shared>>) offsets(%dma_start3A_174 : memref<80xi32, #tpu.memory_space<vmem>>) semaphore(%run_scoped3A_167 : memref<!tpu.dma_semaphore, #tpu.memory_space<semaphore_mem>>) {add = true}
      %dma_wait3A_178 = arith.constant 0 : i32
      %dma_wait3A_179 = arith.constant 0 : i32
      %dma_wait3A_180 = tpu.memref_slice %arg6[%run_scoped3A_160, %dma_wait3A_178, %dma_wait3A_179] : memref<3x80x128xf32, #tpu.memory_space<vmem>> -> memref<1x80x128xf32, #tpu.memory_space<vmem>>
      %dma_wait3A_181 = tpu.memref_squeeze %dma_wait3A_180 : memref<1x80x128xf32, #tpu.memory_space<vmem>> -> memref<80x128xf32, #tpu.memory_space<vmem>>
      %dma_wait3A_182 = arith.constant 0 : i32
      %dma_wait3A_183 = tpu.memref_slice %arg5[%run_scoped3A_161, %dma_wait3A_182] : memref<3x80xi32, #tpu.memory_space<vmem>> -> memref<1x80xi32, #tpu.memory_space<vmem>>
      %dma_wait3A_184 = tpu.memref_squeeze %dma_wait3A_183 : memref<1x80xi32, #tpu.memory_space<vmem>> -> memref<80xi32, #tpu.memory_space<vmem>>
      %dma_wait3A_185 = arith.constant 0 : i32
      %dma_wait3A_186 = arith.constant 0 : i32
      %dma_wait3A_187 = tpu.memref_slice %arg7[%dma_wait3A_185, %dma_wait3A_186] : memref<10240x128xf32, #tpu.memory_space<vmem_shared>> -> memref<10240x128xf32, #tpu.memory_space<vmem_shared>>
      tpu.wait_indirect_dma semaphore(%run_scoped3A_167 : memref<!tpu.dma_semaphore, #tpu.memory_space<semaphore_mem>>) src(%dma_wait3A_181 : memref<80x128xf32, #tpu.memory_space<vmem>>) dst(%dma_wait3A_187 : memref<10240x128xf32, #tpu.memory_space<vmem_shared>>)
      tpu.yield
    }) : () -> ()
    %barrier3A_162 = arith.constant 0 : index
    tpu.barrier barrier_id(%barrier3A_162)
    %mul3A_163 = arith.constant 640 : i32
    %mul3A_164 = arith.muli %arg1, %mul3A_163 : i32
    %mul3A_165 = arith.constant 640 : i32
    %mul3A_166 = arith.muli %arg1, %mul3A_165 : i32
    "tpu.region"() ({
      %run_scoped3A_167 = tpu.sem_alloc : memref<!tpu.dma_semaphore, #tpu.memory_space<semaphore_mem>>
      %dma_start3A_168 = arith.constant 0 : i32
      %dma_start3A_169 = tpu.memref_slice %arg4[%arg0, %mul3A_166, %dma_start3A_168] : memref<2x10240x128xf32, #tpu.memory_space<hbm>> -> memref<1x640x128xf32, #tpu.memory_space<hbm>>
      %dma_start3A_170 = tpu.memref_squeeze %dma_start3A_169 : memref<1x640x128xf32, #tpu.memory_space<hbm>> -> memref<640x128xf32, #tpu.memory_space<hbm>>
      %dma_start3A_171 = arith.constant 0 : i32
      %dma_start3A_172 = tpu.memref_slice %arg7[%mul3A_164, %dma_start3A_171] : memref<10240x128xf32, #tpu.memory_space<vmem_shared>> -> memref<640x128xf32, #tpu.memory_space<vmem_shared>>
      tpu.enqueue_dma source(%dma_start3A_172 : memref<640x128xf32, #tpu.memory_space<vmem_shared>>) target(%dma_start3A_170 : memref<640x128xf32, #tpu.memory_space<hbm>>) target_semaphore(%run_scoped3A_167 : memref<!tpu.dma_semaphore, #tpu.memory_space<semaphore_mem>>)
      %dma_wait3A_173 = arith.constant 0 : i32
      %dma_wait3A_174 = tpu.memref_slice %arg4[%arg0, %mul3A_166, %dma_wait3A_173] : memref<2x10240x128xf32, #tpu.memory_space<hbm>> -> memref<1x640x128xf32, #tpu.memory_space<hbm>>
      %dma_wait3A_175 = tpu.memref_squeeze %dma_wait3A_174 : memref<1x640x128xf32, #tpu.memory_space<hbm>> -> memref<640x128xf32, #tpu.memory_space<hbm>>
      %dma_wait3A_176 = arith.constant 0 : i32
      %dma_wait3A_177 = tpu.memref_slice %arg7[%mul3A_164, %dma_wait3A_176] : memref<10240x128xf32, #tpu.memory_space<vmem_shared>> -> memref<640x128xf32, #tpu.memory_space<vmem_shared>>
      tpu.wait_dma2 semaphore(%run_scoped3A_167 : memref<!tpu.dma_semaphore, #tpu.memory_space<semaphore_mem>>) src(%dma_wait3A_177 : memref<640x128xf32, #tpu.memory_space<vmem_shared>>) dst(%dma_wait3A_175 : memref<640x128xf32, #tpu.memory_space<hbm>>)
      tpu.yield
    }) : () -> ()
    return
  }
}

module attributes {stable_mosaic.version = 14 : i64} {
  func.func @_tc_mid_body(%arg0: i32, %arg1: memref<8x2560xbf16, #tpu.memory_space<vmem>>, %arg2: memref<2560x128xf32, #tpu.memory_space<vmem>>, %arg3: memref<8x512xbf16, #tpu.memory_space<vmem>>, %arg4: memref<1x512xf32, #tpu.memory_space<vmem>>, %arg5: memref<512x128xbf16, #tpu.memory_space<vmem>>, %arg6: memref<2560x128xf32, #tpu.memory_space<vmem>>) attributes {dimension_semantics = [#tpu.dimension_semantics<arbitrary>], iteration_bounds = array<i64: 125>, scalar_prefetch = 0 : i64, scratch_operands = 0 : i64, tpu.core_type = #tpu.core_type<tc>, window_params = [{transform_indices = @transform_0, window_bounds = array<i64: 8, 2560>}, {transform_indices = @transform_1, window_bounds = array<i64: 2560, 128>}, {pipeline_mode = #tpu.pipeline_mode<synchronous>, transform_indices = @transform_2, window_bounds = array<i64: 8, 512>}, {pipeline_mode = #tpu.pipeline_mode<synchronous>, transform_indices = @transform_3, window_bounds = array<i64: 1, 512>}, {pipeline_mode = #tpu.pipeline_mode<synchronous>, transform_indices = @transform_4, window_bounds = array<i64: 512, 128>}, {transform_indices = @transform_5, window_bounds = array<i64: 2560, 128>}]} {
    %get3A = arith.constant 0 : index
    %get3A_0 = arith.constant 0 : index
    %get3A_1 = vector.load %arg1[%get3A, %get3A_0] : memref<8x2560xbf16, #tpu.memory_space<vmem>>, vector<8x2560xbf16>
    %get3A_2 = arith.constant 0 : index
    %get3A_3 = arith.constant 0 : index
    %get3A_4 = vector.load %arg3[%get3A_2, %get3A_3] : memref<8x512xbf16, #tpu.memory_space<vmem>>, vector<8x512xbf16>
    %dot_general3A = arith.constant dense<0.000000e+00> : vector<2560x512xf32>
    %dot_general3A_5 = tpu.matmul %get3A_1, %get3A_4, %dot_general3A {dimension_numbers = #tpu.dot_dimension_numbers<[0], [0], [1], [1], [0, 1, 1, 1], [], []>, transpose_lhs_hint = false} : vector<8x2560xbf16>, vector<8x512xbf16>, vector<2560x512xf32> -> vector<2560x512xf32>
    %get3A_6 = arith.constant 0 : index
    %get3A_7 = arith.constant 0 : index
    %get3A_8 = vector.load %arg4[%get3A_6, %get3A_7] : memref<1x512xf32, #tpu.memory_space<vmem>>, vector<1x512xf32>
    %add3A = vector.broadcast %get3A_8 : vector<1x512xf32> to vector<2560x512xf32>
    %add3A_9 = arith.addf %dot_general3A_5, %add3A : vector<2560x512xf32>
    %max3A = arith.constant 0.000000e+00 : f32
    %max3A_10 = vector.broadcast %max3A : f32 to vector<2560x512xf32>
    %max3A_11 = arith.maximumf %add3A_9, %max3A_10 : vector<2560x512xf32>
    %iota3A = tpu.iota {dimensions = array<i32: 0>} : vector<8x1xi32>
    %eq3A = arith.constant 6 : i32
    %eq3A_12 = vector.broadcast %eq3A : i32 to vector<8x1xi32>
    %eq3A_13 = arith.cmpi eq, %iota3A, %eq3A_12 : vector<8x1xi32>
    %convert_element_type3A = arith.extui %eq3A_13 : vector<8x1xi1> to vector<8x1xi32>
    %convert_element_type3A_14 = arith.sitofp %convert_element_type3A : vector<8x1xi32> to vector<8x1xf32>
    %convert_element_type3A_15 = arith.truncf %convert_element_type3A_14 : vector<8x1xf32> to vector<8x1xbf16>
    %dot_general3A_16 = arith.constant dense<0.000000e+00> : vector<2560x1xf32>
    %dot_general3A_17 = tpu.matmul %get3A_1, %convert_element_type3A_15, %dot_general3A_16 {dimension_numbers = #tpu.dot_dimension_numbers<[0], [0], [1], [1], [0, 1, 1, 1], [], []>, transpose_lhs_hint = false} : vector<8x2560xbf16>, vector<8x1xbf16>, vector<2560x1xf32> -> vector<2560x1xf32>
    %get3A_18 = arith.constant 0 : index
    %get3A_19 = arith.constant 0 : index
    %get3A_20 = vector.load %arg2[%get3A_18, %get3A_19] : memref<2560x128xf32, #tpu.memory_space<vmem>>, vector<2560x128xf32>
    %broadcast_in_dim3A = vector.shape_cast %dot_general3A_17 : vector<2560x1xf32> to vector<2560x1xf32>
    %broadcast_in_dim3A_21 = vector.broadcast %broadcast_in_dim3A : vector<2560x1xf32> to vector<2560x128xf32>
    %concatenate3A = tpu.concatenate %get3A_20, %get3A_20, %get3A_20, %broadcast_in_dim3A_21 in 1 : vector<2560x128xf32>, vector<2560x128xf32>, vector<2560x128xf32>, vector<2560x128xf32> -> vector<2560x512xf32>
    %mul3A = arith.mulf %max3A_11, %concatenate3A : vector<2560x512xf32>
    %convert_element_type3A_22 = arith.truncf %mul3A : vector<2560x512xf32> to vector<2560x512xbf16>
    %get3A_23 = arith.constant 0 : index
    %get3A_24 = arith.constant 0 : index
    %get3A_25 = vector.load %arg5[%get3A_23, %get3A_24] : memref<512x128xbf16, #tpu.memory_space<vmem>>, vector<512x128xbf16>
    %dot_general3A_26 = arith.constant dense<0.000000e+00> : vector<2560x128xf32>
    %dot_general3A_27 = tpu.matmul %convert_element_type3A_22, %get3A_25, %dot_general3A_26 {dimension_numbers = #tpu.dot_dimension_numbers<[1], [0], [0], [1], [0, 0, 1, 1], [], []>, transpose_lhs_hint = false} : vector<2560x512xbf16>, vector<512x128xbf16>, vector<2560x128xf32> -> vector<2560x128xf32>
    %swap3A = arith.constant 0 : index
    %swap3A_28 = arith.constant 0 : index
    %swap3A_29 = vector.load %arg6[%swap3A, %swap3A_28] : memref<2560x128xf32, #tpu.memory_space<vmem>>, vector<2560x128xf32>
    tpu.vector_store %arg6[%swap3A, %swap3A_28], %dot_general3A_27 {strides = array<i32>} : memref<2560x128xf32, #tpu.memory_space<vmem>>, vector<2560x128xf32>,
    return
  }
  func.func @transform_0(%arg0: i32) -> (i32, i32) {
    %c0_i32 = arith.constant 0 : i32
    %c0_i32_0 = arith.constant 0 : i32
    return %c0_i32, %arg0 : i32, i32
  }
  func.func @transform_1(%arg0: i32) -> (i32, i32) {
    %c0_i32 = arith.constant 0 : i32
    %c0_i32_0 = arith.constant 0 : i32
    return %arg0, %c0_i32 : i32, i32
  }
  func.func @transform_2(%arg0: i32) -> (i32, i32) {
    %c0_i32 = arith.constant 0 : i32
    %c0_i32_0 = arith.constant 0 : i32
    %c0_i32_1 = arith.constant 0 : i32
    return %c0_i32, %c0_i32_0 : i32, i32
  }
  func.func @transform_3(%arg0: i32) -> (i32, i32) {
    %c0_i32 = arith.constant 0 : i32
    %c0_i32_0 = arith.constant 0 : i32
    %c0_i32_1 = arith.constant 0 : i32
    return %c0_i32, %c0_i32_0 : i32, i32
  }
  func.func @transform_4(%arg0: i32) -> (i32, i32) {
    %c0_i32 = arith.constant 0 : i32
    %c0_i32_0 = arith.constant 0 : i32
    %c0_i32_1 = arith.constant 0 : i32
    return %c0_i32, %c0_i32_0 : i32, i32
  }
  func.func @transform_5(%arg0: i32) -> (i32, i32) {
    %c0_i32 = arith.constant 0 : i32
    %c0_i32_0 = arith.constant 0 : i32
    return %arg0, %c0_i32 : i32, i32
  }
}

module attributes {stable_mosaic.version = 14 : i64} {
  func.func @_tc_final_body(%arg0: i32, %arg1: memref<2000x128xf32, #tpu.memory_space<vmem>>, %arg2: memref<2000x128xf32, #tpu.memory_space<vmem>>, %arg3: memref<1x128xf32, #tpu.memory_space<vmem>>, %arg4: memref<2000x128xf32, #tpu.memory_space<vmem>>) attributes {dimension_semantics = [#tpu.dimension_semantics<arbitrary>], iteration_bounds = array<i64: 5>, scalar_prefetch = 0 : i64, scratch_operands = 0 : i64, tpu.core_type = #tpu.core_type<tc>, window_params = [{transform_indices = @transform_0, window_bounds = array<i64: 2000, 128>}, {transform_indices = @transform_1, window_bounds = array<i64: 2000, 128>}, {pipeline_mode = #tpu.pipeline_mode<synchronous>, transform_indices = @transform_2, window_bounds = array<i64: 1, 128>}, {transform_indices = @transform_3, window_bounds = array<i64: 2000, 128>}]} {
    %get3A = arith.constant 0 : index
    %get3A_0 = arith.constant 0 : index
    %get3A_1 = vector.load %arg1[%get3A, %get3A_0] : memref<2000x128xf32, #tpu.memory_space<vmem>>, vector<2000x128xf32>
    %get3A_2 = arith.constant 0 : index
    %get3A_3 = arith.constant 0 : index
    %get3A_4 = vector.load %arg2[%get3A_2, %get3A_3] : memref<2000x128xf32, #tpu.memory_space<vmem>>, vector<2000x128xf32>
    %add3A = arith.addf %get3A_1, %get3A_4 : vector<2000x128xf32>
    %get3A_5 = arith.constant 0 : index
    %get3A_6 = arith.constant 0 : index
    %get3A_7 = vector.load %arg3[%get3A_5, %get3A_6] : memref<1x128xf32, #tpu.memory_space<vmem>>, vector<1x128xf32>
    %add3A_8 = vector.broadcast %get3A_7 : vector<1x128xf32> to vector<2000x128xf32>
    %add3A_9 = arith.addf %add3A, %add3A_8 : vector<2000x128xf32>
    %tanh3A = math.tanh %add3A_9 : vector<2000x128xf32>
    %swap3A = arith.constant 0 : index
    %swap3A_10 = arith.constant 0 : index
    %swap3A_11 = vector.load %arg4[%swap3A, %swap3A_10] : memref<2000x128xf32, #tpu.memory_space<vmem>>, vector<2000x128xf32>
    tpu.vector_store %arg4[%swap3A, %swap3A_10], %tanh3A {strides = array<i32>} : memref<2000x128xf32, #tpu.memory_space<vmem>>, vector<2000x128xf32>,
    return
  }
  func.func @transform_0(%arg0: i32) -> (i32, i32) {
    %c0_i32 = arith.constant 0 : i32
    %c0_i32_0 = arith.constant 0 : i32
    return %arg0, %c0_i32 : i32, i32
  }
  func.func @transform_1(%arg0: i32) -> (i32, i32) {
    %c0_i32 = arith.constant 0 : i32
    %c0_i32_0 = arith.constant 0 : i32
    return %arg0, %c0_i32 : i32, i32
  }
  func.func @transform_2(%arg0: i32) -> (i32, i32) {
    %c0_i32 = arith.constant 0 : i32
    %c0_i32_0 = arith.constant 0 : i32
    %c0_i32_1 = arith.constant 0 : i32
    return %c0_i32, %c0_i32_0 : i32, i32
  }
  func.func @transform_3(%arg0: i32) -> (i32, i32) {
    %c0_i32 = arith.constant 0 : i32
    %c0_i32_0 = arith.constant 0 : i32
    return %arg0, %c0_i32 : i32, i32
  }
}

</mosaic_0001>

<sc_bundles>
// kernel: kernel.6.cloned.1.call-start
scs
__scs_entry_jumppad:
0x0: {  	(pc) =	sbr.rel $0x88, $3  }
0x1: {  	(tag) =	ssettag $0x0;
	lr =	simm.s32 $0x1  }
0x2: {  	[smem:$0x3F99] =	sst lr;
	_ =	strace $0xD0000000  }
0x3: {  	_ = 	snop  }
0x4: {  	_ = 	snop  }
0x5: {  	_ = 	snop  }
0x6: {  	_ = 	snop  }
0x7: {  	_ = 	snop  }
__scs_overlays_trampoline_lowered:
0x8: {  	[smem:$0x3FA8] =	sst s0  }
0x9: {  	[smem:$0x3FA9] =	sst s1  }
0xa: {  	[smem:$0x3FAA] =	sst s2  }
0xb: {  	[smem:$0x3FAB] =	sst s3  }
0xc: {  	[smem:$0x3FAC] =	sst s4  }
0xd: {  	[smem:$0x3FAD] =	sst s5  }
0xe: {  	[smem:$0x3FAE] =	sst s6  }
0xf: {  	[smem:$0x3FAF] =	sst s7  }
0x10: {  	[smem:$0x3FB0] =	sst s8  }
0x11: {  	[smem:$0x3FB1] =	sst s9;
	s0 =	simm.s32 @!p0 $0x0  }
0x12: {  	s1 =	sld [smem:$0x3F97];
	s0 =	simm.s32 @p0 $0x1  }
0x13: {  	[smem:$0x3FB2] =	sst s0;
	s0 =	simm.s32 @!p1 $0x0  }
0x14: {  	s2 =	sld [smem:$0x3F96];
	s0 =	simm.s32 @p1 $0x1  }
0x15: {  	[smem:$0x3FB3] =	sst s0;
	s0 =	simm.s32 @!p2 $0x0  }
0x16: {  	s3 =	sld [smem:$0x3FDB];
	s0 =	simm.s32 @p2 $0x1  }
0x17: {  	s4 =	simm.s32 $0x1BF5;
	[smem:$0x3FB5] =	sst s0  }
0x18: {  	s0 =	sld [smem:$0x3F98];
	_ =	swait.ge [sflag:s4], $0x0  }
0x19: {  	s7 =	sld [smem:$0x3F99]  }
0x1a: {  	s8 =	sadd.s32 $0xFFFFE003, lr  }
0x1b: {  	s9 =	sadd.s32 $0xFFFFFEF7, lr;
	s5 =	simm.s32 $0xFFFFFFFF;
	p2 =	slt.u32 s8, $0xFFFFF086  }
0x1c: {  	p1 =	slt.u32 s9, $0xF7A;
	s5 =	simm.s32 @!p2 $0x0  }
0x1d: {  	s5 =	simm.s32 @p1 $0x1;
	p0 =	seq.s32 s7, s2  }
0x1e: {  	s7 =	smul.u32 @!p0 $0xF7A, s2;
	p2 =	seq.s32 @!p0 s5, $0x0  }
0x1f: {  	s9 =	smul.u32 $0xF7A, s1;
	s8 =	simm.s32 @!p0 $0x1BF5;
	p2 =	por !p2, p0  }
0x20: {  	[sflag:s8] =	ssyncset.s32 @!p0 $0xFFFFF086;
	s6 =	sadd.s32 @!p0 s3, s7;
	s7 =	simm.s32 @!p0 $0x108  }
0x21: {  	s3 =	sadd.s32 s3, s9;
	s6 =	sadd.s32 @!p0 $0x88, s6;
	s7 =	simm.s32 @p2 $0x1082  }
0x22: {  	[simem:s7], [sflag:s8] =	dma.local @!p0 [hbm:s6], $0xF7A  }
0x23: {  	s9 =	sor.u32 $0xD0000000, s2;
	s6 =	simm.s32 $0x108;
	_ =	swait.ge @!p0 [sflag:s8], $0x0  }
0x24: {  	s3 =	sadd.s32 $0x88, s3;
	s6 =	simm.s32 @!p1 $0x1082;
	[sflag:s4] =	ssyncset.s32 $0xFFFFF086  }
0x25: {  	[simem:s6], [sflag:s4] =	dma.local [hbm:s3], $0xF7A  }
0x26: {  	[smem:$0x3F99] =	sst s1;
	(tag) =	ssettag s2;
	_ =	strace s9  }
0x27: {  	s1 =	sld [smem:$0x3FA9]  }
0x28: {  	s2 =	sld [smem:$0x3FAA]  }
0x29: {  	s4 =	sld [smem:$0x3FAC]  }
0x2a: {  	p0 =	seq.s32 s5, $0x0;
	s5 =	sld [smem:$0x3FAD]  }
0x2b: {  	s6 =	sld [smem:$0x3FAE]  }
0x2c: {  	s7 =	sld [smem:$0x3FAF]  }
0x2d: {  	s3 =	simm.s32 $0x108;
	s8 =	sld [smem:$0x3FB0]  }
0x2e: {  	s3 =	simm.s32 @!p0 $0x1082;
	s9 =	sld [smem:$0x3FB1]  }
0x2f: {  	lr =	sadd.s32 s0, s3;
	s0 =	sld [smem:$0x3FA8]  }
0x30: {  	s3 =	sld [smem:$0x3FAB]  }
0x31: {  	[smem:$0x3FB4] =	sst s10  }
0x32: {  	s10 =	sld [smem:$0x3FB2];
	_ =	sdelay $0x3  }
0x33: {  	p0 =	seq.s32 s10, $0x1;
	s10 =	sld [smem:$0x3FB4];
	_ =	sdelay $0x3  }
0x34: {  	[smem:$0x3FB4] =	sst s10  }
0x35: {  	s10 =	sld [smem:$0x3FB3];
	_ =	sdelay $0x3  }
0x36: {  	p1 =	seq.s32 s10, $0x1;
	s10 =	sld [smem:$0x3FB4];
	_ =	sdelay $0x3  }
0x37: {  	[smem:$0x3FB4] =	sst s10  }
0x38: {  	s10 =	sld [smem:$0x3FB5]  }
0x39: {  	_ = 	snop;
	(pc) =	sbr.ind lr, $3  }
0x3a: {  	_ = 	snop  }
0x3b: {  	_ = 	snop  }
0x3c: {  	p2 =	seq.s32 s10, $0x1;
	s10 =	sld [smem:$0x3FB4]  }
0x3d: {  	_ =	shalt  }
0x3e: {  	_ =	shalt  }
0x3f: {  	_ =	shalt  }
0x40: {  	_ =	shalt  }
0x41: {  	_ =	shalt  }
0x42: {  	_ =	shalt  }
0x43: {  	_ =	shalt  }
0x44: {  	_ =	shalt  }
0x45: {  	_ =	shalt  }
0x46: {  	_ =	shalt  }
0x47: {  	_ =	shalt  }
0x48: {  	_ =	shalt  }
0x49: {  	_ =	shalt  }
0x4a: {  	_ =	shalt  }
0x4b: {  	_ =	shalt  }
0x4c: {  	_ =	shalt  }
0x4d: {  	_ =	shalt  }
0x4e: {  	_ =	shalt  }
0x4f: {  	_ =	shalt  }
0x50: {  	_ =	shalt  }
0x51: {  	_ =	shalt  }
0x52: {  	_ =	shalt  }
0x53: {  	_ =	shalt  }
0x54: {  	_ =	shalt  }
0x55: {  	_ =	shalt  }
0x56: {  	_ =	shalt  }
0x57: {  	_ =	shalt  }
0x58: {  	_ =	shalt  }
0x59: {  	_ =	shalt  }
0x5a: {  	_ =	shalt  }
0x5b: {  	_ =	shalt  }
0x5c: {  	_ =	shalt  }
0x5d: {  	_ =	shalt  }
0x5e: {  	_ =	shalt  }
0x5f: {  	_ =	shalt  }
0x60: {  	_ =	shalt  }
0x61: {  	_ =	shalt  }
0x62: {  	_ =	shalt  }
0x63: {  	_ =	shalt  }
0x64: {  	_ =	shalt  }
0x65: {  	_ =	shalt  }
0x66: {  	_ =	shalt  }
0x67: {  	_ =	shalt  }
0x68: {  	_ =	shalt  }
0x69: {  	_ =	shalt  }
0x6a: {  	_ =	shalt  }
0x6b: {  	_ =	shalt  }
0x6c: {  	_ =	shalt  }
0x6d: {  	_ =	shalt  }
0x6e: {  	_ =	shalt  }
0x6f: {  	_ =	shalt  }
0x70: {  	_ =	shalt  }
0x71: {  	_ =	shalt  }
0x72: {  	_ =	shalt  }
0x73: {  	_ =	shalt  }
0x74: {  	_ =	shalt  }
0x75: {  	_ =	shalt  }
0x76: {  	_ =	shalt  }
0x77: {  	_ =	shalt  }
0x78: {  	_ =	shalt  }
0x79: {  	_ =	shalt  }
0x7a: {  	_ =	shalt  }
0x7b: {  	_ =	shalt  }
0x7c: {  	_ =	shalt  }
0x7d: {  	_ =	shalt  }
0x7e: {  	_ =	shalt  }
0x7f: {  	_ =	shalt  }
0x80: {  	_ =	shalt  }
0x81: {  	_ =	shalt  }
0x82: {  	_ =	shalt  }
0x83: {  	_ =	shalt  }
0x84: {  	_ =	shalt  }
0x85: {  	_ =	shalt  }
0x86: {  	_ =	shalt  }
0x87: {  	_ =	shalt  }
.Lfunc_end0:
.L_simem_size_0:
called_computation_lowered:
.L_overlay_start_0:
0x88: {  	s2 =	sld [smem:$0x3FD9]  }
0x89: {  	s3 =	sld [smem:$0x3FFE];
	_ =	sdelay $0x1  }
0x8a: {  	s1 =	srdreg.scid  }
0x8b: {  	s0 =	sand.u32 $0x1, s1  }
0x8c: {  	s17 =	sshll.u32 s0, $0xA;
	s2 =	sadd.s32 s3, s2  }
0x8d: {  	s2 =	sadd.s32 s2, s17  }
0x8e: {  	[smem:$0x3FC0] =	sst s2  }
0x8f: {  	_ = 	snop  }
0x90: {  	s2 =	sld [smem:$0x3FC9];
	(tm) =	ssettm $0x1  }
0x91: {  	s18 =	sld [smem:$0x3FFB];
	_ =	sdelay $0x3  }
0x92: {  	_ =	strace s18  }
0x93: {  	s3 =	sld [smem:$0x3FFC];
	_ =	sdelay $0x3  }
0x94: {  	_ =	strace s3  }
0x95: {  	s3 =	sld [smem:$0x3FFD];
	_ =	sdelay $0x3  }
0x96: {  	_ =	strace s3  }
0x97: {  	_ =	strace $0x8FFFFFFF  }
0x98: {  	s19 =	sld [smem:$0x3FDB];
	_ =	sdelay $0x1  }
0x99: {  	s4 =	simm.s32 $_scs_section_size  }
0x9a: {  	s5 =	simm.s32 $_size__tile_overlayer_lowered;
	s6 =	simm.s32 $_tile_overlayer_lowered  }
0x9b: {  	s22 =	simm.s32 $0x1BFF;
	s21 =	sshll.u32 s6, $0x1;
	s3 =	sadd.s32 s4, s19  }
0x9c: {  	s7 =	simm.s32 $0x0;
	s20 =	sshll.u32 s5, $0x1;
	s5 =	sadd.s32 s21, s3  }
0x9d: {  	[timem:s7], [sflag:s22] =	dma.local [hbm:s5], s20  }
0x9e: {  	_ =	swait.ge [sflag:s22], s20  }
0x9f: {  	s4 =	ssub.s32 $0x0, s20;
	[sflag:s22] =	ssyncset.done $0x0  }
0xa0: {  	[sflag:s22] =	ssyncadd.s32 s4;
	_ =	sdelay $0x1  }
0xa1: {  	s23 =	simm.s32 $0x1B8B  }
0xa2: {  	_ =	swait.ge [sflag:s23], $0x1  }
0xa3: {  	[sflag:s23] =	ssyncset.done $0x0  }
0xa4: {  	s25 =	simm.s32 $0x1B8E;
	s24 =	sld [smem:$0x3FFE];
	[sflag:s23] =	ssyncadd.s32 $0xFFFFFFFF  }
0xa5: {  	s26 =	simm.s32 $execute0_lowered;
	[smem:$0x3FD2] =	sst s25  }
0xa6: {  	s5 =	sshll.u32 s26, $0x1;
	_ =	strace $0x80000046;
	[dreg:$0x1] =	wrdreg $0xFFFFFFFF  }
0xa7: {  	s28 =	simm.s32 $_size_execute0_lowered;
	s3 =	sadd.s32 s3, s5;
	[dreg:$0x0] =	wrdreg $0x0  }
0xa8: {  	s5 =	sshll.u32 s28, $0x1;
	[dreg:$0x2] =	wrdreg s3  }
0xa9: {  	[dreg:$0x3] =	wrdreg s5  }
0xaa: {  	[dreg:$0x4] =	wrdreg $0xC0  }
0xab: {  	_ =	task [dreg:s7], $0x5FFFF  }
0xac: {  	[dreg:$0x1] =	wrdreg $0xFFFFFFFF  }
0xad: {  	[dreg:$0x0] =	wrdreg $0x60  }
0xae: {  	[dreg:$0x2] =	wrdreg s2  }
0xaf: {  	[dreg:$0x3] =	wrdreg s24  }
0xb0: {  	[dreg:$0x4] =	wrdreg $0x9  }
0xb1: {  	_ =	task.clear_ibuf [dreg:s7], $0x5FFFF;
	_ =	strace $0x90000046  }
0xb2: {  	s29 =	simm.s32 $0x9;
	_ =	strace $0x80000048  }
0xb3: {  	_ =	swait.ge [sflag:s29], $0x1  }
0xb4: {  	[sflag:s29] =	ssyncadd.s32 $0xFFFFFFFF  }
0xb5: {  	_ =	strace $0x90000048  }
0xb6: {  	_ =	sfence  }
0xb7: {  	s30 =	sld [smem:$0x0];
	_ =	sdelay $0x2  }
0xb8: {  	s31 =	sshll.u32 s1, $0xD;
	s1 =	sshrl.u32 s1, $0x2  }
0xb9: {  	s3 =	sand.u32 $0x4000, s31;
	s1 =	sadd.s32 s1, s30  }
0xba: {  	s0 =	sor.u32 s3, s0;
	s1 =	sshll.u32 s1, $0x11  }
0xbb: {  	s0 =	sor.u32 s1, s0  }
0xbc: {  	s0 =	sadd.s32 $0x8F2B, s0  }
0xbd: {  	[sflag:s0] =	ssyncadd.remote.s32 $0x1  }
0xbe: {  	_ =	sfence.sel $0xFFFF  }
0xbf: {  	[dreg:$0x0] =	wrdreg $0xFFFFFFFF;
	(pc) =	sbr.abs _section_cstart, $3  }
0xc0: {  	[dreg:$0x1] =	wrdreg $0xFFFFFFFF  }
0xc1: {  	_ =	task.clear_ibuf [dreg:s7], $0x2FFFF;
	_ =	strace $0x9FFFFFFF  }
0xc2: {  	(tm) =	ssettm $0x7FFFFFFF  }
0xc3: {  	_ =	shalt  }
tec
execute0_lowered:
.L_overlay_start_1:
0x0: {  	(tag) =	ssettag $0x1  }
0x1: {  	s2 =	rddreg [dreg:$0x0]  }
0x2: {  	s6 =	stileid.u32;
	s0 =	srdreg.scid  }
0x3: {  	s1 =	rddreg [dreg:$0x1];
	s3 =	simm.s32 $0x0;
	s26 =	simm.s32 $0xCC00  }
0x4: {  	s28 =	simm.s32 $0xCC80;
	s29 =	simm.s32 $0xCD00;
	s0 =	sand.u32 $0x1, s0  }
0x5: {  	s4 =	smul.u32 $0x4E20, s6;
	[smem:$0x7FF] =	sst s3;
	s30 =	sadd.s32 $0xB800, s1  }
0x6: {  	s6 =	smul.u32 $0x4E200, s6;
	_ =	strace $0x80000047;
	[dreg:$0x12] =	wrdreg s30  }
0x7: {  	s7 =	sadd.s32 $0x1A00, s1;
	s5 =	smul.u32 $0x2710, s0;
	[dreg:$0xd] =	wrdreg s26  }
0x8: {  	s8 =	ssub.s32 $0x2, s0;
	s0 =	smul.u32 $0x27100, s0;
	[dreg:$0xe] =	wrdreg s28  }
0x9: {  	[dreg:$0xf] =	wrdreg s29;
	s30 =	simm.s32 $0xCD80;
	s26 =	simm.s32 $0x0  }
0xa: {  	s31 =	sadd.s32 s6, s1;
	s1 =	sadd.s32 $0xBE00, s1;
	s9 =	sshrl.u32 s8, $0x1  }
0xb: {  	[dreg:$0x10] =	wrdreg s30;
	s4 =	sadd.s32 s5, s4;
	s8 =	ssub.s32 s8, s9  }
0xc: {  	s0 =	sadd.s32 s0, s31;
	s9 =	simm.s32 $0x80;
	s31 =	simm.s32 $0xCE00  }
0xd: {  	s12 =	sadd.s32 $0x140, s4;
	s11 =	sadd.s32 $0xF0, s4;
	s15 =	sadd.s32 $0xA0, s4  }
0xe: {  	s19 =	sadd.s32 $0x50, s4;
	s4 =	sshrl.u32 s4, $0x3;
	s25 =	smax.u32 s8, $0x1  }
0xf: {  	s8 =	simm.s32 $0x8;
	[dreg:$0x11] =	wrdreg s31;
	s6 =	sshrl.u32 s12, $0x3  }
0x10: {  	s13 =	sshrl.u32 s11, $0x3;
	s17 =	sshrl.u32 s15, $0x3;
	s21 =	sshrl.u32 s19, $0x3  }
0x11: {  	s24 =	sadd.s32 s4, s7;
	[dreg:$0x13] =	wrdreg s25;
	s11 =	simm.s32 $0x180  }
0x12: {  	s12 =	simm.s32 $0x200;
	s10 =	sadd.s32 s6, s1;
	[dreg:$0xc] =	wrdreg s24  }
0x13: {  	s15 =	simm.s32 $0x400;
	s6 =	sadd.s32 s6, s7;
	[dreg:$0x3] =	wrdreg s10  }
0x14: {  	s19 =	simm.s32 $0xA400;
	s14 =	sadd.s32 s13, s1;
	[dreg:$0x4] =	wrdreg s6  }
0x15: {  	s25 =	simm.s32 $0x7;
	s16 =	sadd.s32 s13, s7;
	[dreg:$0x5] =	wrdreg s14  }
0x16: {  	s18 =	sadd.s32 s17, s1;
	s20 =	sadd.s32 s17, s7;
	[dreg:$0x6] =	wrdreg s16  }
0x17: {  	s22 =	sadd.s32 s21, s1;
	s23 =	sadd.s32 s21, s7;
	[dreg:$0x7] =	wrdreg s18  }
0x18: {  	s1 =	sadd.s32 s4, s1;
	s7 =	simm.s32 $0xD000;
	[dreg:$0x8] =	wrdreg s20  }
0x19: {  	s13 =	simm.s32 $0x1;
	s17 =	simm.s32 $0x5400;
	[dreg:$0x9] =	wrdreg s22  }
0x1a: {  	s21 =	simm.s32 $0x3;
	s24 =	simm.s32 $0x6;
	[dreg:$0xa] =	wrdreg s23  }
0x1b: {  	[dreg:$0xb] =	wrdreg s1;
	s6 =	sadd.s32 $0x17000, s0;
	s10 =	simm.s32 $0x100  }
0x1c: {  	s14 =	simm.s32 $0x50;
	s16 =	simm.s32 $0x2C00;
	s18 =	simm.s32 $0x7C00  }
0x1d: {  	s20 =	simm.s32 $0x2;
	s22 =	simm.s32 $0x4;
	s23 =	simm.s32 $0x5  }
.LBB2_1:
0x1e: {  	s0 =	rddreg [dreg:$0x12]  }
0x1f: {  	[tilespmem:s7], [sflag:$0x8] =	stream.linear.gather [hbm4b:s0+s3], $0x2780, $0x38;
	[tilespmem:$0xF780] =	vst v63  }
0x20: {  	_ =	swait.ge [sflag:s8], $0x2780  }
0x21: {  	s4 =	rddreg [dreg:$0xc];
	[sflag:s8] =	ssyncset.done $0x0  }
0x22: {  	s1 =	rddreg [dreg:$0xa];
	[sflag:s8] =	ssyncadd.s32 $0xFFFFD880;
	s0 =	sadd.s32 $0x0, s4  }
0x23: {  	[tilespmem:s3], [sflag:$0x1] =	stream.linear.gather [hbm4b:s0+s3], $0x50, $0x38;
	[tilespmem:$0xF780] =	vst v63  }
0x24: {  	s4 =	rddreg [dreg:$0x8];
	s5 =	sadd.s32 $0x0, s1  }
0x25: {  	[tilespmem:s9], [sflag:$0x1] =	stream.linear.gather [hbm4b:s5+s3], $0x50, $0x38;
	[tilespmem:$0xF780] =	vst v63  }
0x26: {  	s1 =	rddreg [dreg:$0x6];
	s5 =	sadd.s32 $0x0, s4  }
0x27: {  	[tilespmem:s10], [sflag:$0x1] =	stream.linear.gather [hbm4b:s5+s3], $0x50, $0x38;
	[tilespmem:$0xF780] =	vst v63  }
0x28: {  	p0 =	por $0x1, $0x1;
	s4 =	rddreg [dreg:$0x4];
	s5 =	sadd.s32 $0x0, s1  }
0x29: {  	[tilespmem:s11], [sflag:$0x1] =	stream.linear.gather [hbm4b:s5+s3], $0x50, $0x38;
	[tilespmem:$0xF780] =	vst v63  }
0x2a: {  	s0 =	simm.s32 @!p0 $0x3;
	s1 =	sadd.s32 $0x0, s4  }
0x2b: {  	[tilespmem:s12], [sflag:$0x1] =	stream.linear.gather [hbm4b:s1+s3], $0x50, $0x38;
	[tilespmem:$0xF780] =	vst v63  }
0x2c: {  	_ =	swait.ge @!p0 [sflag:s0], $0x2800  }
0x2d: {  	[sflag:s0] =	ssyncset.done @!p0 $0x0  }
0x2e: {  	[sflag:s0] =	ssyncadd.s32 @!p0 $0xFFFFD800  }
0x2f: {  	_ =	swait.ge @!p0 [sflag:s0], $0x50  }
0x30: {  	[sflag:s0] =	ssyncset.done @!p0 $0x0  }
0x31: {  	s1 =	simm.s32 @!p0 $0x4;
	[sflag:s0] =	ssyncadd.s32 @!p0 $0xFFFFFFB0  }
0x32: {  	_ =	swait.ge @!p0 [sflag:s1], $0x2800  }
0x33: {  	[sflag:s1] =	ssyncset.done @!p0 $0x0  }
0x34: {  	[sflag:s1] =	ssyncadd.s32 @!p0 $0xFFFFD800  }
0x35: {  	_ =	swait.ge @!p0 [sflag:s1], $0x50  }
0x36: {  	[sflag:s1] =	ssyncset.done @!p0 $0x0  }
0x37: {  	s0 =	simm.s32 @!p0 $0x5;
	[sflag:s1] =	ssyncadd.s32 @!p0 $0xFFFFFFB0  }
0x38: {  	_ =	swait.ge @!p0 [sflag:s0], $0x2800  }
0x39: {  	[sflag:s0] =	ssyncset.done @!p0 $0x0  }
0x3a: {  	[sflag:s0] =	ssyncadd.s32 @!p0 $0xFFFFD800  }
0x3b: {  	_ =	swait.ge @!p0 [sflag:s0], $0x50  }
0x3c: {  	[sflag:s0] =	ssyncset.done @!p0 $0x0  }
0x3d: {  	s1 =	simm.s32 @!p0 $0x6;
	[sflag:s0] =	ssyncadd.s32 @!p0 $0xFFFFFFB0  }
0x3e: {  	_ =	swait.ge @!p0 [sflag:s1], $0x2800  }
0x3f: {  	[sflag:s1] =	ssyncset.done @!p0 $0x0  }
0x40: {  	[sflag:s1] =	ssyncadd.s32 @!p0 $0xFFFFD800  }
0x41: {  	_ =	swait.ge @!p0 [sflag:s1], $0x50  }
0x42: {  	[sflag:s1] =	ssyncset.done @!p0 $0x0  }
0x43: {  	s0 =	simm.s32 @!p0 $0x7;
	[sflag:s1] =	ssyncadd.s32 @!p0 $0xFFFFFFB0  }
0x44: {  	_ =	swait.ge @!p0 [sflag:s0], $0x2800  }
0x45: {  	[sflag:s0] =	ssyncset.done @!p0 $0x0  }
0x46: {  	[sflag:s0] =	ssyncadd.s32 @!p0 $0xFFFFD800  }
0x47: {  	_ =	swait.ge @!p0 [sflag:s0], $0x50  }
0x48: {  	[sflag:s0] =	ssyncset.done @!p0 $0x0  }
0x49: {  	[sflag:s0] =	ssyncadd.s32 @!p0 $0xFFFFFFB0  }
0x4a: {  	_ =	swait.ge [sflag:s13], $0x50  }
0x4b: {  	[sflag:s13] =	ssyncset.done $0x0  }
0x4c: {  	[sflag:s13] =	ssyncadd.s32 $0xFFFFFFB0  }
0x4d: {  	[tilespmem:s15], [sflag:$0x2] =	stream.indirect.gather [hbm4b:s2+s14], $0x80, s3, s14, $0xb8;
	[tilespmem:$0xF780] =	vst v63  }
0x4e: {  	_ =	swait.ge [sflag:s13], $0x50  }
0x4f: {  	[sflag:s13] =	ssyncset.done $0x0  }
0x50: {  	[sflag:s13] =	ssyncadd.s32 $0xFFFFFFB0  }
0x51: {  	[tilespmem:s16], [sflag:$0x2] =	stream.indirect.gather [hbm4b:s2+s14], $0x80, s9, s14, $0xb8;
	[tilespmem:$0xF780] =	vst v63  }
0x52: {  	_ =	swait.ge [sflag:s13], $0x50  }
0x53: {  	[sflag:s13] =	ssyncset.done $0x0  }
0x54: {  	[sflag:s13] =	ssyncadd.s32 $0xFFFFFFB0  }
0x55: {  	[tilespmem:s17], [sflag:$0x2] =	stream.indirect.gather [hbm4b:s2+s14], $0x80, s10, s14, $0xb8;
	[tilespmem:$0xF780] =	vst v63  }
0x56: {  	_ =	swait.ge [sflag:s13], $0x50  }
0x57: {  	[sflag:s13] =	ssyncset.done $0x0  }
0x58: {  	[sflag:s13] =	ssyncadd.s32 $0xFFFFFFB0  }
0x59: {  	[tilespmem:s18], [sflag:$0x2] =	stream.indirect.gather [hbm4b:s2+s14], $0x80, s11, s14, $0xb8;
	[tilespmem:$0xF780] =	vst v63  }
0x5a: {  	_ =	swait.ge [sflag:s13], $0x50  }
0x5b: {  	[sflag:s13] =	ssyncset.done $0x0  }
0x5c: {  	[sflag:s13] =	ssyncadd.s32 $0xFFFFFFB0  }
0x5d: {  	[tilespmem:s19], [sflag:$0x2] =	stream.indirect.gather [hbm4b:s2+s14], $0x80, s12, s14, $0xb8;
	[tilespmem:$0xF780] =	vst v63  }
0x5e: {  	v0 =	vld [tilespmem:$0x0];
	_ =	sdelay $0x5  }
0x5f: {  	v1 =	vld [tilespmem:$0x10];
	_ =	sdelay $0x1  }
0x60: {  	v0 =	vld.idx.msk [tilespmem:v0+s7+$0x0], $0xffff;
	_ =	sdelay $0x3  }
0x61: {  	v2 =	vld [tilespmem:$0x20]  }
0x62: {  	[tilespmem:$0xCC00] =	vst v0  }
0x63: {  	v0 =	vld.idx.msk [tilespmem:v1+s7+$0x0], $0xffff;
	_ =	sdelay $0x3  }
0x64: {  	v42 =	vld [tilespmem:$0x30]  }
0x65: {  	[tilespmem:$0xCC10] =	vst v0  }
0x66: {  	v0 =	vld.idx.msk [tilespmem:v2+s7+$0x0], $0xffff;
	_ =	sdelay $0x3  }
0x67: {  	v43 =	vld [tilespmem:$0x40]  }
0x68: {  	[tilespmem:$0xCC20] =	vst v0  }
0x69: {  	v0 =	vld.idx.msk [tilespmem:v42+s7+$0x0], $0xffff;
	_ =	sdelay $0x3  }
0x6a: {  	v44 =	vld [tilespmem:$0x80]  }
0x6b: {  	[tilespmem:$0xCC30] =	vst v0  }
0x6c: {  	v0 =	vld.idx.msk [tilespmem:v43+s7+$0x0], $0xffff;
	_ =	sdelay $0x3  }
0x6d: {  	v45 =	vld [tilespmem:$0x90]  }
0x6e: {  	[tilespmem:$0xCC40] =	vst v0  }
0x6f: {  	v0 =	vld.idx.msk [tilespmem:v44+s7+$0x0], $0xffff;
	_ =	sdelay $0x3  }
0x70: {  	v46 =	vld [tilespmem:$0xA0]  }
0x71: {  	[tilespmem:$0xCC80] =	vst v0  }
0x72: {  	v0 =	vld.idx.msk [tilespmem:v45+s7+$0x0], $0xffff;
	_ =	sdelay $0x3  }
0x73: {  	v47 =	vld [tilespmem:$0xB0]  }
0x74: {  	[tilespmem:$0xCC90] =	vst v0  }
0x75: {  	v0 =	vld.idx.msk [tilespmem:v46+s7+$0x0], $0xffff;
	_ =	sdelay $0x3  }
0x76: {  	v48 =	vld [tilespmem:$0xC0]  }
0x77: {  	[tilespmem:$0xCCA0] =	vst v0  }
0x78: {  	v0 =	vld.idx.msk [tilespmem:v47+s7+$0x0], $0xffff;
	_ =	sdelay $0x3  }
0x79: {  	v49 =	vld [tilespmem:$0x100]  }
0x7a: {  	[tilespmem:$0xCCB0] =	vst v0  }
0x7b: {  	v0 =	vld.idx.msk [tilespmem:v48+s7+$0x0], $0xffff;
	_ =	sdelay $0x3  }
0x7c: {  	v50 =	vld [tilespmem:$0x110]  }
0x7d: {  	[tilespmem:$0xCCC0] =	vst v0  }
0x7e: {  	v0 =	vld.idx.msk [tilespmem:v49+s7+$0x0], $0xffff;
	_ =	sdelay $0x3  }
0x7f: {  	v51 =	vld [tilespmem:$0x120]  }
0x80: {  	[tilespmem:$0xCD00] =	vst v0  }
0x81: {  	v0 =	vld.idx.msk [tilespmem:v50+s7+$0x0], $0xffff;
	_ =	sdelay $0x3  }
0x82: {  	v52 =	vld [tilespmem:$0x130]  }
0x83: {  	[tilespmem:$0xCD10] =	vst v0  }
0x84: {  	v0 =	vld.idx.msk [tilespmem:v51+s7+$0x0], $0xffff;
	_ =	sdelay $0x3  }
0x85: {  	v53 =	vld [tilespmem:$0x140]  }
0x86: {  	[tilespmem:$0xCD20] =	vst v0  }
0x87: {  	v0 =	vld.idx.msk [tilespmem:v52+s7+$0x0], $0xffff;
	_ =	sdelay $0x3  }
0x88: {  	v54 =	vld [tilespmem:$0x180]  }
0x89: {  	[tilespmem:$0xCD30] =	vst v0  }
0x8a: {  	v0 =	vld.idx.msk [tilespmem:v53+s7+$0x0], $0xffff;
	_ =	sdelay $0x3  }
0x8b: {  	v55 =	vld [tilespmem:$0x190]  }
0x8c: {  	[tilespmem:$0xCD40] =	vst v0  }
0x8d: {  	v0 =	vld.idx.msk [tilespmem:v54+s7+$0x0], $0xffff;
	_ =	sdelay $0x3  }
0x8e: {  	v56 =	vld [tilespmem:$0x1A0]  }
0x8f: {  	[tilespmem:$0xCD80] =	vst v0  }
0x90: {  	v0 =	vld.idx.msk [tilespmem:v55+s7+$0x0], $0xffff;
	_ =	sdelay $0x3  }
0x91: {  	v57 =	vld [tilespmem:$0x1B0]  }
0x92: {  	[tilespmem:$0xCD90] =	vst v0  }
0x93: {  	v0 =	vld.idx.msk [tilespmem:v56+s7+$0x0], $0xffff;
	_ =	sdelay $0x3  }
0x94: {  	v58 =	vld [tilespmem:$0x1C0]  }
0x95: {  	[tilespmem:$0xCDA0] =	vst v0  }
0x96: {  	v0 =	vld.idx.msk [tilespmem:v57+s7+$0x0], $0xffff;
	_ =	sdelay $0x3  }
0x97: {  	v59 =	vld [tilespmem:$0x200]  }
0x98: {  	[tilespmem:$0xCDB0] =	vst v0  }
0x99: {  	v0 =	vld.idx.msk [tilespmem:v58+s7+$0x0], $0xffff;
	_ =	sdelay $0x3  }
0x9a: {  	v60 =	vld [tilespmem:$0x210]  }
0x9b: {  	[tilespmem:$0xCDC0] =	vst v0  }
0x9c: {  	v0 =	vld.idx.msk [tilespmem:v59+s7+$0x0], $0xffff;
	_ =	sdelay $0x3  }
0x9d: {  	v61 =	vld [tilespmem:$0x220]  }
0x9e: {  	[tilespmem:$0xCE00] =	vst v0  }
0x9f: {  	v0 =	vld.idx.msk [tilespmem:v60+s7+$0x0], $0xffff;
	_ =	sdelay $0x3  }
0xa0: {  	v62 =	vld [tilespmem:$0x230]  }
0xa1: {  	[tilespmem:$0xCE10] =	vst v0  }
0xa2: {  	v0 =	vld.idx.msk [tilespmem:v61+s7+$0x0], $0xffff;
	_ =	sdelay $0x3  }
0xa3: {  	v63 =	vld [tilespmem:$0x240]  }
0xa4: {  	[tilespmem:$0xCE20] =	vst v0  }
0xa5: {  	v0 =	vld.idx.msk [tilespmem:v62+s7+$0x0], $0xffff;
	_ =	sdelay $0x4  }
0xa6: {  	[tilespmem:$0xCE30] =	vst v0  }
0xa7: {  	v0 =	vld.idx.msk [tilespmem:v63+s7+$0x0], $0xffff;
	_ =	sdelay $0x4  }
0xa8: {  	[tilespmem:$0xCE40] =	vst v0  }
0xa9: {  	_ =	swait.ge [sflag:s20], $0x2800  }
0xaa: {  	[sflag:s20] =	ssyncset.done $0x0  }
0xab: {  	s4 =	sadd.s32 $0xFFFFEC00, s6;
	s0 =	rddreg [dreg:$0xb];
	[sflag:s20] =	ssyncadd.s32 $0xFFFFD800  }
0xac: {  	[hbm4b:s4+s3] =	stream.linear.scatter [tilespmem:s15], [sflag:$0x3], $0x2800, $0x38;
	[tilespmem:$0xF780] =	vst v63  }
0xad: {  	s5 =	rddreg [dreg:$0xd];
	s0 =	sadd.s32 $0x0, s0  }
0xae: {  	[hbm4b:s0+s3] =	stream.linear.scatter [tilespmem:s5], [sflag:$0x3], $0x50, $0x38;
	[tilespmem:$0xF780] =	vst v63  }
0xaf: {  	_ =	swait.ge [sflag:s20], $0x2800  }
0xb0: {  	[sflag:s20] =	ssyncset.done $0x0  }
0xb1: {  	s4 =	sadd.s32 $0xFFFFF100, s6;
	s0 =	rddreg [dreg:$0x9];
	[sflag:s20] =	ssyncadd.s32 $0xFFFFD800  }
0xb2: {  	[hbm4b:s4+s3] =	stream.linear.scatter [tilespmem:s16], [sflag:$0x4], $0x2800, $0x38;
	[tilespmem:$0xF780] =	vst v63  }
0xb3: {  	s5 =	rddreg [dreg:$0xe];
	s0 =	sadd.s32 $0x0, s0  }
0xb4: {  	[hbm4b:s0+s3] =	stream.linear.scatter [tilespmem:s5], [sflag:$0x4], $0x50, $0x38;
	[tilespmem:$0xF780] =	vst v63  }
0xb5: {  	_ =	swait.ge [sflag:s20], $0x2800  }
0xb6: {  	[sflag:s20] =	ssyncset.done $0x0  }
0xb7: {  	s4 =	sadd.s32 $0xFFFFF600, s6;
	s0 =	rddreg [dreg:$0x7];
	[sflag:s20] =	ssyncadd.s32 $0xFFFFD800  }
0xb8: {  	[hbm4b:s4+s3] =	stream.linear.scatter [tilespmem:s17], [sflag:$0x5], $0x2800, $0x38;
	[tilespmem:$0xF780] =	vst v63  }
0xb9: {  	s5 =	rddreg [dreg:$0xf];
	s0 =	sadd.s32 $0x0, s0  }
0xba: {  	[hbm4b:s0+s3] =	stream.linear.scatter [tilespmem:s5], [sflag:$0x5], $0x50, $0x38;
	[tilespmem:$0xF780] =	vst v63  }
0xbb: {  	_ =	swait.ge [sflag:s20], $0x2800  }
0xbc: {  	[sflag:s20] =	ssyncset.done $0x0  }
0xbd: {  	s4 =	sadd.s32 $0xFFFFFB00, s6;
	s0 =	rddreg [dreg:$0x5];
	[sflag:s20] =	ssyncadd.s32 $0xFFFFD800  }
0xbe: {  	[hbm4b:s4+s3] =	stream.linear.scatter [tilespmem:s18], [sflag:$0x6], $0x2800, $0x38;
	[tilespmem:$0xF780] =	vst v63  }
0xbf: {  	s5 =	rddreg [dreg:$0x10];
	s0 =	sadd.s32 $0x0, s0  }
0xc0: {  	[hbm4b:s0+s3] =	stream.linear.scatter [tilespmem:s5], [sflag:$0x6], $0x50, $0x38;
	[tilespmem:$0xF780] =	vst v63  }
0xc1: {  	s28 =	simm.s32 $0x32;
	s30 =	simm.s32 $0x64;
	_ =	swait.ge [sflag:s20], $0x2800  }
0xc2: {  	s29 =	sadd.s32 $0x1900, s6;
	[sflag:s20] =	ssyncset.done $0x0;
	s4 =	rddreg [dreg:$0x3]  }
0xc3: {  	s31 =	simm.s32 $0x0;
	s0 =	rddreg [dreg:$0x11];
	[sflag:s20] =	ssyncadd.s32 $0xFFFFD800  }
0xc4: {  	[hbm4b:s6+s3] =	stream.linear.scatter [tilespmem:s19], [sflag:$0x7], $0x2800, $0x38;
	[tilespmem:$0xF780] =	vst v63  }
.LBB2_2:
0xc5: {  	s5 =	rddreg [dreg:$0xc];
	s4 =	sadd.s32 s31, s4;
	s31 =	smov.u32 s28  }
0xc6: {  	[hbm4b:s4+s3] =	stream.linear.scatter [tilespmem:s0], [sflag:$0x7], $0x50, $0x38;
	[tilespmem:$0xF780] =	vst v63  }
0xc7: {  	s0 =	rddreg [dreg:$0xa];
	s4 =	sadd.s32 s31, s5  }
0xc8: {  	[tilespmem:s3], [sflag:$0x1] =	stream.linear.gather [hbm4b:s4+s3], $0x50, $0x38;
	[tilespmem:$0xF780] =	vst v63  }
0xc9: {  	s5 =	rddreg [dreg:$0x8];
	s0 =	sadd.s32 s31, s0  }
0xca: {  	[tilespmem:s9], [sflag:$0x1] =	stream.linear.gather [hbm4b:s0+s3], $0x50, $0x38;
	[tilespmem:$0xF780] =	vst v63  }
0xcb: {  	s4 =	rddreg [dreg:$0x6];
	s0 =	sadd.s32 s31, s5  }
0xcc: {  	[tilespmem:s10], [sflag:$0x1] =	stream.linear.gather [hbm4b:s0+s3], $0x50, $0x38;
	[tilespmem:$0xF780] =	vst v63  }
0xcd: {  	p1 =	seq.s32 s31, $0x0;
	s4 =	sadd.s32 s31, s4;
	s5 =	rddreg [dreg:$0x4]  }
0xce: {  	[tilespmem:s11], [sflag:$0x1] =	stream.linear.gather [hbm4b:s4+s3], $0x50, $0x38;
	[tilespmem:$0xF780] =	vst v63  }
0xcf: {  	s5 =	sadd.s32 s31, s5;
	s0 =	simm.s32 @!p1 $0x3  }
0xd0: {  	[tilespmem:s12], [sflag:$0x1] =	stream.linear.gather [hbm4b:s5+s3], $0x50, $0x38;
	[tilespmem:$0xF780] =	vst v63  }
0xd1: {  	_ =	swait.ge @!p1 [sflag:s0], $0x2800  }
0xd2: {  	[sflag:s0] =	ssyncset.done @!p1 $0x0  }
0xd3: {  	[sflag:s0] =	ssyncadd.s32 @!p1 $0xFFFFD800  }
0xd4: {  	_ =	swait.ge @!p1 [sflag:s0], $0x50  }
0xd5: {  	[sflag:s0] =	ssyncset.done @!p1 $0x0  }
0xd6: {  	s4 =	simm.s32 @!p1 $0x4;
	[sflag:s0] =	ssyncadd.s32 @!p1 $0xFFFFFFB0  }
0xd7: {  	_ =	swait.ge @!p1 [sflag:s4], $0x2800  }
0xd8: {  	[sflag:s4] =	ssyncset.done @!p1 $0x0  }
0xd9: {  	[sflag:s4] =	ssyncadd.s32 @!p1 $0xFFFFD800  }
0xda: {  	_ =	swait.ge @!p1 [sflag:s4], $0x50  }
0xdb: {  	[sflag:s4] =	ssyncset.done @!p1 $0x0  }
0xdc: {  	s0 =	simm.s32 @!p1 $0x5;
	[sflag:s4] =	ssyncadd.s32 @!p1 $0xFFFFFFB0  }
0xdd: {  	_ =	swait.ge @!p1 [sflag:s0], $0x2800  }
0xde: {  	[sflag:s0] =	ssyncset.done @!p1 $0x0  }
0xdf: {  	[sflag:s0] =	ssyncadd.s32 @!p1 $0xFFFFD800  }
0xe0: {  	_ =	swait.ge @!p1 [sflag:s0], $0x50  }
0xe1: {  	[sflag:s0] =	ssyncset.done @!p1 $0x0  }
0xe2: {  	s4 =	simm.s32 @!p1 $0x6;
	[sflag:s0] =	ssyncadd.s32 @!p1 $0xFFFFFFB0  }
0xe3: {  	_ =	swait.ge @!p1 [sflag:s4], $0x2800  }
0xe4: {  	[sflag:s4] =	ssyncset.done @!p1 $0x0  }
0xe5: {  	[sflag:s4] =	ssyncadd.s32 @!p1 $0xFFFFD800  }
0xe6: {  	_ =	swait.ge @!p1 [sflag:s4], $0x50  }
0xe7: {  	[sflag:s4] =	ssyncset.done @!p1 $0x0  }
0xe8: {  	s0 =	simm.s32 @!p1 $0x7;
	[sflag:s4] =	ssyncadd.s32 @!p1 $0xFFFFFFB0  }
0xe9: {  	_ =	swait.ge @!p1 [sflag:s0], $0x2800  }
0xea: {  	[sflag:s0] =	ssyncset.done @!p1 $0x0  }
0xeb: {  	[sflag:s0] =	ssyncadd.s32 @!p1 $0xFFFFD800  }
0xec: {  	_ =	swait.ge @!p1 [sflag:s0], $0x50  }
0xed: {  	[sflag:s0] =	ssyncset.done @!p1 $0x0  }
0xee: {  	[sflag:s0] =	ssyncadd.s32 @!p1 $0xFFFFFFB0  }
0xef: {  	_ =	swait.ge [sflag:s13], $0x50  }
0xf0: {  	[sflag:s13] =	ssyncset.done $0x0  }
0xf1: {  	[sflag:s13] =	ssyncadd.s32 $0xFFFFFFB0  }
0xf2: {  	[tilespmem:s15], [sflag:$0x2] =	stream.indirect.gather [hbm4b:s2+s14], $0x80, s3, s14, $0xb8;
	[tilespmem:$0xF780] =	vst v63  }
0xf3: {  	_ =	swait.ge [sflag:s13], $0x50  }
0xf4: {  	[sflag:s13] =	ssyncset.done $0x0  }
0xf5: {  	[sflag:s13] =	ssyncadd.s32 $0xFFFFFFB0  }
0xf6: {  	[tilespmem:s16], [sflag:$0x2] =	stream.indirect.gather [hbm4b:s2+s14], $0x80, s9, s14, $0xb8;
	[tilespmem:$0xF780] =	vst v63  }
0xf7: {  	_ =	swait.ge [sflag:s13], $0x50  }
0xf8: {  	[sflag:s13] =	ssyncset.done $0x0  }
0xf9: {  	[sflag:s13] =	ssyncadd.s32 $0xFFFFFFB0  }
0xfa: {  	[tilespmem:s17], [sflag:$0x2] =	stream.indirect.gather [hbm4b:s2+s14], $0x80, s10, s14, $0xb8;
	[tilespmem:$0xF780] =	vst v63  }
0xfb: {  	_ =	swait.ge [sflag:s13], $0x50  }
0xfc: {  	[sflag:s13] =	ssyncset.done $0x0  }
0xfd: {  	[sflag:s13] =	ssyncadd.s32 $0xFFFFFFB0  }
0xfe: {  	[tilespmem:s18], [sflag:$0x2] =	stream.indirect.gather [hbm4b:s2+s14], $0x80, s11, s14, $0xb8;
	[tilespmem:$0xF780] =	vst v63  }
0xff: {  	_ =	swait.ge [sflag:s13], $0x50  }
0x100: {  	[sflag:s13] =	ssyncset.done $0x0  }
0x101: {  	[sflag:s13] =	ssyncadd.s32 $0xFFFFFFB0  }
0x102: {  	[tilespmem:s19], [sflag:$0x2] =	stream.indirect.gather [hbm4b:s2+s14], $0x80, s12, s14, $0xb8;
	[tilespmem:$0xF780] =	vst v63  }
0x103: {  	v0 =	vld [tilespmem:$0x0];
	_ =	sdelay $0x5  }
0x104: {  	v1 =	vld [tilespmem:$0x10];
	_ =	sdelay $0x1  }
0x105: {  	v0 =	vld.idx.msk [tilespmem:v0+s7+$0x0], $0xffff;
	_ =	sdelay $0x3  }
0x106: {  	v2 =	vld [tilespmem:$0x20]  }
0x107: {  	[tilespmem:$0xCC00] =	vst v0  }
0x108: {  	v0 =	vld.idx.msk [tilespmem:v1+s7+$0x0], $0xffff;
	_ =	sdelay $0x3  }
0x109: {  	v10 =	vld [tilespmem:$0x30]  }
0x10a: {  	[tilespmem:$0xCC10] =	vst v0  }
0x10b: {  	v22 =	vld.idx.msk [tilespmem:v2+s7+$0x0], $0xffff;
	_ =	sdelay $0x3  }
0x10c: {  	v11 =	vld [tilespmem:$0x40]  }
0x10d: {  	[tilespmem:$0xCC20] =	vst v22  }
0x10e: {  	v10 =	vld.idx.msk [tilespmem:v10+s7+$0x0], $0xffff;
	_ =	sdelay $0x3  }
0x10f: {  	v12 =	vld [tilespmem:$0x80]  }
0x110: {  	[tilespmem:$0xCC30] =	vst v10  }
0x111: {  	v10 =	vld.idx.msk [tilespmem:v11+s7+$0x0], $0xffff;
	_ =	sdelay $0x3  }
0x112: {  	v13 =	vld [tilespmem:$0x90]  }
0x113: {  	[tilespmem:$0xCC40] =	vst v10  }
0x114: {  	v10 =	vld.idx.msk [tilespmem:v12+s7+$0x0], $0xffff;
	_ =	sdelay $0x3  }
0x115: {  	v14 =	vld [tilespmem:$0xA0]  }
0x116: {  	[tilespmem:$0xCC80] =	vst v10  }
0x117: {  	v10 =	vld.idx.msk [tilespmem:v13+s7+$0x0], $0xffff;
	_ =	sdelay $0x3  }
0x118: {  	v15 =	vld [tilespmem:$0xB0]  }
0x119: {  	[tilespmem:$0xCC90] =	vst v10  }
0x11a: {  	v10 =	vld.idx.msk [tilespmem:v14+s7+$0x0], $0xffff;
	_ =	sdelay $0x3  }
0x11b: {  	v16 =	vld [tilespmem:$0xC0]  }
0x11c: {  	[tilespmem:$0xCCA0] =	vst v10  }
0x11d: {  	v10 =	vld.idx.msk [tilespmem:v15+s7+$0x0], $0xffff;
	_ =	sdelay $0x3  }
0x11e: {  	v17 =	vld [tilespmem:$0x100]  }
0x11f: {  	[tilespmem:$0xCCB0] =	vst v10  }
0x120: {  	v10 =	vld.idx.msk [tilespmem:v16+s7+$0x0], $0xffff;
	_ =	sdelay $0x3  }
0x121: {  	v18 =	vld [tilespmem:$0x110]  }
0x122: {  	[tilespmem:$0xCCC0] =	vst v10  }
0x123: {  	v10 =	vld.idx.msk [tilespmem:v17+s7+$0x0], $0xffff;
	_ =	sdelay $0x3  }
0x124: {  	v19 =	vld [tilespmem:$0x120]  }
0x125: {  	[tilespmem:$0xCD00] =	vst v10  }
0x126: {  	v10 =	vld.idx.msk [tilespmem:v18+s7+$0x0], $0xffff;
	_ =	sdelay $0x3  }
0x127: {  	v20 =	vld [tilespmem:$0x130]  }
0x128: {  	[tilespmem:$0xCD10] =	vst v10  }
0x129: {  	v10 =	vld.idx.msk [tilespmem:v19+s7+$0x0], $0xffff;
	_ =	sdelay $0x3  }
0x12a: {  	v21 =	vld [tilespmem:$0x140]  }
0x12b: {  	[tilespmem:$0xCD20] =	vst v10  }
0x12c: {  	v10 =	vld.idx.msk [tilespmem:v20+s7+$0x0], $0xffff;
	_ =	sdelay $0x3  }
0x12d: {  	v9 =	vld [tilespmem:$0x180]  }
0x12e: {  	[tilespmem:$0xCD30] =	vst v10  }
0x12f: {  	v10 =	vld.idx.msk [tilespmem:v21+s7+$0x0], $0xffff;
	_ =	sdelay $0x3  }
0x130: {  	v8 =	vld [tilespmem:$0x190]  }
0x131: {  	[tilespmem:$0xCD40] =	vst v10  }
0x132: {  	v9 =	vld.idx.msk [tilespmem:v9+s7+$0x0], $0xffff;
	_ =	sdelay $0x3  }
0x133: {  	v7 =	vld [tilespmem:$0x1A0]  }
0x134: {  	[tilespmem:$0xCD80] =	vst v9  }
0x135: {  	v8 =	vld.idx.msk [tilespmem:v8+s7+$0x0], $0xffff;
	_ =	sdelay $0x3  }
0x136: {  	v6 =	vld [tilespmem:$0x1B0]  }
0x137: {  	[tilespmem:$0xCD90] =	vst v8  }
0x138: {  	v7 =	vld.idx.msk [tilespmem:v7+s7+$0x0], $0xffff;
	_ =	sdelay $0x3  }
0x139: {  	v5 =	vld [tilespmem:$0x1C0]  }
0x13a: {  	[tilespmem:$0xCDA0] =	vst v7  }
0x13b: {  	v6 =	vld.idx.msk [tilespmem:v6+s7+$0x0], $0xffff;
	_ =	sdelay $0x3  }
0x13c: {  	v4 =	vld [tilespmem:$0x200]  }
0x13d: {  	[tilespmem:$0xCDB0] =	vst v6  }
0x13e: {  	v5 =	vld.idx.msk [tilespmem:v5+s7+$0x0], $0xffff;
	_ =	sdelay $0x3  }
0x13f: {  	v3 =	vld [tilespmem:$0x210]  }
0x140: {  	[tilespmem:$0xCDC0] =	vst v5  }
0x141: {  	v4 =	vld.idx.msk [tilespmem:v4+s7+$0x0], $0xffff;
	_ =	sdelay $0x3  }
0x142: {  	v61 =	vld [tilespmem:$0x220]  }
0x143: {  	[tilespmem:$0xCE00] =	vst v4  }
0x144: {  	v3 =	vld.idx.msk [tilespmem:v3+s7+$0x0], $0xffff;
	_ =	sdelay $0x3  }
0x145: {  	v62 =	vld [tilespmem:$0x230]  }
0x146: {  	[tilespmem:$0xCE10] =	vst v3  }
0x147: {  	v2 =	vld.idx.msk [tilespmem:v61+s7+$0x0], $0xffff;
	_ =	sdelay $0x3  }
0x148: {  	v63 =	vld [tilespmem:$0x240]  }
0x149: {  	[tilespmem:$0xCE20] =	vst v2  }
0x14a: {  	v1 =	vld.idx.msk [tilespmem:v62+s7+$0x0], $0xffff;
	_ =	sdelay $0x4  }
0x14b: {  	[tilespmem:$0xCE30] =	vst v1  }
0x14c: {  	v0 =	vld.idx.msk [tilespmem:v63+s7+$0x0], $0xffff;
	_ =	sdelay $0x4  }
0x14d: {  	[tilespmem:$0xCE40] =	vst v0  }
0x14e: {  	_ =	swait.ge [sflag:s20], $0x2800  }
0x14f: {  	[sflag:s20] =	ssyncset.done $0x0  }
0x150: {  	s0 =	sadd.s32 $0xFFFFEC00, s29;
	s4 =	rddreg [dreg:$0xb];
	[sflag:s20] =	ssyncadd.s32 $0xFFFFD800  }
0x151: {  	[hbm4b:s0+s3] =	stream.linear.scatter [tilespmem:s15], [sflag:$0x3], $0x2800, $0x38;
	[tilespmem:$0xF780] =	vst v63  }
0x152: {  	s5 =	rddreg [dreg:$0xd];
	s4 =	sadd.s32 s31, s4  }
0x153: {  	[hbm4b:s4+s3] =	stream.linear.scatter [tilespmem:s5], [sflag:$0x3], $0x50, $0x38;
	[tilespmem:$0xF780] =	vst v63  }
0x154: {  	_ =	swait.ge [sflag:s20], $0x2800  }
0x155: {  	[sflag:s20] =	ssyncset.done $0x0  }
0x156: {  	s0 =	sadd.s32 $0xFFFFF100, s29;
	s4 =	rddreg [dreg:$0x9];
	[sflag:s20] =	ssyncadd.s32 $0xFFFFD800  }
0x157: {  	[hbm4b:s0+s3] =	stream.linear.scatter [tilespmem:s16], [sflag:$0x4], $0x2800, $0x38;
	[tilespmem:$0xF780] =	vst v63  }
0x158: {  	s5 =	rddreg [dreg:$0xe];
	s4 =	sadd.s32 s31, s4  }
0x159: {  	[hbm4b:s4+s3] =	stream.linear.scatter [tilespmem:s5], [sflag:$0x4], $0x50, $0x38;
	[tilespmem:$0xF780] =	vst v63  }
0x15a: {  	_ =	swait.ge [sflag:s20], $0x2800  }
0x15b: {  	[sflag:s20] =	ssyncset.done $0x0  }
0x15c: {  	s0 =	sadd.s32 $0xFFFFF600, s29;
	s4 =	rddreg [dreg:$0x7];
	[sflag:s20] =	ssyncadd.s32 $0xFFFFD800  }
0x15d: {  	[hbm4b:s0+s3] =	stream.linear.scatter [tilespmem:s17], [sflag:$0x5], $0x2800, $0x38;
	[tilespmem:$0xF780] =	vst v63  }
0x15e: {  	s5 =	rddreg [dreg:$0xf];
	s4 =	sadd.s32 s31, s4  }
0x15f: {  	[hbm4b:s4+s3] =	stream.linear.scatter [tilespmem:s5], [sflag:$0x5], $0x50, $0x38;
	[tilespmem:$0xF780] =	vst v63  }
0x160: {  	_ =	swait.ge [sflag:s20], $0x2800  }
0x161: {  	s28 =	smov.u32 s30;
	s30 =	sadd.s32 $0x32, s30;
	[sflag:s20] =	ssyncset.done $0x0  }
0x162: {  	s0 =	sadd.s32 $0xFFFFFB00, s29;
	s4 =	rddreg [dreg:$0x5];
	[sflag:s20] =	ssyncadd.s32 $0xFFFFD800  }
0x163: {  	[hbm4b:s0+s3] =	stream.linear.scatter [tilespmem:s18], [sflag:$0x6], $0x2800, $0x38;
	[tilespmem:$0xF780] =	vst v63  }
0x164: {  	p0 =	sne.s32 s30, $0x4E2;
	s5 =	rddreg [dreg:$0x10];
	s4 =	sadd.s32 s31, s4  }
0x165: {  	[hbm4b:s4+s3] =	stream.linear.scatter [tilespmem:s5], [sflag:$0x6], $0x50, $0x38;
	[tilespmem:$0xF780] =	vst v63  }
.Ltmp0:
0x166: {  	_ = 	snop;
	(pc) =	sbr.rel @p0 .LBB2_2-.Ltmp0, $4  }
0x167: {  	_ =	swait.ge [sflag:s20], $0x2800  }
0x168: {  	s1 =	smov.u32 s29;
	[sflag:s20] =	ssyncset.done $0x0;
	s4 =	rddreg [dreg:$0x3]  }
0x169: {  	s29 =	sadd.s32 $0x1900, s29;
	s0 =	rddreg [dreg:$0x11];
	[sflag:s20] =	ssyncadd.s32 $0xFFFFD800  }
0x16a: {  	[hbm4b:s1+s3] =	stream.linear.scatter [tilespmem:s19], [sflag:$0x7], $0x2800, $0x38;
	[tilespmem:$0xF780] =	vst v63  }
0x16b: {  	s1 =	sadd.s32 s31, s4;
	s31 =	rddreg [dreg:$0xc]  }
0x16c: {  	[hbm4b:s1+s3] =	stream.linear.scatter [tilespmem:s0], [sflag:$0x7], $0x50, $0x38;
	[tilespmem:$0xF780] =	vst v63  }
0x16d: {  	s5 =	rddreg [dreg:$0xa];
	s30 =	sadd.s32 s28, s31  }
0x16e: {  	[tilespmem:s3], [sflag:$0x1] =	stream.linear.gather [hbm4b:s30+s3], $0x50, $0x38;
	[tilespmem:$0xF780] =	vst v63  }
0x16f: {  	s31 =	rddreg [dreg:$0x8];
	s0 =	sadd.s32 s28, s5  }
0x170: {  	[tilespmem:s9], [sflag:$0x1] =	stream.linear.gather [hbm4b:s0+s3], $0x50, $0x38;
	[tilespmem:$0xF780] =	vst v63  }
0x171: {  	s5 =	rddreg [dreg:$0x6];
	s30 =	sadd.s32 s28, s31  }
0x172: {  	[tilespmem:s10], [sflag:$0x1] =	stream.linear.gather [hbm4b:s30+s3], $0x50, $0x38;
	[tilespmem:$0xF780] =	vst v63  }
0x173: {  	p0 =	seq.s32 s28, $0x0;
	s1 =	sadd.s32 s28, s5;
	s31 =	rddreg [dreg:$0x4]  }
0x174: {  	[tilespmem:s11], [sflag:$0x1] =	stream.linear.gather [hbm4b:s1+s3], $0x50, $0x38;
	[tilespmem:$0xF780] =	vst v63  }
0x175: {  	s4 =	sadd.s32 s28, s31;
	s0 =	simm.s32 @!p0 $0x3  }
0x176: {  	[tilespmem:s12], [sflag:$0x1] =	stream.linear.gather [hbm4b:s4+s3], $0x50, $0x38;
	[tilespmem:$0xF780] =	vst v63  }
0x177: {  	_ =	swait.ge @!p0 [sflag:s0], $0x2800  }
0x178: {  	[sflag:s0] =	ssyncset.done @!p0 $0x0  }
0x179: {  	[sflag:s0] =	ssyncadd.s32 @!p0 $0xFFFFD800  }
0x17a: {  	_ =	swait.ge @!p0 [sflag:s0], $0x50  }
0x17b: {  	[sflag:s0] =	ssyncset.done @!p0 $0x0  }
0x17c: {  	s1 =	simm.s32 @!p0 $0x4;
	[sflag:s0] =	ssyncadd.s32 @!p0 $0xFFFFFFB0  }
0x17d: {  	_ =	swait.ge @!p0 [sflag:s1], $0x2800  }
0x17e: {  	[sflag:s1] =	ssyncset.done @!p0 $0x0  }
0x17f: {  	[sflag:s1] =	ssyncadd.s32 @!p0 $0xFFFFD800  }
0x180: {  	_ =	swait.ge @!p0 [sflag:s1], $0x50  }
0x181: {  	[sflag:s1] =	ssyncset.done @!p0 $0x0  }
0x182: {  	s0 =	simm.s32 @!p0 $0x5;
	[sflag:s1] =	ssyncadd.s32 @!p0 $0xFFFFFFB0  }
0x183: {  	_ =	swait.ge @!p0 [sflag:s0], $0x2800  }
0x184: {  	[sflag:s0] =	ssyncset.done @!p0 $0x0  }
0x185: {  	[sflag:s0] =	ssyncadd.s32 @!p0 $0xFFFFD800  }
0x186: {  	_ =	swait.ge @!p0 [sflag:s0], $0x50  }
0x187: {  	[sflag:s0] =	ssyncset.done @!p0 $0x0  }
0x188: {  	s1 =	simm.s32 @!p0 $0x6;
	[sflag:s0] =	ssyncadd.s32 @!p0 $0xFFFFFFB0  }
0x189: {  	_ =	swait.ge @!p0 [sflag:s1], $0x2800  }
0x18a: {  	[sflag:s1] =	ssyncset.done @!p0 $0x0  }
0x18b: {  	[sflag:s1] =	ssyncadd.s32 @!p0 $0xFFFFD800  }
0x18c: {  	_ =	swait.ge @!p0 [sflag:s1], $0x50  }
0x18d: {  	[sflag:s1] =	ssyncset.done @!p0 $0x0  }
0x18e: {  	s0 =	simm.s32 @!p0 $0x7;
	[sflag:s1] =	ssyncadd.s32 @!p0 $0xFFFFFFB0  }
0x18f: {  	_ =	swait.ge @!p0 [sflag:s0], $0x2800  }
0x190: {  	[sflag:s0] =	ssyncset.done @!p0 $0x0  }
0x191: {  	[sflag:s0] =	ssyncadd.s32 @!p0 $0xFFFFD800  }
0x192: {  	_ =	swait.ge @!p0 [sflag:s0], $0x50  }
0x193: {  	[sflag:s0] =	ssyncset.done @!p0 $0x0  }
0x194: {  	[sflag:s0] =	ssyncadd.s32 @!p0 $0xFFFFFFB0  }
0x195: {  	_ =	swait.ge [sflag:s13], $0x50  }
0x196: {  	[sflag:s13] =	ssyncset.done $0x0  }
0x197: {  	[sflag:s13] =	ssyncadd.s32 $0xFFFFFFB0  }
0x198: {  	[tilespmem:s15], [sflag:$0x2] =	stream.indirect.gather [hbm4b:s2+s14], $0x80, s3, s14, $0xb8;
	[tilespmem:$0xF780] =	vst v63  }
0x199: {  	_ =	swait.ge [sflag:s13], $0x50  }
0x19a: {  	[sflag:s13] =	ssyncset.done $0x0  }
0x19b: {  	[sflag:s13] =	ssyncadd.s32 $0xFFFFFFB0  }
0x19c: {  	[tilespmem:s16], [sflag:$0x2] =	stream.indirect.gather [hbm4b:s2+s14], $0x80, s9, s14, $0xb8;
	[tilespmem:$0xF780] =	vst v63  }
0x19d: {  	_ =	swait.ge [sflag:s13], $0x50  }
0x19e: {  	[sflag:s13] =	ssyncset.done $0x0  }
0x19f: {  	[sflag:s13] =	ssyncadd.s32 $0xFFFFFFB0  }
0x1a0: {  	[tilespmem:s17], [sflag:$0x2] =	stream.indirect.gather [hbm4b:s2+s14], $0x80, s10, s14, $0xb8;
	[tilespmem:$0xF780] =	vst v63  }
0x1a1: {  	_ =	swait.ge [sflag:s13], $0x50  }
0x1a2: {  	[sflag:s13] =	ssyncset.done $0x0  }
0x1a3: {  	[sflag:s13] =	ssyncadd.s32 $0xFFFFFFB0  }
0x1a4: {  	[tilespmem:s18], [sflag:$0x2] =	stream.indirect.gather [hbm4b:s2+s14], $0x80, s11, s14, $0xb8;
	[tilespmem:$0xF780] =	vst v63  }
0x1a5: {  	_ =	swait.ge [sflag:s13], $0x50  }
0x1a6: {  	[sflag:s13] =	ssyncset.done $0x0  }
0x1a7: {  	[sflag:s13] =	ssyncadd.s32 $0xFFFFFFB0  }
0x1a8: {  	[tilespmem:s19], [sflag:$0x2] =	stream.indirect.gather [hbm4b:s2+s14], $0x80, s12, s14, $0xb8;
	[tilespmem:$0xF780] =	vst v63  }
0x1a9: {  	v0 =	vld [tilespmem:$0x0];
	_ =	sdelay $0x5  }
0x1aa: {  	v1 =	vld [tilespmem:$0x10];
	_ =	sdelay $0x1  }
0x1ab: {  	v0 =	vld.idx.msk [tilespmem:v0+s7+$0x0], $0xffff;
	_ =	sdelay $0x3  }
0x1ac: {  	v2 =	vld [tilespmem:$0x20]  }
0x1ad: {  	[tilespmem:$0xCC00] =	vst v0  }
0x1ae: {  	v0 =	vld.idx.msk [tilespmem:v1+s7+$0x0], $0xffff;
	_ =	sdelay $0x3  }
0x1af: {  	v42 =	vld [tilespmem:$0x30]  }
0x1b0: {  	[tilespmem:$0xCC10] =	vst v0  }
0x1b1: {  	v0 =	vld.idx.msk [tilespmem:v2+s7+$0x0], $0xffff;
	_ =	sdelay $0x3  }
0x1b2: {  	v43 =	vld [tilespmem:$0x40]  }
0x1b3: {  	[tilespmem:$0xCC20] =	vst v0  }
0x1b4: {  	v0 =	vld.idx.msk [tilespmem:v42+s7+$0x0], $0xffff;
	_ =	sdelay $0x3  }
0x1b5: {  	v44 =	vld [tilespmem:$0x80]  }
0x1b6: {  	[tilespmem:$0xCC30] =	vst v0  }
0x1b7: {  	v0 =	vld.idx.msk [tilespmem:v43+s7+$0x0], $0xffff;
	_ =	sdelay $0x3  }
0x1b8: {  	v45 =	vld [tilespmem:$0x90]  }
0x1b9: {  	[tilespmem:$0xCC40] =	vst v0  }
0x1ba: {  	v0 =	vld.idx.msk [tilespmem:v44+s7+$0x0], $0xffff;
	_ =	sdelay $0x3  }
0x1bb: {  	v46 =	vld [tilespmem:$0xA0]  }
0x1bc: {  	[tilespmem:$0xCC80] =	vst v0  }
0x1bd: {  	v0 =	vld.idx.msk [tilespmem:v45+s7+$0x0], $0xffff;
	_ =	sdelay $0x3  }
0x1be: {  	v47 =	vld [tilespmem:$0xB0]  }
0x1bf: {  	[tilespmem:$0xCC90] =	vst v0  }
0x1c0: {  	v0 =	vld.idx.msk [tilespmem:v46+s7+$0x0], $0xffff;
	_ =	sdelay $0x3  }
0x1c1: {  	v48 =	vld [tilespmem:$0xC0]  }
0x1c2: {  	[tilespmem:$0xCCA0] =	vst v0  }
0x1c3: {  	v0 =	vld.idx.msk [tilespmem:v47+s7+$0x0], $0xffff;
	_ =	sdelay $0x3  }
0x1c4: {  	v49 =	vld [tilespmem:$0x100]  }
0x1c5: {  	[tilespmem:$0xCCB0] =	vst v0  }
0x1c6: {  	v0 =	vld.idx.msk [tilespmem:v48+s7+$0x0], $0xffff;
	_ =	sdelay $0x3  }
0x1c7: {  	v50 =	vld [tilespmem:$0x110]  }
0x1c8: {  	[tilespmem:$0xCCC0] =	vst v0  }
0x1c9: {  	v0 =	vld.idx.msk [tilespmem:v49+s7+$0x0], $0xffff;
	_ =	sdelay $0x3  }
0x1ca: {  	v51 =	vld [tilespmem:$0x120]  }
0x1cb: {  	[tilespmem:$0xCD00] =	vst v0  }
0x1cc: {  	v0 =	vld.idx.msk [tilespmem:v50+s7+$0x0], $0xffff;
	_ =	sdelay $0x3  }
0x1cd: {  	v52 =	vld [tilespmem:$0x130]  }
0x1ce: {  	[tilespmem:$0xCD10] =	vst v0  }
0x1cf: {  	v0 =	vld.idx.msk [tilespmem:v51+s7+$0x0], $0xffff;
	_ =	sdelay $0x3  }
0x1d0: {  	v53 =	vld [tilespmem:$0x140]  }
0x1d1: {  	[tilespmem:$0xCD20] =	vst v0  }
0x1d2: {  	v0 =	vld.idx.msk [tilespmem:v52+s7+$0x0], $0xffff;
	_ =	sdelay $0x3  }
0x1d3: {  	v54 =	vld [tilespmem:$0x180]  }
0x1d4: {  	[tilespmem:$0xCD30] =	vst v0  }
0x1d5: {  	v0 =	vld.idx.msk [tilespmem:v53+s7+$0x0], $0xffff;
	_ =	sdelay $0x3  }
0x1d6: {  	v55 =	vld [tilespmem:$0x190]  }
0x1d7: {  	[tilespmem:$0xCD40] =	vst v0  }
0x1d8: {  	v0 =	vld.idx.msk [tilespmem:v54+s7+$0x0], $0xffff;
	_ =	sdelay $0x3  }
0x1d9: {  	v56 =	vld [tilespmem:$0x1A0]  }
0x1da: {  	[tilespmem:$0xCD80] =	vst v0  }
0x1db: {  	v0 =	vld.idx.msk [tilespmem:v55+s7+$0x0], $0xffff;
	_ =	sdelay $0x3  }
0x1dc: {  	v57 =	vld [tilespmem:$0x1B0]  }
0x1dd: {  	[tilespmem:$0xCD90] =	vst v0  }
0x1de: {  	v0 =	vld.idx.msk [tilespmem:v56+s7+$0x0], $0xffff;
	_ =	sdelay $0x3  }
0x1df: {  	v58 =	vld [tilespmem:$0x1C0]  }
0x1e0: {  	[tilespmem:$0xCDA0] =	vst v0  }
0x1e1: {  	v0 =	vld.idx.msk [tilespmem:v57+s7+$0x0], $0xffff;
	_ =	sdelay $0x3  }
0x1e2: {  	v59 =	vld [tilespmem:$0x200]  }
0x1e3: {  	[tilespmem:$0xCDB0] =	vst v0  }
0x1e4: {  	v0 =	vld.idx.msk [tilespmem:v58+s7+$0x0], $0xffff;
	_ =	sdelay $0x3  }
0x1e5: {  	v60 =	vld [tilespmem:$0x210]  }
0x1e6: {  	[tilespmem:$0xCDC0] =	vst v0  }
0x1e7: {  	v0 =	vld.idx.msk [tilespmem:v59+s7+$0x0], $0xffff;
	_ =	sdelay $0x3  }
0x1e8: {  	v61 =	vld [tilespmem:$0x220]  }
0x1e9: {  	[tilespmem:$0xCE00] =	vst v0  }
0x1ea: {  	v0 =	vld.idx.msk [tilespmem:v60+s7+$0x0], $0xffff;
	_ =	sdelay $0x3  }
0x1eb: {  	v62 =	vld [tilespmem:$0x230]  }
0x1ec: {  	[tilespmem:$0xCE10] =	vst v0  }
0x1ed: {  	v0 =	vld.idx.msk [tilespmem:v61+s7+$0x0], $0xffff;
	_ =	sdelay $0x3  }
0x1ee: {  	v63 =	vld [tilespmem:$0x240]  }
0x1ef: {  	[tilespmem:$0xCE20] =	vst v0  }
0x1f0: {  	v0 =	vld.idx.msk [tilespmem:v62+s7+$0x0], $0xffff;
	_ =	sdelay $0x4  }
0x1f1: {  	[tilespmem:$0xCE30] =	vst v0  }
0x1f2: {  	v0 =	vld.idx.msk [tilespmem:v63+s7+$0x0], $0xffff;
	_ =	sdelay $0x4  }
0x1f3: {  	[tilespmem:$0xCE40] =	vst v0  }
0x1f4: {  	_ =	swait.ge [sflag:s20], $0x2800  }
0x1f5: {  	[sflag:s20] =	ssyncset.done $0x0  }
0x1f6: {  	s30 =	sadd.s32 $0xFFFFEC00, s29;
	s5 =	rddreg [dreg:$0xb];
	[sflag:s20] =	ssyncadd.s32 $0xFFFFD800  }
0x1f7: {  	[hbm4b:s30+s3] =	stream.linear.scatter [tilespmem:s15], [sflag:$0x3], $0x2800, $0x38;
	[tilespmem:$0xF780] =	vst v63  }
0x1f8: {  	s31 =	rddreg [dreg:$0xd];
	s0 =	sadd.s32 s28, s5  }
0x1f9: {  	[hbm4b:s0+s3] =	stream.linear.scatter [tilespmem:s31], [sflag:$0x3], $0x50, $0x38;
	[tilespmem:$0xF780] =	vst v63  }
0x1fa: {  	_ =	swait.ge [sflag:s20], $0x2800  }
0x1fb: {  	[sflag:s20] =	ssyncset.done $0x0  }
0x1fc: {  	s30 =	sadd.s32 $0xFFFFF100, s29;
	s5 =	rddreg [dreg:$0x9];
	[sflag:s20] =	ssyncadd.s32 $0xFFFFD800  }
0x1fd: {  	[hbm4b:s30+s3] =	stream.linear.scatter [tilespmem:s16], [sflag:$0x4], $0x2800, $0x38;
	[tilespmem:$0xF780] =	vst v63  }
0x1fe: {  	s31 =	rddreg [dreg:$0xe];
	s0 =	sadd.s32 s28, s5  }
0x1ff: {  	[hbm4b:s0+s3] =	stream.linear.scatter [tilespmem:s31], [sflag:$0x4], $0x50, $0x38;
	[tilespmem:$0xF780] =	vst v63  }
0x200: {  	_ =	swait.ge [sflag:s20], $0x2800  }
0x201: {  	[sflag:s20] =	ssyncset.done $0x0  }
0x202: {  	s30 =	sadd.s32 $0xFFFFF600, s29;
	s5 =	rddreg [dreg:$0x7];
	[sflag:s20] =	ssyncadd.s32 $0xFFFFD800  }
0x203: {  	[hbm4b:s30+s3] =	stream.linear.scatter [tilespmem:s17], [sflag:$0x5], $0x2800, $0x38;
	[tilespmem:$0xF780] =	vst v63  }
0x204: {  	s31 =	rddreg [dreg:$0xf];
	s0 =	sadd.s32 s28, s5  }
0x205: {  	[hbm4b:s0+s3] =	stream.linear.scatter [tilespmem:s31], [sflag:$0x5], $0x50, $0x38;
	[tilespmem:$0xF780] =	vst v63  }
0x206: {  	_ =	swait.ge [sflag:s20], $0x2800  }
0x207: {  	[sflag:s20] =	ssyncset.done $0x0  }
0x208: {  	s30 =	sadd.s32 $0xFFFFFB00, s29;
	s5 =	rddreg [dreg:$0x5];
	[sflag:s20] =	ssyncadd.s32 $0xFFFFD800  }
0x209: {  	[hbm4b:s30+s3] =	stream.linear.scatter [tilespmem:s18], [sflag:$0x6], $0x2800, $0x38;
	[tilespmem:$0xF780] =	vst v63  }
0x20a: {  	s31 =	rddreg [dreg:$0x10];
	s0 =	sadd.s32 s28, s5  }
0x20b: {  	[hbm4b:s0+s3] =	stream.linear.scatter [tilespmem:s31], [sflag:$0x6], $0x50, $0x38;
	[tilespmem:$0xF780] =	vst v63  }
0x20c: {  	_ =	swait.ge [sflag:s20], $0x2800  }
0x20d: {  	[sflag:s20] =	ssyncset.done $0x0  }
0x20e: {  	s5 =	rddreg [dreg:$0x3];
	[sflag:s20] =	ssyncadd.s32 $0xFFFFD800  }
0x20f: {  	[hbm4b:s29+s3] =	stream.linear.scatter [tilespmem:s19], [sflag:$0x7], $0x2800, $0x38;
	[tilespmem:$0xF780] =	vst v63  }
0x210: {  	s30 =	rddreg [dreg:$0x11];
	s0 =	sadd.s32 s28, s5  }
0x211: {  	[hbm4b:s0+s3] =	stream.linear.scatter [tilespmem:s30], [sflag:$0x7], $0x50, $0x38;
	[tilespmem:$0xF780] =	vst v63  }
0x212: {  	_ =	swait.ge [sflag:s21], $0x2800  }
0x213: {  	[sflag:s21] =	ssyncset.done $0x0  }
0x214: {  	[sflag:s21] =	ssyncadd.s32 $0xFFFFD800  }
0x215: {  	_ =	swait.ge [sflag:s21], $0x50  }
0x216: {  	[sflag:s21] =	ssyncset.done $0x0  }
0x217: {  	[sflag:s21] =	ssyncadd.s32 $0xFFFFFFB0  }
0x218: {  	_ =	swait.ge [sflag:s22], $0x2800  }
0x219: {  	[sflag:s22] =	ssyncset.done $0x0  }
0x21a: {  	[sflag:s22] =	ssyncadd.s32 $0xFFFFD800  }
0x21b: {  	_ =	swait.ge [sflag:s22], $0x50  }
0x21c: {  	[sflag:s22] =	ssyncset.done $0x0  }
0x21d: {  	[sflag:s22] =	ssyncadd.s32 $0xFFFFFFB0  }
0x21e: {  	_ =	swait.ge [sflag:s23], $0x2800  }
0x21f: {  	[sflag:s23] =	ssyncset.done $0x0  }
0x220: {  	[sflag:s23] =	ssyncadd.s32 $0xFFFFD800  }
0x221: {  	_ =	swait.ge [sflag:s23], $0x50  }
0x222: {  	[sflag:s23] =	ssyncset.done $0x0  }
0x223: {  	[sflag:s23] =	ssyncadd.s32 $0xFFFFFFB0  }
0x224: {  	_ =	swait.ge [sflag:s24], $0x2800  }
0x225: {  	[sflag:s24] =	ssyncset.done $0x0  }
0x226: {  	[sflag:s24] =	ssyncadd.s32 $0xFFFFD800  }
0x227: {  	_ =	swait.ge [sflag:s24], $0x50  }
0x228: {  	[sflag:s24] =	ssyncset.done $0x0  }
0x229: {  	[sflag:s24] =	ssyncadd.s32 $0xFFFFFFB0  }
0x22a: {  	_ =	swait.ge [sflag:s25], $0x2800  }
0x22b: {  	[sflag:s25] =	ssyncset.done $0x0  }
0x22c: {  	[sflag:s25] =	ssyncadd.s32 $0xFFFFD800  }
0x22d: {  	_ =	swait.ge [sflag:s25], $0x50  }
0x22e: {  	s26 =	sadd.s32 $0x1, s26;
	s31 =	rddreg [dreg:$0x13]  }
0x22f: {  	p0 =	sne.s32 s26, s31  }
.Ltmp1:
0x230: {  	_ = 	snop;
	(pc) =	sbr.rel @p0 .LBB2_1-.Ltmp1, $3  }
0x231: {  	_ =	sdelay $0x1  }
0x232: {  	[sflag:s25] =	ssyncset.done $0x0  }
0x233: {  	[sflag:s25] =	ssyncadd.s32 $0xFFFFFFB0  }
0x234: {  	_ =	sfence.sel $0x180000  }
0x235: {  	[bflag:$0x0] =	sbarrier.arrive $0xFFFF  }
0x236: {  	_ =	strace $0x90000047  }
0x237: {  	s0 =	stileid.u32;
	[bflag:$0x2] =	sbarrier.arrive $0xFFFF  }
0x238: {  	p0 =	sne.s32 s0, $0x0;
	s0 =	rddreg [dreg:$0x2]  }
0x239: {  	s0 =	sadd.s32 @!p0 $0x100000, s0  }
0x23a: {  	[sflag:s0] =	ssyncadd.tile.s32 @!p0 $0x1;
	_ =	shalt  }
.Lfunc_end2:
_tile_overlayer_lowered:
.L_overlay_start_2:
0x23b: {  	(tag) =	ssettag $0x2  }
0x23c: {  	s0 =	rddreg [dreg:$0x0];
	s2 =	stileid.u32  }
0x23d: {  	s1 =	rddreg [dreg:$0x1];
	p0 =	sne.s32 s2, $0x0  }
0x23e: {  	s3 =	rddreg [dreg:$0x2];
	[bflag:$0x3] =	sbarrier.arrive $0xFFFF;
	s2 =	simm.s32 @!p0 $0x1C08  }
0x23f: {  	[timem:s3], [sflag:s2] =	dma.local @!p0 [hbm:s0], s1  }
0x240: {  	s0 =	simm.s32 @!p0 $0x8  }
0x241: {  	_ =	swait.ge @!p0 [sflag:s0], s1  }
0x242: {  	s1 =	ssub.s32 @!p0 $0x0, s1;
	[sflag:s0] =	ssyncset.done @!p0 $0x0  }
0x243: {  	[sflag:s0] =	ssyncadd.s32 @!p0 s1  }
0x244: {  	[bflag:$0x3] =	sbarrier.arrive $0xFFFF  }
0x245: {  	_ =	shalt  }

// kernel: kernel.9.cloned.1.call-start
scs
__scs_entry_jumppad:
0x0: {  	(pc) =	sbr.rel $0x88, $3  }
0x1: {  	(tag) =	ssettag $0x0;
	lr =	simm.s32 $0x1  }
0x2: {  	[smem:$0x3F99] =	sst lr;
	_ =	strace $0xD0000000  }
0x3: {  	_ = 	snop  }
0x4: {  	_ = 	snop  }
0x5: {  	_ = 	snop  }
0x6: {  	_ = 	snop  }
0x7: {  	_ = 	snop  }
__scs_overlays_trampoline_lowered:
0x8: {  	[smem:$0x3FA8] =	sst s0  }
0x9: {  	[smem:$0x3FA9] =	sst s1  }
0xa: {  	[smem:$0x3FAA] =	sst s2  }
0xb: {  	[smem:$0x3FAB] =	sst s3  }
0xc: {  	[smem:$0x3FAC] =	sst s4  }
0xd: {  	[smem:$0x3FAD] =	sst s5  }
0xe: {  	[smem:$0x3FAE] =	sst s6  }
0xf: {  	[smem:$0x3FAF] =	sst s7  }
0x10: {  	[smem:$0x3FB0] =	sst s8  }
0x11: {  	[smem:$0x3FB1] =	sst s9;
	s0 =	simm.s32 @!p0 $0x0  }
0x12: {  	s1 =	sld [smem:$0x3F97];
	s0 =	simm.s32 @p0 $0x1  }
0x13: {  	[smem:$0x3FB2] =	sst s0;
	s0 =	simm.s32 @!p1 $0x0  }
0x14: {  	s2 =	sld [smem:$0x3F96];
	s0 =	simm.s32 @p1 $0x1  }
0x15: {  	[smem:$0x3FB3] =	sst s0;
	s0 =	simm.s32 @!p2 $0x0  }
0x16: {  	s3 =	sld [smem:$0x3FDB];
	s0 =	simm.s32 @p2 $0x1  }
0x17: {  	s4 =	simm.s32 $0x1BF5;
	[smem:$0x3FB5] =	sst s0  }
0x18: {  	s0 =	sld [smem:$0x3F98];
	_ =	swait.ge [sflag:s4], $0x0  }
0x19: {  	s7 =	sld [smem:$0x3F99]  }
0x1a: {  	s8 =	sadd.s32 $0xFFFFE003, lr  }
0x1b: {  	s9 =	sadd.s32 $0xFFFFFEF7, lr;
	s5 =	simm.s32 $0xFFFFFFFF;
	p2 =	slt.u32 s8, $0xFFFFF086  }
0x1c: {  	p1 =	slt.u32 s9, $0xF7A;
	s5 =	simm.s32 @!p2 $0x0  }
0x1d: {  	s5 =	simm.s32 @p1 $0x1;
	p0 =	seq.s32 s7, s2  }
0x1e: {  	s7 =	smul.u32 @!p0 $0xF7A, s2;
	p2 =	seq.s32 @!p0 s5, $0x0  }
0x1f: {  	s9 =	smul.u32 $0xF7A, s1;
	s8 =	simm.s32 @!p0 $0x1BF5;
	p2 =	por !p2, p0  }
0x20: {  	[sflag:s8] =	ssyncset.s32 @!p0 $0xFFFFF086;
	s6 =	sadd.s32 @!p0 s3, s7;
	s7 =	simm.s32 @!p0 $0x108  }
0x21: {  	s3 =	sadd.s32 s3, s9;
	s6 =	sadd.s32 @!p0 $0x88, s6;
	s7 =	simm.s32 @p2 $0x1082  }
0x22: {  	[simem:s7], [sflag:s8] =	dma.local @!p0 [hbm:s6], $0xF7A  }
0x23: {  	s9 =	sor.u32 $0xD0000000, s2;
	s6 =	simm.s32 $0x108;
	_ =	swait.ge @!p0 [sflag:s8], $0x0  }
0x24: {  	s3 =	sadd.s32 $0x88, s3;
	s6 =	simm.s32 @!p1 $0x1082;
	[sflag:s4] =	ssyncset.s32 $0xFFFFF086  }
0x25: {  	[simem:s6], [sflag:s4] =	dma.local [hbm:s3], $0xF7A  }
0x26: {  	[smem:$0x3F99] =	sst s1;
	(tag) =	ssettag s2;
	_ =	strace s9  }
0x27: {  	s1 =	sld [smem:$0x3FA9]  }
0x28: {  	s2 =	sld [smem:$0x3FAA]  }
0x29: {  	s4 =	sld [smem:$0x3FAC]  }
0x2a: {  	p0 =	seq.s32 s5, $0x0;
	s5 =	sld [smem:$0x3FAD]  }
0x2b: {  	s6 =	sld [smem:$0x3FAE]  }
0x2c: {  	s7 =	sld [smem:$0x3FAF]  }
0x2d: {  	s3 =	simm.s32 $0x108;
	s8 =	sld [smem:$0x3FB0]  }
0x2e: {  	s3 =	simm.s32 @!p0 $0x1082;
	s9 =	sld [smem:$0x3FB1]  }
0x2f: {  	lr =	sadd.s32 s0, s3;
	s0 =	sld [smem:$0x3FA8]  }
0x30: {  	s3 =	sld [smem:$0x3FAB]  }
0x31: {  	[smem:$0x3FB4] =	sst s10  }
0x32: {  	s10 =	sld [smem:$0x3FB2];
	_ =	sdelay $0x3  }
0x33: {  	p0 =	seq.s32 s10, $0x1;
	s10 =	sld [smem:$0x3FB4];
	_ =	sdelay $0x3  }
0x34: {  	[smem:$0x3FB4] =	sst s10  }
0x35: {  	s10 =	sld [smem:$0x3FB3];
	_ =	sdelay $0x3  }
0x36: {  	p1 =	seq.s32 s10, $0x1;
	s10 =	sld [smem:$0x3FB4];
	_ =	sdelay $0x3  }
0x37: {  	[smem:$0x3FB4] =	sst s10  }
0x38: {  	s10 =	sld [smem:$0x3FB5]  }
0x39: {  	_ = 	snop;
	(pc) =	sbr.ind lr, $3  }
0x3a: {  	_ = 	snop  }
0x3b: {  	_ = 	snop  }
0x3c: {  	p2 =	seq.s32 s10, $0x1;
	s10 =	sld [smem:$0x3FB4]  }
0x3d: {  	_ =	shalt  }
0x3e: {  	_ =	shalt  }
0x3f: {  	_ =	shalt  }
0x40: {  	_ =	shalt  }
0x41: {  	_ =	shalt  }
0x42: {  	_ =	shalt  }
0x43: {  	_ =	shalt  }
0x44: {  	_ =	shalt  }
0x45: {  	_ =	shalt  }
0x46: {  	_ =	shalt  }
0x47: {  	_ =	shalt  }
0x48: {  	_ =	shalt  }
0x49: {  	_ =	shalt  }
0x4a: {  	_ =	shalt  }
0x4b: {  	_ =	shalt  }
0x4c: {  	_ =	shalt  }
0x4d: {  	_ =	shalt  }
0x4e: {  	_ =	shalt  }
0x4f: {  	_ =	shalt  }
0x50: {  	_ =	shalt  }
0x51: {  	_ =	shalt  }
0x52: {  	_ =	shalt  }
0x53: {  	_ =	shalt  }
0x54: {  	_ =	shalt  }
0x55: {  	_ =	shalt  }
0x56: {  	_ =	shalt  }
0x57: {  	_ =	shalt  }
0x58: {  	_ =	shalt  }
0x59: {  	_ =	shalt  }
0x5a: {  	_ =	shalt  }
0x5b: {  	_ =	shalt  }
0x5c: {  	_ =	shalt  }
0x5d: {  	_ =	shalt  }
0x5e: {  	_ =	shalt  }
0x5f: {  	_ =	shalt  }
0x60: {  	_ =	shalt  }
0x61: {  	_ =	shalt  }
0x62: {  	_ =	shalt  }
0x63: {  	_ =	shalt  }
0x64: {  	_ =	shalt  }
0x65: {  	_ =	shalt  }
0x66: {  	_ =	shalt  }
0x67: {  	_ =	shalt  }
0x68: {  	_ =	shalt  }
0x69: {  	_ =	shalt  }
0x6a: {  	_ =	shalt  }
0x6b: {  	_ =	shalt  }
0x6c: {  	_ =	shalt  }
0x6d: {  	_ =	shalt  }
0x6e: {  	_ =	shalt  }
0x6f: {  	_ =	shalt  }
0x70: {  	_ =	shalt  }
0x71: {  	_ =	shalt  }
0x72: {  	_ =	shalt  }
0x73: {  	_ =	shalt  }
0x74: {  	_ =	shalt  }
0x75: {  	_ =	shalt  }
0x76: {  	_ =	shalt  }
0x77: {  	_ =	shalt  }
0x78: {  	_ =	shalt  }
0x79: {  	_ =	shalt  }
0x7a: {  	_ =	shalt  }
0x7b: {  	_ =	shalt  }
0x7c: {  	_ =	shalt  }
0x7d: {  	_ =	shalt  }
0x7e: {  	_ =	shalt  }
0x7f: {  	_ =	shalt  }
0x80: {  	_ =	shalt  }
0x81: {  	_ =	shalt  }
0x82: {  	_ =	shalt  }
0x83: {  	_ =	shalt  }
0x84: {  	_ =	shalt  }
0x85: {  	_ =	shalt  }
0x86: {  	_ =	shalt  }
0x87: {  	_ =	shalt  }
.Lfunc_end0:
.L_simem_size_0:
called_computation.1_lowered:
.L_overlay_start_0:
0x88: {  	s2 =	sld [smem:$0x3FD9]  }
0x89: {  	s3 =	sld [smem:$0x3FFE];
	_ =	sdelay $0x1  }
0x8a: {  	s1 =	srdreg.scid  }
0x8b: {  	s0 =	sand.u32 $0x1, s1  }
0x8c: {  	s17 =	sshll.u32 s0, $0xA;
	s2 =	sadd.s32 s3, s2  }
0x8d: {  	s2 =	sadd.s32 s2, s17  }
0x8e: {  	[smem:$0x3FC0] =	sst s2  }
0x8f: {  	_ = 	snop  }
0x90: {  	s2 =	sld [smem:$0x3FD0];
	(tm) =	ssettm $0x1  }
0x91: {  	s18 =	sld [smem:$0x3FFB];
	_ =	sdelay $0x3  }
0x92: {  	_ =	strace s18  }
0x93: {  	s3 =	sld [smem:$0x3FFC];
	_ =	sdelay $0x3  }
0x94: {  	_ =	strace s3  }
0x95: {  	s3 =	sld [smem:$0x3FFD];
	_ =	sdelay $0x3  }
0x96: {  	_ =	strace s3  }
0x97: {  	_ =	strace $0x8FFFFFFF  }
0x98: {  	s19 =	sld [smem:$0x3FDB];
	_ =	sdelay $0x1  }
0x99: {  	s4 =	simm.s32 $_scs_section_size  }
0x9a: {  	s5 =	simm.s32 $_size__tile_overlayer_lowered;
	s6 =	simm.s32 $_tile_overlayer_lowered  }
0x9b: {  	s22 =	simm.s32 $0x1BFF;
	s21 =	sshll.u32 s6, $0x1;
	s3 =	sadd.s32 s4, s19  }
0x9c: {  	s7 =	simm.s32 $0x0;
	s20 =	sshll.u32 s5, $0x1;
	s5 =	sadd.s32 s21, s3  }
0x9d: {  	[timem:s7], [sflag:s22] =	dma.local [hbm:s5], s20  }
0x9e: {  	_ =	swait.ge [sflag:s22], s20  }
0x9f: {  	s4 =	ssub.s32 $0x0, s20;
	[sflag:s22] =	ssyncset.done $0x0  }
0xa0: {  	[sflag:s22] =	ssyncadd.s32 s4;
	_ =	sdelay $0x1  }
0xa1: {  	s23 =	simm.s32 $0x1B8B  }
0xa2: {  	_ =	swait.ge [sflag:s23], $0x1  }
0xa3: {  	[sflag:s23] =	ssyncset.done $0x0  }
0xa4: {  	s25 =	simm.s32 $0x1B8E;
	s24 =	sld [smem:$0x3FFE];
	[sflag:s23] =	ssyncadd.s32 $0xFFFFFFFF  }
0xa5: {  	s26 =	simm.s32 $execute0_lowered;
	[smem:$0x3FD2] =	sst s25  }
0xa6: {  	s5 =	sshll.u32 s26, $0x1;
	_ =	strace $0x80000049;
	[dreg:$0x1] =	wrdreg $0xFFFFFFFF  }
0xa7: {  	s28 =	simm.s32 $_size_execute0_lowered;
	s3 =	sadd.s32 s3, s5;
	[dreg:$0x0] =	wrdreg $0x0  }
0xa8: {  	s5 =	sshll.u32 s28, $0x1;
	[dreg:$0x2] =	wrdreg s3  }
0xa9: {  	[dreg:$0x3] =	wrdreg s5  }
0xaa: {  	[dreg:$0x4] =	wrdreg $0xC0  }
0xab: {  	_ =	task [dreg:s7], $0x5FFFF  }
0xac: {  	[dreg:$0x1] =	wrdreg $0xFFFFFFFF  }
0xad: {  	[dreg:$0x0] =	wrdreg $0x60  }
0xae: {  	[dreg:$0x2] =	wrdreg s24  }
0xaf: {  	[dreg:$0x3] =	wrdreg s2  }
0xb0: {  	[dreg:$0x4] =	wrdreg $0x7A000  }
0xb1: {  	[dreg:$0x5] =	wrdreg $0x9  }
0xb2: {  	_ =	task.clear_ibuf [dreg:s7], $0x6FFFF;
	_ =	strace $0x90000049  }
0xb3: {  	s29 =	simm.s32 $0x9;
	_ =	strace $0x8000004B  }
0xb4: {  	_ =	swait.ge [sflag:s29], $0x1  }
0xb5: {  	[sflag:s29] =	ssyncadd.s32 $0xFFFFFFFF  }
0xb6: {  	_ =	strace $0x9000004B  }
0xb7: {  	_ =	sfence  }
0xb8: {  	s30 =	sld [smem:$0x0];
	_ =	sdelay $0x2  }
0xb9: {  	s31 =	sshll.u32 s1, $0xD;
	s1 =	sshrl.u32 s1, $0x2  }
0xba: {  	s3 =	sand.u32 $0x4000, s31;
	s1 =	sadd.s32 s1, s30  }
0xbb: {  	s0 =	sor.u32 s3, s0;
	s1 =	sshll.u32 s1, $0x11  }
0xbc: {  	s0 =	sor.u32 s1, s0  }
0xbd: {  	s0 =	sadd.s32 $0x8F2B, s0  }
0xbe: {  	[sflag:s0] =	ssyncadd.remote.s32 $0x1  }
0xbf: {  	_ =	sfence.sel $0xFFFF  }
0xc0: {  	[dreg:$0x0] =	wrdreg $0xFFFFFFFF;
	(pc) =	sbr.abs _section_cstart, $3  }
0xc1: {  	[dreg:$0x1] =	wrdreg $0xFFFFFFFF  }
0xc2: {  	_ =	task.clear_ibuf [dreg:s7], $0x2FFFF;
	_ =	strace $0x9FFFFFFF  }
0xc3: {  	(tm) =	ssettm $0x7FFFFFFF  }
tec
execute0_lowered:
.L_overlay_start_1:
0x0: {  	(tag) =	ssettag $0x1  }
0x1: {  	s0 =	rddreg [dreg:$0x0]  }
0x2: {  	s1 =	srdreg.scid;
	s5 =	rddreg [dreg:$0x1]  }
0x3: {  	s12 =	stileid.u32;
	s2 =	rddreg [dreg:$0x2]  }
0x4: {  	s3 =	simm.s32 $0x0;
	s28 =	simm.s32 $0x5200;
	s6 =	smul.u32 $0x14000, s12  }
0x5: {  	s29 =	simm.s32 $0x1;
	s1 =	sand.u32 $0x1, s1;
	s20 =	smul.u32 $0x50000, s12  }
0x6: {  	s30 =	simm.s32 $0x2;
	s31 =	simm.s32 $0x50;
	s4 =	smul.u32 $0x140000, s1  }
0x7: {  	[smem:$0x7FF] =	sst s3;
	s7 =	sadd.s32 $0x4F7C00, s0;
	s17 =	smul.u32 $0x4E20, s12  }
0x8: {  	s21 =	sshll.u32 s12, $0x1;
	s19 =	smul.u32 $0x4E200, s12;
	s4 =	sadd.s32 s6, s4  }
0x9: {  	_ =	strace $0x8000004A;
	s18 =	smul.u32 $0x2710, s1;
	s4 =	sshrl.u32 s4, $0x3  }
0xa: {  	s6 =	sshrl.u32 s20, $0x2;
	s0 =	sadd.s32 s4, s0;
	s4 =	sor.u32 s1, s21  }
0xb: {  	s8 =	ssub.s32 $0x2, s1;
	s10 =	smul.u32 $0x2710, s4;
	s4 =	sadd.s32 s6, s2  }
0xc: {  	s9 =	sshrl.u32 s8, $0x1;
	s20 =	smul.u32 $0x27100, s1;
	s22 =	sadd.s32 $0x2800, s4  }
0xd: {  	s21 =	sadd.s32 s18, s17;
	s23 =	sadd.s32 $0x5000, s4;
	[dreg:$0x4] =	wrdreg s22  }
0xe: {  	s6 =	ssub.s32 s8, s9;
	s24 =	sadd.s32 $0x7800, s4;
	[dreg:$0x5] =	wrdreg s23  }
0xf: {  	s1 =	sshrl.u32 s21, $0x3;
	s25 =	sadd.s32 $0xA000, s4;
	[dreg:$0x6] =	wrdreg s24  }
0x10: {  	s13 =	sadd.s32 $0xC800, s4;
	s14 =	sadd.s32 $0xF000, s4;
	[dreg:$0x7] =	wrdreg s25  }
0x11: {  	s11 =	sadd.s32 $0x11800, s4;
	s17 =	smax.u32 s6, $0x1;
	[dreg:$0x8] =	wrdreg s13  }
0x12: {  	s6 =	simm.s32 $0x0;
	s26 =	sadd.s32 $0x2670, s10;
	[dreg:$0x9] =	wrdreg s14  }
0x13: {  	[dreg:$0xa] =	wrdreg s11;
	s16 =	sadd.s32 $0x26C0, s10;
	s22 =	sadd.s32 s19, s7  }
0x14: {  	s23 =	sadd.s32 $0xA0, s21;
	s25 =	sadd.s32 $0x50, s21;
	s21 =	sadd.s32 s1, s5  }
0x15: {  	s1 =	simm.s32 $0x3;
	s15 =	sshrl.u32 s26, $0x3;
	s8 =	sshll.u32 s26, $0x4  }
0x16: {  	s10 =	sshrl.u32 s16, $0x3;
	s18 =	sadd.s32 s20, s22;
	s24 =	sshrl.u32 s23, $0x3  }
0x17: {  	s26 =	sshrl.u32 s25, $0x3;
	s22 =	simm.s32 $0x200;
	s23 =	simm.s32 $0x6  }
0x18: {  	s25 =	simm.s32 $0x100;
	s9 =	sadd.s32 s5, s15;
	s8 =	sadd.s32 s7, s8  }
0x19: {  	s14 =	sadd.s32 s5, s10;
	s19 =	sadd.s32 s24, s5;
	s20 =	sadd.s32 s26, s5  }
0x1a: {  	s24 =	simm.s32 $0x80;
	s26 =	simm.s32 $0x2A00;
	[dreg:$0xb] =	wrdreg s9  }
0x1b: {  	s5 =	simm.s32 $0x5;
	[dreg:$0xc] =	wrdreg s8;
	s8 =	sshll.u32 s16, $0x4  }
0x1c: {  	v0 =	vimm.f32 $0.0e+00;
	s16 =	sadd.s32 $0x1A00, s0;
	s0 =	simm.s32 $0x4;
	s15 =	sadd.s32 s7, s8  }
.LBB2_1:
0x1d: {  	s7 =	sand.u32 $0xFE00, s3  }
0x1e: {  	s8 =	sand.u32 $0x70, s3;
	s9 =	sshrl.u32 s7, $0x2  }
0x1f: {  	s7 =	simm.s32 $0x40;
	s9 =	sor.u32 s8, s9;
	s8 =	simm.s32 $0x0  }
.LBB2_2:
0x20: {  	p0 =	sne.s32 s7, $0x9FC0  }
0x21: {  	[tilespmem:s9+$0x200] =	vst v0;
	s8 =	sadd.s32 $0x10, s8;
	s9 =	smov.u32 s7;
	s7 =	sadd.s32 $0x40, s7  }
.Ltmp0:
0x22: {  	(pc) =	sbr.rel @p0 .LBB2_2-.Ltmp0, $4  }
0x23: {  	_ = 	snop  }
0x24: {  	s9 =	sand.u32 $0xFE00, s9  }
0x25: {  	s10 =	sand.u32 $0x70, s8;
	s9 =	sshrl.u32 s9, $0x2  }
0x26: {  	s9 =	sor.u32 s10, s9  }
0x27: {  	[tilespmem:s9+$0x200] =	vst v0  }
0x28: {  	[spmem:s4] =	stream.linear.scatter [tilespmem:s22], [sflag:$0x6], $0x2800, $0x38;
	[tilespmem:$0x1BA00] =	vst v63  }
0x29: {  	_ =	swait.ge [sflag:s23], $0x2800  }
0x2a: {  	[sflag:s23] =	ssyncset.done $0x0  }
0x2b: {  	s7 =	rddreg [dreg:$0x4];
	[sflag:s23] =	ssyncadd.s32 $0xFFFFD800  }
0x2c: {  	[spmem:s7] =	stream.linear.scatter [tilespmem:s22], [sflag:$0x6], $0x2800, $0x38;
	[tilespmem:$0x1BA00] =	vst v63  }
0x2d: {  	_ =	swait.ge [sflag:s23], $0x2800  }
0x2e: {  	[sflag:s23] =	ssyncset.done $0x0  }
0x2f: {  	s13 =	rddreg [dreg:$0x5];
	[sflag:s23] =	ssyncadd.s32 $0xFFFFD800  }
0x30: {  	[spmem:s13] =	stream.linear.scatter [tilespmem:s22], [sflag:$0x6], $0x2800, $0x38;
	[tilespmem:$0x1BA00] =	vst v63  }
0x31: {  	_ =	swait.ge [sflag:s23], $0x2800  }
0x32: {  	[sflag:s23] =	ssyncset.done $0x0  }
0x33: {  	s8 =	rddreg [dreg:$0x6];
	[sflag:s23] =	ssyncadd.s32 $0xFFFFD800  }
0x34: {  	[spmem:s8] =	stream.linear.scatter [tilespmem:s22], [sflag:$0x6], $0x2800, $0x38;
	[tilespmem:$0x1BA00] =	vst v63  }
0x35: {  	_ =	swait.ge [sflag:s23], $0x2800  }
0x36: {  	[sflag:s23] =	ssyncset.done $0x0  }
0x37: {  	s9 =	rddreg [dreg:$0x7];
	[sflag:s23] =	ssyncadd.s32 $0xFFFFD800  }
0x38: {  	[spmem:s9] =	stream.linear.scatter [tilespmem:s22], [sflag:$0x6], $0x2800, $0x38;
	[tilespmem:$0x1BA00] =	vst v63  }
0x39: {  	_ =	swait.ge [sflag:s23], $0x2800  }
0x3a: {  	[sflag:s23] =	ssyncset.done $0x0  }
0x3b: {  	s10 =	rddreg [dreg:$0x8];
	[sflag:s23] =	ssyncadd.s32 $0xFFFFD800  }
0x3c: {  	[spmem:s10] =	stream.linear.scatter [tilespmem:s22], [sflag:$0x6], $0x2800, $0x38;
	[tilespmem:$0x1BA00] =	vst v63  }
0x3d: {  	_ =	swait.ge [sflag:s23], $0x2800  }
0x3e: {  	[sflag:s23] =	ssyncset.done $0x0  }
0x3f: {  	s11 =	rddreg [dreg:$0x9];
	[sflag:s23] =	ssyncadd.s32 $0xFFFFD800  }
0x40: {  	[spmem:s11] =	stream.linear.scatter [tilespmem:s22], [sflag:$0x6], $0x2800, $0x38;
	[tilespmem:$0x1BA00] =	vst v63  }
0x41: {  	_ =	swait.ge [sflag:s23], $0x2800  }
0x42: {  	[sflag:s23] =	ssyncset.done $0x0  }
0x43: {  	s12 =	rddreg [dreg:$0xa];
	[sflag:s23] =	ssyncadd.s32 $0xFFFFD800  }
0x44: {  	[spmem:s12] =	stream.linear.scatter [tilespmem:s22], [sflag:$0x6], $0x2800, $0x38;
	[tilespmem:$0x1BA00] =	vst v63  }
0x45: {  	_ =	swait.ge [sflag:s23], $0x2800  }
0x46: {  	[sflag:s23] =	ssyncset.done $0x0  }
0x47: {  	p0 =	por $0x1, $0x1;
	[sflag:s23] =	ssyncadd.s32 $0xFFFFD800  }
0x48: {  	s7 =	simm.s32 @!p0 $0x3;
	[bflag:$0x0] =	sbarrier.arrive $0xFFFF  }
0x49: {  	_ =	swait.ge @!p0 [sflag:s7], $0x2800  }
0x4a: {  	[sflag:s7] =	ssyncset.done @!p0 $0x0  }
0x4b: {  	[sflag:s7] =	ssyncadd.s32 @!p0 $0xFFFFD800;
	s7 =	simm.s32 @!p0 $0x4  }
0x4c: {  	_ =	swait.ge @!p0 [sflag:s7], $0x2800  }
0x4d: {  	[sflag:s7] =	ssyncset.done @!p0 $0x0  }
0x4e: {  	[sflag:s7] =	ssyncadd.s32 @!p0 $0xFFFFD800;
	s7 =	simm.s32 @!p0 $0x5  }
0x4f: {  	_ =	swait.ge @!p0 [sflag:s7], $0x2800  }
0x50: {  	[sflag:s7] =	ssyncset.done @!p0 $0x0  }
0x51: {  	[sflag:s7] =	ssyncadd.s32 @!p0 $0xFFFFD800  }
0x52: {  	[tilespmem:s3], [sflag:$0x1] =	stream.linear.gather [hbm4b:s21+s3], $0x50, $0x38;
	[tilespmem:$0x1BA00] =	vst v63  }
0x53: {  	_ = 	snop  }
0x54: {  	[tilespmem:s24], [sflag:$0x1] =	stream.linear.gather [hbm4b:s20+s3], $0x50, $0x38;
	[tilespmem:$0x1BA00] =	vst v63  }
0x55: {  	_ = 	snop  }
0x56: {  	[tilespmem:s25], [sflag:$0x1] =	stream.linear.gather [hbm4b:s19+s3], $0x50, $0x38;
	[tilespmem:$0x1BA00] =	vst v63  }
0x57: {  	s13 =	sadd.s32 $0x0, s18  }
0x58: {  	[tilespmem:s22], [sflag:$0x2] =	stream.linear.gather [hbm4b:s13+s3], $0x2800, $0x38;
	[tilespmem:$0x1BA00] =	vst v63  }
0x59: {  	s8 =	sadd.s32 $0x500, s13  }
0x5a: {  	[tilespmem:s26], [sflag:$0x2] =	stream.linear.gather [hbm4b:s8+s3], $0x2800, $0x38;
	[tilespmem:$0x1BA00] =	vst v63  }
0x5b: {  	s7 =	sadd.s32 $0xA00, s13  }
0x5c: {  	[tilespmem:s28], [sflag:$0x2] =	stream.linear.gather [hbm4b:s7+s3], $0x2800, $0x38;
	[tilespmem:$0x1BA00] =	vst v63  }
0x5d: {  	_ =	swait.ge [sflag:s29], $0x50  }
0x5e: {  	[sflag:s29] =	ssyncset.done $0x0  }
0x5f: {  	[sflag:s29] =	ssyncadd.s32 $0xFFFFFFB0  }
0x60: {  	_ =	swait.ge [sflag:s30], $0x2800  }
0x61: {  	[sflag:s30] =	ssyncset.done $0x0  }
0x62: {  	[sflag:s30] =	ssyncadd.s32 $0xFFFFD800  }
0x63: {  	[spmem:s2] =	stream.indirect.scatter.add.f32 [tilespmem:s22], [sflag:$0x3], $0x80, s3, s31, $0xb8;
	[tilespmem:$0x1BA00] =	vst v63  }
0x64: {  	_ =	swait.ge [sflag:s29], $0x50  }
0x65: {  	[sflag:s29] =	ssyncset.done $0x0  }
0x66: {  	[sflag:s29] =	ssyncadd.s32 $0xFFFFFFB0  }
0x67: {  	_ =	swait.ge [sflag:s30], $0x2800  }
0x68: {  	[sflag:s30] =	ssyncset.done $0x0  }
0x69: {  	[sflag:s30] =	ssyncadd.s32 $0xFFFFD800  }
0x6a: {  	[spmem:s2] =	stream.indirect.scatter.add.f32 [tilespmem:s26], [sflag:$0x4], $0x80, s24, s31, $0xb8;
	[tilespmem:$0x1BA00] =	vst v63  }
0x6b: {  	_ =	swait.ge [sflag:s29], $0x50  }
0x6c: {  	[sflag:s29] =	ssyncset.done $0x0  }
0x6d: {  	p1 =	por $0x0, $0x0;
	s9 =	sadd.s32 $0x1E, s21;
	[sflag:s29] =	ssyncadd.s32 $0xFFFFFFB0  }
0x6e: {  	s10 =	sadd.s32 $0x1E, s19;
	s11 =	simm.s32 $0x1E00;
	_ =	swait.ge [sflag:s30], $0x2800  }
0x6f: {  	s8 =	sadd.s32 $0x1E, s20;
	s7 =	simm.s32 $0xF00;
	[sflag:s30] =	ssyncset.done $0x0  }
.LBB2_4:
0x70: {  	s12 =	simm.s32 @!p1 $0x3  }
0x71: {  	[sflag:s30] =	ssyncadd.s32 $0xFFFFD800;
	s13 =	smov.u32 s11;
	s11 =	sadd.s32 $0xF00, s11  }
0x72: {  	[spmem:s2] =	stream.indirect.scatter.add.f32 [tilespmem:s28], [sflag:$0x5], $0x80, s25, s31, $0xb8;
	[tilespmem:$0x1BA00] =	vst v63  }
0x73: {  	p0 =	sne.s32 s11, $0x26700;
	_ =	swait.ge @!p1 [sflag:s12], $0x2800  }
0x74: {  	[sflag:s12] =	ssyncset.done @!p1 $0x0  }
0x75: {  	[sflag:s12] =	ssyncadd.s32 @!p1 $0xFFFFD800;
	s12 =	simm.s32 @!p1 $0x4  }
0x76: {  	_ =	swait.ge @!p1 [sflag:s12], $0x2800  }
0x77: {  	[sflag:s12] =	ssyncset.done @!p1 $0x0  }
0x78: {  	[sflag:s12] =	ssyncadd.s32 @!p1 $0xFFFFD800;
	s12 =	simm.s32 @!p1 $0x5  }
0x79: {  	_ =	swait.ge @!p1 [sflag:s12], $0x2800  }
0x7a: {  	[sflag:s12] =	ssyncset.done @!p1 $0x0  }
0x7b: {  	[sflag:s12] =	ssyncadd.s32 @!p1 $0xFFFFD800  }
0x7c: {  	[tilespmem:s3], [sflag:$0x1] =	stream.linear.gather [hbm4b:s9+s3], $0x50, $0x38;
	[tilespmem:$0x1BA00] =	vst v63  }
0x7d: {  	_ = 	snop  }
0x7e: {  	[tilespmem:s24], [sflag:$0x1] =	stream.linear.gather [hbm4b:s8+s3], $0x50, $0x38;
	[tilespmem:$0x1BA00] =	vst v63  }
0x7f: {  	_ = 	snop  }
0x80: {  	[tilespmem:s25], [sflag:$0x1] =	stream.linear.gather [hbm4b:s10+s3], $0x50, $0x38;
	[tilespmem:$0x1BA00] =	vst v63  }
0x81: {  	s12 =	sadd.s32 s7, s18;
	s7 =	smov.u32 s13  }
0x82: {  	[tilespmem:s22], [sflag:$0x2] =	stream.linear.gather [hbm4b:s12+s3], $0x2800, $0x38;
	[tilespmem:$0x1BA00] =	vst v63  }
0x83: {  	s13 =	sadd.s32 $0x500, s12  }
0x84: {  	[tilespmem:s26], [sflag:$0x2] =	stream.linear.gather [hbm4b:s13+s3], $0x2800, $0x38;
	[tilespmem:$0x1BA00] =	vst v63  }
0x85: {  	s12 =	sadd.s32 $0xA00, s12  }
0x86: {  	[tilespmem:s28], [sflag:$0x2] =	stream.linear.gather [hbm4b:s12+s3], $0x2800, $0x38;
	[tilespmem:$0x1BA00] =	vst v63  }
0x87: {  	_ =	swait.ge [sflag:s29], $0x50  }
0x88: {  	[sflag:s29] =	ssyncset.done $0x0  }
0x89: {  	[sflag:s29] =	ssyncadd.s32 $0xFFFFFFB0  }
0x8a: {  	_ =	swait.ge [sflag:s30], $0x2800  }
0x8b: {  	[sflag:s30] =	ssyncset.done $0x0  }
0x8c: {  	[sflag:s30] =	ssyncadd.s32 $0xFFFFD800  }
0x8d: {  	[spmem:s2] =	stream.indirect.scatter.add.f32 [tilespmem:s22], [sflag:$0x3], $0x80, s3, s31, $0xb8;
	[tilespmem:$0x1BA00] =	vst v63  }
0x8e: {  	_ =	swait.ge [sflag:s29], $0x50  }
0x8f: {  	[sflag:s29] =	ssyncset.done $0x0  }
0x90: {  	[sflag:s29] =	ssyncadd.s32 $0xFFFFFFB0  }
0x91: {  	_ =	swait.ge [sflag:s30], $0x2800  }
0x92: {  	[sflag:s30] =	ssyncset.done $0x0  }
0x93: {  	[sflag:s30] =	ssyncadd.s32 $0xFFFFD800  }
0x94: {  	[spmem:s2] =	stream.indirect.scatter.add.f32 [tilespmem:s26], [sflag:$0x4], $0x80, s24, s31, $0xb8;
	[tilespmem:$0x1BA00] =	vst v63  }
.Ltmp1:
0x95: {  	_ =	swait.ge [sflag:s29], $0x50;
	(pc) =	sbr.rel @p0 .LBB2_4-.Ltmp1, $4  }
0x96: {  	[sflag:s29] =	ssyncset.done $0x0  }
0x97: {  	[sflag:s29] =	ssyncadd.s32 $0xFFFFFFB0  }
0x98: {  	s9 =	sadd.s32 $0x1E, s9;
	s8 =	sadd.s32 $0x1E, s8;
	_ =	swait.ge [sflag:s30], $0x2800  }
0x99: {  	p1 =	seq.s32 s7, $0x0;
	s10 =	sadd.s32 $0x1E, s10;
	[sflag:s30] =	ssyncset.done $0x0  }
0x9a: {  	s11 =	simm.s32 @!p1 $0x3;
	[sflag:s30] =	ssyncadd.s32 $0xFFFFD800  }
0x9b: {  	[spmem:s2] =	stream.indirect.scatter.add.f32 [tilespmem:s28], [sflag:$0x5], $0x80, s25, s31, $0xb8;
	[tilespmem:$0x1BA00] =	vst v63  }
0x9c: {  	_ =	swait.ge @!p1 [sflag:s11], $0x2800  }
0x9d: {  	[sflag:s11] =	ssyncset.done @!p1 $0x0  }
0x9e: {  	[sflag:s11] =	ssyncadd.s32 @!p1 $0xFFFFD800;
	s11 =	simm.s32 @!p1 $0x4  }
0x9f: {  	_ =	swait.ge @!p1 [sflag:s11], $0x2800  }
0xa0: {  	[sflag:s11] =	ssyncset.done @!p1 $0x0  }
0xa1: {  	[sflag:s11] =	ssyncadd.s32 @!p1 $0xFFFFD800;
	s11 =	simm.s32 @!p1 $0x5  }
0xa2: {  	_ =	swait.ge @!p1 [sflag:s11], $0x2800  }
0xa3: {  	[sflag:s11] =	ssyncset.done @!p1 $0x0  }
0xa4: {  	[sflag:s11] =	ssyncadd.s32 @!p1 $0xFFFFD800  }
0xa5: {  	[tilespmem:s3], [sflag:$0x1] =	stream.linear.gather [hbm4b:s9+s3], $0x50, $0x38;
	[tilespmem:$0x1BA00] =	vst v63  }
0xa6: {  	_ = 	snop  }
0xa7: {  	[tilespmem:s24], [sflag:$0x1] =	stream.linear.gather [hbm4b:s8+s3], $0x50, $0x38;
	[tilespmem:$0x1BA00] =	vst v63  }
0xa8: {  	_ = 	snop  }
0xa9: {  	[tilespmem:s25], [sflag:$0x1] =	stream.linear.gather [hbm4b:s10+s3], $0x50, $0x38;
	[tilespmem:$0x1BA00] =	vst v63  }
0xaa: {  	s7 =	sadd.s32 s7, s18  }
0xab: {  	[tilespmem:s22], [sflag:$0x2] =	stream.linear.gather [hbm4b:s7+s3], $0x2800, $0x38;
	[tilespmem:$0x1BA00] =	vst v63  }
0xac: {  	s9 =	sadd.s32 $0x500, s7  }
0xad: {  	[tilespmem:s26], [sflag:$0x2] =	stream.linear.gather [hbm4b:s9+s3], $0x2800, $0x38;
	[tilespmem:$0x1BA00] =	vst v63  }
0xae: {  	s7 =	sadd.s32 $0xA00, s7  }
0xaf: {  	[tilespmem:s28], [sflag:$0x2] =	stream.linear.gather [hbm4b:s7+s3], $0x2800, $0x38;
	[tilespmem:$0x1BA00] =	vst v63  }
0xb0: {  	_ =	swait.ge [sflag:s29], $0x50  }
0xb1: {  	[sflag:s29] =	ssyncset.done $0x0  }
0xb2: {  	[sflag:s29] =	ssyncadd.s32 $0xFFFFFFB0  }
0xb3: {  	_ =	swait.ge [sflag:s30], $0x2800  }
0xb4: {  	[sflag:s30] =	ssyncset.done $0x0  }
0xb5: {  	[sflag:s30] =	ssyncadd.s32 $0xFFFFD800  }
0xb6: {  	[spmem:s2] =	stream.indirect.scatter.add.f32 [tilespmem:s22], [sflag:$0x3], $0x80, s3, s31, $0xb8;
	[tilespmem:$0x1BA00] =	vst v63  }
0xb7: {  	_ =	swait.ge [sflag:s29], $0x50  }
0xb8: {  	[sflag:s29] =	ssyncset.done $0x0  }
0xb9: {  	[sflag:s29] =	ssyncadd.s32 $0xFFFFFFB0  }
0xba: {  	_ =	swait.ge [sflag:s30], $0x2800  }
0xbb: {  	[sflag:s30] =	ssyncset.done $0x0  }
0xbc: {  	[sflag:s30] =	ssyncadd.s32 $0xFFFFD800  }
0xbd: {  	[spmem:s2] =	stream.indirect.scatter.add.f32 [tilespmem:s26], [sflag:$0x4], $0x80, s24, s31, $0xb8;
	[tilespmem:$0x1BA00] =	vst v63  }
0xbe: {  	_ =	swait.ge [sflag:s29], $0x50  }
0xbf: {  	[sflag:s29] =	ssyncset.done $0x0  }
0xc0: {  	[sflag:s29] =	ssyncadd.s32 $0xFFFFFFB0  }
0xc1: {  	_ =	swait.ge [sflag:s30], $0x2800  }
0xc2: {  	[sflag:s30] =	ssyncset.done $0x0  }
0xc3: {  	[sflag:s30] =	ssyncadd.s32 $0xFFFFD800  }
0xc4: {  	[spmem:s2] =	stream.indirect.scatter.add.f32 [tilespmem:s28], [sflag:$0x5], $0x80, s25, s31, $0xb8;
	[tilespmem:$0x1BA00] =	vst v63  }
0xc5: {  	_ =	swait.ge [sflag:s1], $0x2800  }
0xc6: {  	[sflag:s1] =	ssyncset.done $0x0  }
0xc7: {  	[sflag:s1] =	ssyncadd.s32 $0xFFFFD800  }
0xc8: {  	_ =	swait.ge [sflag:s0], $0x2800  }
0xc9: {  	[sflag:s0] =	ssyncset.done $0x0  }
0xca: {  	[sflag:s0] =	ssyncadd.s32 $0xFFFFD800  }
0xcb: {  	_ =	swait.ge [sflag:s5], $0x2800  }
0xcc: {  	[sflag:s5] =	ssyncset.done $0x0  }
0xcd: {  	s10 =	rddreg [dreg:$0xb];
	[sflag:s5] =	ssyncadd.s32 $0xFFFFD800  }
0xce: {  	[tilespmem:s3], [sflag:$0x6] =	stream.linear.gather [hbm4b:s10+s3], $0x50, $0x38;
	[tilespmem:$0x1BA00] =	vst v63  }
0xcf: {  	_ =	swait.ge [sflag:s23], $0x50  }
0xd0: {  	[sflag:s23] =	ssyncset.done $0x0  }
0xd1: {  	s11 =	rddreg [dreg:$0xc];
	[sflag:s23] =	ssyncadd.s32 $0xFFFFFFB0  }
0xd2: {  	[tilespmem:s22], [sflag:$0x2] =	stream.linear.gather [hbm4b:s11+s3], $0x2800, $0x38;
	[tilespmem:$0x1BA00] =	vst v63  }
0xd3: {  	_ =	swait.ge [sflag:s30], $0x2800  }
0xd4: {  	[sflag:s30] =	ssyncset.done $0x0  }
0xd5: {  	[sflag:s30] =	ssyncadd.s32 $0xFFFFD800  }
0xd6: {  	[spmem:s2] =	stream.indirect.scatter.add.f32 [tilespmem:s22], [sflag:$0x6], $0x80, s3, s31, $0xb8;
	[tilespmem:$0x1BA00] =	vst v63  }
0xd7: {  	_ =	swait.ge [sflag:s23], $0x2800  }
0xd8: {  	[sflag:s23] =	ssyncset.done $0x0  }
0xd9: {  	[sflag:s23] =	ssyncadd.s32 $0xFFFFD800  }
0xda: {  	[tilespmem:s24], [sflag:$0x6] =	stream.linear.gather [hbm4b:s14+s3], $0x50, $0x38;
	[tilespmem:$0x1BA00] =	vst v63  }
0xdb: {  	_ =	swait.ge [sflag:s23], $0x50  }
0xdc: {  	[sflag:s23] =	ssyncset.done $0x0  }
0xdd: {  	[sflag:s23] =	ssyncadd.s32 $0xFFFFFFB0  }
0xde: {  	[tilespmem:s26], [sflag:$0x2] =	stream.linear.gather [hbm4b:s15+s3], $0x2800, $0x38;
	[tilespmem:$0x1BA00] =	vst v63  }
0xdf: {  	_ =	swait.ge [sflag:s30], $0x2800  }
0xe0: {  	[sflag:s30] =	ssyncset.done $0x0  }
0xe1: {  	[sflag:s30] =	ssyncadd.s32 $0xFFFFD800  }
0xe2: {  	[spmem:s2] =	stream.indirect.scatter.add.f32 [tilespmem:s26], [sflag:$0x6], $0x80, s24, s31, $0xb8;
	[tilespmem:$0x1BA00] =	vst v63  }
0xe3: {  	s12 =	stileid.u32;
	_ =	swait.ge [sflag:s23], $0x2800  }
0xe4: {  	s13 =	sshrl.u32 s4, $0x3;
	s6 =	sadd.s32 $0x1, s6;
	[sflag:s23] =	ssyncset.done $0x0  }
0xe5: {  	p0 =	sne.s32 s6, s17;
	s7 =	sshll.u32 s12, $0x6;
	[sflag:s23] =	ssyncadd.s32 $0xFFFFD800  }
.Ltmp2:
0xe6: {  	s7 =	sor.u32 $0x1C06, s7;
	[bflag:$0x0] =	sbarrier.arrive $0xFFFF;
	(pc) =	sbr.rel @p0 .LBB2_1-.Ltmp2, $4  }
0xe7: {  	[hbm:s16], [sflag:s7] =	dma.local [spmem:s13], $0x2800  }
0xe8: {  	_ =	swait.ge [sflag:s23], $0x2800  }
0xe9: {  	[sflag:s23] =	ssyncset.done $0x0  }
0xea: {  	[sflag:s23] =	ssyncadd.s32 $0xFFFFD800  }
0xeb: {  	_ =	sfence.sel $0x180000  }
0xec: {  	[bflag:$0x0] =	sbarrier.arrive $0xFFFF  }
0xed: {  	_ =	strace $0x9000004A  }
0xee: {  	s0 =	stileid.u32;
	[bflag:$0x2] =	sbarrier.arrive $0xFFFF  }
0xef: {  	p0 =	sne.s32 s0, $0x0;
	s0 =	rddreg [dreg:$0x3]  }
0xf0: {  	s0 =	sadd.s32 @!p0 $0x100000, s0  }
0xf1: {  	[sflag:s0] =	ssyncadd.tile.s32 @!p0 $0x1;
	_ =	shalt  }
.Lfunc_end2:
_tile_overlayer_lowered:
.L_overlay_start_2:
0xf2: {  	(tag) =	ssettag $0x2  }
0xf3: {  	s0 =	rddreg [dreg:$0x0];
	s2 =	stileid.u32  }
0xf4: {  	s1 =	rddreg [dreg:$0x1];
	p0 =	sne.s32 s2, $0x0  }
0xf5: {  	s3 =	rddreg [dreg:$0x2];
	[bflag:$0x3] =	sbarrier.arrive $0xFFFF;
	s2 =	simm.s32 @!p0 $0x1C06  }
0xf6: {  	[timem:s3], [sflag:s2] =	dma.local @!p0 [hbm:s0], s1  }
0xf7: {  	s0 =	simm.s32 @!p0 $0x6  }
0xf8: {  	_ =	swait.ge @!p0 [sflag:s0], s1  }
0xf9: {  	s1 =	ssub.s32 @!p0 $0x0, s1;
	[sflag:s0] =	ssyncset.done @!p0 $0x0  }
0xfa: {  	[sflag:s0] =	ssyncadd.s32 @!p0 s1  }
0xfb: {  	[bflag:$0x3] =	sbarrier.arrive $0xFFFF  }
0xfc: {  	_ =	shalt  }

</sc_bundles>
